<compile_context>
chip_gen: v7x
topology: tpu7x:2x2x1
jax: 0.10.2.dev20260603
libtpu: 0.0.44.dev20260713+nightly
codegen_flags: <defaults>
</compile_context>

<pallas_src>
import jax
import jax.numpy as jnp
from jax import lax
from jax.experimental import pallas as pl
from jax.experimental.pallas import tpu as pltpu
from jax.experimental.pallas import tpu_sc as plsc

N = 50000
OUT = 64
E = 400000
COL = OUT // 2

CHUNK = 2048
NCHUNKS = 400
E_PAD = NCHUNKS * CHUNK
N_BATCH = CHUNK // 128
CH_PER_TILE = NCHUNKS // 16

WB_CHUNKS = (N + 127) // 128
ZSPAN = 3136


def _sc_body(rows_h, cols_h, vals_h, w2_h, out2_h,
             acc, erow, ecol, evalb, gbuf0, gbuf1, zbuf,
             gsem0, gsem1, ssem0, ssem1):
    c = lax.axis_index("c")
    s = lax.axis_index("s")
    wv = w2_h.at[c]
    ov = out2_h.at[c]

    zero16 = jnp.zeros((16,), jnp.float32)

    @plsc.parallel_loop(0, 128 * COL // 16, unroll=4)
    def zb(i):
        r = i // (COL // 16)
        q = (i % (COL // 16)) * 16
        zbuf[r, pl.ds(q, 16)] = zero16

    def zc(k, carry):
        base = jnp.minimum(s * ZSPAN + k * 128, N - 128)
        pltpu.sync_copy(zbuf, acc.at[pl.ds(base, 128)])
        return carry

    lax.fori_loop(0, 25, zc, 0)
    plsc.subcore_barrier()

    def chunk_body(ch, carry):
        cg = s * CH_PER_TILE + ch
        pltpu.sync_copy(rows_h.at[cg], erow)
        pltpu.sync_copy(cols_h.at[cg], ecol)
        pltpu.sync_copy(vals_h.at[cg], evalb)

        bufs = (gbuf0, gbuf1)
        gsems = (gsem0, gsem1)
        ssems = (ssem0, ssem1)
        gh = [None] * N_BATCH
        sh = [None] * N_BATCH
        gh[0] = pltpu.async_copy(wv.at[ecol.at[0]], bufs[0], gsems[0])
        for jb in range(N_BATCH):
            p = jb % 2
            q = 1 - p
            if jb + 1 < N_BATCH:
                if jb >= 1:
                    sh[jb - 1].wait()
                gh[jb + 1] = pltpu.async_copy(
                    wv.at[ecol.at[jb + 1]], bufs[q], gsems[q])
            gh[jb].wait()
            buf = bufs[p]

            @plsc.parallel_loop(0, 128, unroll=4)
            def scale(rr):
                v = plsc.load_gather(
                    evalb,
                    [jnp.full((16,), jb, jnp.int32),
                     jnp.full((16,), rr, jnp.int32)])
                for w in range(COL // 16):
                    buf[rr, pl.ds(w * 16, 16)] = buf[rr, pl.ds(w * 16, 16)] * v

            sh[jb] = pltpu.async_copy(
                buf, acc.at[erow.at[jb]], ssems[p], add=True)
        sh[N_BATCH - 2].wait()
        sh[N_BATCH - 1].wait()
        return carry

    lax.fori_loop(0, CH_PER_TILE, chunk_body, 0)
    plsc.subcore_barrier()

    zero16f = jnp.zeros((16,), jnp.float32)

    def wb(k, carry):
        chn = s + k * 16
        base = jnp.minimum(chn * 128, N - 128)
        pltpu.sync_copy(acc.at[pl.ds(base, 128)], zbuf)

        @plsc.parallel_loop(0, 128 * COL // 16, unroll=4)
        def relu(i):
            r = i // (COL // 16)
            q = (i % (COL // 16)) * 16
            zbuf[r, pl.ds(q, 16)] = jnp.maximum(zbuf[r, pl.ds(q, 16)], zero16f)

        pltpu.sync_copy(zbuf, ov.at[pl.ds(base, 128)])
        return carry

    nk = jnp.where(s < WB_CHUNKS - 24 * 16, 25, 24)
    lax.fori_loop(0, nk, wb, 0)


@jax.jit
def kernel(features, edge_index0, edge_values0, edge_index1, edge_values1, W):
    del features
    pad = E_PAD - 2 * E
    pad_rows = (jnp.arange(pad, dtype=jnp.int32) % N)
    pad_cols = (jnp.arange(pad, dtype=jnp.int32) % (2 * N))
    rows = jnp.concatenate([
        edge_index0[0].astype(jnp.int32),
        edge_index1[0].astype(jnp.int32), pad_rows])
    cols = jnp.concatenate([
        edge_index0[1].astype(jnp.int32),
        edge_index1[1].astype(jnp.int32) + N, pad_cols])
    vals = jnp.concatenate([
        edge_values0, edge_values1, jnp.zeros((pad,), jnp.float32)])
    rows3 = rows.reshape(NCHUNKS, 16, 128)
    cols3 = cols.reshape(NCHUNKS, 16, 128)
    vals3 = vals.reshape(NCHUNKS, 16, 128)
    w2 = jnp.stack([W[:, :COL], W[:, COL:]])

    mesh = plsc.VectorSubcoreMesh(core_axis_name="c", subcore_axis_name="s")
    f = pl.kernel(
        _sc_body,
        out_type=jax.ShapeDtypeStruct((2, N, COL), jnp.float32),
        mesh=mesh,
        compiler_params=pltpu.CompilerParams(
            needs_layout_passes=False, use_tc_tiling_on_sc=False),
        scratch_types=[
            pltpu.VMEM_SHARED((N, COL), jnp.float32),
            pltpu.VMEM((16, 128), jnp.int32),
            pltpu.VMEM((16, 128), jnp.int32),
            pltpu.VMEM((16, 128), jnp.float32),
            pltpu.VMEM((128, COL), jnp.float32),
            pltpu.VMEM((128, COL), jnp.float32),
            pltpu.VMEM((128, COL), jnp.float32),
            pltpu.SemaphoreType.DMA,
            pltpu.SemaphoreType.DMA,
            pltpu.SemaphoreType.DMA,
            pltpu.SemaphoreType.DMA,
        ],
    )
    o2 = f(rows3, cols3, vals3, w2)
    return jnp.concatenate([o2[0], o2[1]], axis=1)

# --- scband reference (transcript-rebuilt; emitter-appended) ---
"""Pipeline reference for scband-graph-convolution-7627861918155 (READ-ONLY COPY).

The authoritative reference and input builder live on the scoring server;
editing this copy changes nothing except your own understanding.
"""

import jax, jax.numpy as jnp
import numpy as np

N = 50000
OUT = 64
E = 400000
SUPPORT = 2


def _xavier_uniform(key, shape):
    fan_in, fan_out = shape[0], shape[1]
    limit = float(np.sqrt(6.0 / (fan_in + fan_out)))
    return jax.random.uniform(key, shape, dtype=jnp.float32, minval=-limit, maxval=limit)


def setup_inputs(seed: int = 0) -> dict:
    key = jax.random.key(seed)
    k1, k2, k3, k4, k5, k6 = jax.random.split(key, 6)
    features = jax.random.normal(k1, (N, 1), dtype=jnp.float32)
    edge_index0 = jax.random.randint(k2, (2, E), 0, N)
    edge_values0 = jax.random.uniform(k3, (E,), dtype=jnp.float32)
    edge_index1 = jax.random.randint(k4, (2, E), 0, N)
    edge_values1 = jax.random.uniform(k5, (E,), dtype=jnp.float32)
    W = _xavier_uniform(k6, (SUPPORT * N, OUT))
    return {
        "features": features,
        "edge_index0": edge_index0,
        "edge_values0": edge_values0,
        "edge_index1": edge_index1,
        "edge_values1": edge_values1,
        "W": W,
    }


def reference(features, edge_index0, edge_values0, edge_index1, edge_values1, W):
    # Featureless GraphConvolution (RGCN-style, num_bases <= 0):
    # supports = sparse horizontal concat of A_0..A_{S-1} -> [N, S*N]
    # output = spmm(supports, W); then dropout-scaled ones row-scaling; then ReLU.
    out = jnp.zeros((N, OUT), dtype=jnp.float32)
    adj = [(edge_index0, edge_values0), (edge_index1, edge_values1)]
    for i, (ei, ev) in enumerate(adj):
        rows = ei[0]
        cols = ei[1] + i * N  # column offset for block-concatenated supports
        gathered = jnp.take(W, cols, axis=0) * ev[:, None]
        out = out.at[rows].add(gathered)
    # featureless branch: tmp = ones(N); dropout(p=0.0) is identity in eval
    tmp_do = jnp.ones((N,), dtype=jnp.float32)
    out = (out.T * tmp_do).T
    return jax.nn.relu(out)

if __name__ == "__main__":
    import jax
    _d = setup_inputs()
    print(jax.jit(kernel)(*tuple(_d.values())))

</pallas_src>

<mosaic_0001>
#map = affine_map<(d0, d1) -> (0, 0, 0)>
module attributes {stable_mosaic.version = 14 : i64} {
  func.func @_sc_body(%arg0: i32, %arg1: i32, %arg2: memref<400x16x128xi32, #tpu.memory_space<hbm>>, %arg3: memref<400x16x128xi32, #tpu.memory_space<hbm>>, %arg4: memref<400x16x128xf32, #tpu.memory_space<hbm>>, %arg5: memref<2x100000x32xf32, #tpu.memory_space<hbm>>, %arg6: memref<2x50000x32xf32, #tpu.memory_space<hbm>>, %arg7: memref<50000x32xf32, #tpu.memory_space<vmem_shared>>, %arg8: memref<16x128xi32, #tpu.memory_space<vmem>>, %arg9: memref<16x128xi32, #tpu.memory_space<vmem>>, %arg10: memref<16x128xf32, #tpu.memory_space<vmem>>, %arg11: memref<128x32xf32, #tpu.memory_space<vmem>>, %arg12: memref<128x32xf32, #tpu.memory_space<vmem>>, %arg13: memref<128x32xf32, #tpu.memory_space<vmem>>, %arg14: memref<!tpu.dma_semaphore, #tpu.memory_space<semaphore_mem>>, %arg15: memref<!tpu.dma_semaphore, #tpu.memory_space<semaphore_mem>>, %arg16: memref<!tpu.dma_semaphore, #tpu.memory_space<semaphore_mem>>, %arg17: memref<!tpu.dma_semaphore, #tpu.memory_space<semaphore_mem>>) attributes {dimension_semantics = [#tpu.dimension_semantics<core_parallel>, #tpu.dimension_semantics<subcore_parallel>], iteration_bounds = array<i64: 2, 16>, scalar_prefetch = 0 : i64, scratch_operands = 11 : i64, tpu.core_type = #tpu.core_type<sc_vector_subcore>, window_params = [{transform_indices = #map}, {transform_indices = #map}, {transform_indices = #map}, {transform_indices = #map}, {transform_indices = #map}]} {
    %broadcast_in_dim3A = arith.constant 0.000000e+00 : f32
    %broadcast_in_dim3A_0 = vector.broadcast %broadcast_in_dim3A : f32 to vector<16xf32>
    %parallel_loop3A = arith.constant 0 : i32
    %parallel_loop3A_1 = arith.constant 256 : i32
    %parallel_loop3A_2 = arith.constant 1 : i32
    scf.for %parallel_loop3A_28 = %parallel_loop3A to %parallel_loop3A_1 step %parallel_loop3A_2  : i32 {
      %parallel_loop3A_29 = arith.constant 2 : i32
      %parallel_loop3A_30 = arith.divsi %parallel_loop3A_28, %parallel_loop3A_29 : i32
      %parallel_loop3A_31 = arith.constant 0 : i32
      %parallel_loop3A_32 = arith.cmpi sgt, %parallel_loop3A_28, %parallel_loop3A_31 : i32
      %parallel_loop3A_33 = arith.extui %parallel_loop3A_32 : i1 to i32
      %parallel_loop3A_34 = arith.constant 0 : i32
      %parallel_loop3A_35 = arith.cmpi slt, %parallel_loop3A_28, %parallel_loop3A_34 : i32
      %parallel_loop3A_36 = arith.extui %parallel_loop3A_35 : i1 to i32
      %parallel_loop3A_37 = arith.subi %parallel_loop3A_33, %parallel_loop3A_36 : i32
      %parallel_loop3A_38 = arith.constant 0 : i32
      %parallel_loop3A_39 = arith.cmpi sgt, %parallel_loop3A_29, %parallel_loop3A_38 : i32
      %parallel_loop3A_40 = arith.extui %parallel_loop3A_39 : i1 to i32
      %parallel_loop3A_41 = arith.constant 0 : i32
      %parallel_loop3A_42 = arith.cmpi slt, %parallel_loop3A_29, %parallel_loop3A_41 : i32
      %parallel_loop3A_43 = arith.extui %parallel_loop3A_42 : i1 to i32
      %parallel_loop3A_44 = arith.subi %parallel_loop3A_40, %parallel_loop3A_43 : i32
      %parallel_loop3A_45 = arith.cmpi ne, %parallel_loop3A_37, %parallel_loop3A_44 : i32
      %parallel_loop3A_46 = arith.remsi %parallel_loop3A_28, %parallel_loop3A_29 : i32
      %parallel_loop3A_47 = arith.constant 0 : i32
      %parallel_loop3A_48 = arith.cmpi ne, %parallel_loop3A_46, %parallel_loop3A_47 : i32
      %parallel_loop3A_49 = arith.andi %parallel_loop3A_45, %parallel_loop3A_48 : i1
      %parallel_loop3A_50 = arith.constant 1 : i32
      %parallel_loop3A_51 = arith.subi %parallel_loop3A_30, %parallel_loop3A_50 : i32
      %parallel_loop3A_52 = arith.select %parallel_loop3A_49, %parallel_loop3A_51, %parallel_loop3A_30 : i32
      %parallel_loop3A_53 = arith.constant 2 : i32
      %parallel_loop3A_54 = arith.constant 0 : i32
      %parallel_loop3A_55 = arith.cmpi eq, %parallel_loop3A_53, %parallel_loop3A_54 : i32
      %parallel_loop3A_56 = arith.constant 1 : i32
      %parallel_loop3A_57 = arith.select %parallel_loop3A_55, %parallel_loop3A_56, %parallel_loop3A_53 : i32
      %parallel_loop3A_58 = arith.remsi %parallel_loop3A_28, %parallel_loop3A_57 : i32
      %parallel_loop3A_59 = arith.constant 0 : i32
      %parallel_loop3A_60 = arith.cmpi ne, %parallel_loop3A_58, %parallel_loop3A_59 : i32
      %parallel_loop3A_61 = arith.constant 0 : i32
      %parallel_loop3A_62 = arith.cmpi slt, %parallel_loop3A_58, %parallel_loop3A_61 : i32
      %parallel_loop3A_63 = arith.constant 0 : i32
      %parallel_loop3A_64 = arith.cmpi slt, %parallel_loop3A_57, %parallel_loop3A_63 : i32
      %parallel_loop3A_65 = arith.xori %parallel_loop3A_62, %parallel_loop3A_64 : i1
      %parallel_loop3A_66 = arith.andi %parallel_loop3A_65, %parallel_loop3A_60 : i1
      %parallel_loop3A_67 = arith.addi %parallel_loop3A_58, %parallel_loop3A_57 : i32
      %parallel_loop3A_68 = arith.select %parallel_loop3A_66, %parallel_loop3A_67, %parallel_loop3A_58 : i32
      %parallel_loop3A_69 = arith.constant 16 : i32
      %parallel_loop3A_70 = arith.muli %parallel_loop3A_68, %parallel_loop3A_69 : i32
      %parallel_loop3A_71 = arith.index_cast %parallel_loop3A_52 : i32 to index
      %parallel_loop3A_72 = arith.index_cast %parallel_loop3A_70 : i32 to index
      %parallel_loop3A_73 = tpu.vector_load %arg13[%parallel_loop3A_71, %parallel_loop3A_72] {strides = array<i32>} : memref<128x32xf32, #tpu.memory_space<vmem>>, vector<16xf32>,
      tpu.vector_store %arg13[%parallel_loop3A_71, %parallel_loop3A_72], %broadcast_in_dim3A_0 {strides = array<i32>} : memref<128x32xf32, #tpu.memory_space<vmem>>, vector<16xf32>,
    } {sc.loop_unroll_factor = 4 : i64, sc.parallel_access}
    %scan3A = arith.constant 0 : i32
    %scan3A_3 = arith.constant 0 : i32
    %scan3A_4 = arith.constant 25 : i32
    %scan3A_5 = arith.addi %scan3A_3, %scan3A_4 : i32
    %scan3A_6 = arith.constant 1 : i32
    scf.for %scan3A_28 = %scan3A_3 to %scan3A_5 step %scan3A_6  : i32 {
      %mul3A = arith.constant 3136 : i32
      %mul3A_29 = arith.muli %arg1, %mul3A : i32
      %mul3A_30 = arith.constant 128 : i32
      %mul3A_31 = arith.muli %scan3A_28, %mul3A_30 : i32
      %add3A = arith.addi %mul3A_29, %mul3A_31 : i32
      %min3A = arith.constant 49872 : i32
      %min3A_32 = arith.minsi %add3A, %min3A : i32
      "tpu.region"() ({
        %run_scoped3A = tpu.sem_alloc : memref<!tpu.dma_semaphore, #tpu.memory_space<semaphore_mem>>
        %dma_start3A = arith.constant 0 : i32
        %dma_start3A_33 = tpu.memref_slice %arg7[%min3A_32, %dma_start3A] : memref<50000x32xf32, #tpu.memory_space<vmem_shared>> -> memref<128x32xf32, #tpu.memory_space<vmem_shared>>
        %dma_start3A_34 = arith.constant 0 : i32
        %dma_start3A_35 = tpu.memref_slice %arg7[%min3A_32, %dma_start3A_34] : memref<50000x32xf32, #tpu.memory_space<vmem_shared>> -> memref<128x32xf32, #tpu.memory_space<vmem_shared>>
        tpu.enqueue_dma source(%arg13 : memref<128x32xf32, #tpu.memory_space<vmem>>) target(%dma_start3A_35 : memref<128x32xf32, #tpu.memory_space<vmem_shared>>) target_semaphore(%run_scoped3A : memref<!tpu.dma_semaphore, #tpu.memory_space<semaphore_mem>>)
        %dma_wait3A = arith.constant 0 : i32
        %dma_wait3A_36 = tpu.memref_slice %arg7[%min3A_32, %dma_wait3A] : memref<50000x32xf32, #tpu.memory_space<vmem_shared>> -> memref<128x32xf32, #tpu.memory_space<vmem_shared>>
        %dma_wait3A_37 = arith.constant 0 : i32
        %dma_wait3A_38 = tpu.memref_slice %arg7[%min3A_32, %dma_wait3A_37] : memref<50000x32xf32, #tpu.memory_space<vmem_shared>> -> memref<128x32xf32, #tpu.memory_space<vmem_shared>>
        tpu.wait_dma2 semaphore(%run_scoped3A : memref<!tpu.dma_semaphore, #tpu.memory_space<semaphore_mem>>) src(%arg13 : memref<128x32xf32, #tpu.memory_space<vmem>>) dst(%dma_wait3A_38 : memref<128x32xf32, #tpu.memory_space<vmem_shared>>)
        tpu.yield
      }) : () -> ()
    }
    %scan3A_7 = arith.constant 25 : i32
    %barrier3A = arith.constant 0 : index
    tpu.barrier barrier_id(%barrier3A)
    %scan3A_8 = arith.constant 0 : i32
    %scan3A_9 = arith.constant 0 : i32
    %scan3A_10 = arith.constant 25 : i32
    %scan3A_11 = arith.addi %scan3A_9, %scan3A_10 : i32
    %scan3A_12 = arith.constant 1 : i32
    scf.for %scan3A_28 = %scan3A_9 to %scan3A_11 step %scan3A_12  : i32 {
      %mul3A = arith.constant 25 : i32
      %mul3A_29 = arith.muli %arg1, %mul3A : i32
      %add3A = arith.addi %mul3A_29, %scan3A_28 : i32
      "tpu.region"() ({
        %run_scoped3A = tpu.sem_alloc : memref<!tpu.dma_semaphore, #tpu.memory_space<semaphore_mem>>
        %dma_start3A_652 = arith.constant 0 : i32
        %dma_start3A_653 = arith.constant 0 : i32
        %dma_start3A_654 = tpu.memref_slice %arg2[%add3A, %dma_start3A_652, %dma_start3A_653] : memref<400x16x128xi32, #tpu.memory_space<hbm>> -> memref<1x16x128xi32, #tpu.memory_space<hbm>>
        %dma_start3A_655 = tpu.memref_squeeze %dma_start3A_654 : memref<1x16x128xi32, #tpu.memory_space<hbm>> -> memref<16x128xi32, #tpu.memory_space<hbm>>
        %dma_start3A_656 = arith.constant 0 : i32
        %dma_start3A_657 = arith.constant 0 : i32
        %dma_start3A_658 = tpu.memref_slice %arg2[%add3A, %dma_start3A_656, %dma_start3A_657] : memref<400x16x128xi32, #tpu.memory_space<hbm>> -> memref<1x16x128xi32, #tpu.memory_space<hbm>>
        %dma_start3A_659 = tpu.memref_squeeze %dma_start3A_658 : memref<1x16x128xi32, #tpu.memory_space<hbm>> -> memref<16x128xi32, #tpu.memory_space<hbm>>
        tpu.enqueue_dma source(%dma_start3A_659 : memref<16x128xi32, #tpu.memory_space<hbm>>) target(%arg8 : memref<16x128xi32, #tpu.memory_space<vmem>>) target_semaphore(%run_scoped3A : memref<!tpu.dma_semaphore, #tpu.memory_space<semaphore_mem>>)
        %dma_wait3A_660 = arith.constant 0 : i32
        %dma_wait3A_661 = arith.constant 0 : i32
        %dma_wait3A_662 = tpu.memref_slice %arg2[%add3A, %dma_wait3A_660, %dma_wait3A_661] : memref<400x16x128xi32, #tpu.memory_space<hbm>> -> memref<1x16x128xi32, #tpu.memory_space<hbm>>
        %dma_wait3A_663 = tpu.memref_squeeze %dma_wait3A_662 : memref<1x16x128xi32, #tpu.memory_space<hbm>> -> memref<16x128xi32, #tpu.memory_space<hbm>>
        %dma_wait3A_664 = arith.constant 0 : i32
        %dma_wait3A_665 = arith.constant 0 : i32
        %dma_wait3A_666 = tpu.memref_slice %arg2[%add3A, %dma_wait3A_664, %dma_wait3A_665] : memref<400x16x128xi32, #tpu.memory_space<hbm>> -> memref<1x16x128xi32, #tpu.memory_space<hbm>>
        %dma_wait3A_667 = tpu.memref_squeeze %dma_wait3A_666 : memref<1x16x128xi32, #tpu.memory_space<hbm>> -> memref<16x128xi32, #tpu.memory_space<hbm>>
        tpu.wait_dma2 semaphore(%run_scoped3A : memref<!tpu.dma_semaphore, #tpu.memory_space<semaphore_mem>>) src(%dma_wait3A_667 : memref<16x128xi32, #tpu.memory_space<hbm>>) dst(%arg8 : memref<16x128xi32, #tpu.memory_space<vmem>>)
        tpu.yield
      }) : () -> ()
      "tpu.region"() ({
        %run_scoped3A = tpu.sem_alloc : memref<!tpu.dma_semaphore, #tpu.memory_space<semaphore_mem>>
        %dma_start3A_652 = arith.constant 0 : i32
        %dma_start3A_653 = arith.constant 0 : i32
        %dma_start3A_654 = tpu.memref_slice %arg3[%add3A, %dma_start3A_652, %dma_start3A_653] : memref<400x16x128xi32, #tpu.memory_space<hbm>> -> memref<1x16x128xi32, #tpu.memory_space<hbm>>
        %dma_start3A_655 = tpu.memref_squeeze %dma_start3A_654 : memref<1x16x128xi32, #tpu.memory_space<hbm>> -> memref<16x128xi32, #tpu.memory_space<hbm>>
        %dma_start3A_656 = arith.constant 0 : i32
        %dma_start3A_657 = arith.constant 0 : i32
        %dma_start3A_658 = tpu.memref_slice %arg3[%add3A, %dma_start3A_656, %dma_start3A_657] : memref<400x16x128xi32, #tpu.memory_space<hbm>> -> memref<1x16x128xi32, #tpu.memory_space<hbm>>
        %dma_start3A_659 = tpu.memref_squeeze %dma_start3A_658 : memref<1x16x128xi32, #tpu.memory_space<hbm>> -> memref<16x128xi32, #tpu.memory_space<hbm>>
        tpu.enqueue_dma source(%dma_start3A_659 : memref<16x128xi32, #tpu.memory_space<hbm>>) target(%arg9 : memref<16x128xi32, #tpu.memory_space<vmem>>) target_semaphore(%run_scoped3A : memref<!tpu.dma_semaphore, #tpu.memory_space<semaphore_mem>>)
        %dma_wait3A_660 = arith.constant 0 : i32
        %dma_wait3A_661 = arith.constant 0 : i32
        %dma_wait3A_662 = tpu.memref_slice %arg3[%add3A, %dma_wait3A_660, %dma_wait3A_661] : memref<400x16x128xi32, #tpu.memory_space<hbm>> -> memref<1x16x128xi32, #tpu.memory_space<hbm>>
        %dma_wait3A_663 = tpu.memref_squeeze %dma_wait3A_662 : memref<1x16x128xi32, #tpu.memory_space<hbm>> -> memref<16x128xi32, #tpu.memory_space<hbm>>
        %dma_wait3A_664 = arith.constant 0 : i32
        %dma_wait3A_665 = arith.constant 0 : i32
        %dma_wait3A_666 = tpu.memref_slice %arg3[%add3A, %dma_wait3A_664, %dma_wait3A_665] : memref<400x16x128xi32, #tpu.memory_space<hbm>> -> memref<1x16x128xi32, #tpu.memory_space<hbm>>
        %dma_wait3A_667 = tpu.memref_squeeze %dma_wait3A_666 : memref<1x16x128xi32, #tpu.memory_space<hbm>> -> memref<16x128xi32, #tpu.memory_space<hbm>>
        tpu.wait_dma2 semaphore(%run_scoped3A : memref<!tpu.dma_semaphore, #tpu.memory_space<semaphore_mem>>) src(%dma_wait3A_667 : memref<16x128xi32, #tpu.memory_space<hbm>>) dst(%arg9 : memref<16x128xi32, #tpu.memory_space<vmem>>)
        tpu.yield
      }) : () -> ()
      "tpu.region"() ({
        %run_scoped3A = tpu.sem_alloc : memref<!tpu.dma_semaphore, #tpu.memory_space<semaphore_mem>>
        %dma_start3A_652 = arith.constant 0 : i32
        %dma_start3A_653 = arith.constant 0 : i32
        %dma_start3A_654 = tpu.memref_slice %arg4[%add3A, %dma_start3A_652, %dma_start3A_653] : memref<400x16x128xf32, #tpu.memory_space<hbm>> -> memref<1x16x128xf32, #tpu.memory_space<hbm>>
        %dma_start3A_655 = tpu.memref_squeeze %dma_start3A_654 : memref<1x16x128xf32, #tpu.memory_space<hbm>> -> memref<16x128xf32, #tpu.memory_space<hbm>>
        %dma_start3A_656 = arith.constant 0 : i32
        %dma_start3A_657 = arith.constant 0 : i32
        %dma_start3A_658 = tpu.memref_slice %arg4[%add3A, %dma_start3A_656, %dma_start3A_657] : memref<400x16x128xf32, #tpu.memory_space<hbm>> -> memref<1x16x128xf32, #tpu.memory_space<hbm>>
        %dma_start3A_659 = tpu.memref_squeeze %dma_start3A_658 : memref<1x16x128xf32, #tpu.memory_space<hbm>> -> memref<16x128xf32, #tpu.memory_space<hbm>>
        tpu.enqueue_dma source(%dma_start3A_659 : memref<16x128xf32, #tpu.memory_space<hbm>>) target(%arg10 : memref<16x128xf32, #tpu.memory_space<vmem>>) target_semaphore(%run_scoped3A : memref<!tpu.dma_semaphore, #tpu.memory_space<semaphore_mem>>)
        %dma_wait3A_660 = arith.constant 0 : i32
        %dma_wait3A_661 = arith.constant 0 : i32
        %dma_wait3A_662 = tpu.memref_slice %arg4[%add3A, %dma_wait3A_660, %dma_wait3A_661] : memref<400x16x128xf32, #tpu.memory_space<hbm>> -> memref<1x16x128xf32, #tpu.memory_space<hbm>>
        %dma_wait3A_663 = tpu.memref_squeeze %dma_wait3A_662 : memref<1x16x128xf32, #tpu.memory_space<hbm>> -> memref<16x128xf32, #tpu.memory_space<hbm>>
        %dma_wait3A_664 = arith.constant 0 : i32
        %dma_wait3A_665 = arith.constant 0 : i32
        %dma_wait3A_666 = tpu.memref_slice %arg4[%add3A, %dma_wait3A_664, %dma_wait3A_665] : memref<400x16x128xf32, #tpu.memory_space<hbm>> -> memref<1x16x128xf32, #tpu.memory_space<hbm>>
        %dma_wait3A_667 = tpu.memref_squeeze %dma_wait3A_666 : memref<1x16x128xf32, #tpu.memory_space<hbm>> -> memref<16x128xf32, #tpu.memory_space<hbm>>
        tpu.wait_dma2 semaphore(%run_scoped3A : memref<!tpu.dma_semaphore, #tpu.memory_space<semaphore_mem>>) src(%dma_wait3A_667 : memref<16x128xf32, #tpu.memory_space<hbm>>) dst(%arg10 : memref<16x128xf32, #tpu.memory_space<vmem>>)
        tpu.yield
      }) : () -> ()
      %dma_start3A = arith.constant 0 : i32
      %dma_start3A_30 = arith.constant 0 : i32
      %dma_start3A_31 = tpu.memref_slice %arg9[%dma_start3A, %dma_start3A_30] : memref<16x128xi32, #tpu.memory_space<vmem>> -> memref<1x128xi32, #tpu.memory_space<vmem>>
      %dma_start3A_32 = tpu.memref_squeeze %dma_start3A_31 : memref<1x128xi32, #tpu.memory_space<vmem>> -> memref<128xi32, #tpu.memory_space<vmem>>
      %dma_start3A_33 = arith.constant 0 : i32
      %dma_start3A_34 = arith.constant 0 : i32
      %dma_start3A_35 = tpu.memref_slice %arg5[%arg0, %dma_start3A_33, %dma_start3A_34] : memref<2x100000x32xf32, #tpu.memory_space<hbm>> -> memref<1x100000x32xf32, #tpu.memory_space<hbm>>
      %dma_start3A_36 = tpu.memref_squeeze %dma_start3A_35 : memref<1x100000x32xf32, #tpu.memory_space<hbm>> -> memref<100000x32xf32, #tpu.memory_space<hbm>>
      %dma_start3A_37 = arith.constant 0 : i32
      %dma_start3A_38 = arith.constant 0 : i32
      %dma_start3A_39 = tpu.memref_slice %dma_start3A_36[%dma_start3A_37, %dma_start3A_38] : memref<100000x32xf32, #tpu.memory_space<hbm>> -> memref<100000x32xf32, #tpu.memory_space<hbm>>
      tpu.enqueue_indirect_dma source(%dma_start3A_39 : memref<100000x32xf32, #tpu.memory_space<hbm>>) target(%arg11 : memref<128x32xf32, #tpu.memory_space<vmem>>) offsets(%dma_start3A_32 : memref<128xi32, #tpu.memory_space<vmem>>) semaphore(%arg14 : memref<!tpu.dma_semaphore, #tpu.memory_space<semaphore_mem>>)
      %dma_start3A_40 = arith.constant 1 : i32
      %dma_start3A_41 = arith.constant 0 : i32
      %dma_start3A_42 = tpu.memref_slice %arg9[%dma_start3A_40, %dma_start3A_41] : memref<16x128xi32, #tpu.memory_space<vmem>> -> memref<1x128xi32, #tpu.memory_space<vmem>>
      %dma_start3A_43 = tpu.memref_squeeze %dma_start3A_42 : memref<1x128xi32, #tpu.memory_space<vmem>> -> memref<128xi32, #tpu.memory_space<vmem>>
      %dma_start3A_44 = arith.constant 0 : i32
      %dma_start3A_45 = arith.constant 0 : i32
      %dma_start3A_46 = tpu.memref_slice %arg5[%arg0, %dma_start3A_44, %dma_start3A_45] : memref<2x100000x32xf32, #tpu.memory_space<hbm>> -> memref<1x100000x32xf32, #tpu.memory_space<hbm>>
      %dma_start3A_47 = tpu.memref_squeeze %dma_start3A_46 : memref<1x100000x32xf32, #tpu.memory_space<hbm>> -> memref<100000x32xf32, #tpu.memory_space<hbm>>
      %dma_start3A_48 = arith.constant 0 : i32
      %dma_start3A_49 = arith.constant 0 : i32
      %dma_start3A_50 = tpu.memref_slice %dma_start3A_47[%dma_start3A_48, %dma_start3A_49] : memref<100000x32xf32, #tpu.memory_space<hbm>> -> memref<100000x32xf32, #tpu.memory_space<hbm>>
      tpu.enqueue_indirect_dma source(%dma_start3A_50 : memref<100000x32xf32, #tpu.memory_space<hbm>>) target(%arg12 : memref<128x32xf32, #tpu.memory_space<vmem>>) offsets(%dma_start3A_43 : memref<128xi32, #tpu.memory_space<vmem>>) semaphore(%arg15 : memref<!tpu.dma_semaphore, #tpu.memory_space<semaphore_mem>>)
      %dma_wait3A = arith.constant 0 : i32
      %dma_wait3A_51 = arith.constant 0 : i32
      %dma_wait3A_52 = tpu.memref_slice %arg9[%dma_wait3A, %dma_wait3A_51] : memref<16x128xi32, #tpu.memory_space<vmem>> -> memref<1x128xi32, #tpu.memory_space<vmem>>
      %dma_wait3A_53 = tpu.memref_squeeze %dma_wait3A_52 : memref<1x128xi32, #tpu.memory_space<vmem>> -> memref<128xi32, #tpu.memory_space<vmem>>
      %dma_wait3A_54 = arith.constant 0 : i32
      %dma_wait3A_55 = arith.constant 0 : i32
      %dma_wait3A_56 = tpu.memref_slice %arg5[%arg0, %dma_wait3A_54, %dma_wait3A_55] : memref<2x100000x32xf32, #tpu.memory_space<hbm>> -> memref<1x100000x32xf32, #tpu.memory_space<hbm>>
      %dma_wait3A_57 = tpu.memref_squeeze %dma_wait3A_56 : memref<1x100000x32xf32, #tpu.memory_space<hbm>> -> memref<100000x32xf32, #tpu.memory_space<hbm>>
      %dma_wait3A_58 = arith.constant 0 : i32
      %dma_wait3A_59 = arith.constant 0 : i32
      %dma_wait3A_60 = tpu.memref_slice %dma_wait3A_57[%dma_wait3A_58, %dma_wait3A_59] : memref<100000x32xf32, #tpu.memory_space<hbm>> -> memref<100000x32xf32, #tpu.memory_space<hbm>>
      tpu.wait_indirect_dma semaphore(%arg14 : memref<!tpu.dma_semaphore, #tpu.memory_space<semaphore_mem>>) src(%dma_wait3A_60 : memref<100000x32xf32, #tpu.memory_space<hbm>>) dst(%arg11 : memref<128x32xf32, #tpu.memory_space<vmem>>)
      %parallel_loop3A_61 = arith.constant 0 : i32
      %parallel_loop3A_62 = arith.constant 128 : i32
      %parallel_loop3A_63 = arith.constant 1 : i32
      scf.for %parallel_loop3A_652 = %parallel_loop3A_61 to %parallel_loop3A_62 step %parallel_loop3A_63  : i32 {
        %parallel_loop3A_653 = arith.constant 0 : i32
        %parallel_loop3A_654 = vector.broadcast %parallel_loop3A_653 : i32 to vector<16xi32>
        %parallel_loop3A_655 = vector.broadcast %parallel_loop3A_652 : i32 to vector<16xi32>
        %parallel_loop3A_656 = tpu.vector_load_idx %arg10[%parallel_loop3A_654, %parallel_loop3A_655] : memref<16x128xf32, #tpu.memory_space<vmem>>[vector<16xi32>, vector<16xi32>], vector<16xf32>,
        %parallel_loop3A_657 = arith.index_cast %parallel_loop3A_652 : i32 to index
        %parallel_loop3A_658 = arith.constant 0 : index
        %parallel_loop3A_659 = tpu.vector_load %arg11[%parallel_loop3A_657, %parallel_loop3A_658] {strides = array<i32>} : memref<128x32xf32, #tpu.memory_space<vmem>>, vector<16xf32>,
        %parallel_loop3A_660 = arith.mulf %parallel_loop3A_659, %parallel_loop3A_656 : vector<16xf32>
        %parallel_loop3A_661 = arith.index_cast %parallel_loop3A_652 : i32 to index
        %parallel_loop3A_662 = arith.constant 0 : index
        %parallel_loop3A_663 = tpu.vector_load %arg11[%parallel_loop3A_661, %parallel_loop3A_662] {strides = array<i32>} : memref<128x32xf32, #tpu.memory_space<vmem>>, vector<16xf32>,
        tpu.vector_store %arg11[%parallel_loop3A_661, %parallel_loop3A_662], %parallel_loop3A_660 {strides = array<i32>} : memref<128x32xf32, #tpu.memory_space<vmem>>, vector<16xf32>,
        %parallel_loop3A_664 = arith.index_cast %parallel_loop3A_652 : i32 to index
        %parallel_loop3A_665 = arith.constant 16 : index
        %parallel_loop3A_666 = tpu.vector_load %arg11[%parallel_loop3A_664, %parallel_loop3A_665] {strides = array<i32>} : memref<128x32xf32, #tpu.memory_space<vmem>>, vector<16xf32>,
        %parallel_loop3A_667 = arith.mulf %parallel_loop3A_666, %parallel_loop3A_656 : vector<16xf32>
        %parallel_loop3A_668 = arith.index_cast %parallel_loop3A_652 : i32 to index
        %parallel_loop3A_669 = arith.constant 16 : index
        %parallel_loop3A_670 = tpu.vector_load %arg11[%parallel_loop3A_668, %parallel_loop3A_669] {strides = array<i32>} : memref<128x32xf32, #tpu.memory_space<vmem>>, vector<16xf32>,
        tpu.vector_store %arg11[%parallel_loop3A_668, %parallel_loop3A_669], %parallel_loop3A_667 {strides = array<i32>} : memref<128x32xf32, #tpu.memory_space<vmem>>, vector<16xf32>,
      } {sc.loop_unroll_factor = 4 : i64, sc.parallel_access}
      %dma_start3A_64 = arith.constant 0 : i32
      %dma_start3A_65 = arith.constant 0 : i32
      %dma_start3A_66 = tpu.memref_slice %arg8[%dma_start3A_64, %dma_start3A_65] : memref<16x128xi32, #tpu.memory_space<vmem>> -> memref<1x128xi32, #tpu.memory_space<vmem>>
      %dma_start3A_67 = tpu.memref_squeeze %dma_start3A_66 : memref<1x128xi32, #tpu.memory_space<vmem>> -> memref<128xi32, #tpu.memory_space<vmem>>
      %dma_start3A_68 = arith.constant 0 : i32
      %dma_start3A_69 = arith.constant 0 : i32
      %dma_start3A_70 = tpu.memref_slice %arg7[%dma_start3A_68, %dma_start3A_69] : memref<50000x32xf32, #tpu.memory_space<vmem_shared>> -> memref<50000x32xf32, #tpu.memory_space<vmem_shared>>
      tpu.enqueue_indirect_dma source(%arg11 : memref<128x32xf32, #tpu.memory_space<vmem>>) target(%dma_start3A_70 : memref<50000x32xf32, #tpu.memory_space<vmem_shared>>) offsets(%dma_start3A_67 : memref<128xi32, #tpu.memory_space<vmem>>) semaphore(%arg16 : memref<!tpu.dma_semaphore, #tpu.memory_space<semaphore_mem>>) {add = true}
      %dma_wait3A_71 = arith.constant 0 : i32
      %dma_wait3A_72 = arith.constant 0 : i32
      %dma_wait3A_73 = tpu.memref_slice %arg8[%dma_wait3A_71, %dma_wait3A_72] : memref<16x128xi32, #tpu.memory_space<vmem>> -> memref<1x128xi32, #tpu.memory_space<vmem>>
      %dma_wait3A_74 = tpu.memref_squeeze %dma_wait3A_73 : memref<1x128xi32, #tpu.memory_space<vmem>> -> memref<128xi32, #tpu.memory_space<vmem>>
      %dma_wait3A_75 = arith.constant 0 : i32
      %dma_wait3A_76 = arith.constant 0 : i32
      %dma_wait3A_77 = tpu.memref_slice %arg7[%dma_wait3A_75, %dma_wait3A_76] : memref<50000x32xf32, #tpu.memory_space<vmem_shared>> -> memref<50000x32xf32, #tpu.memory_space<vmem_shared>>
      tpu.wait_indirect_dma semaphore(%arg16 : memref<!tpu.dma_semaphore, #tpu.memory_space<semaphore_mem>>) src(%arg11 : memref<128x32xf32, #tpu.memory_space<vmem>>) dst(%dma_wait3A_77 : memref<50000x32xf32, #tpu.memory_space<vmem_shared>>)
      %dma_start3A_78 = arith.constant 2 : i32
      %dma_start3A_79 = arith.constant 0 : i32
      %dma_start3A_80 = tpu.memref_slice %arg9[%dma_start3A_78, %dma_start3A_79] : memref<16x128xi32, #tpu.memory_space<vmem>> -> memref<1x128xi32, #tpu.memory_space<vmem>>
      %dma_start3A_81 = tpu.memref_squeeze %dma_start3A_80 : memref<1x128xi32, #tpu.memory_space<vmem>> -> memref<128xi32, #tpu.memory_space<vmem>>
      %dma_start3A_82 = arith.constant 0 : i32
      %dma_start3A_83 = arith.constant 0 : i32
      %dma_start3A_84 = tpu.memref_slice %arg5[%arg0, %dma_start3A_82, %dma_start3A_83] : memref<2x100000x32xf32, #tpu.memory_space<hbm>> -> memref<1x100000x32xf32, #tpu.memory_space<hbm>>
      %dma_start3A_85 = tpu.memref_squeeze %dma_start3A_84 : memref<1x100000x32xf32, #tpu.memory_space<hbm>> -> memref<100000x32xf32, #tpu.memory_space<hbm>>
      %dma_start3A_86 = arith.constant 0 : i32
      %dma_start3A_87 = arith.constant 0 : i32
      %dma_start3A_88 = tpu.memref_slice %dma_start3A_85[%dma_start3A_86, %dma_start3A_87] : memref<100000x32xf32, #tpu.memory_space<hbm>> -> memref<100000x32xf32, #tpu.memory_space<hbm>>
      tpu.enqueue_indirect_dma source(%dma_start3A_88 : memref<100000x32xf32, #tpu.memory_space<hbm>>) target(%arg11 : memref<128x32xf32, #tpu.memory_space<vmem>>) offsets(%dma_start3A_81 : memref<128xi32, #tpu.memory_space<vmem>>) semaphore(%arg14 : memref<!tpu.dma_semaphore, #tpu.memory_space<semaphore_mem>>)
      %dma_wait3A_89 = arith.constant 1 : i32
      %dma_wait3A_90 = arith.constant 0 : i32
      %dma_wait3A_91 = tpu.memref_slice %arg9[%dma_wait3A_89, %dma_wait3A_90] : memref<16x128xi32, #tpu.memory_space<vmem>> -> memref<1x128xi32, #tpu.memory_space<vmem>>
      %dma_wait3A_92 = tpu.memref_squeeze %dma_wait3A_91 : memref<1x128xi32, #tpu.memory_space<vmem>> -> memref<128xi32, #tpu.memory_space<vmem>>
      %dma_wait3A_93 = arith.constant 0 : i32
      %dma_wait3A_94 = arith.constant 0 : i32
      %dma_wait3A_95 = tpu.memref_slice %arg5[%arg0, %dma_wait3A_93, %dma_wait3A_94] : memref<2x100000x32xf32, #tpu.memory_space<hbm>> -> memref<1x100000x32xf32, #tpu.memory_space<hbm>>
      %dma_wait3A_96 = tpu.memref_squeeze %dma_wait3A_95 : memref<1x100000x32xf32, #tpu.memory_space<hbm>> -> memref<100000x32xf32, #tpu.memory_space<hbm>>
      %dma_wait3A_97 = arith.constant 0 : i32
      %dma_wait3A_98 = arith.constant 0 : i32
      %dma_wait3A_99 = tpu.memref_slice %dma_wait3A_96[%dma_wait3A_97, %dma_wait3A_98] : memref<100000x32xf32, #tpu.memory_space<hbm>> -> memref<100000x32xf32, #tpu.memory_space<hbm>>
      tpu.wait_indirect_dma semaphore(%arg15 : memref<!tpu.dma_semaphore, #tpu.memory_space<semaphore_mem>>) src(%dma_wait3A_99 : memref<100000x32xf32, #tpu.memory_space<hbm>>) dst(%arg12 : memref<128x32xf32, #tpu.memory_space<vmem>>)
      %parallel_loop3A_100 = arith.constant 0 : i32
      %parallel_loop3A_101 = arith.constant 128 : i32
      %parallel_loop3A_102 = arith.constant 1 : i32
      scf.for %parallel_loop3A_652 = %parallel_loop3A_100 to %parallel_loop3A_101 step %parallel_loop3A_102  : i32 {
        %parallel_loop3A_653 = arith.constant 1 : i32
        %parallel_loop3A_654 = vector.broadcast %parallel_loop3A_653 : i32 to vector<16xi32>
        %parallel_loop3A_655 = vector.broadcast %parallel_loop3A_652 : i32 to vector<16xi32>
        %parallel_loop3A_656 = tpu.vector_load_idx %arg10[%parallel_loop3A_654, %parallel_loop3A_655] : memref<16x128xf32, #tpu.memory_space<vmem>>[vector<16xi32>, vector<16xi32>], vector<16xf32>,
        %parallel_loop3A_657 = arith.index_cast %parallel_loop3A_652 : i32 to index
        %parallel_loop3A_658 = arith.constant 0 : index
        %parallel_loop3A_659 = tpu.vector_load %arg12[%parallel_loop3A_657, %parallel_loop3A_658] {strides = array<i32>} : memref<128x32xf32, #tpu.memory_space<vmem>>, vector<16xf32>,
        %parallel_loop3A_660 = arith.mulf %parallel_loop3A_659, %parallel_loop3A_656 : vector<16xf32>
        %parallel_loop3A_661 = arith.index_cast %parallel_loop3A_652 : i32 to index
        %parallel_loop3A_662 = arith.constant 0 : index
        %parallel_loop3A_663 = tpu.vector_load %arg12[%parallel_loop3A_661, %parallel_loop3A_662] {strides = array<i32>} : memref<128x32xf32, #tpu.memory_space<vmem>>, vector<16xf32>,
        tpu.vector_store %arg12[%parallel_loop3A_661, %parallel_loop3A_662], %parallel_loop3A_660 {strides = array<i32>} : memref<128x32xf32, #tpu.memory_space<vmem>>, vector<16xf32>,
        %parallel_loop3A_664 = arith.index_cast %parallel_loop3A_652 : i32 to index
        %parallel_loop3A_665 = arith.constant 16 : index
        %parallel_loop3A_666 = tpu.vector_load %arg12[%parallel_loop3A_664, %parallel_loop3A_665] {strides = array<i32>} : memref<128x32xf32, #tpu.memory_space<vmem>>, vector<16xf32>,
        %parallel_loop3A_667 = arith.mulf %parallel_loop3A_666, %parallel_loop3A_656 : vector<16xf32>
        %parallel_loop3A_668 = arith.index_cast %parallel_loop3A_652 : i32 to index
        %parallel_loop3A_669 = arith.constant 16 : index
        %parallel_loop3A_670 = tpu.vector_load %arg12[%parallel_loop3A_668, %parallel_loop3A_669] {strides = array<i32>} : memref<128x32xf32, #tpu.memory_space<vmem>>, vector<16xf32>,
        tpu.vector_store %arg12[%parallel_loop3A_668, %parallel_loop3A_669], %parallel_loop3A_667 {strides = array<i32>} : memref<128x32xf32, #tpu.memory_space<vmem>>, vector<16xf32>,
      } {sc.loop_unroll_factor = 4 : i64, sc.parallel_access}
      %dma_start3A_103 = arith.constant 1 : i32
      %dma_start3A_104 = arith.constant 0 : i32
      %dma_start3A_105 = tpu.memref_slice %arg8[%dma_start3A_103, %dma_start3A_104] : memref<16x128xi32, #tpu.memory_space<vmem>> -> memref<1x128xi32, #tpu.memory_space<vmem>>
      %dma_start3A_106 = tpu.memref_squeeze %dma_start3A_105 : memref<1x128xi32, #tpu.memory_space<vmem>> -> memref<128xi32, #tpu.memory_space<vmem>>
      %dma_start3A_107 = arith.constant 0 : i32
      %dma_start3A_108 = arith.constant 0 : i32
      %dma_start3A_109 = tpu.memref_slice %arg7[%dma_start3A_107, %dma_start3A_108] : memref<50000x32xf32, #tpu.memory_space<vmem_shared>> -> memref<50000x32xf32, #tpu.memory_space<vmem_shared>>
      tpu.enqueue_indirect_dma source(%arg12 : memref<128x32xf32, #tpu.memory_space<vmem>>) target(%dma_start3A_109 : memref<50000x32xf32, #tpu.memory_space<vmem_shared>>) offsets(%dma_start3A_106 : memref<128xi32, #tpu.memory_space<vmem>>) semaphore(%arg17 : memref<!tpu.dma_semaphore, #tpu.memory_space<semaphore_mem>>) {add = true}
      %dma_wait3A_110 = arith.constant 1 : i32
      %dma_wait3A_111 = arith.constant 0 : i32
      %dma_wait3A_112 = tpu.memref_slice %arg8[%dma_wait3A_110, %dma_wait3A_111] : memref<16x128xi32, #tpu.memory_space<vmem>> -> memref<1x128xi32, #tpu.memory_space<vmem>>
      %dma_wait3A_113 = tpu.memref_squeeze %dma_wait3A_112 : memref<1x128xi32, #tpu.memory_space<vmem>> -> memref<128xi32, #tpu.memory_space<vmem>>
      %dma_wait3A_114 = arith.constant 0 : i32
      %dma_wait3A_115 = arith.constant 0 : i32
      %dma_wait3A_116 = tpu.memref_slice %arg7[%dma_wait3A_114, %dma_wait3A_115] : memref<50000x32xf32, #tpu.memory_space<vmem_shared>> -> memref<50000x32xf32, #tpu.memory_space<vmem_shared>>
      tpu.wait_indirect_dma semaphore(%arg17 : memref<!tpu.dma_semaphore, #tpu.memory_space<semaphore_mem>>) src(%arg12 : memref<128x32xf32, #tpu.memory_space<vmem>>) dst(%dma_wait3A_116 : memref<50000x32xf32, #tpu.memory_space<vmem_shared>>)
      %dma_start3A_117 = arith.constant 3 : i32
      %dma_start3A_118 = arith.constant 0 : i32
      %dma_start3A_119 = tpu.memref_slice %arg9[%dma_start3A_117, %dma_start3A_118] : memref<16x128xi32, #tpu.memory_space<vmem>> -> memref<1x128xi32, #tpu.memory_space<vmem>>
      %dma_start3A_120 = tpu.memref_squeeze %dma_start3A_119 : memref<1x128xi32, #tpu.memory_space<vmem>> -> memref<128xi32, #tpu.memory_space<vmem>>
      %dma_start3A_121 = arith.constant 0 : i32
      %dma_start3A_122 = arith.constant 0 : i32
      %dma_start3A_123 = tpu.memref_slice %arg5[%arg0, %dma_start3A_121, %dma_start3A_122] : memref<2x100000x32xf32, #tpu.memory_space<hbm>> -> memref<1x100000x32xf32, #tpu.memory_space<hbm>>
      %dma_start3A_124 = tpu.memref_squeeze %dma_start3A_123 : memref<1x100000x32xf32, #tpu.memory_space<hbm>> -> memref<100000x32xf32, #tpu.memory_space<hbm>>
      %dma_start3A_125 = arith.constant 0 : i32
      %dma_start3A_126 = arith.constant 0 : i32
      %dma_start3A_127 = tpu.memref_slice %dma_start3A_124[%dma_start3A_125, %dma_start3A_126] : memref<100000x32xf32, #tpu.memory_space<hbm>> -> memref<100000x32xf32, #tpu.memory_space<hbm>>
      tpu.enqueue_indirect_dma source(%dma_start3A_127 : memref<100000x32xf32, #tpu.memory_space<hbm>>) target(%arg12 : memref<128x32xf32, #tpu.memory_space<vmem>>) offsets(%dma_start3A_120 : memref<128xi32, #tpu.memory_space<vmem>>) semaphore(%arg15 : memref<!tpu.dma_semaphore, #tpu.memory_space<semaphore_mem>>)
      %dma_wait3A_128 = arith.constant 2 : i32
      %dma_wait3A_129 = arith.constant 0 : i32
      %dma_wait3A_130 = tpu.memref_slice %arg9[%dma_wait3A_128, %dma_wait3A_129] : memref<16x128xi32, #tpu.memory_space<vmem>> -> memref<1x128xi32, #tpu.memory_space<vmem>>
      %dma_wait3A_131 = tpu.memref_squeeze %dma_wait3A_130 : memref<1x128xi32, #tpu.memory_space<vmem>> -> memref<128xi32, #tpu.memory_space<vmem>>
      %dma_wait3A_132 = arith.constant 0 : i32
      %dma_wait3A_133 = arith.constant 0 : i32
      %dma_wait3A_134 = tpu.memref_slice %arg5[%arg0, %dma_wait3A_132, %dma_wait3A_133] : memref<2x100000x32xf32, #tpu.memory_space<hbm>> -> memref<1x100000x32xf32, #tpu.memory_space<hbm>>
      %dma_wait3A_135 = tpu.memref_squeeze %dma_wait3A_134 : memref<1x100000x32xf32, #tpu.memory_space<hbm>> -> memref<100000x32xf32, #tpu.memory_space<hbm>>
      %dma_wait3A_136 = arith.constant 0 : i32
      %dma_wait3A_137 = arith.constant 0 : i32
      %dma_wait3A_138 = tpu.memref_slice %dma_wait3A_135[%dma_wait3A_136, %dma_wait3A_137] : memref<100000x32xf32, #tpu.memory_space<hbm>> -> memref<100000x32xf32, #tpu.memory_space<hbm>>
      tpu.wait_indirect_dma semaphore(%arg14 : memref<!tpu.dma_semaphore, #tpu.memory_space<semaphore_mem>>) src(%dma_wait3A_138 : memref<100000x32xf32, #tpu.memory_space<hbm>>) dst(%arg11 : memref<128x32xf32, #tpu.memory_space<vmem>>)
      %parallel_loop3A_139 = arith.constant 0 : i32
      %parallel_loop3A_140 = arith.constant 128 : i32
      %parallel_loop3A_141 = arith.constant 1 : i32
      scf.for %parallel_loop3A_652 = %parallel_loop3A_139 to %parallel_loop3A_140 step %parallel_loop3A_141  : i32 {
        %parallel_loop3A_653 = arith.constant 2 : i32
        %parallel_loop3A_654 = vector.broadcast %parallel_loop3A_653 : i32 to vector<16xi32>
        %parallel_loop3A_655 = vector.broadcast %parallel_loop3A_652 : i32 to vector<16xi32>
        %parallel_loop3A_656 = tpu.vector_load_idx %arg10[%parallel_loop3A_654, %parallel_loop3A_655] : memref<16x128xf32, #tpu.memory_space<vmem>>[vector<16xi32>, vector<16xi32>], vector<16xf32>,
        %parallel_loop3A_657 = arith.index_cast %parallel_loop3A_652 : i32 to index
        %parallel_loop3A_658 = arith.constant 0 : index
        %parallel_loop3A_659 = tpu.vector_load %arg11[%parallel_loop3A_657, %parallel_loop3A_658] {strides = array<i32>} : memref<128x32xf32, #tpu.memory_space<vmem>>, vector<16xf32>,
        %parallel_loop3A_660 = arith.mulf %parallel_loop3A_659, %parallel_loop3A_656 : vector<16xf32>
        %parallel_loop3A_661 = arith.index_cast %parallel_loop3A_652 : i32 to index
        %parallel_loop3A_662 = arith.constant 0 : index
        %parallel_loop3A_663 = tpu.vector_load %arg11[%parallel_loop3A_661, %parallel_loop3A_662] {strides = array<i32>} : memref<128x32xf32, #tpu.memory_space<vmem>>, vector<16xf32>,
        tpu.vector_store %arg11[%parallel_loop3A_661, %parallel_loop3A_662], %parallel_loop3A_660 {strides = array<i32>} : memref<128x32xf32, #tpu.memory_space<vmem>>, vector<16xf32>,
        %parallel_loop3A_664 = arith.index_cast %parallel_loop3A_652 : i32 to index
        %parallel_loop3A_665 = arith.constant 16 : index
        %parallel_loop3A_666 = tpu.vector_load %arg11[%parallel_loop3A_664, %parallel_loop3A_665] {strides = array<i32>} : memref<128x32xf32, #tpu.memory_space<vmem>>, vector<16xf32>,
        %parallel_loop3A_667 = arith.mulf %parallel_loop3A_666, %parallel_loop3A_656 : vector<16xf32>
        %parallel_loop3A_668 = arith.index_cast %parallel_loop3A_652 : i32 to index
        %parallel_loop3A_669 = arith.constant 16 : index
        %parallel_loop3A_670 = tpu.vector_load %arg11[%parallel_loop3A_668, %parallel_loop3A_669] {strides = array<i32>} : memref<128x32xf32, #tpu.memory_space<vmem>>, vector<16xf32>,
        tpu.vector_store %arg11[%parallel_loop3A_668, %parallel_loop3A_669], %parallel_loop3A_667 {strides = array<i32>} : memref<128x32xf32, #tpu.memory_space<vmem>>, vector<16xf32>,
      } {sc.loop_unroll_factor = 4 : i64, sc.parallel_access}
      %dma_start3A_142 = arith.constant 2 : i32
      %dma_start3A_143 = arith.constant 0 : i32
      %dma_start3A_144 = tpu.memref_slice %arg8[%dma_start3A_142, %dma_start3A_143] : memref<16x128xi32, #tpu.memory_space<vmem>> -> memref<1x128xi32, #tpu.memory_space<vmem>>
      %dma_start3A_145 = tpu.memref_squeeze %dma_start3A_144 : memref<1x128xi32, #tpu.memory_space<vmem>> -> memref<128xi32, #tpu.memory_space<vmem>>
      %dma_start3A_146 = arith.constant 0 : i32
      %dma_start3A_147 = arith.constant 0 : i32
      %dma_start3A_148 = tpu.memref_slice %arg7[%dma_start3A_146, %dma_start3A_147] : memref<50000x32xf32, #tpu.memory_space<vmem_shared>> -> memref<50000x32xf32, #tpu.memory_space<vmem_shared>>
      tpu.enqueue_indirect_dma source(%arg11 : memref<128x32xf32, #tpu.memory_space<vmem>>) target(%dma_start3A_148 : memref<50000x32xf32, #tpu.memory_space<vmem_shared>>) offsets(%dma_start3A_145 : memref<128xi32, #tpu.memory_space<vmem>>) semaphore(%arg16 : memref<!tpu.dma_semaphore, #tpu.memory_space<semaphore_mem>>) {add = true}
      %dma_wait3A_149 = arith.constant 2 : i32
      %dma_wait3A_150 = arith.constant 0 : i32
      %dma_wait3A_151 = tpu.memref_slice %arg8[%dma_wait3A_149, %dma_wait3A_150] : memref<16x128xi32, #tpu.memory_space<vmem>> -> memref<1x128xi32, #tpu.memory_space<vmem>>
      %dma_wait3A_152 = tpu.memref_squeeze %dma_wait3A_151 : memref<1x128xi32, #tpu.memory_space<vmem>> -> memref<128xi32, #tpu.memory_space<vmem>>
      %dma_wait3A_153 = arith.constant 0 : i32
      %dma_wait3A_154 = arith.constant 0 : i32
      %dma_wait3A_155 = tpu.memref_slice %arg7[%dma_wait3A_153, %dma_wait3A_154] : memref<50000x32xf32, #tpu.memory_space<vmem_shared>> -> memref<50000x32xf32, #tpu.memory_space<vmem_shared>>
      tpu.wait_indirect_dma semaphore(%arg16 : memref<!tpu.dma_semaphore, #tpu.memory_space<semaphore_mem>>) src(%arg11 : memref<128x32xf32, #tpu.memory_space<vmem>>) dst(%dma_wait3A_155 : memref<50000x32xf32, #tpu.memory_space<vmem_shared>>)
      %dma_start3A_156 = arith.constant 4 : i32
      %dma_start3A_157 = arith.constant 0 : i32
      %dma_start3A_158 = tpu.memref_slice %arg9[%dma_start3A_156, %dma_start3A_157] : memref<16x128xi32, #tpu.memory_space<vmem>> -> memref<1x128xi32, #tpu.memory_space<vmem>>
      %dma_start3A_159 = tpu.memref_squeeze %dma_start3A_158 : memref<1x128xi32, #tpu.memory_space<vmem>> -> memref<128xi32, #tpu.memory_space<vmem>>
      %dma_start3A_160 = arith.constant 0 : i32
      %dma_start3A_161 = arith.constant 0 : i32
      %dma_start3A_162 = tpu.memref_slice %arg5[%arg0, %dma_start3A_160, %dma_start3A_161] : memref<2x100000x32xf32, #tpu.memory_space<hbm>> -> memref<1x100000x32xf32, #tpu.memory_space<hbm>>
      %dma_start3A_163 = tpu.memref_squeeze %dma_start3A_162 : memref<1x100000x32xf32, #tpu.memory_space<hbm>> -> memref<100000x32xf32, #tpu.memory_space<hbm>>
      %dma_start3A_164 = arith.constant 0 : i32
      %dma_start3A_165 = arith.constant 0 : i32
      %dma_start3A_166 = tpu.memref_slice %dma_start3A_163[%dma_start3A_164, %dma_start3A_165] : memref<100000x32xf32, #tpu.memory_space<hbm>> -> memref<100000x32xf32, #tpu.memory_space<hbm>>
      tpu.enqueue_indirect_dma source(%dma_start3A_166 : memref<100000x32xf32, #tpu.memory_space<hbm>>) target(%arg11 : memref<128x32xf32, #tpu.memory_space<vmem>>) offsets(%dma_start3A_159 : memref<128xi32, #tpu.memory_space<vmem>>) semaphore(%arg14 : memref<!tpu.dma_semaphore, #tpu.memory_space<semaphore_mem>>)
      %dma_wait3A_167 = arith.constant 3 : i32
      %dma_wait3A_168 = arith.constant 0 : i32
      %dma_wait3A_169 = tpu.memref_slice %arg9[%dma_wait3A_167, %dma_wait3A_168] : memref<16x128xi32, #tpu.memory_space<vmem>> -> memref<1x128xi32, #tpu.memory_space<vmem>>
      %dma_wait3A_170 = tpu.memref_squeeze %dma_wait3A_169 : memref<1x128xi32, #tpu.memory_space<vmem>> -> memref<128xi32, #tpu.memory_space<vmem>>
      %dma_wait3A_171 = arith.constant 0 : i32
      %dma_wait3A_172 = arith.constant 0 : i32
      %dma_wait3A_173 = tpu.memref_slice %arg5[%arg0, %dma_wait3A_171, %dma_wait3A_172] : memref<2x100000x32xf32, #tpu.memory_space<hbm>> -> memref<1x100000x32xf32, #tpu.memory_space<hbm>>
      %dma_wait3A_174 = tpu.memref_squeeze %dma_wait3A_173 : memref<1x100000x32xf32, #tpu.memory_space<hbm>> -> memref<100000x32xf32, #tpu.memory_space<hbm>>
      %dma_wait3A_175 = arith.constant 0 : i32
      %dma_wait3A_176 = arith.constant 0 : i32
      %dma_wait3A_177 = tpu.memref_slice %dma_wait3A_174[%dma_wait3A_175, %dma_wait3A_176] : memref<100000x32xf32, #tpu.memory_space<hbm>> -> memref<100000x32xf32, #tpu.memory_space<hbm>>
      tpu.wait_indirect_dma semaphore(%arg15 : memref<!tpu.dma_semaphore, #tpu.memory_space<semaphore_mem>>) src(%dma_wait3A_177 : memref<100000x32xf32, #tpu.memory_space<hbm>>) dst(%arg12 : memref<128x32xf32, #tpu.memory_space<vmem>>)
      %parallel_loop3A_178 = arith.constant 0 : i32
      %parallel_loop3A_179 = arith.constant 128 : i32
      %parallel_loop3A_180 = arith.constant 1 : i32
      scf.for %parallel_loop3A_652 = %parallel_loop3A_178 to %parallel_loop3A_179 step %parallel_loop3A_180  : i32 {
        %parallel_loop3A_653 = arith.constant 3 : i32
        %parallel_loop3A_654 = vector.broadcast %parallel_loop3A_653 : i32 to vector<16xi32>
        %parallel_loop3A_655 = vector.broadcast %parallel_loop3A_652 : i32 to vector<16xi32>
        %parallel_loop3A_656 = tpu.vector_load_idx %arg10[%parallel_loop3A_654, %parallel_loop3A_655] : memref<16x128xf32, #tpu.memory_space<vmem>>[vector<16xi32>, vector<16xi32>], vector<16xf32>,
        %parallel_loop3A_657 = arith.index_cast %parallel_loop3A_652 : i32 to index
        %parallel_loop3A_658 = arith.constant 0 : index
        %parallel_loop3A_659 = tpu.vector_load %arg12[%parallel_loop3A_657, %parallel_loop3A_658] {strides = array<i32>} : memref<128x32xf32, #tpu.memory_space<vmem>>, vector<16xf32>,
        %parallel_loop3A_660 = arith.mulf %parallel_loop3A_659, %parallel_loop3A_656 : vector<16xf32>
        %parallel_loop3A_661 = arith.index_cast %parallel_loop3A_652 : i32 to index
        %parallel_loop3A_662 = arith.constant 0 : index
        %parallel_loop3A_663 = tpu.vector_load %arg12[%parallel_loop3A_661, %parallel_loop3A_662] {strides = array<i32>} : memref<128x32xf32, #tpu.memory_space<vmem>>, vector<16xf32>,
        tpu.vector_store %arg12[%parallel_loop3A_661, %parallel_loop3A_662], %parallel_loop3A_660 {strides = array<i32>} : memref<128x32xf32, #tpu.memory_space<vmem>>, vector<16xf32>,
        %parallel_loop3A_664 = arith.index_cast %parallel_loop3A_652 : i32 to index
        %parallel_loop3A_665 = arith.constant 16 : index
        %parallel_loop3A_666 = tpu.vector_load %arg12[%parallel_loop3A_664, %parallel_loop3A_665] {strides = array<i32>} : memref<128x32xf32, #tpu.memory_space<vmem>>, vector<16xf32>,
        %parallel_loop3A_667 = arith.mulf %parallel_loop3A_666, %parallel_loop3A_656 : vector<16xf32>
        %parallel_loop3A_668 = arith.index_cast %parallel_loop3A_652 : i32 to index
        %parallel_loop3A_669 = arith.constant 16 : index
        %parallel_loop3A_670 = tpu.vector_load %arg12[%parallel_loop3A_668, %parallel_loop3A_669] {strides = array<i32>} : memref<128x32xf32, #tpu.memory_space<vmem>>, vector<16xf32>,
        tpu.vector_store %arg12[%parallel_loop3A_668, %parallel_loop3A_669], %parallel_loop3A_667 {strides = array<i32>} : memref<128x32xf32, #tpu.memory_space<vmem>>, vector<16xf32>,
      } {sc.loop_unroll_factor = 4 : i64, sc.parallel_access}
      %dma_start3A_181 = arith.constant 3 : i32
      %dma_start3A_182 = arith.constant 0 : i32
      %dma_start3A_183 = tpu.memref_slice %arg8[%dma_start3A_181, %dma_start3A_182] : memref<16x128xi32, #tpu.memory_space<vmem>> -> memref<1x128xi32, #tpu.memory_space<vmem>>
      %dma_start3A_184 = tpu.memref_squeeze %dma_start3A_183 : memref<1x128xi32, #tpu.memory_space<vmem>> -> memref<128xi32, #tpu.memory_space<vmem>>
      %dma_start3A_185 = arith.constant 0 : i32
      %dma_start3A_186 = arith.constant 0 : i32
      %dma_start3A_187 = tpu.memref_slice %arg7[%dma_start3A_185, %dma_start3A_186] : memref<50000x32xf32, #tpu.memory_space<vmem_shared>> -> memref<50000x32xf32, #tpu.memory_space<vmem_shared>>
      tpu.enqueue_indirect_dma source(%arg12 : memref<128x32xf32, #tpu.memory_space<vmem>>) target(%dma_start3A_187 : memref<50000x32xf32, #tpu.memory_space<vmem_shared>>) offsets(%dma_start3A_184 : memref<128xi32, #tpu.memory_space<vmem>>) semaphore(%arg17 : memref<!tpu.dma_semaphore, #tpu.memory_space<semaphore_mem>>) {add = true}
      %dma_wait3A_188 = arith.constant 3 : i32
      %dma_wait3A_189 = arith.constant 0 : i32
      %dma_wait3A_190 = tpu.memref_slice %arg8[%dma_wait3A_188, %dma_wait3A_189] : memref<16x128xi32, #tpu.memory_space<vmem>> -> memref<1x128xi32, #tpu.memory_space<vmem>>
      %dma_wait3A_191 = tpu.memref_squeeze %dma_wait3A_190 : memref<1x128xi32, #tpu.memory_space<vmem>> -> memref<128xi32, #tpu.memory_space<vmem>>
      %dma_wait3A_192 = arith.constant 0 : i32
      %dma_wait3A_193 = arith.constant 0 : i32
      %dma_wait3A_194 = tpu.memref_slice %arg7[%dma_wait3A_192, %dma_wait3A_193] : memref<50000x32xf32, #tpu.memory_space<vmem_shared>> -> memref<50000x32xf32, #tpu.memory_space<vmem_shared>>
      tpu.wait_indirect_dma semaphore(%arg17 : memref<!tpu.dma_semaphore, #tpu.memory_space<semaphore_mem>>) src(%arg12 : memref<128x32xf32, #tpu.memory_space<vmem>>) dst(%dma_wait3A_194 : memref<50000x32xf32, #tpu.memory_space<vmem_shared>>)
      %dma_start3A_195 = arith.constant 5 : i32
      %dma_start3A_196 = arith.constant 0 : i32
      %dma_start3A_197 = tpu.memref_slice %arg9[%dma_start3A_195, %dma_start3A_196] : memref<16x128xi32, #tpu.memory_space<vmem>> -> memref<1x128xi32, #tpu.memory_space<vmem>>
      %dma_start3A_198 = tpu.memref_squeeze %dma_start3A_197 : memref<1x128xi32, #tpu.memory_space<vmem>> -> memref<128xi32, #tpu.memory_space<vmem>>
      %dma_start3A_199 = arith.constant 0 : i32
      %dma_start3A_200 = arith.constant 0 : i32
      %dma_start3A_201 = tpu.memref_slice %arg5[%arg0, %dma_start3A_199, %dma_start3A_200] : memref<2x100000x32xf32, #tpu.memory_space<hbm>> -> memref<1x100000x32xf32, #tpu.memory_space<hbm>>
      %dma_start3A_202 = tpu.memref_squeeze %dma_start3A_201 : memref<1x100000x32xf32, #tpu.memory_space<hbm>> -> memref<100000x32xf32, #tpu.memory_space<hbm>>
      %dma_start3A_203 = arith.constant 0 : i32
      %dma_start3A_204 = arith.constant 0 : i32
      %dma_start3A_205 = tpu.memref_slice %dma_start3A_202[%dma_start3A_203, %dma_start3A_204] : memref<100000x32xf32, #tpu.memory_space<hbm>> -> memref<100000x32xf32, #tpu.memory_space<hbm>>
      tpu.enqueue_indirect_dma source(%dma_start3A_205 : memref<100000x32xf32, #tpu.memory_space<hbm>>) target(%arg12 : memref<128x32xf32, #tpu.memory_space<vmem>>) offsets(%dma_start3A_198 : memref<128xi32, #tpu.memory_space<vmem>>) semaphore(%arg15 : memref<!tpu.dma_semaphore, #tpu.memory_space<semaphore_mem>>)
      %dma_wait3A_206 = arith.constant 4 : i32
      %dma_wait3A_207 = arith.constant 0 : i32
      %dma_wait3A_208 = tpu.memref_slice %arg9[%dma_wait3A_206, %dma_wait3A_207] : memref<16x128xi32, #tpu.memory_space<vmem>> -> memref<1x128xi32, #tpu.memory_space<vmem>>
      %dma_wait3A_209 = tpu.memref_squeeze %dma_wait3A_208 : memref<1x128xi32, #tpu.memory_space<vmem>> -> memref<128xi32, #tpu.memory_space<vmem>>
      %dma_wait3A_210 = arith.constant 0 : i32
      %dma_wait3A_211 = arith.constant 0 : i32
      %dma_wait3A_212 = tpu.memref_slice %arg5[%arg0, %dma_wait3A_210, %dma_wait3A_211] : memref<2x100000x32xf32, #tpu.memory_space<hbm>> -> memref<1x100000x32xf32, #tpu.memory_space<hbm>>
      %dma_wait3A_213 = tpu.memref_squeeze %dma_wait3A_212 : memref<1x100000x32xf32, #tpu.memory_space<hbm>> -> memref<100000x32xf32, #tpu.memory_space<hbm>>
      %dma_wait3A_214 = arith.constant 0 : i32
      %dma_wait3A_215 = arith.constant 0 : i32
      %dma_wait3A_216 = tpu.memref_slice %dma_wait3A_213[%dma_wait3A_214, %dma_wait3A_215] : memref<100000x32xf32, #tpu.memory_space<hbm>> -> memref<100000x32xf32, #tpu.memory_space<hbm>>
      tpu.wait_indirect_dma semaphore(%arg14 : memref<!tpu.dma_semaphore, #tpu.memory_space<semaphore_mem>>) src(%dma_wait3A_216 : memref<100000x32xf32, #tpu.memory_space<hbm>>) dst(%arg11 : memref<128x32xf32, #tpu.memory_space<vmem>>)
      %parallel_loop3A_217 = arith.constant 0 : i32
      %parallel_loop3A_218 = arith.constant 128 : i32
      %parallel_loop3A_219 = arith.constant 1 : i32
      scf.for %parallel_loop3A_652 = %parallel_loop3A_217 to %parallel_loop3A_218 step %parallel_loop3A_219  : i32 {
        %parallel_loop3A_653 = arith.constant 4 : i32
        %parallel_loop3A_654 = vector.broadcast %parallel_loop3A_653 : i32 to vector<16xi32>
        %parallel_loop3A_655 = vector.broadcast %parallel_loop3A_652 : i32 to vector<16xi32>
        %parallel_loop3A_656 = tpu.vector_load_idx %arg10[%parallel_loop3A_654, %parallel_loop3A_655] : memref<16x128xf32, #tpu.memory_space<vmem>>[vector<16xi32>, vector<16xi32>], vector<16xf32>,
        %parallel_loop3A_657 = arith.index_cast %parallel_loop3A_652 : i32 to index
        %parallel_loop3A_658 = arith.constant 0 : index
        %parallel_loop3A_659 = tpu.vector_load %arg11[%parallel_loop3A_657, %parallel_loop3A_658] {strides = array<i32>} : memref<128x32xf32, #tpu.memory_space<vmem>>, vector<16xf32>,
        %parallel_loop3A_660 = arith.mulf %parallel_loop3A_659, %parallel_loop3A_656 : vector<16xf32>
        %parallel_loop3A_661 = arith.index_cast %parallel_loop3A_652 : i32 to index
        %parallel_loop3A_662 = arith.constant 0 : index
        %parallel_loop3A_663 = tpu.vector_load %arg11[%parallel_loop3A_661, %parallel_loop3A_662] {strides = array<i32>} : memref<128x32xf32, #tpu.memory_space<vmem>>, vector<16xf32>,
        tpu.vector_store %arg11[%parallel_loop3A_661, %parallel_loop3A_662], %parallel_loop3A_660 {strides = array<i32>} : memref<128x32xf32, #tpu.memory_space<vmem>>, vector<16xf32>,
        %parallel_loop3A_664 = arith.index_cast %parallel_loop3A_652 : i32 to index
        %parallel_loop3A_665 = arith.constant 16 : index
        %parallel_loop3A_666 = tpu.vector_load %arg11[%parallel_loop3A_664, %parallel_loop3A_665] {strides = array<i32>} : memref<128x32xf32, #tpu.memory_space<vmem>>, vector<16xf32>,
        %parallel_loop3A_667 = arith.mulf %parallel_loop3A_666, %parallel_loop3A_656 : vector<16xf32>
        %parallel_loop3A_668 = arith.index_cast %parallel_loop3A_652 : i32 to index
        %parallel_loop3A_669 = arith.constant 16 : index
        %parallel_loop3A_670 = tpu.vector_load %arg11[%parallel_loop3A_668, %parallel_loop3A_669] {strides = array<i32>} : memref<128x32xf32, #tpu.memory_space<vmem>>, vector<16xf32>,
        tpu.vector_store %arg11[%parallel_loop3A_668, %parallel_loop3A_669], %parallel_loop3A_667 {strides = array<i32>} : memref<128x32xf32, #tpu.memory_space<vmem>>, vector<16xf32>,
      } {sc.loop_unroll_factor = 4 : i64, sc.parallel_access}
      %dma_start3A_220 = arith.constant 4 : i32
      %dma_start3A_221 = arith.constant 0 : i32
      %dma_start3A_222 = tpu.memref_slice %arg8[%dma_start3A_220, %dma_start3A_221] : memref<16x128xi32, #tpu.memory_space<vmem>> -> memref<1x128xi32, #tpu.memory_space<vmem>>
      %dma_start3A_223 = tpu.memref_squeeze %dma_start3A_222 : memref<1x128xi32, #tpu.memory_space<vmem>> -> memref<128xi32, #tpu.memory_space<vmem>>
      %dma_start3A_224 = arith.constant 0 : i32
      %dma_start3A_225 = arith.constant 0 : i32
      %dma_start3A_226 = tpu.memref_slice %arg7[%dma_start3A_224, %dma_start3A_225] : memref<50000x32xf32, #tpu.memory_space<vmem_shared>> -> memref<50000x32xf32, #tpu.memory_space<vmem_shared>>
      tpu.enqueue_indirect_dma source(%arg11 : memref<128x32xf32, #tpu.memory_space<vmem>>) target(%dma_start3A_226 : memref<50000x32xf32, #tpu.memory_space<vmem_shared>>) offsets(%dma_start3A_223 : memref<128xi32, #tpu.memory_space<vmem>>) semaphore(%arg16 : memref<!tpu.dma_semaphore, #tpu.memory_space<semaphore_mem>>) {add = true}
      %dma_wait3A_227 = arith.constant 4 : i32
      %dma_wait3A_228 = arith.constant 0 : i32
      %dma_wait3A_229 = tpu.memref_slice %arg8[%dma_wait3A_227, %dma_wait3A_228] : memref<16x128xi32, #tpu.memory_space<vmem>> -> memref<1x128xi32, #tpu.memory_space<vmem>>
      %dma_wait3A_230 = tpu.memref_squeeze %dma_wait3A_229 : memref<1x128xi32, #tpu.memory_space<vmem>> -> memref<128xi32, #tpu.memory_space<vmem>>
      %dma_wait3A_231 = arith.constant 0 : i32
      %dma_wait3A_232 = arith.constant 0 : i32
      %dma_wait3A_233 = tpu.memref_slice %arg7[%dma_wait3A_231, %dma_wait3A_232] : memref<50000x32xf32, #tpu.memory_space<vmem_shared>> -> memref<50000x32xf32, #tpu.memory_space<vmem_shared>>
      tpu.wait_indirect_dma semaphore(%arg16 : memref<!tpu.dma_semaphore, #tpu.memory_space<semaphore_mem>>) src(%arg11 : memref<128x32xf32, #tpu.memory_space<vmem>>) dst(%dma_wait3A_233 : memref<50000x32xf32, #tpu.memory_space<vmem_shared>>)
      %dma_start3A_234 = arith.constant 6 : i32
      %dma_start3A_235 = arith.constant 0 : i32
      %dma_start3A_236 = tpu.memref_slice %arg9[%dma_start3A_234, %dma_start3A_235] : memref<16x128xi32, #tpu.memory_space<vmem>> -> memref<1x128xi32, #tpu.memory_space<vmem>>
      %dma_start3A_237 = tpu.memref_squeeze %dma_start3A_236 : memref<1x128xi32, #tpu.memory_space<vmem>> -> memref<128xi32, #tpu.memory_space<vmem>>
      %dma_start3A_238 = arith.constant 0 : i32
      %dma_start3A_239 = arith.constant 0 : i32
      %dma_start3A_240 = tpu.memref_slice %arg5[%arg0, %dma_start3A_238, %dma_start3A_239] : memref<2x100000x32xf32, #tpu.memory_space<hbm>> -> memref<1x100000x32xf32, #tpu.memory_space<hbm>>
      %dma_start3A_241 = tpu.memref_squeeze %dma_start3A_240 : memref<1x100000x32xf32, #tpu.memory_space<hbm>> -> memref<100000x32xf32, #tpu.memory_space<hbm>>
      %dma_start3A_242 = arith.constant 0 : i32
      %dma_start3A_243 = arith.constant 0 : i32
      %dma_start3A_244 = tpu.memref_slice %dma_start3A_241[%dma_start3A_242, %dma_start3A_243] : memref<100000x32xf32, #tpu.memory_space<hbm>> -> memref<100000x32xf32, #tpu.memory_space<hbm>>
      tpu.enqueue_indirect_dma source(%dma_start3A_244 : memref<100000x32xf32, #tpu.memory_space<hbm>>) target(%arg11 : memref<128x32xf32, #tpu.memory_space<vmem>>) offsets(%dma_start3A_237 : memref<128xi32, #tpu.memory_space<vmem>>) semaphore(%arg14 : memref<!tpu.dma_semaphore, #tpu.memory_space<semaphore_mem>>)
      %dma_wait3A_245 = arith.constant 5 : i32
      %dma_wait3A_246 = arith.constant 0 : i32
      %dma_wait3A_247 = tpu.memref_slice %arg9[%dma_wait3A_245, %dma_wait3A_246] : memref<16x128xi32, #tpu.memory_space<vmem>> -> memref<1x128xi32, #tpu.memory_space<vmem>>
      %dma_wait3A_248 = tpu.memref_squeeze %dma_wait3A_247 : memref<1x128xi32, #tpu.memory_space<vmem>> -> memref<128xi32, #tpu.memory_space<vmem>>
      %dma_wait3A_249 = arith.constant 0 : i32
      %dma_wait3A_250 = arith.constant 0 : i32
      %dma_wait3A_251 = tpu.memref_slice %arg5[%arg0, %dma_wait3A_249, %dma_wait3A_250] : memref<2x100000x32xf32, #tpu.memory_space<hbm>> -> memref<1x100000x32xf32, #tpu.memory_space<hbm>>
      %dma_wait3A_252 = tpu.memref_squeeze %dma_wait3A_251 : memref<1x100000x32xf32, #tpu.memory_space<hbm>> -> memref<100000x32xf32, #tpu.memory_space<hbm>>
      %dma_wait3A_253 = arith.constant 0 : i32
      %dma_wait3A_254 = arith.constant 0 : i32
      %dma_wait3A_255 = tpu.memref_slice %dma_wait3A_252[%dma_wait3A_253, %dma_wait3A_254] : memref<100000x32xf32, #tpu.memory_space<hbm>> -> memref<100000x32xf32, #tpu.memory_space<hbm>>
      tpu.wait_indirect_dma semaphore(%arg15 : memref<!tpu.dma_semaphore, #tpu.memory_space<semaphore_mem>>) src(%dma_wait3A_255 : memref<100000x32xf32, #tpu.memory_space<hbm>>) dst(%arg12 : memref<128x32xf32, #tpu.memory_space<vmem>>)
      %parallel_loop3A_256 = arith.constant 0 : i32
      %parallel_loop3A_257 = arith.constant 128 : i32
      %parallel_loop3A_258 = arith.constant 1 : i32
      scf.for %parallel_loop3A_652 = %parallel_loop3A_256 to %parallel_loop3A_257 step %parallel_loop3A_258  : i32 {
        %parallel_loop3A_653 = arith.constant 5 : i32
        %parallel_loop3A_654 = vector.broadcast %parallel_loop3A_653 : i32 to vector<16xi32>
        %parallel_loop3A_655 = vector.broadcast %parallel_loop3A_652 : i32 to vector<16xi32>
        %parallel_loop3A_656 = tpu.vector_load_idx %arg10[%parallel_loop3A_654, %parallel_loop3A_655] : memref<16x128xf32, #tpu.memory_space<vmem>>[vector<16xi32>, vector<16xi32>], vector<16xf32>,
        %parallel_loop3A_657 = arith.index_cast %parallel_loop3A_652 : i32 to index
        %parallel_loop3A_658 = arith.constant 0 : index
        %parallel_loop3A_659 = tpu.vector_load %arg12[%parallel_loop3A_657, %parallel_loop3A_658] {strides = array<i32>} : memref<128x32xf32, #tpu.memory_space<vmem>>, vector<16xf32>,
        %parallel_loop3A_660 = arith.mulf %parallel_loop3A_659, %parallel_loop3A_656 : vector<16xf32>
        %parallel_loop3A_661 = arith.index_cast %parallel_loop3A_652 : i32 to index
        %parallel_loop3A_662 = arith.constant 0 : index
        %parallel_loop3A_663 = tpu.vector_load %arg12[%parallel_loop3A_661, %parallel_loop3A_662] {strides = array<i32>} : memref<128x32xf32, #tpu.memory_space<vmem>>, vector<16xf32>,
        tpu.vector_store %arg12[%parallel_loop3A_661, %parallel_loop3A_662], %parallel_loop3A_660 {strides = array<i32>} : memref<128x32xf32, #tpu.memory_space<vmem>>, vector<16xf32>,
        %parallel_loop3A_664 = arith.index_cast %parallel_loop3A_652 : i32 to index
        %parallel_loop3A_665 = arith.constant 16 : index
        %parallel_loop3A_666 = tpu.vector_load %arg12[%parallel_loop3A_664, %parallel_loop3A_665] {strides = array<i32>} : memref<128x32xf32, #tpu.memory_space<vmem>>, vector<16xf32>,
        %parallel_loop3A_667 = arith.mulf %parallel_loop3A_666, %parallel_loop3A_656 : vector<16xf32>
        %parallel_loop3A_668 = arith.index_cast %parallel_loop3A_652 : i32 to index
        %parallel_loop3A_669 = arith.constant 16 : index
        %parallel_loop3A_670 = tpu.vector_load %arg12[%parallel_loop3A_668, %parallel_loop3A_669] {strides = array<i32>} : memref<128x32xf32, #tpu.memory_space<vmem>>, vector<16xf32>,
        tpu.vector_store %arg12[%parallel_loop3A_668, %parallel_loop3A_669], %parallel_loop3A_667 {strides = array<i32>} : memref<128x32xf32, #tpu.memory_space<vmem>>, vector<16xf32>,
      } {sc.loop_unroll_factor = 4 : i64, sc.parallel_access}
      %dma_start3A_259 = arith.constant 5 : i32
      %dma_start3A_260 = arith.constant 0 : i32
      %dma_start3A_261 = tpu.memref_slice %arg8[%dma_start3A_259, %dma_start3A_260] : memref<16x128xi32, #tpu.memory_space<vmem>> -> memref<1x128xi32, #tpu.memory_space<vmem>>
      %dma_start3A_262 = tpu.memref_squeeze %dma_start3A_261 : memref<1x128xi32, #tpu.memory_space<vmem>> -> memref<128xi32, #tpu.memory_space<vmem>>
      %dma_start3A_263 = arith.constant 0 : i32
      %dma_start3A_264 = arith.constant 0 : i32
      %dma_start3A_265 = tpu.memref_slice %arg7[%dma_start3A_263, %dma_start3A_264] : memref<50000x32xf32, #tpu.memory_space<vmem_shared>> -> memref<50000x32xf32, #tpu.memory_space<vmem_shared>>
      tpu.enqueue_indirect_dma source(%arg12 : memref<128x32xf32, #tpu.memory_space<vmem>>) target(%dma_start3A_265 : memref<50000x32xf32, #tpu.memory_space<vmem_shared>>) offsets(%dma_start3A_262 : memref<128xi32, #tpu.memory_space<vmem>>) semaphore(%arg17 : memref<!tpu.dma_semaphore, #tpu.memory_space<semaphore_mem>>) {add = true}
      %dma_wait3A_266 = arith.constant 5 : i32
      %dma_wait3A_267 = arith.constant 0 : i32
      %dma_wait3A_268 = tpu.memref_slice %arg8[%dma_wait3A_266, %dma_wait3A_267] : memref<16x128xi32, #tpu.memory_space<vmem>> -> memref<1x128xi32, #tpu.memory_space<vmem>>
      %dma_wait3A_269 = tpu.memref_squeeze %dma_wait3A_268 : memref<1x128xi32, #tpu.memory_space<vmem>> -> memref<128xi32, #tpu.memory_space<vmem>>
      %dma_wait3A_270 = arith.constant 0 : i32
      %dma_wait3A_271 = arith.constant 0 : i32
      %dma_wait3A_272 = tpu.memref_slice %arg7[%dma_wait3A_270, %dma_wait3A_271] : memref<50000x32xf32, #tpu.memory_space<vmem_shared>> -> memref<50000x32xf32, #tpu.memory_space<vmem_shared>>
      tpu.wait_indirect_dma semaphore(%arg17 : memref<!tpu.dma_semaphore, #tpu.memory_space<semaphore_mem>>) src(%arg12 : memref<128x32xf32, #tpu.memory_space<vmem>>) dst(%dma_wait3A_272 : memref<50000x32xf32, #tpu.memory_space<vmem_shared>>)
      %dma_start3A_273 = arith.constant 7 : i32
      %dma_start3A_274 = arith.constant 0 : i32
      %dma_start3A_275 = tpu.memref_slice %arg9[%dma_start3A_273, %dma_start3A_274] : memref<16x128xi32, #tpu.memory_space<vmem>> -> memref<1x128xi32, #tpu.memory_space<vmem>>
      %dma_start3A_276 = tpu.memref_squeeze %dma_start3A_275 : memref<1x128xi32, #tpu.memory_space<vmem>> -> memref<128xi32, #tpu.memory_space<vmem>>
      %dma_start3A_277 = arith.constant 0 : i32
      %dma_start3A_278 = arith.constant 0 : i32
      %dma_start3A_279 = tpu.memref_slice %arg5[%arg0, %dma_start3A_277, %dma_start3A_278] : memref<2x100000x32xf32, #tpu.memory_space<hbm>> -> memref<1x100000x32xf32, #tpu.memory_space<hbm>>
      %dma_start3A_280 = tpu.memref_squeeze %dma_start3A_279 : memref<1x100000x32xf32, #tpu.memory_space<hbm>> -> memref<100000x32xf32, #tpu.memory_space<hbm>>
      %dma_start3A_281 = arith.constant 0 : i32
      %dma_start3A_282 = arith.constant 0 : i32
      %dma_start3A_283 = tpu.memref_slice %dma_start3A_280[%dma_start3A_281, %dma_start3A_282] : memref<100000x32xf32, #tpu.memory_space<hbm>> -> memref<100000x32xf32, #tpu.memory_space<hbm>>
      tpu.enqueue_indirect_dma source(%dma_start3A_283 : memref<100000x32xf32, #tpu.memory_space<hbm>>) target(%arg12 : memref<128x32xf32, #tpu.memory_space<vmem>>) offsets(%dma_start3A_276 : memref<128xi32, #tpu.memory_space<vmem>>) semaphore(%arg15 : memref<!tpu.dma_semaphore, #tpu.memory_space<semaphore_mem>>)
      %dma_wait3A_284 = arith.constant 6 : i32
      %dma_wait3A_285 = arith.constant 0 : i32
      %dma_wait3A_286 = tpu.memref_slice %arg9[%dma_wait3A_284, %dma_wait3A_285] : memref<16x128xi32, #tpu.memory_space<vmem>> -> memref<1x128xi32, #tpu.memory_space<vmem>>
      %dma_wait3A_287 = tpu.memref_squeeze %dma_wait3A_286 : memref<1x128xi32, #tpu.memory_space<vmem>> -> memref<128xi32, #tpu.memory_space<vmem>>
      %dma_wait3A_288 = arith.constant 0 : i32
      %dma_wait3A_289 = arith.constant 0 : i32
      %dma_wait3A_290 = tpu.memref_slice %arg5[%arg0, %dma_wait3A_288, %dma_wait3A_289] : memref<2x100000x32xf32, #tpu.memory_space<hbm>> -> memref<1x100000x32xf32, #tpu.memory_space<hbm>>
      %dma_wait3A_291 = tpu.memref_squeeze %dma_wait3A_290 : memref<1x100000x32xf32, #tpu.memory_space<hbm>> -> memref<100000x32xf32, #tpu.memory_space<hbm>>
      %dma_wait3A_292 = arith.constant 0 : i32
      %dma_wait3A_293 = arith.constant 0 : i32
      %dma_wait3A_294 = tpu.memref_slice %dma_wait3A_291[%dma_wait3A_292, %dma_wait3A_293] : memref<100000x32xf32, #tpu.memory_space<hbm>> -> memref<100000x32xf32, #tpu.memory_space<hbm>>
      tpu.wait_indirect_dma semaphore(%arg14 : memref<!tpu.dma_semaphore, #tpu.memory_space<semaphore_mem>>) src(%dma_wait3A_294 : memref<100000x32xf32, #tpu.memory_space<hbm>>) dst(%arg11 : memref<128x32xf32, #tpu.memory_space<vmem>>)
      %parallel_loop3A_295 = arith.constant 0 : i32
      %parallel_loop3A_296 = arith.constant 128 : i32
      %parallel_loop3A_297 = arith.constant 1 : i32
      scf.for %parallel_loop3A_652 = %parallel_loop3A_295 to %parallel_loop3A_296 step %parallel_loop3A_297  : i32 {
        %parallel_loop3A_653 = arith.constant 6 : i32
        %parallel_loop3A_654 = vector.broadcast %parallel_loop3A_653 : i32 to vector<16xi32>
        %parallel_loop3A_655 = vector.broadcast %parallel_loop3A_652 : i32 to vector<16xi32>
        %parallel_loop3A_656 = tpu.vector_load_idx %arg10[%parallel_loop3A_654, %parallel_loop3A_655] : memref<16x128xf32, #tpu.memory_space<vmem>>[vector<16xi32>, vector<16xi32>], vector<16xf32>,
        %parallel_loop3A_657 = arith.index_cast %parallel_loop3A_652 : i32 to index
        %parallel_loop3A_658 = arith.constant 0 : index
        %parallel_loop3A_659 = tpu.vector_load %arg11[%parallel_loop3A_657, %parallel_loop3A_658] {strides = array<i32>} : memref<128x32xf32, #tpu.memory_space<vmem>>, vector<16xf32>,
        %parallel_loop3A_660 = arith.mulf %parallel_loop3A_659, %parallel_loop3A_656 : vector<16xf32>
        %parallel_loop3A_661 = arith.index_cast %parallel_loop3A_652 : i32 to index
        %parallel_loop3A_662 = arith.constant 0 : index
        %parallel_loop3A_663 = tpu.vector_load %arg11[%parallel_loop3A_661, %parallel_loop3A_662] {strides = array<i32>} : memref<128x32xf32, #tpu.memory_space<vmem>>, vector<16xf32>,
        tpu.vector_store %arg11[%parallel_loop3A_661, %parallel_loop3A_662], %parallel_loop3A_660 {strides = array<i32>} : memref<128x32xf32, #tpu.memory_space<vmem>>, vector<16xf32>,
        %parallel_loop3A_664 = arith.index_cast %parallel_loop3A_652 : i32 to index
        %parallel_loop3A_665 = arith.constant 16 : index
        %parallel_loop3A_666 = tpu.vector_load %arg11[%parallel_loop3A_664, %parallel_loop3A_665] {strides = array<i32>} : memref<128x32xf32, #tpu.memory_space<vmem>>, vector<16xf32>,
        %parallel_loop3A_667 = arith.mulf %parallel_loop3A_666, %parallel_loop3A_656 : vector<16xf32>
        %parallel_loop3A_668 = arith.index_cast %parallel_loop3A_652 : i32 to index
        %parallel_loop3A_669 = arith.constant 16 : index
        %parallel_loop3A_670 = tpu.vector_load %arg11[%parallel_loop3A_668, %parallel_loop3A_669] {strides = array<i32>} : memref<128x32xf32, #tpu.memory_space<vmem>>, vector<16xf32>,
        tpu.vector_store %arg11[%parallel_loop3A_668, %parallel_loop3A_669], %parallel_loop3A_667 {strides = array<i32>} : memref<128x32xf32, #tpu.memory_space<vmem>>, vector<16xf32>,
      } {sc.loop_unroll_factor = 4 : i64, sc.parallel_access}
      %dma_start3A_298 = arith.constant 6 : i32
      %dma_start3A_299 = arith.constant 0 : i32
      %dma_start3A_300 = tpu.memref_slice %arg8[%dma_start3A_298, %dma_start3A_299] : memref<16x128xi32, #tpu.memory_space<vmem>> -> memref<1x128xi32, #tpu.memory_space<vmem>>
      %dma_start3A_301 = tpu.memref_squeeze %dma_start3A_300 : memref<1x128xi32, #tpu.memory_space<vmem>> -> memref<128xi32, #tpu.memory_space<vmem>>
      %dma_start3A_302 = arith.constant 0 : i32
      %dma_start3A_303 = arith.constant 0 : i32
      %dma_start3A_304 = tpu.memref_slice %arg7[%dma_start3A_302, %dma_start3A_303] : memref<50000x32xf32, #tpu.memory_space<vmem_shared>> -> memref<50000x32xf32, #tpu.memory_space<vmem_shared>>
      tpu.enqueue_indirect_dma source(%arg11 : memref<128x32xf32, #tpu.memory_space<vmem>>) target(%dma_start3A_304 : memref<50000x32xf32, #tpu.memory_space<vmem_shared>>) offsets(%dma_start3A_301 : memref<128xi32, #tpu.memory_space<vmem>>) semaphore(%arg16 : memref<!tpu.dma_semaphore, #tpu.memory_space<semaphore_mem>>) {add = true}
      %dma_wait3A_305 = arith.constant 6 : i32
      %dma_wait3A_306 = arith.constant 0 : i32
      %dma_wait3A_307 = tpu.memref_slice %arg8[%dma_wait3A_305, %dma_wait3A_306] : memref<16x128xi32, #tpu.memory_space<vmem>> -> memref<1x128xi32, #tpu.memory_space<vmem>>
      %dma_wait3A_308 = tpu.memref_squeeze %dma_wait3A_307 : memref<1x128xi32, #tpu.memory_space<vmem>> -> memref<128xi32, #tpu.memory_space<vmem>>
      %dma_wait3A_309 = arith.constant 0 : i32
      %dma_wait3A_310 = arith.constant 0 : i32
      %dma_wait3A_311 = tpu.memref_slice %arg7[%dma_wait3A_309, %dma_wait3A_310] : memref<50000x32xf32, #tpu.memory_space<vmem_shared>> -> memref<50000x32xf32, #tpu.memory_space<vmem_shared>>
      tpu.wait_indirect_dma semaphore(%arg16 : memref<!tpu.dma_semaphore, #tpu.memory_space<semaphore_mem>>) src(%arg11 : memref<128x32xf32, #tpu.memory_space<vmem>>) dst(%dma_wait3A_311 : memref<50000x32xf32, #tpu.memory_space<vmem_shared>>)
      %dma_start3A_312 = arith.constant 8 : i32
      %dma_start3A_313 = arith.constant 0 : i32
      %dma_start3A_314 = tpu.memref_slice %arg9[%dma_start3A_312, %dma_start3A_313] : memref<16x128xi32, #tpu.memory_space<vmem>> -> memref<1x128xi32, #tpu.memory_space<vmem>>
      %dma_start3A_315 = tpu.memref_squeeze %dma_start3A_314 : memref<1x128xi32, #tpu.memory_space<vmem>> -> memref<128xi32, #tpu.memory_space<vmem>>
      %dma_start3A_316 = arith.constant 0 : i32
      %dma_start3A_317 = arith.constant 0 : i32
      %dma_start3A_318 = tpu.memref_slice %arg5[%arg0, %dma_start3A_316, %dma_start3A_317] : memref<2x100000x32xf32, #tpu.memory_space<hbm>> -> memref<1x100000x32xf32, #tpu.memory_space<hbm>>
      %dma_start3A_319 = tpu.memref_squeeze %dma_start3A_318 : memref<1x100000x32xf32, #tpu.memory_space<hbm>> -> memref<100000x32xf32, #tpu.memory_space<hbm>>
      %dma_start3A_320 = arith.constant 0 : i32
      %dma_start3A_321 = arith.constant 0 : i32
      %dma_start3A_322 = tpu.memref_slice %dma_start3A_319[%dma_start3A_320, %dma_start3A_321] : memref<100000x32xf32, #tpu.memory_space<hbm>> -> memref<100000x32xf32, #tpu.memory_space<hbm>>
      tpu.enqueue_indirect_dma source(%dma_start3A_322 : memref<100000x32xf32, #tpu.memory_space<hbm>>) target(%arg11 : memref<128x32xf32, #tpu.memory_space<vmem>>) offsets(%dma_start3A_315 : memref<128xi32, #tpu.memory_space<vmem>>) semaphore(%arg14 : memref<!tpu.dma_semaphore, #tpu.memory_space<semaphore_mem>>)
      %dma_wait3A_323 = arith.constant 7 : i32
      %dma_wait3A_324 = arith.constant 0 : i32
      %dma_wait3A_325 = tpu.memref_slice %arg9[%dma_wait3A_323, %dma_wait3A_324] : memref<16x128xi32, #tpu.memory_space<vmem>> -> memref<1x128xi32, #tpu.memory_space<vmem>>
      %dma_wait3A_326 = tpu.memref_squeeze %dma_wait3A_325 : memref<1x128xi32, #tpu.memory_space<vmem>> -> memref<128xi32, #tpu.memory_space<vmem>>
      %dma_wait3A_327 = arith.constant 0 : i32
      %dma_wait3A_328 = arith.constant 0 : i32
      %dma_wait3A_329 = tpu.memref_slice %arg5[%arg0, %dma_wait3A_327, %dma_wait3A_328] : memref<2x100000x32xf32, #tpu.memory_space<hbm>> -> memref<1x100000x32xf32, #tpu.memory_space<hbm>>
      %dma_wait3A_330 = tpu.memref_squeeze %dma_wait3A_329 : memref<1x100000x32xf32, #tpu.memory_space<hbm>> -> memref<100000x32xf32, #tpu.memory_space<hbm>>
      %dma_wait3A_331 = arith.constant 0 : i32
      %dma_wait3A_332 = arith.constant 0 : i32
      %dma_wait3A_333 = tpu.memref_slice %dma_wait3A_330[%dma_wait3A_331, %dma_wait3A_332] : memref<100000x32xf32, #tpu.memory_space<hbm>> -> memref<100000x32xf32, #tpu.memory_space<hbm>>
      tpu.wait_indirect_dma semaphore(%arg15 : memref<!tpu.dma_semaphore, #tpu.memory_space<semaphore_mem>>) src(%dma_wait3A_333 : memref<100000x32xf32, #tpu.memory_space<hbm>>) dst(%arg12 : memref<128x32xf32, #tpu.memory_space<vmem>>)
      %parallel_loop3A_334 = arith.constant 0 : i32
      %parallel_loop3A_335 = arith.constant 128 : i32
      %parallel_loop3A_336 = arith.constant 1 : i32
      scf.for %parallel_loop3A_652 = %parallel_loop3A_334 to %parallel_loop3A_335 step %parallel_loop3A_336  : i32 {
        %parallel_loop3A_653 = arith.constant 7 : i32
        %parallel_loop3A_654 = vector.broadcast %parallel_loop3A_653 : i32 to vector<16xi32>
        %parallel_loop3A_655 = vector.broadcast %parallel_loop3A_652 : i32 to vector<16xi32>
        %parallel_loop3A_656 = tpu.vector_load_idx %arg10[%parallel_loop3A_654, %parallel_loop3A_655] : memref<16x128xf32, #tpu.memory_space<vmem>>[vector<16xi32>, vector<16xi32>], vector<16xf32>,
        %parallel_loop3A_657 = arith.index_cast %parallel_loop3A_652 : i32 to index
        %parallel_loop3A_658 = arith.constant 0 : index
        %parallel_loop3A_659 = tpu.vector_load %arg12[%parallel_loop3A_657, %parallel_loop3A_658] {strides = array<i32>} : memref<128x32xf32, #tpu.memory_space<vmem>>, vector<16xf32>,
        %parallel_loop3A_660 = arith.mulf %parallel_loop3A_659, %parallel_loop3A_656 : vector<16xf32>
        %parallel_loop3A_661 = arith.index_cast %parallel_loop3A_652 : i32 to index
        %parallel_loop3A_662 = arith.constant 0 : index
        %parallel_loop3A_663 = tpu.vector_load %arg12[%parallel_loop3A_661, %parallel_loop3A_662] {strides = array<i32>} : memref<128x32xf32, #tpu.memory_space<vmem>>, vector<16xf32>,
        tpu.vector_store %arg12[%parallel_loop3A_661, %parallel_loop3A_662], %parallel_loop3A_660 {strides = array<i32>} : memref<128x32xf32, #tpu.memory_space<vmem>>, vector<16xf32>,
        %parallel_loop3A_664 = arith.index_cast %parallel_loop3A_652 : i32 to index
        %parallel_loop3A_665 = arith.constant 16 : index
        %parallel_loop3A_666 = tpu.vector_load %arg12[%parallel_loop3A_664, %parallel_loop3A_665] {strides = array<i32>} : memref<128x32xf32, #tpu.memory_space<vmem>>, vector<16xf32>,
        %parallel_loop3A_667 = arith.mulf %parallel_loop3A_666, %parallel_loop3A_656 : vector<16xf32>
        %parallel_loop3A_668 = arith.index_cast %parallel_loop3A_652 : i32 to index
        %parallel_loop3A_669 = arith.constant 16 : index
        %parallel_loop3A_670 = tpu.vector_load %arg12[%parallel_loop3A_668, %parallel_loop3A_669] {strides = array<i32>} : memref<128x32xf32, #tpu.memory_space<vmem>>, vector<16xf32>,
        tpu.vector_store %arg12[%parallel_loop3A_668, %parallel_loop3A_669], %parallel_loop3A_667 {strides = array<i32>} : memref<128x32xf32, #tpu.memory_space<vmem>>, vector<16xf32>,
      } {sc.loop_unroll_factor = 4 : i64, sc.parallel_access}
      %dma_start3A_337 = arith.constant 7 : i32
      %dma_start3A_338 = arith.constant 0 : i32
      %dma_start3A_339 = tpu.memref_slice %arg8[%dma_start3A_337, %dma_start3A_338] : memref<16x128xi32, #tpu.memory_space<vmem>> -> memref<1x128xi32, #tpu.memory_space<vmem>>
      %dma_start3A_340 = tpu.memref_squeeze %dma_start3A_339 : memref<1x128xi32, #tpu.memory_space<vmem>> -> memref<128xi32, #tpu.memory_space<vmem>>
      %dma_start3A_341 = arith.constant 0 : i32
      %dma_start3A_342 = arith.constant 0 : i32
      %dma_start3A_343 = tpu.memref_slice %arg7[%dma_start3A_341, %dma_start3A_342] : memref<50000x32xf32, #tpu.memory_space<vmem_shared>> -> memref<50000x32xf32, #tpu.memory_space<vmem_shared>>
      tpu.enqueue_indirect_dma source(%arg12 : memref<128x32xf32, #tpu.memory_space<vmem>>) target(%dma_start3A_343 : memref<50000x32xf32, #tpu.memory_space<vmem_shared>>) offsets(%dma_start3A_340 : memref<128xi32, #tpu.memory_space<vmem>>) semaphore(%arg17 : memref<!tpu.dma_semaphore, #tpu.memory_space<semaphore_mem>>) {add = true}
      %dma_wait3A_344 = arith.constant 7 : i32
      %dma_wait3A_345 = arith.constant 0 : i32
      %dma_wait3A_346 = tpu.memref_slice %arg8[%dma_wait3A_344, %dma_wait3A_345] : memref<16x128xi32, #tpu.memory_space<vmem>> -> memref<1x128xi32, #tpu.memory_space<vmem>>
      %dma_wait3A_347 = tpu.memref_squeeze %dma_wait3A_346 : memref<1x128xi32, #tpu.memory_space<vmem>> -> memref<128xi32, #tpu.memory_space<vmem>>
      %dma_wait3A_348 = arith.constant 0 : i32
      %dma_wait3A_349 = arith.constant 0 : i32
      %dma_wait3A_350 = tpu.memref_slice %arg7[%dma_wait3A_348, %dma_wait3A_349] : memref<50000x32xf32, #tpu.memory_space<vmem_shared>> -> memref<50000x32xf32, #tpu.memory_space<vmem_shared>>
      tpu.wait_indirect_dma semaphore(%arg17 : memref<!tpu.dma_semaphore, #tpu.memory_space<semaphore_mem>>) src(%arg12 : memref<128x32xf32, #tpu.memory_space<vmem>>) dst(%dma_wait3A_350 : memref<50000x32xf32, #tpu.memory_space<vmem_shared>>)
      %dma_start3A_351 = arith.constant 9 : i32
      %dma_start3A_352 = arith.constant 0 : i32
      %dma_start3A_353 = tpu.memref_slice %arg9[%dma_start3A_351, %dma_start3A_352] : memref<16x128xi32, #tpu.memory_space<vmem>> -> memref<1x128xi32, #tpu.memory_space<vmem>>
      %dma_start3A_354 = tpu.memref_squeeze %dma_start3A_353 : memref<1x128xi32, #tpu.memory_space<vmem>> -> memref<128xi32, #tpu.memory_space<vmem>>
      %dma_start3A_355 = arith.constant 0 : i32
      %dma_start3A_356 = arith.constant 0 : i32
      %dma_start3A_357 = tpu.memref_slice %arg5[%arg0, %dma_start3A_355, %dma_start3A_356] : memref<2x100000x32xf32, #tpu.memory_space<hbm>> -> memref<1x100000x32xf32, #tpu.memory_space<hbm>>
      %dma_start3A_358 = tpu.memref_squeeze %dma_start3A_357 : memref<1x100000x32xf32, #tpu.memory_space<hbm>> -> memref<100000x32xf32, #tpu.memory_space<hbm>>
      %dma_start3A_359 = arith.constant 0 : i32
      %dma_start3A_360 = arith.constant 0 : i32
      %dma_start3A_361 = tpu.memref_slice %dma_start3A_358[%dma_start3A_359, %dma_start3A_360] : memref<100000x32xf32, #tpu.memory_space<hbm>> -> memref<100000x32xf32, #tpu.memory_space<hbm>>
      tpu.enqueue_indirect_dma source(%dma_start3A_361 : memref<100000x32xf32, #tpu.memory_space<hbm>>) target(%arg12 : memref<128x32xf32, #tpu.memory_space<vmem>>) offsets(%dma_start3A_354 : memref<128xi32, #tpu.memory_space<vmem>>) semaphore(%arg15 : memref<!tpu.dma_semaphore, #tpu.memory_space<semaphore_mem>>)
      %dma_wait3A_362 = arith.constant 8 : i32
      %dma_wait3A_363 = arith.constant 0 : i32
      %dma_wait3A_364 = tpu.memref_slice %arg9[%dma_wait3A_362, %dma_wait3A_363] : memref<16x128xi32, #tpu.memory_space<vmem>> -> memref<1x128xi32, #tpu.memory_space<vmem>>
      %dma_wait3A_365 = tpu.memref_squeeze %dma_wait3A_364 : memref<1x128xi32, #tpu.memory_space<vmem>> -> memref<128xi32, #tpu.memory_space<vmem>>
      %dma_wait3A_366 = arith.constant 0 : i32
      %dma_wait3A_367 = arith.constant 0 : i32
      %dma_wait3A_368 = tpu.memref_slice %arg5[%arg0, %dma_wait3A_366, %dma_wait3A_367] : memref<2x100000x32xf32, #tpu.memory_space<hbm>> -> memref<1x100000x32xf32, #tpu.memory_space<hbm>>
      %dma_wait3A_369 = tpu.memref_squeeze %dma_wait3A_368 : memref<1x100000x32xf32, #tpu.memory_space<hbm>> -> memref<100000x32xf32, #tpu.memory_space<hbm>>
      %dma_wait3A_370 = arith.constant 0 : i32
      %dma_wait3A_371 = arith.constant 0 : i32
      %dma_wait3A_372 = tpu.memref_slice %dma_wait3A_369[%dma_wait3A_370, %dma_wait3A_371] : memref<100000x32xf32, #tpu.memory_space<hbm>> -> memref<100000x32xf32, #tpu.memory_space<hbm>>
      tpu.wait_indirect_dma semaphore(%arg14 : memref<!tpu.dma_semaphore, #tpu.memory_space<semaphore_mem>>) src(%dma_wait3A_372 : memref<100000x32xf32, #tpu.memory_space<hbm>>) dst(%arg11 : memref<128x32xf32, #tpu.memory_space<vmem>>)
      %parallel_loop3A_373 = arith.constant 0 : i32
      %parallel_loop3A_374 = arith.constant 128 : i32
      %parallel_loop3A_375 = arith.constant 1 : i32
      scf.for %parallel_loop3A_652 = %parallel_loop3A_373 to %parallel_loop3A_374 step %parallel_loop3A_375  : i32 {
        %parallel_loop3A_653 = arith.constant 8 : i32
        %parallel_loop3A_654 = vector.broadcast %parallel_loop3A_653 : i32 to vector<16xi32>
        %parallel_loop3A_655 = vector.broadcast %parallel_loop3A_652 : i32 to vector<16xi32>
        %parallel_loop3A_656 = tpu.vector_load_idx %arg10[%parallel_loop3A_654, %parallel_loop3A_655] : memref<16x128xf32, #tpu.memory_space<vmem>>[vector<16xi32>, vector<16xi32>], vector<16xf32>,
        %parallel_loop3A_657 = arith.index_cast %parallel_loop3A_652 : i32 to index
        %parallel_loop3A_658 = arith.constant 0 : index
        %parallel_loop3A_659 = tpu.vector_load %arg11[%parallel_loop3A_657, %parallel_loop3A_658] {strides = array<i32>} : memref<128x32xf32, #tpu.memory_space<vmem>>, vector<16xf32>,
        %parallel_loop3A_660 = arith.mulf %parallel_loop3A_659, %parallel_loop3A_656 : vector<16xf32>
        %parallel_loop3A_661 = arith.index_cast %parallel_loop3A_652 : i32 to index
        %parallel_loop3A_662 = arith.constant 0 : index
        %parallel_loop3A_663 = tpu.vector_load %arg11[%parallel_loop3A_661, %parallel_loop3A_662] {strides = array<i32>} : memref<128x32xf32, #tpu.memory_space<vmem>>, vector<16xf32>,
        tpu.vector_store %arg11[%parallel_loop3A_661, %parallel_loop3A_662], %parallel_loop3A_660 {strides = array<i32>} : memref<128x32xf32, #tpu.memory_space<vmem>>, vector<16xf32>,
        %parallel_loop3A_664 = arith.index_cast %parallel_loop3A_652 : i32 to index
        %parallel_loop3A_665 = arith.constant 16 : index
        %parallel_loop3A_666 = tpu.vector_load %arg11[%parallel_loop3A_664, %parallel_loop3A_665] {strides = array<i32>} : memref<128x32xf32, #tpu.memory_space<vmem>>, vector<16xf32>,
        %parallel_loop3A_667 = arith.mulf %parallel_loop3A_666, %parallel_loop3A_656 : vector<16xf32>
        %parallel_loop3A_668 = arith.index_cast %parallel_loop3A_652 : i32 to index
        %parallel_loop3A_669 = arith.constant 16 : index
        %parallel_loop3A_670 = tpu.vector_load %arg11[%parallel_loop3A_668, %parallel_loop3A_669] {strides = array<i32>} : memref<128x32xf32, #tpu.memory_space<vmem>>, vector<16xf32>,
        tpu.vector_store %arg11[%parallel_loop3A_668, %parallel_loop3A_669], %parallel_loop3A_667 {strides = array<i32>} : memref<128x32xf32, #tpu.memory_space<vmem>>, vector<16xf32>,
      } {sc.loop_unroll_factor = 4 : i64, sc.parallel_access}
      %dma_start3A_376 = arith.constant 8 : i32
      %dma_start3A_377 = arith.constant 0 : i32
      %dma_start3A_378 = tpu.memref_slice %arg8[%dma_start3A_376, %dma_start3A_377] : memref<16x128xi32, #tpu.memory_space<vmem>> -> memref<1x128xi32, #tpu.memory_space<vmem>>
      %dma_start3A_379 = tpu.memref_squeeze %dma_start3A_378 : memref<1x128xi32, #tpu.memory_space<vmem>> -> memref<128xi32, #tpu.memory_space<vmem>>
      %dma_start3A_380 = arith.constant 0 : i32
      %dma_start3A_381 = arith.constant 0 : i32
      %dma_start3A_382 = tpu.memref_slice %arg7[%dma_start3A_380, %dma_start3A_381] : memref<50000x32xf32, #tpu.memory_space<vmem_shared>> -> memref<50000x32xf32, #tpu.memory_space<vmem_shared>>
      tpu.enqueue_indirect_dma source(%arg11 : memref<128x32xf32, #tpu.memory_space<vmem>>) target(%dma_start3A_382 : memref<50000x32xf32, #tpu.memory_space<vmem_shared>>) offsets(%dma_start3A_379 : memref<128xi32, #tpu.memory_space<vmem>>) semaphore(%arg16 : memref<!tpu.dma_semaphore, #tpu.memory_space<semaphore_mem>>) {add = true}
      %dma_wait3A_383 = arith.constant 8 : i32
      %dma_wait3A_384 = arith.constant 0 : i32
      %dma_wait3A_385 = tpu.memref_slice %arg8[%dma_wait3A_383, %dma_wait3A_384] : memref<16x128xi32, #tpu.memory_space<vmem>> -> memref<1x128xi32, #tpu.memory_space<vmem>>
      %dma_wait3A_386 = tpu.memref_squeeze %dma_wait3A_385 : memref<1x128xi32, #tpu.memory_space<vmem>> -> memref<128xi32, #tpu.memory_space<vmem>>
      %dma_wait3A_387 = arith.constant 0 : i32
      %dma_wait3A_388 = arith.constant 0 : i32
      %dma_wait3A_389 = tpu.memref_slice %arg7[%dma_wait3A_387, %dma_wait3A_388] : memref<50000x32xf32, #tpu.memory_space<vmem_shared>> -> memref<50000x32xf32, #tpu.memory_space<vmem_shared>>
      tpu.wait_indirect_dma semaphore(%arg16 : memref<!tpu.dma_semaphore, #tpu.memory_space<semaphore_mem>>) src(%arg11 : memref<128x32xf32, #tpu.memory_space<vmem>>) dst(%dma_wait3A_389 : memref<50000x32xf32, #tpu.memory_space<vmem_shared>>)
      %dma_start3A_390 = arith.constant 10 : i32
      %dma_start3A_391 = arith.constant 0 : i32
      %dma_start3A_392 = tpu.memref_slice %arg9[%dma_start3A_390, %dma_start3A_391] : memref<16x128xi32, #tpu.memory_space<vmem>> -> memref<1x128xi32, #tpu.memory_space<vmem>>
      %dma_start3A_393 = tpu.memref_squeeze %dma_start3A_392 : memref<1x128xi32, #tpu.memory_space<vmem>> -> memref<128xi32, #tpu.memory_space<vmem>>
      %dma_start3A_394 = arith.constant 0 : i32
      %dma_start3A_395 = arith.constant 0 : i32
      %dma_start3A_396 = tpu.memref_slice %arg5[%arg0, %dma_start3A_394, %dma_start3A_395] : memref<2x100000x32xf32, #tpu.memory_space<hbm>> -> memref<1x100000x32xf32, #tpu.memory_space<hbm>>
      %dma_start3A_397 = tpu.memref_squeeze %dma_start3A_396 : memref<1x100000x32xf32, #tpu.memory_space<hbm>> -> memref<100000x32xf32, #tpu.memory_space<hbm>>
      %dma_start3A_398 = arith.constant 0 : i32
      %dma_start3A_399 = arith.constant 0 : i32
      %dma_start3A_400 = tpu.memref_slice %dma_start3A_397[%dma_start3A_398, %dma_start3A_399] : memref<100000x32xf32, #tpu.memory_space<hbm>> -> memref<100000x32xf32, #tpu.memory_space<hbm>>
      tpu.enqueue_indirect_dma source(%dma_start3A_400 : memref<100000x32xf32, #tpu.memory_space<hbm>>) target(%arg11 : memref<128x32xf32, #tpu.memory_space<vmem>>) offsets(%dma_start3A_393 : memref<128xi32, #tpu.memory_space<vmem>>) semaphore(%arg14 : memref<!tpu.dma_semaphore, #tpu.memory_space<semaphore_mem>>)
      %dma_wait3A_401 = arith.constant 9 : i32
      %dma_wait3A_402 = arith.constant 0 : i32
      %dma_wait3A_403 = tpu.memref_slice %arg9[%dma_wait3A_401, %dma_wait3A_402] : memref<16x128xi32, #tpu.memory_space<vmem>> -> memref<1x128xi32, #tpu.memory_space<vmem>>
      %dma_wait3A_404 = tpu.memref_squeeze %dma_wait3A_403 : memref<1x128xi32, #tpu.memory_space<vmem>> -> memref<128xi32, #tpu.memory_space<vmem>>
      %dma_wait3A_405 = arith.constant 0 : i32
      %dma_wait3A_406 = arith.constant 0 : i32
      %dma_wait3A_407 = tpu.memref_slice %arg5[%arg0, %dma_wait3A_405, %dma_wait3A_406] : memref<2x100000x32xf32, #tpu.memory_space<hbm>> -> memref<1x100000x32xf32, #tpu.memory_space<hbm>>
      %dma_wait3A_408 = tpu.memref_squeeze %dma_wait3A_407 : memref<1x100000x32xf32, #tpu.memory_space<hbm>> -> memref<100000x32xf32, #tpu.memory_space<hbm>>
      %dma_wait3A_409 = arith.constant 0 : i32
      %dma_wait3A_410 = arith.constant 0 : i32
      %dma_wait3A_411 = tpu.memref_slice %dma_wait3A_408[%dma_wait3A_409, %dma_wait3A_410] : memref<100000x32xf32, #tpu.memory_space<hbm>> -> memref<100000x32xf32, #tpu.memory_space<hbm>>
      tpu.wait_indirect_dma semaphore(%arg15 : memref<!tpu.dma_semaphore, #tpu.memory_space<semaphore_mem>>) src(%dma_wait3A_411 : memref<100000x32xf32, #tpu.memory_space<hbm>>) dst(%arg12 : memref<128x32xf32, #tpu.memory_space<vmem>>)
      %parallel_loop3A_412 = arith.constant 0 : i32
      %parallel_loop3A_413 = arith.constant 128 : i32
      %parallel_loop3A_414 = arith.constant 1 : i32
      scf.for %parallel_loop3A_652 = %parallel_loop3A_412 to %parallel_loop3A_413 step %parallel_loop3A_414  : i32 {
        %parallel_loop3A_653 = arith.constant 9 : i32
        %parallel_loop3A_654 = vector.broadcast %parallel_loop3A_653 : i32 to vector<16xi32>
        %parallel_loop3A_655 = vector.broadcast %parallel_loop3A_652 : i32 to vector<16xi32>
        %parallel_loop3A_656 = tpu.vector_load_idx %arg10[%parallel_loop3A_654, %parallel_loop3A_655] : memref<16x128xf32, #tpu.memory_space<vmem>>[vector<16xi32>, vector<16xi32>], vector<16xf32>,
        %parallel_loop3A_657 = arith.index_cast %parallel_loop3A_652 : i32 to index
        %parallel_loop3A_658 = arith.constant 0 : index
        %parallel_loop3A_659 = tpu.vector_load %arg12[%parallel_loop3A_657, %parallel_loop3A_658] {strides = array<i32>} : memref<128x32xf32, #tpu.memory_space<vmem>>, vector<16xf32>,
        %parallel_loop3A_660 = arith.mulf %parallel_loop3A_659, %parallel_loop3A_656 : vector<16xf32>
        %parallel_loop3A_661 = arith.index_cast %parallel_loop3A_652 : i32 to index
        %parallel_loop3A_662 = arith.constant 0 : index
        %parallel_loop3A_663 = tpu.vector_load %arg12[%parallel_loop3A_661, %parallel_loop3A_662] {strides = array<i32>} : memref<128x32xf32, #tpu.memory_space<vmem>>, vector<16xf32>,
        tpu.vector_store %arg12[%parallel_loop3A_661, %parallel_loop3A_662], %parallel_loop3A_660 {strides = array<i32>} : memref<128x32xf32, #tpu.memory_space<vmem>>, vector<16xf32>,
        %parallel_loop3A_664 = arith.index_cast %parallel_loop3A_652 : i32 to index
        %parallel_loop3A_665 = arith.constant 16 : index
        %parallel_loop3A_666 = tpu.vector_load %arg12[%parallel_loop3A_664, %parallel_loop3A_665] {strides = array<i32>} : memref<128x32xf32, #tpu.memory_space<vmem>>, vector<16xf32>,
        %parallel_loop3A_667 = arith.mulf %parallel_loop3A_666, %parallel_loop3A_656 : vector<16xf32>
        %parallel_loop3A_668 = arith.index_cast %parallel_loop3A_652 : i32 to index
        %parallel_loop3A_669 = arith.constant 16 : index
        %parallel_loop3A_670 = tpu.vector_load %arg12[%parallel_loop3A_668, %parallel_loop3A_669] {strides = array<i32>} : memref<128x32xf32, #tpu.memory_space<vmem>>, vector<16xf32>,
        tpu.vector_store %arg12[%parallel_loop3A_668, %parallel_loop3A_669], %parallel_loop3A_667 {strides = array<i32>} : memref<128x32xf32, #tpu.memory_space<vmem>>, vector<16xf32>,
      } {sc.loop_unroll_factor = 4 : i64, sc.parallel_access}
      %dma_start3A_415 = arith.constant 9 : i32
      %dma_start3A_416 = arith.constant 0 : i32
      %dma_start3A_417 = tpu.memref_slice %arg8[%dma_start3A_415, %dma_start3A_416] : memref<16x128xi32, #tpu.memory_space<vmem>> -> memref<1x128xi32, #tpu.memory_space<vmem>>
      %dma_start3A_418 = tpu.memref_squeeze %dma_start3A_417 : memref<1x128xi32, #tpu.memory_space<vmem>> -> memref<128xi32, #tpu.memory_space<vmem>>
      %dma_start3A_419 = arith.constant 0 : i32
      %dma_start3A_420 = arith.constant 0 : i32
      %dma_start3A_421 = tpu.memref_slice %arg7[%dma_start3A_419, %dma_start3A_420] : memref<50000x32xf32, #tpu.memory_space<vmem_shared>> -> memref<50000x32xf32, #tpu.memory_space<vmem_shared>>
      tpu.enqueue_indirect_dma source(%arg12 : memref<128x32xf32, #tpu.memory_space<vmem>>) target(%dma_start3A_421 : memref<50000x32xf32, #tpu.memory_space<vmem_shared>>) offsets(%dma_start3A_418 : memref<128xi32, #tpu.memory_space<vmem>>) semaphore(%arg17 : memref<!tpu.dma_semaphore, #tpu.memory_space<semaphore_mem>>) {add = true}
      %dma_wait3A_422 = arith.constant 9 : i32
      %dma_wait3A_423 = arith.constant 0 : i32
      %dma_wait3A_424 = tpu.memref_slice %arg8[%dma_wait3A_422, %dma_wait3A_423] : memref<16x128xi32, #tpu.memory_space<vmem>> -> memref<1x128xi32, #tpu.memory_space<vmem>>
      %dma_wait3A_425 = tpu.memref_squeeze %dma_wait3A_424 : memref<1x128xi32, #tpu.memory_space<vmem>> -> memref<128xi32, #tpu.memory_space<vmem>>
      %dma_wait3A_426 = arith.constant 0 : i32
      %dma_wait3A_427 = arith.constant 0 : i32
      %dma_wait3A_428 = tpu.memref_slice %arg7[%dma_wait3A_426, %dma_wait3A_427] : memref<50000x32xf32, #tpu.memory_space<vmem_shared>> -> memref<50000x32xf32, #tpu.memory_space<vmem_shared>>
      tpu.wait_indirect_dma semaphore(%arg17 : memref<!tpu.dma_semaphore, #tpu.memory_space<semaphore_mem>>) src(%arg12 : memref<128x32xf32, #tpu.memory_space<vmem>>) dst(%dma_wait3A_428 : memref<50000x32xf32, #tpu.memory_space<vmem_shared>>)
      %dma_start3A_429 = arith.constant 11 : i32
      %dma_start3A_430 = arith.constant 0 : i32
      %dma_start3A_431 = tpu.memref_slice %arg9[%dma_start3A_429, %dma_start3A_430] : memref<16x128xi32, #tpu.memory_space<vmem>> -> memref<1x128xi32, #tpu.memory_space<vmem>>
      %dma_start3A_432 = tpu.memref_squeeze %dma_start3A_431 : memref<1x128xi32, #tpu.memory_space<vmem>> -> memref<128xi32, #tpu.memory_space<vmem>>
      %dma_start3A_433 = arith.constant 0 : i32
      %dma_start3A_434 = arith.constant 0 : i32
      %dma_start3A_435 = tpu.memref_slice %arg5[%arg0, %dma_start3A_433, %dma_start3A_434] : memref<2x100000x32xf32, #tpu.memory_space<hbm>> -> memref<1x100000x32xf32, #tpu.memory_space<hbm>>
      %dma_start3A_436 = tpu.memref_squeeze %dma_start3A_435 : memref<1x100000x32xf32, #tpu.memory_space<hbm>> -> memref<100000x32xf32, #tpu.memory_space<hbm>>
      %dma_start3A_437 = arith.constant 0 : i32
      %dma_start3A_438 = arith.constant 0 : i32
      %dma_start3A_439 = tpu.memref_slice %dma_start3A_436[%dma_start3A_437, %dma_start3A_438] : memref<100000x32xf32, #tpu.memory_space<hbm>> -> memref<100000x32xf32, #tpu.memory_space<hbm>>
      tpu.enqueue_indirect_dma source(%dma_start3A_439 : memref<100000x32xf32, #tpu.memory_space<hbm>>) target(%arg12 : memref<128x32xf32, #tpu.memory_space<vmem>>) offsets(%dma_start3A_432 : memref<128xi32, #tpu.memory_space<vmem>>) semaphore(%arg15 : memref<!tpu.dma_semaphore, #tpu.memory_space<semaphore_mem>>)
      %dma_wait3A_440 = arith.constant 10 : i32
      %dma_wait3A_441 = arith.constant 0 : i32
      %dma_wait3A_442 = tpu.memref_slice %arg9[%dma_wait3A_440, %dma_wait3A_441] : memref<16x128xi32, #tpu.memory_space<vmem>> -> memref<1x128xi32, #tpu.memory_space<vmem>>
      %dma_wait3A_443 = tpu.memref_squeeze %dma_wait3A_442 : memref<1x128xi32, #tpu.memory_space<vmem>> -> memref<128xi32, #tpu.memory_space<vmem>>
      %dma_wait3A_444 = arith.constant 0 : i32
      %dma_wait3A_445 = arith.constant 0 : i32
      %dma_wait3A_446 = tpu.memref_slice %arg5[%arg0, %dma_wait3A_444, %dma_wait3A_445] : memref<2x100000x32xf32, #tpu.memory_space<hbm>> -> memref<1x100000x32xf32, #tpu.memory_space<hbm>>
      %dma_wait3A_447 = tpu.memref_squeeze %dma_wait3A_446 : memref<1x100000x32xf32, #tpu.memory_space<hbm>> -> memref<100000x32xf32, #tpu.memory_space<hbm>>
      %dma_wait3A_448 = arith.constant 0 : i32
      %dma_wait3A_449 = arith.constant 0 : i32
      %dma_wait3A_450 = tpu.memref_slice %dma_wait3A_447[%dma_wait3A_448, %dma_wait3A_449] : memref<100000x32xf32, #tpu.memory_space<hbm>> -> memref<100000x32xf32, #tpu.memory_space<hbm>>
      tpu.wait_indirect_dma semaphore(%arg14 : memref<!tpu.dma_semaphore, #tpu.memory_space<semaphore_mem>>) src(%dma_wait3A_450 : memref<100000x32xf32, #tpu.memory_space<hbm>>) dst(%arg11 : memref<128x32xf32, #tpu.memory_space<vmem>>)
      %parallel_loop3A_451 = arith.constant 0 : i32
      %parallel_loop3A_452 = arith.constant 128 : i32
      %parallel_loop3A_453 = arith.constant 1 : i32
      scf.for %parallel_loop3A_652 = %parallel_loop3A_451 to %parallel_loop3A_452 step %parallel_loop3A_453  : i32 {
        %parallel_loop3A_653 = arith.constant 10 : i32
        %parallel_loop3A_654 = vector.broadcast %parallel_loop3A_653 : i32 to vector<16xi32>
        %parallel_loop3A_655 = vector.broadcast %parallel_loop3A_652 : i32 to vector<16xi32>
        %parallel_loop3A_656 = tpu.vector_load_idx %arg10[%parallel_loop3A_654, %parallel_loop3A_655] : memref<16x128xf32, #tpu.memory_space<vmem>>[vector<16xi32>, vector<16xi32>], vector<16xf32>,
        %parallel_loop3A_657 = arith.index_cast %parallel_loop3A_652 : i32 to index
        %parallel_loop3A_658 = arith.constant 0 : index
        %parallel_loop3A_659 = tpu.vector_load %arg11[%parallel_loop3A_657, %parallel_loop3A_658] {strides = array<i32>} : memref<128x32xf32, #tpu.memory_space<vmem>>, vector<16xf32>,
        %parallel_loop3A_660 = arith.mulf %parallel_loop3A_659, %parallel_loop3A_656 : vector<16xf32>
        %parallel_loop3A_661 = arith.index_cast %parallel_loop3A_652 : i32 to index
        %parallel_loop3A_662 = arith.constant 0 : index
        %parallel_loop3A_663 = tpu.vector_load %arg11[%parallel_loop3A_661, %parallel_loop3A_662] {strides = array<i32>} : memref<128x32xf32, #tpu.memory_space<vmem>>, vector<16xf32>,
        tpu.vector_store %arg11[%parallel_loop3A_661, %parallel_loop3A_662], %parallel_loop3A_660 {strides = array<i32>} : memref<128x32xf32, #tpu.memory_space<vmem>>, vector<16xf32>,
        %parallel_loop3A_664 = arith.index_cast %parallel_loop3A_652 : i32 to index
        %parallel_loop3A_665 = arith.constant 16 : index
        %parallel_loop3A_666 = tpu.vector_load %arg11[%parallel_loop3A_664, %parallel_loop3A_665] {strides = array<i32>} : memref<128x32xf32, #tpu.memory_space<vmem>>, vector<16xf32>,
        %parallel_loop3A_667 = arith.mulf %parallel_loop3A_666, %parallel_loop3A_656 : vector<16xf32>
        %parallel_loop3A_668 = arith.index_cast %parallel_loop3A_652 : i32 to index
        %parallel_loop3A_669 = arith.constant 16 : index
        %parallel_loop3A_670 = tpu.vector_load %arg11[%parallel_loop3A_668, %parallel_loop3A_669] {strides = array<i32>} : memref<128x32xf32, #tpu.memory_space<vmem>>, vector<16xf32>,
        tpu.vector_store %arg11[%parallel_loop3A_668, %parallel_loop3A_669], %parallel_loop3A_667 {strides = array<i32>} : memref<128x32xf32, #tpu.memory_space<vmem>>, vector<16xf32>,
      } {sc.loop_unroll_factor = 4 : i64, sc.parallel_access}
      %dma_start3A_454 = arith.constant 10 : i32
      %dma_start3A_455 = arith.constant 0 : i32
      %dma_start3A_456 = tpu.memref_slice %arg8[%dma_start3A_454, %dma_start3A_455] : memref<16x128xi32, #tpu.memory_space<vmem>> -> memref<1x128xi32, #tpu.memory_space<vmem>>
      %dma_start3A_457 = tpu.memref_squeeze %dma_start3A_456 : memref<1x128xi32, #tpu.memory_space<vmem>> -> memref<128xi32, #tpu.memory_space<vmem>>
      %dma_start3A_458 = arith.constant 0 : i32
      %dma_start3A_459 = arith.constant 0 : i32
      %dma_start3A_460 = tpu.memref_slice %arg7[%dma_start3A_458, %dma_start3A_459] : memref<50000x32xf32, #tpu.memory_space<vmem_shared>> -> memref<50000x32xf32, #tpu.memory_space<vmem_shared>>
      tpu.enqueue_indirect_dma source(%arg11 : memref<128x32xf32, #tpu.memory_space<vmem>>) target(%dma_start3A_460 : memref<50000x32xf32, #tpu.memory_space<vmem_shared>>) offsets(%dma_start3A_457 : memref<128xi32, #tpu.memory_space<vmem>>) semaphore(%arg16 : memref<!tpu.dma_semaphore, #tpu.memory_space<semaphore_mem>>) {add = true}
      %dma_wait3A_461 = arith.constant 10 : i32
      %dma_wait3A_462 = arith.constant 0 : i32
      %dma_wait3A_463 = tpu.memref_slice %arg8[%dma_wait3A_461, %dma_wait3A_462] : memref<16x128xi32, #tpu.memory_space<vmem>> -> memref<1x128xi32, #tpu.memory_space<vmem>>
      %dma_wait3A_464 = tpu.memref_squeeze %dma_wait3A_463 : memref<1x128xi32, #tpu.memory_space<vmem>> -> memref<128xi32, #tpu.memory_space<vmem>>
      %dma_wait3A_465 = arith.constant 0 : i32
      %dma_wait3A_466 = arith.constant 0 : i32
      %dma_wait3A_467 = tpu.memref_slice %arg7[%dma_wait3A_465, %dma_wait3A_466] : memref<50000x32xf32, #tpu.memory_space<vmem_shared>> -> memref<50000x32xf32, #tpu.memory_space<vmem_shared>>
      tpu.wait_indirect_dma semaphore(%arg16 : memref<!tpu.dma_semaphore, #tpu.memory_space<semaphore_mem>>) src(%arg11 : memref<128x32xf32, #tpu.memory_space<vmem>>) dst(%dma_wait3A_467 : memref<50000x32xf32, #tpu.memory_space<vmem_shared>>)
      %dma_start3A_468 = arith.constant 12 : i32
      %dma_start3A_469 = arith.constant 0 : i32
      %dma_start3A_470 = tpu.memref_slice %arg9[%dma_start3A_468, %dma_start3A_469] : memref<16x128xi32, #tpu.memory_space<vmem>> -> memref<1x128xi32, #tpu.memory_space<vmem>>
      %dma_start3A_471 = tpu.memref_squeeze %dma_start3A_470 : memref<1x128xi32, #tpu.memory_space<vmem>> -> memref<128xi32, #tpu.memory_space<vmem>>
      %dma_start3A_472 = arith.constant 0 : i32
      %dma_start3A_473 = arith.constant 0 : i32
      %dma_start3A_474 = tpu.memref_slice %arg5[%arg0, %dma_start3A_472, %dma_start3A_473] : memref<2x100000x32xf32, #tpu.memory_space<hbm>> -> memref<1x100000x32xf32, #tpu.memory_space<hbm>>
      %dma_start3A_475 = tpu.memref_squeeze %dma_start3A_474 : memref<1x100000x32xf32, #tpu.memory_space<hbm>> -> memref<100000x32xf32, #tpu.memory_space<hbm>>
      %dma_start3A_476 = arith.constant 0 : i32
      %dma_start3A_477 = arith.constant 0 : i32
      %dma_start3A_478 = tpu.memref_slice %dma_start3A_475[%dma_start3A_476, %dma_start3A_477] : memref<100000x32xf32, #tpu.memory_space<hbm>> -> memref<100000x32xf32, #tpu.memory_space<hbm>>
      tpu.enqueue_indirect_dma source(%dma_start3A_478 : memref<100000x32xf32, #tpu.memory_space<hbm>>) target(%arg11 : memref<128x32xf32, #tpu.memory_space<vmem>>) offsets(%dma_start3A_471 : memref<128xi32, #tpu.memory_space<vmem>>) semaphore(%arg14 : memref<!tpu.dma_semaphore, #tpu.memory_space<semaphore_mem>>)
      %dma_wait3A_479 = arith.constant 11 : i32
      %dma_wait3A_480 = arith.constant 0 : i32
      %dma_wait3A_481 = tpu.memref_slice %arg9[%dma_wait3A_479, %dma_wait3A_480] : memref<16x128xi32, #tpu.memory_space<vmem>> -> memref<1x128xi32, #tpu.memory_space<vmem>>
      %dma_wait3A_482 = tpu.memref_squeeze %dma_wait3A_481 : memref<1x128xi32, #tpu.memory_space<vmem>> -> memref<128xi32, #tpu.memory_space<vmem>>
      %dma_wait3A_483 = arith.constant 0 : i32
      %dma_wait3A_484 = arith.constant 0 : i32
      %dma_wait3A_485 = tpu.memref_slice %arg5[%arg0, %dma_wait3A_483, %dma_wait3A_484] : memref<2x100000x32xf32, #tpu.memory_space<hbm>> -> memref<1x100000x32xf32, #tpu.memory_space<hbm>>
      %dma_wait3A_486 = tpu.memref_squeeze %dma_wait3A_485 : memref<1x100000x32xf32, #tpu.memory_space<hbm>> -> memref<100000x32xf32, #tpu.memory_space<hbm>>
      %dma_wait3A_487 = arith.constant 0 : i32
      %dma_wait3A_488 = arith.constant 0 : i32
      %dma_wait3A_489 = tpu.memref_slice %dma_wait3A_486[%dma_wait3A_487, %dma_wait3A_488] : memref<100000x32xf32, #tpu.memory_space<hbm>> -> memref<100000x32xf32, #tpu.memory_space<hbm>>
      tpu.wait_indirect_dma semaphore(%arg15 : memref<!tpu.dma_semaphore, #tpu.memory_space<semaphore_mem>>) src(%dma_wait3A_489 : memref<100000x32xf32, #tpu.memory_space<hbm>>) dst(%arg12 : memref<128x32xf32, #tpu.memory_space<vmem>>)
      %parallel_loop3A_490 = arith.constant 0 : i32
      %parallel_loop3A_491 = arith.constant 128 : i32
      %parallel_loop3A_492 = arith.constant 1 : i32
      scf.for %parallel_loop3A_652 = %parallel_loop3A_490 to %parallel_loop3A_491 step %parallel_loop3A_492  : i32 {
        %parallel_loop3A_653 = arith.constant 11 : i32
        %parallel_loop3A_654 = vector.broadcast %parallel_loop3A_653 : i32 to vector<16xi32>
        %parallel_loop3A_655 = vector.broadcast %parallel_loop3A_652 : i32 to vector<16xi32>
        %parallel_loop3A_656 = tpu.vector_load_idx %arg10[%parallel_loop3A_654, %parallel_loop3A_655] : memref<16x128xf32, #tpu.memory_space<vmem>>[vector<16xi32>, vector<16xi32>], vector<16xf32>,
        %parallel_loop3A_657 = arith.index_cast %parallel_loop3A_652 : i32 to index
        %parallel_loop3A_658 = arith.constant 0 : index
        %parallel_loop3A_659 = tpu.vector_load %arg12[%parallel_loop3A_657, %parallel_loop3A_658] {strides = array<i32>} : memref<128x32xf32, #tpu.memory_space<vmem>>, vector<16xf32>,
        %parallel_loop3A_660 = arith.mulf %parallel_loop3A_659, %parallel_loop3A_656 : vector<16xf32>
        %parallel_loop3A_661 = arith.index_cast %parallel_loop3A_652 : i32 to index
        %parallel_loop3A_662 = arith.constant 0 : index
        %parallel_loop3A_663 = tpu.vector_load %arg12[%parallel_loop3A_661, %parallel_loop3A_662] {strides = array<i32>} : memref<128x32xf32, #tpu.memory_space<vmem>>, vector<16xf32>,
        tpu.vector_store %arg12[%parallel_loop3A_661, %parallel_loop3A_662], %parallel_loop3A_660 {strides = array<i32>} : memref<128x32xf32, #tpu.memory_space<vmem>>, vector<16xf32>,
        %parallel_loop3A_664 = arith.index_cast %parallel_loop3A_652 : i32 to index
        %parallel_loop3A_665 = arith.constant 16 : index
        %parallel_loop3A_666 = tpu.vector_load %arg12[%parallel_loop3A_664, %parallel_loop3A_665] {strides = array<i32>} : memref<128x32xf32, #tpu.memory_space<vmem>>, vector<16xf32>,
        %parallel_loop3A_667 = arith.mulf %parallel_loop3A_666, %parallel_loop3A_656 : vector<16xf32>
        %parallel_loop3A_668 = arith.index_cast %parallel_loop3A_652 : i32 to index
        %parallel_loop3A_669 = arith.constant 16 : index
        %parallel_loop3A_670 = tpu.vector_load %arg12[%parallel_loop3A_668, %parallel_loop3A_669] {strides = array<i32>} : memref<128x32xf32, #tpu.memory_space<vmem>>, vector<16xf32>,
        tpu.vector_store %arg12[%parallel_loop3A_668, %parallel_loop3A_669], %parallel_loop3A_667 {strides = array<i32>} : memref<128x32xf32, #tpu.memory_space<vmem>>, vector<16xf32>,
      } {sc.loop_unroll_factor = 4 : i64, sc.parallel_access}
      %dma_start3A_493 = arith.constant 11 : i32
      %dma_start3A_494 = arith.constant 0 : i32
      %dma_start3A_495 = tpu.memref_slice %arg8[%dma_start3A_493, %dma_start3A_494] : memref<16x128xi32, #tpu.memory_space<vmem>> -> memref<1x128xi32, #tpu.memory_space<vmem>>
      %dma_start3A_496 = tpu.memref_squeeze %dma_start3A_495 : memref<1x128xi32, #tpu.memory_space<vmem>> -> memref<128xi32, #tpu.memory_space<vmem>>
      %dma_start3A_497 = arith.constant 0 : i32
      %dma_start3A_498 = arith.constant 0 : i32
      %dma_start3A_499 = tpu.memref_slice %arg7[%dma_start3A_497, %dma_start3A_498] : memref<50000x32xf32, #tpu.memory_space<vmem_shared>> -> memref<50000x32xf32, #tpu.memory_space<vmem_shared>>
      tpu.enqueue_indirect_dma source(%arg12 : memref<128x32xf32, #tpu.memory_space<vmem>>) target(%dma_start3A_499 : memref<50000x32xf32, #tpu.memory_space<vmem_shared>>) offsets(%dma_start3A_496 : memref<128xi32, #tpu.memory_space<vmem>>) semaphore(%arg17 : memref<!tpu.dma_semaphore, #tpu.memory_space<semaphore_mem>>) {add = true}
      %dma_wait3A_500 = arith.constant 11 : i32
      %dma_wait3A_501 = arith.constant 0 : i32
      %dma_wait3A_502 = tpu.memref_slice %arg8[%dma_wait3A_500, %dma_wait3A_501] : memref<16x128xi32, #tpu.memory_space<vmem>> -> memref<1x128xi32, #tpu.memory_space<vmem>>
      %dma_wait3A_503 = tpu.memref_squeeze %dma_wait3A_502 : memref<1x128xi32, #tpu.memory_space<vmem>> -> memref<128xi32, #tpu.memory_space<vmem>>
      %dma_wait3A_504 = arith.constant 0 : i32
      %dma_wait3A_505 = arith.constant 0 : i32
      %dma_wait3A_506 = tpu.memref_slice %arg7[%dma_wait3A_504, %dma_wait3A_505] : memref<50000x32xf32, #tpu.memory_space<vmem_shared>> -> memref<50000x32xf32, #tpu.memory_space<vmem_shared>>
      tpu.wait_indirect_dma semaphore(%arg17 : memref<!tpu.dma_semaphore, #tpu.memory_space<semaphore_mem>>) src(%arg12 : memref<128x32xf32, #tpu.memory_space<vmem>>) dst(%dma_wait3A_506 : memref<50000x32xf32, #tpu.memory_space<vmem_shared>>)
      %dma_start3A_507 = arith.constant 13 : i32
      %dma_start3A_508 = arith.constant 0 : i32
      %dma_start3A_509 = tpu.memref_slice %arg9[%dma_start3A_507, %dma_start3A_508] : memref<16x128xi32, #tpu.memory_space<vmem>> -> memref<1x128xi32, #tpu.memory_space<vmem>>
      %dma_start3A_510 = tpu.memref_squeeze %dma_start3A_509 : memref<1x128xi32, #tpu.memory_space<vmem>> -> memref<128xi32, #tpu.memory_space<vmem>>
      %dma_start3A_511 = arith.constant 0 : i32
      %dma_start3A_512 = arith.constant 0 : i32
      %dma_start3A_513 = tpu.memref_slice %arg5[%arg0, %dma_start3A_511, %dma_start3A_512] : memref<2x100000x32xf32, #tpu.memory_space<hbm>> -> memref<1x100000x32xf32, #tpu.memory_space<hbm>>
      %dma_start3A_514 = tpu.memref_squeeze %dma_start3A_513 : memref<1x100000x32xf32, #tpu.memory_space<hbm>> -> memref<100000x32xf32, #tpu.memory_space<hbm>>
      %dma_start3A_515 = arith.constant 0 : i32
      %dma_start3A_516 = arith.constant 0 : i32
      %dma_start3A_517 = tpu.memref_slice %dma_start3A_514[%dma_start3A_515, %dma_start3A_516] : memref<100000x32xf32, #tpu.memory_space<hbm>> -> memref<100000x32xf32, #tpu.memory_space<hbm>>
      tpu.enqueue_indirect_dma source(%dma_start3A_517 : memref<100000x32xf32, #tpu.memory_space<hbm>>) target(%arg12 : memref<128x32xf32, #tpu.memory_space<vmem>>) offsets(%dma_start3A_510 : memref<128xi32, #tpu.memory_space<vmem>>) semaphore(%arg15 : memref<!tpu.dma_semaphore, #tpu.memory_space<semaphore_mem>>)
      %dma_wait3A_518 = arith.constant 12 : i32
      %dma_wait3A_519 = arith.constant 0 : i32
      %dma_wait3A_520 = tpu.memref_slice %arg9[%dma_wait3A_518, %dma_wait3A_519] : memref<16x128xi32, #tpu.memory_space<vmem>> -> memref<1x128xi32, #tpu.memory_space<vmem>>
      %dma_wait3A_521 = tpu.memref_squeeze %dma_wait3A_520 : memref<1x128xi32, #tpu.memory_space<vmem>> -> memref<128xi32, #tpu.memory_space<vmem>>
      %dma_wait3A_522 = arith.constant 0 : i32
      %dma_wait3A_523 = arith.constant 0 : i32
      %dma_wait3A_524 = tpu.memref_slice %arg5[%arg0, %dma_wait3A_522, %dma_wait3A_523] : memref<2x100000x32xf32, #tpu.memory_space<hbm>> -> memref<1x100000x32xf32, #tpu.memory_space<hbm>>
      %dma_wait3A_525 = tpu.memref_squeeze %dma_wait3A_524 : memref<1x100000x32xf32, #tpu.memory_space<hbm>> -> memref<100000x32xf32, #tpu.memory_space<hbm>>
      %dma_wait3A_526 = arith.constant 0 : i32
      %dma_wait3A_527 = arith.constant 0 : i32
      %dma_wait3A_528 = tpu.memref_slice %dma_wait3A_525[%dma_wait3A_526, %dma_wait3A_527] : memref<100000x32xf32, #tpu.memory_space<hbm>> -> memref<100000x32xf32, #tpu.memory_space<hbm>>
      tpu.wait_indirect_dma semaphore(%arg14 : memref<!tpu.dma_semaphore, #tpu.memory_space<semaphore_mem>>) src(%dma_wait3A_528 : memref<100000x32xf32, #tpu.memory_space<hbm>>) dst(%arg11 : memref<128x32xf32, #tpu.memory_space<vmem>>)
      %parallel_loop3A_529 = arith.constant 0 : i32
      %parallel_loop3A_530 = arith.constant 128 : i32
      %parallel_loop3A_531 = arith.constant 1 : i32
      scf.for %parallel_loop3A_652 = %parallel_loop3A_529 to %parallel_loop3A_530 step %parallel_loop3A_531  : i32 {
        %parallel_loop3A_653 = arith.constant 12 : i32
        %parallel_loop3A_654 = vector.broadcast %parallel_loop3A_653 : i32 to vector<16xi32>
        %parallel_loop3A_655 = vector.broadcast %parallel_loop3A_652 : i32 to vector<16xi32>
        %parallel_loop3A_656 = tpu.vector_load_idx %arg10[%parallel_loop3A_654, %parallel_loop3A_655] : memref<16x128xf32, #tpu.memory_space<vmem>>[vector<16xi32>, vector<16xi32>], vector<16xf32>,
        %parallel_loop3A_657 = arith.index_cast %parallel_loop3A_652 : i32 to index
        %parallel_loop3A_658 = arith.constant 0 : index
        %parallel_loop3A_659 = tpu.vector_load %arg11[%parallel_loop3A_657, %parallel_loop3A_658] {strides = array<i32>} : memref<128x32xf32, #tpu.memory_space<vmem>>, vector<16xf32>,
        %parallel_loop3A_660 = arith.mulf %parallel_loop3A_659, %parallel_loop3A_656 : vector<16xf32>
        %parallel_loop3A_661 = arith.index_cast %parallel_loop3A_652 : i32 to index
        %parallel_loop3A_662 = arith.constant 0 : index
        %parallel_loop3A_663 = tpu.vector_load %arg11[%parallel_loop3A_661, %parallel_loop3A_662] {strides = array<i32>} : memref<128x32xf32, #tpu.memory_space<vmem>>, vector<16xf32>,
        tpu.vector_store %arg11[%parallel_loop3A_661, %parallel_loop3A_662], %parallel_loop3A_660 {strides = array<i32>} : memref<128x32xf32, #tpu.memory_space<vmem>>, vector<16xf32>,
        %parallel_loop3A_664 = arith.index_cast %parallel_loop3A_652 : i32 to index
        %parallel_loop3A_665 = arith.constant 16 : index
        %parallel_loop3A_666 = tpu.vector_load %arg11[%parallel_loop3A_664, %parallel_loop3A_665] {strides = array<i32>} : memref<128x32xf32, #tpu.memory_space<vmem>>, vector<16xf32>,
        %parallel_loop3A_667 = arith.mulf %parallel_loop3A_666, %parallel_loop3A_656 : vector<16xf32>
        %parallel_loop3A_668 = arith.index_cast %parallel_loop3A_652 : i32 to index
        %parallel_loop3A_669 = arith.constant 16 : index
        %parallel_loop3A_670 = tpu.vector_load %arg11[%parallel_loop3A_668, %parallel_loop3A_669] {strides = array<i32>} : memref<128x32xf32, #tpu.memory_space<vmem>>, vector<16xf32>,
        tpu.vector_store %arg11[%parallel_loop3A_668, %parallel_loop3A_669], %parallel_loop3A_667 {strides = array<i32>} : memref<128x32xf32, #tpu.memory_space<vmem>>, vector<16xf32>,
      } {sc.loop_unroll_factor = 4 : i64, sc.parallel_access}
      %dma_start3A_532 = arith.constant 12 : i32
      %dma_start3A_533 = arith.constant 0 : i32
      %dma_start3A_534 = tpu.memref_slice %arg8[%dma_start3A_532, %dma_start3A_533] : memref<16x128xi32, #tpu.memory_space<vmem>> -> memref<1x128xi32, #tpu.memory_space<vmem>>
      %dma_start3A_535 = tpu.memref_squeeze %dma_start3A_534 : memref<1x128xi32, #tpu.memory_space<vmem>> -> memref<128xi32, #tpu.memory_space<vmem>>
      %dma_start3A_536 = arith.constant 0 : i32
      %dma_start3A_537 = arith.constant 0 : i32
      %dma_start3A_538 = tpu.memref_slice %arg7[%dma_start3A_536, %dma_start3A_537] : memref<50000x32xf32, #tpu.memory_space<vmem_shared>> -> memref<50000x32xf32, #tpu.memory_space<vmem_shared>>
      tpu.enqueue_indirect_dma source(%arg11 : memref<128x32xf32, #tpu.memory_space<vmem>>) target(%dma_start3A_538 : memref<50000x32xf32, #tpu.memory_space<vmem_shared>>) offsets(%dma_start3A_535 : memref<128xi32, #tpu.memory_space<vmem>>) semaphore(%arg16 : memref<!tpu.dma_semaphore, #tpu.memory_space<semaphore_mem>>) {add = true}
      %dma_wait3A_539 = arith.constant 12 : i32
      %dma_wait3A_540 = arith.constant 0 : i32
      %dma_wait3A_541 = tpu.memref_slice %arg8[%dma_wait3A_539, %dma_wait3A_540] : memref<16x128xi32, #tpu.memory_space<vmem>> -> memref<1x128xi32, #tpu.memory_space<vmem>>
      %dma_wait3A_542 = tpu.memref_squeeze %dma_wait3A_541 : memref<1x128xi32, #tpu.memory_space<vmem>> -> memref<128xi32, #tpu.memory_space<vmem>>
      %dma_wait3A_543 = arith.constant 0 : i32
      %dma_wait3A_544 = arith.constant 0 : i32
      %dma_wait3A_545 = tpu.memref_slice %arg7[%dma_wait3A_543, %dma_wait3A_544] : memref<50000x32xf32, #tpu.memory_space<vmem_shared>> -> memref<50000x32xf32, #tpu.memory_space<vmem_shared>>
      tpu.wait_indirect_dma semaphore(%arg16 : memref<!tpu.dma_semaphore, #tpu.memory_space<semaphore_mem>>) src(%arg11 : memref<128x32xf32, #tpu.memory_space<vmem>>) dst(%dma_wait3A_545 : memref<50000x32xf32, #tpu.memory_space<vmem_shared>>)
      %dma_start3A_546 = arith.constant 14 : i32
      %dma_start3A_547 = arith.constant 0 : i32
      %dma_start3A_548 = tpu.memref_slice %arg9[%dma_start3A_546, %dma_start3A_547] : memref<16x128xi32, #tpu.memory_space<vmem>> -> memref<1x128xi32, #tpu.memory_space<vmem>>
      %dma_start3A_549 = tpu.memref_squeeze %dma_start3A_548 : memref<1x128xi32, #tpu.memory_space<vmem>> -> memref<128xi32, #tpu.memory_space<vmem>>
      %dma_start3A_550 = arith.constant 0 : i32
      %dma_start3A_551 = arith.constant 0 : i32
      %dma_start3A_552 = tpu.memref_slice %arg5[%arg0, %dma_start3A_550, %dma_start3A_551] : memref<2x100000x32xf32, #tpu.memory_space<hbm>> -> memref<1x100000x32xf32, #tpu.memory_space<hbm>>
      %dma_start3A_553 = tpu.memref_squeeze %dma_start3A_552 : memref<1x100000x32xf32, #tpu.memory_space<hbm>> -> memref<100000x32xf32, #tpu.memory_space<hbm>>
      %dma_start3A_554 = arith.constant 0 : i32
      %dma_start3A_555 = arith.constant 0 : i32
      %dma_start3A_556 = tpu.memref_slice %dma_start3A_553[%dma_start3A_554, %dma_start3A_555] : memref<100000x32xf32, #tpu.memory_space<hbm>> -> memref<100000x32xf32, #tpu.memory_space<hbm>>
      tpu.enqueue_indirect_dma source(%dma_start3A_556 : memref<100000x32xf32, #tpu.memory_space<hbm>>) target(%arg11 : memref<128x32xf32, #tpu.memory_space<vmem>>) offsets(%dma_start3A_549 : memref<128xi32, #tpu.memory_space<vmem>>) semaphore(%arg14 : memref<!tpu.dma_semaphore, #tpu.memory_space<semaphore_mem>>)
      %dma_wait3A_557 = arith.constant 13 : i32
      %dma_wait3A_558 = arith.constant 0 : i32
      %dma_wait3A_559 = tpu.memref_slice %arg9[%dma_wait3A_557, %dma_wait3A_558] : memref<16x128xi32, #tpu.memory_space<vmem>> -> memref<1x128xi32, #tpu.memory_space<vmem>>
      %dma_wait3A_560 = tpu.memref_squeeze %dma_wait3A_559 : memref<1x128xi32, #tpu.memory_space<vmem>> -> memref<128xi32, #tpu.memory_space<vmem>>
      %dma_wait3A_561 = arith.constant 0 : i32
      %dma_wait3A_562 = arith.constant 0 : i32
      %dma_wait3A_563 = tpu.memref_slice %arg5[%arg0, %dma_wait3A_561, %dma_wait3A_562] : memref<2x100000x32xf32, #tpu.memory_space<hbm>> -> memref<1x100000x32xf32, #tpu.memory_space<hbm>>
      %dma_wait3A_564 = tpu.memref_squeeze %dma_wait3A_563 : memref<1x100000x32xf32, #tpu.memory_space<hbm>> -> memref<100000x32xf32, #tpu.memory_space<hbm>>
      %dma_wait3A_565 = arith.constant 0 : i32
      %dma_wait3A_566 = arith.constant 0 : i32
      %dma_wait3A_567 = tpu.memref_slice %dma_wait3A_564[%dma_wait3A_565, %dma_wait3A_566] : memref<100000x32xf32, #tpu.memory_space<hbm>> -> memref<100000x32xf32, #tpu.memory_space<hbm>>
      tpu.wait_indirect_dma semaphore(%arg15 : memref<!tpu.dma_semaphore, #tpu.memory_space<semaphore_mem>>) src(%dma_wait3A_567 : memref<100000x32xf32, #tpu.memory_space<hbm>>) dst(%arg12 : memref<128x32xf32, #tpu.memory_space<vmem>>)
      %parallel_loop3A_568 = arith.constant 0 : i32
      %parallel_loop3A_569 = arith.constant 128 : i32
      %parallel_loop3A_570 = arith.constant 1 : i32
      scf.for %parallel_loop3A_652 = %parallel_loop3A_568 to %parallel_loop3A_569 step %parallel_loop3A_570  : i32 {
        %parallel_loop3A_653 = arith.constant 13 : i32
        %parallel_loop3A_654 = vector.broadcast %parallel_loop3A_653 : i32 to vector<16xi32>
        %parallel_loop3A_655 = vector.broadcast %parallel_loop3A_652 : i32 to vector<16xi32>
        %parallel_loop3A_656 = tpu.vector_load_idx %arg10[%parallel_loop3A_654, %parallel_loop3A_655] : memref<16x128xf32, #tpu.memory_space<vmem>>[vector<16xi32>, vector<16xi32>], vector<16xf32>,
        %parallel_loop3A_657 = arith.index_cast %parallel_loop3A_652 : i32 to index
        %parallel_loop3A_658 = arith.constant 0 : index
        %parallel_loop3A_659 = tpu.vector_load %arg12[%parallel_loop3A_657, %parallel_loop3A_658] {strides = array<i32>} : memref<128x32xf32, #tpu.memory_space<vmem>>, vector<16xf32>,
        %parallel_loop3A_660 = arith.mulf %parallel_loop3A_659, %parallel_loop3A_656 : vector<16xf32>
        %parallel_loop3A_661 = arith.index_cast %parallel_loop3A_652 : i32 to index
        %parallel_loop3A_662 = arith.constant 0 : index
        %parallel_loop3A_663 = tpu.vector_load %arg12[%parallel_loop3A_661, %parallel_loop3A_662] {strides = array<i32>} : memref<128x32xf32, #tpu.memory_space<vmem>>, vector<16xf32>,
        tpu.vector_store %arg12[%parallel_loop3A_661, %parallel_loop3A_662], %parallel_loop3A_660 {strides = array<i32>} : memref<128x32xf32, #tpu.memory_space<vmem>>, vector<16xf32>,
        %parallel_loop3A_664 = arith.index_cast %parallel_loop3A_652 : i32 to index
        %parallel_loop3A_665 = arith.constant 16 : index
        %parallel_loop3A_666 = tpu.vector_load %arg12[%parallel_loop3A_664, %parallel_loop3A_665] {strides = array<i32>} : memref<128x32xf32, #tpu.memory_space<vmem>>, vector<16xf32>,
        %parallel_loop3A_667 = arith.mulf %parallel_loop3A_666, %parallel_loop3A_656 : vector<16xf32>
        %parallel_loop3A_668 = arith.index_cast %parallel_loop3A_652 : i32 to index
        %parallel_loop3A_669 = arith.constant 16 : index
        %parallel_loop3A_670 = tpu.vector_load %arg12[%parallel_loop3A_668, %parallel_loop3A_669] {strides = array<i32>} : memref<128x32xf32, #tpu.memory_space<vmem>>, vector<16xf32>,
        tpu.vector_store %arg12[%parallel_loop3A_668, %parallel_loop3A_669], %parallel_loop3A_667 {strides = array<i32>} : memref<128x32xf32, #tpu.memory_space<vmem>>, vector<16xf32>,
      } {sc.loop_unroll_factor = 4 : i64, sc.parallel_access}
      %dma_start3A_571 = arith.constant 13 : i32
      %dma_start3A_572 = arith.constant 0 : i32
      %dma_start3A_573 = tpu.memref_slice %arg8[%dma_start3A_571, %dma_start3A_572] : memref<16x128xi32, #tpu.memory_space<vmem>> -> memref<1x128xi32, #tpu.memory_space<vmem>>
      %dma_start3A_574 = tpu.memref_squeeze %dma_start3A_573 : memref<1x128xi32, #tpu.memory_space<vmem>> -> memref<128xi32, #tpu.memory_space<vmem>>
      %dma_start3A_575 = arith.constant 0 : i32
      %dma_start3A_576 = arith.constant 0 : i32
      %dma_start3A_577 = tpu.memref_slice %arg7[%dma_start3A_575, %dma_start3A_576] : memref<50000x32xf32, #tpu.memory_space<vmem_shared>> -> memref<50000x32xf32, #tpu.memory_space<vmem_shared>>
      tpu.enqueue_indirect_dma source(%arg12 : memref<128x32xf32, #tpu.memory_space<vmem>>) target(%dma_start3A_577 : memref<50000x32xf32, #tpu.memory_space<vmem_shared>>) offsets(%dma_start3A_574 : memref<128xi32, #tpu.memory_space<vmem>>) semaphore(%arg17 : memref<!tpu.dma_semaphore, #tpu.memory_space<semaphore_mem>>) {add = true}
      %dma_wait3A_578 = arith.constant 13 : i32
      %dma_wait3A_579 = arith.constant 0 : i32
      %dma_wait3A_580 = tpu.memref_slice %arg8[%dma_wait3A_578, %dma_wait3A_579] : memref<16x128xi32, #tpu.memory_space<vmem>> -> memref<1x128xi32, #tpu.memory_space<vmem>>
      %dma_wait3A_581 = tpu.memref_squeeze %dma_wait3A_580 : memref<1x128xi32, #tpu.memory_space<vmem>> -> memref<128xi32, #tpu.memory_space<vmem>>
      %dma_wait3A_582 = arith.constant 0 : i32
      %dma_wait3A_583 = arith.constant 0 : i32
      %dma_wait3A_584 = tpu.memref_slice %arg7[%dma_wait3A_582, %dma_wait3A_583] : memref<50000x32xf32, #tpu.memory_space<vmem_shared>> -> memref<50000x32xf32, #tpu.memory_space<vmem_shared>>
      tpu.wait_indirect_dma semaphore(%arg17 : memref<!tpu.dma_semaphore, #tpu.memory_space<semaphore_mem>>) src(%arg12 : memref<128x32xf32, #tpu.memory_space<vmem>>) dst(%dma_wait3A_584 : memref<50000x32xf32, #tpu.memory_space<vmem_shared>>)
      %dma_start3A_585 = arith.constant 15 : i32
      %dma_start3A_586 = arith.constant 0 : i32
      %dma_start3A_587 = tpu.memref_slice %arg9[%dma_start3A_585, %dma_start3A_586] : memref<16x128xi32, #tpu.memory_space<vmem>> -> memref<1x128xi32, #tpu.memory_space<vmem>>
      %dma_start3A_588 = tpu.memref_squeeze %dma_start3A_587 : memref<1x128xi32, #tpu.memory_space<vmem>> -> memref<128xi32, #tpu.memory_space<vmem>>
      %dma_start3A_589 = arith.constant 0 : i32
      %dma_start3A_590 = arith.constant 0 : i32
      %dma_start3A_591 = tpu.memref_slice %arg5[%arg0, %dma_start3A_589, %dma_start3A_590] : memref<2x100000x32xf32, #tpu.memory_space<hbm>> -> memref<1x100000x32xf32, #tpu.memory_space<hbm>>
      %dma_start3A_592 = tpu.memref_squeeze %dma_start3A_591 : memref<1x100000x32xf32, #tpu.memory_space<hbm>> -> memref<100000x32xf32, #tpu.memory_space<hbm>>
      %dma_start3A_593 = arith.constant 0 : i32
      %dma_start3A_594 = arith.constant 0 : i32
      %dma_start3A_595 = tpu.memref_slice %dma_start3A_592[%dma_start3A_593, %dma_start3A_594] : memref<100000x32xf32, #tpu.memory_space<hbm>> -> memref<100000x32xf32, #tpu.memory_space<hbm>>
      tpu.enqueue_indirect_dma source(%dma_start3A_595 : memref<100000x32xf32, #tpu.memory_space<hbm>>) target(%arg12 : memref<128x32xf32, #tpu.memory_space<vmem>>) offsets(%dma_start3A_588 : memref<128xi32, #tpu.memory_space<vmem>>) semaphore(%arg15 : memref<!tpu.dma_semaphore, #tpu.memory_space<semaphore_mem>>)
      %dma_wait3A_596 = arith.constant 14 : i32
      %dma_wait3A_597 = arith.constant 0 : i32
      %dma_wait3A_598 = tpu.memref_slice %arg9[%dma_wait3A_596, %dma_wait3A_597] : memref<16x128xi32, #tpu.memory_space<vmem>> -> memref<1x128xi32, #tpu.memory_space<vmem>>
      %dma_wait3A_599 = tpu.memref_squeeze %dma_wait3A_598 : memref<1x128xi32, #tpu.memory_space<vmem>> -> memref<128xi32, #tpu.memory_space<vmem>>
      %dma_wait3A_600 = arith.constant 0 : i32
      %dma_wait3A_601 = arith.constant 0 : i32
      %dma_wait3A_602 = tpu.memref_slice %arg5[%arg0, %dma_wait3A_600, %dma_wait3A_601] : memref<2x100000x32xf32, #tpu.memory_space<hbm>> -> memref<1x100000x32xf32, #tpu.memory_space<hbm>>
      %dma_wait3A_603 = tpu.memref_squeeze %dma_wait3A_602 : memref<1x100000x32xf32, #tpu.memory_space<hbm>> -> memref<100000x32xf32, #tpu.memory_space<hbm>>
      %dma_wait3A_604 = arith.constant 0 : i32
      %dma_wait3A_605 = arith.constant 0 : i32
      %dma_wait3A_606 = tpu.memref_slice %dma_wait3A_603[%dma_wait3A_604, %dma_wait3A_605] : memref<100000x32xf32, #tpu.memory_space<hbm>> -> memref<100000x32xf32, #tpu.memory_space<hbm>>
      tpu.wait_indirect_dma semaphore(%arg14 : memref<!tpu.dma_semaphore, #tpu.memory_space<semaphore_mem>>) src(%dma_wait3A_606 : memref<100000x32xf32, #tpu.memory_space<hbm>>) dst(%arg11 : memref<128x32xf32, #tpu.memory_space<vmem>>)
      %parallel_loop3A_607 = arith.constant 0 : i32
      %parallel_loop3A_608 = arith.constant 128 : i32
      %parallel_loop3A_609 = arith.constant 1 : i32
      scf.for %parallel_loop3A_652 = %parallel_loop3A_607 to %parallel_loop3A_608 step %parallel_loop3A_609  : i32 {
        %parallel_loop3A_653 = arith.constant 14 : i32
        %parallel_loop3A_654 = vector.broadcast %parallel_loop3A_653 : i32 to vector<16xi32>
        %parallel_loop3A_655 = vector.broadcast %parallel_loop3A_652 : i32 to vector<16xi32>
        %parallel_loop3A_656 = tpu.vector_load_idx %arg10[%parallel_loop3A_654, %parallel_loop3A_655] : memref<16x128xf32, #tpu.memory_space<vmem>>[vector<16xi32>, vector<16xi32>], vector<16xf32>,
        %parallel_loop3A_657 = arith.index_cast %parallel_loop3A_652 : i32 to index
        %parallel_loop3A_658 = arith.constant 0 : index
        %parallel_loop3A_659 = tpu.vector_load %arg11[%parallel_loop3A_657, %parallel_loop3A_658] {strides = array<i32>} : memref<128x32xf32, #tpu.memory_space<vmem>>, vector<16xf32>,
        %parallel_loop3A_660 = arith.mulf %parallel_loop3A_659, %parallel_loop3A_656 : vector<16xf32>
        %parallel_loop3A_661 = arith.index_cast %parallel_loop3A_652 : i32 to index
        %parallel_loop3A_662 = arith.constant 0 : index
        %parallel_loop3A_663 = tpu.vector_load %arg11[%parallel_loop3A_661, %parallel_loop3A_662] {strides = array<i32>} : memref<128x32xf32, #tpu.memory_space<vmem>>, vector<16xf32>,
        tpu.vector_store %arg11[%parallel_loop3A_661, %parallel_loop3A_662], %parallel_loop3A_660 {strides = array<i32>} : memref<128x32xf32, #tpu.memory_space<vmem>>, vector<16xf32>,
        %parallel_loop3A_664 = arith.index_cast %parallel_loop3A_652 : i32 to index
        %parallel_loop3A_665 = arith.constant 16 : index
        %parallel_loop3A_666 = tpu.vector_load %arg11[%parallel_loop3A_664, %parallel_loop3A_665] {strides = array<i32>} : memref<128x32xf32, #tpu.memory_space<vmem>>, vector<16xf32>,
        %parallel_loop3A_667 = arith.mulf %parallel_loop3A_666, %parallel_loop3A_656 : vector<16xf32>
        %parallel_loop3A_668 = arith.index_cast %parallel_loop3A_652 : i32 to index
        %parallel_loop3A_669 = arith.constant 16 : index
        %parallel_loop3A_670 = tpu.vector_load %arg11[%parallel_loop3A_668, %parallel_loop3A_669] {strides = array<i32>} : memref<128x32xf32, #tpu.memory_space<vmem>>, vector<16xf32>,
        tpu.vector_store %arg11[%parallel_loop3A_668, %parallel_loop3A_669], %parallel_loop3A_667 {strides = array<i32>} : memref<128x32xf32, #tpu.memory_space<vmem>>, vector<16xf32>,
      } {sc.loop_unroll_factor = 4 : i64, sc.parallel_access}
      %dma_start3A_610 = arith.constant 14 : i32
      %dma_start3A_611 = arith.constant 0 : i32
      %dma_start3A_612 = tpu.memref_slice %arg8[%dma_start3A_610, %dma_start3A_611] : memref<16x128xi32, #tpu.memory_space<vmem>> -> memref<1x128xi32, #tpu.memory_space<vmem>>
      %dma_start3A_613 = tpu.memref_squeeze %dma_start3A_612 : memref<1x128xi32, #tpu.memory_space<vmem>> -> memref<128xi32, #tpu.memory_space<vmem>>
      %dma_start3A_614 = arith.constant 0 : i32
      %dma_start3A_615 = arith.constant 0 : i32
      %dma_start3A_616 = tpu.memref_slice %arg7[%dma_start3A_614, %dma_start3A_615] : memref<50000x32xf32, #tpu.memory_space<vmem_shared>> -> memref<50000x32xf32, #tpu.memory_space<vmem_shared>>
      tpu.enqueue_indirect_dma source(%arg11 : memref<128x32xf32, #tpu.memory_space<vmem>>) target(%dma_start3A_616 : memref<50000x32xf32, #tpu.memory_space<vmem_shared>>) offsets(%dma_start3A_613 : memref<128xi32, #tpu.memory_space<vmem>>) semaphore(%arg16 : memref<!tpu.dma_semaphore, #tpu.memory_space<semaphore_mem>>) {add = true}
      %dma_wait3A_617 = arith.constant 15 : i32
      %dma_wait3A_618 = arith.constant 0 : i32
      %dma_wait3A_619 = tpu.memref_slice %arg9[%dma_wait3A_617, %dma_wait3A_618] : memref<16x128xi32, #tpu.memory_space<vmem>> -> memref<1x128xi32, #tpu.memory_space<vmem>>
      %dma_wait3A_620 = tpu.memref_squeeze %dma_wait3A_619 : memref<1x128xi32, #tpu.memory_space<vmem>> -> memref<128xi32, #tpu.memory_space<vmem>>
      %dma_wait3A_621 = arith.constant 0 : i32
      %dma_wait3A_622 = arith.constant 0 : i32
      %dma_wait3A_623 = tpu.memref_slice %arg5[%arg0, %dma_wait3A_621, %dma_wait3A_622] : memref<2x100000x32xf32, #tpu.memory_space<hbm>> -> memref<1x100000x32xf32, #tpu.memory_space<hbm>>
      %dma_wait3A_624 = tpu.memref_squeeze %dma_wait3A_623 : memref<1x100000x32xf32, #tpu.memory_space<hbm>> -> memref<100000x32xf32, #tpu.memory_space<hbm>>
      %dma_wait3A_625 = arith.constant 0 : i32
      %dma_wait3A_626 = arith.constant 0 : i32
      %dma_wait3A_627 = tpu.memref_slice %dma_wait3A_624[%dma_wait3A_625, %dma_wait3A_626] : memref<100000x32xf32, #tpu.memory_space<hbm>> -> memref<100000x32xf32, #tpu.memory_space<hbm>>
      tpu.wait_indirect_dma semaphore(%arg15 : memref<!tpu.dma_semaphore, #tpu.memory_space<semaphore_mem>>) src(%dma_wait3A_627 : memref<100000x32xf32, #tpu.memory_space<hbm>>) dst(%arg12 : memref<128x32xf32, #tpu.memory_space<vmem>>)
      %parallel_loop3A_628 = arith.constant 0 : i32
      %parallel_loop3A_629 = arith.constant 128 : i32
      %parallel_loop3A_630 = arith.constant 1 : i32
      scf.for %parallel_loop3A_652 = %parallel_loop3A_628 to %parallel_loop3A_629 step %parallel_loop3A_630  : i32 {
        %parallel_loop3A_653 = arith.constant 15 : i32
        %parallel_loop3A_654 = vector.broadcast %parallel_loop3A_653 : i32 to vector<16xi32>
        %parallel_loop3A_655 = vector.broadcast %parallel_loop3A_652 : i32 to vector<16xi32>
        %parallel_loop3A_656 = tpu.vector_load_idx %arg10[%parallel_loop3A_654, %parallel_loop3A_655] : memref<16x128xf32, #tpu.memory_space<vmem>>[vector<16xi32>, vector<16xi32>], vector<16xf32>,
        %parallel_loop3A_657 = arith.index_cast %parallel_loop3A_652 : i32 to index
        %parallel_loop3A_658 = arith.constant 0 : index
        %parallel_loop3A_659 = tpu.vector_load %arg12[%parallel_loop3A_657, %parallel_loop3A_658] {strides = array<i32>} : memref<128x32xf32, #tpu.memory_space<vmem>>, vector<16xf32>,
        %parallel_loop3A_660 = arith.mulf %parallel_loop3A_659, %parallel_loop3A_656 : vector<16xf32>
        %parallel_loop3A_661 = arith.index_cast %parallel_loop3A_652 : i32 to index
        %parallel_loop3A_662 = arith.constant 0 : index
        %parallel_loop3A_663 = tpu.vector_load %arg12[%parallel_loop3A_661, %parallel_loop3A_662] {strides = array<i32>} : memref<128x32xf32, #tpu.memory_space<vmem>>, vector<16xf32>,
        tpu.vector_store %arg12[%parallel_loop3A_661, %parallel_loop3A_662], %parallel_loop3A_660 {strides = array<i32>} : memref<128x32xf32, #tpu.memory_space<vmem>>, vector<16xf32>,
        %parallel_loop3A_664 = arith.index_cast %parallel_loop3A_652 : i32 to index
        %parallel_loop3A_665 = arith.constant 16 : index
        %parallel_loop3A_666 = tpu.vector_load %arg12[%parallel_loop3A_664, %parallel_loop3A_665] {strides = array<i32>} : memref<128x32xf32, #tpu.memory_space<vmem>>, vector<16xf32>,
        %parallel_loop3A_667 = arith.mulf %parallel_loop3A_666, %parallel_loop3A_656 : vector<16xf32>
        %parallel_loop3A_668 = arith.index_cast %parallel_loop3A_652 : i32 to index
        %parallel_loop3A_669 = arith.constant 16 : index
        %parallel_loop3A_670 = tpu.vector_load %arg12[%parallel_loop3A_668, %parallel_loop3A_669] {strides = array<i32>} : memref<128x32xf32, #tpu.memory_space<vmem>>, vector<16xf32>,
        tpu.vector_store %arg12[%parallel_loop3A_668, %parallel_loop3A_669], %parallel_loop3A_667 {strides = array<i32>} : memref<128x32xf32, #tpu.memory_space<vmem>>, vector<16xf32>,
      } {sc.loop_unroll_factor = 4 : i64, sc.parallel_access}
      %dma_start3A_631 = arith.constant 15 : i32
      %dma_start3A_632 = arith.constant 0 : i32
      %dma_start3A_633 = tpu.memref_slice %arg8[%dma_start3A_631, %dma_start3A_632] : memref<16x128xi32, #tpu.memory_space<vmem>> -> memref<1x128xi32, #tpu.memory_space<vmem>>
      %dma_start3A_634 = tpu.memref_squeeze %dma_start3A_633 : memref<1x128xi32, #tpu.memory_space<vmem>> -> memref<128xi32, #tpu.memory_space<vmem>>
      %dma_start3A_635 = arith.constant 0 : i32
      %dma_start3A_636 = arith.constant 0 : i32
      %dma_start3A_637 = tpu.memref_slice %arg7[%dma_start3A_635, %dma_start3A_636] : memref<50000x32xf32, #tpu.memory_space<vmem_shared>> -> memref<50000x32xf32, #tpu.memory_space<vmem_shared>>
      tpu.enqueue_indirect_dma source(%arg12 : memref<128x32xf32, #tpu.memory_space<vmem>>) target(%dma_start3A_637 : memref<50000x32xf32, #tpu.memory_space<vmem_shared>>) offsets(%dma_start3A_634 : memref<128xi32, #tpu.memory_space<vmem>>) semaphore(%arg17 : memref<!tpu.dma_semaphore, #tpu.memory_space<semaphore_mem>>) {add = true}
      %dma_wait3A_638 = arith.constant 14 : i32
      %dma_wait3A_639 = arith.constant 0 : i32
      %dma_wait3A_640 = tpu.memref_slice %arg8[%dma_wait3A_638, %dma_wait3A_639] : memref<16x128xi32, #tpu.memory_space<vmem>> -> memref<1x128xi32, #tpu.memory_space<vmem>>
      %dma_wait3A_641 = tpu.memref_squeeze %dma_wait3A_640 : memref<1x128xi32, #tpu.memory_space<vmem>> -> memref<128xi32, #tpu.memory_space<vmem>>
      %dma_wait3A_642 = arith.constant 0 : i32
      %dma_wait3A_643 = arith.constant 0 : i32
      %dma_wait3A_644 = tpu.memref_slice %arg7[%dma_wait3A_642, %dma_wait3A_643] : memref<50000x32xf32, #tpu.memory_space<vmem_shared>> -> memref<50000x32xf32, #tpu.memory_space<vmem_shared>>
      tpu.wait_indirect_dma semaphore(%arg16 : memref<!tpu.dma_semaphore, #tpu.memory_space<semaphore_mem>>) src(%arg11 : memref<128x32xf32, #tpu.memory_space<vmem>>) dst(%dma_wait3A_644 : memref<50000x32xf32, #tpu.memory_space<vmem_shared>>)
      %dma_wait3A_645 = arith.constant 15 : i32
      %dma_wait3A_646 = arith.constant 0 : i32
      %dma_wait3A_647 = tpu.memref_slice %arg8[%dma_wait3A_645, %dma_wait3A_646] : memref<16x128xi32, #tpu.memory_space<vmem>> -> memref<1x128xi32, #tpu.memory_space<vmem>>
      %dma_wait3A_648 = tpu.memref_squeeze %dma_wait3A_647 : memref<1x128xi32, #tpu.memory_space<vmem>> -> memref<128xi32, #tpu.memory_space<vmem>>
      %dma_wait3A_649 = arith.constant 0 : i32
      %dma_wait3A_650 = arith.constant 0 : i32
      %dma_wait3A_651 = tpu.memref_slice %arg7[%dma_wait3A_649, %dma_wait3A_650] : memref<50000x32xf32, #tpu.memory_space<vmem_shared>> -> memref<50000x32xf32, #tpu.memory_space<vmem_shared>>
      tpu.wait_indirect_dma semaphore(%arg17 : memref<!tpu.dma_semaphore, #tpu.memory_space<semaphore_mem>>) src(%arg12 : memref<128x32xf32, #tpu.memory_space<vmem>>) dst(%dma_wait3A_651 : memref<50000x32xf32, #tpu.memory_space<vmem_shared>>)
    }
    %scan3A_13 = arith.constant 25 : i32
    %barrier3A_14 = arith.constant 0 : index
    tpu.barrier barrier_id(%barrier3A_14)
    %broadcast_in_dim3A_15 = arith.constant 0.000000e+00 : f32
    %broadcast_in_dim3A_16 = vector.broadcast %broadcast_in_dim3A_15 : f32 to vector<16xf32>
    %lt3A = arith.constant 7 : i32
    %lt3A_17 = arith.cmpi slt, %arg1, %lt3A : i32
    %jit3A = arith.constant 25 : i32
    %jit3A_18 = arith.constant 24 : i32
    %select_n3A = arith.select %lt3A_17, %jit3A, %jit3A_18 : i32
    %while3A = arith.constant 0 : i32
    %while3A_19 = arith.constant 0 : i32
    %while3A_20 = arith.subi %select_n3A, %while3A_19 : i32
    %while3A_21 = arith.addi %while3A_19, %while3A_20 : i32
    %while3A_22 = arith.constant 1 : i32
    %while3A_23 = arith.divsi %while3A_20, %while3A_22 : i32
    %while3A_24 = arith.muli %while3A_23, %while3A_22 : i32
    %while3A_25 = arith.addi %while3A_19, %while3A_24 : i32
    %while3A_26 = arith.constant 1 : i32
    scf.for %while3A_28 = %while3A_19 to %while3A_25 step %while3A_26  : i32 {
      %mul3A = arith.constant 16 : i32
      %mul3A_29 = arith.muli %while3A_28, %mul3A : i32
      %add3A = arith.addi %arg1, %mul3A_29 : i32
      %mul3A_30 = arith.constant 128 : i32
      %mul3A_31 = arith.muli %add3A, %mul3A_30 : i32
      %min3A = arith.constant 49872 : i32
      %min3A_32 = arith.minsi %mul3A_31, %min3A : i32
      "tpu.region"() ({
        %run_scoped3A = tpu.sem_alloc : memref<!tpu.dma_semaphore, #tpu.memory_space<semaphore_mem>>
        %dma_start3A = arith.constant 0 : i32
        %dma_start3A_36 = tpu.memref_slice %arg7[%min3A_32, %dma_start3A] : memref<50000x32xf32, #tpu.memory_space<vmem_shared>> -> memref<128x32xf32, #tpu.memory_space<vmem_shared>>
        %dma_start3A_37 = arith.constant 0 : i32
        %dma_start3A_38 = tpu.memref_slice %arg7[%min3A_32, %dma_start3A_37] : memref<50000x32xf32, #tpu.memory_space<vmem_shared>> -> memref<128x32xf32, #tpu.memory_space<vmem_shared>>
        tpu.enqueue_dma source(%dma_start3A_38 : memref<128x32xf32, #tpu.memory_space<vmem_shared>>) target(%arg13 : memref<128x32xf32, #tpu.memory_space<vmem>>) target_semaphore(%run_scoped3A : memref<!tpu.dma_semaphore, #tpu.memory_space<semaphore_mem>>)
        %dma_wait3A = arith.constant 0 : i32
        %dma_wait3A_39 = tpu.memref_slice %arg7[%min3A_32, %dma_wait3A] : memref<50000x32xf32, #tpu.memory_space<vmem_shared>> -> memref<128x32xf32, #tpu.memory_space<vmem_shared>>
        %dma_wait3A_40 = arith.constant 0 : i32
        %dma_wait3A_41 = tpu.memref_slice %arg7[%min3A_32, %dma_wait3A_40] : memref<50000x32xf32, #tpu.memory_space<vmem_shared>> -> memref<128x32xf32, #tpu.memory_space<vmem_shared>>
        tpu.wait_dma2 semaphore(%run_scoped3A : memref<!tpu.dma_semaphore, #tpu.memory_space<semaphore_mem>>) src(%dma_wait3A_41 : memref<128x32xf32, #tpu.memory_space<vmem_shared>>) dst(%arg13 : memref<128x32xf32, #tpu.memory_space<vmem>>)
        tpu.yield
      }) : () -> ()
      %parallel_loop3A_33 = arith.constant 0 : i32
      %parallel_loop3A_34 = arith.constant 256 : i32
      %parallel_loop3A_35 = arith.constant 1 : i32
      scf.for %parallel_loop3A_36 = %parallel_loop3A_33 to %parallel_loop3A_34 step %parallel_loop3A_35  : i32 {
        %parallel_loop3A_37 = arith.constant 2 : i32
        %parallel_loop3A_38 = arith.divsi %parallel_loop3A_36, %parallel_loop3A_37 : i32
        %parallel_loop3A_39 = arith.constant 0 : i32
        %parallel_loop3A_40 = arith.cmpi sgt, %parallel_loop3A_36, %parallel_loop3A_39 : i32
        %parallel_loop3A_41 = arith.extui %parallel_loop3A_40 : i1 to i32
        %parallel_loop3A_42 = arith.constant 0 : i32
        %parallel_loop3A_43 = arith.cmpi slt, %parallel_loop3A_36, %parallel_loop3A_42 : i32
        %parallel_loop3A_44 = arith.extui %parallel_loop3A_43 : i1 to i32
        %parallel_loop3A_45 = arith.subi %parallel_loop3A_41, %parallel_loop3A_44 : i32
        %parallel_loop3A_46 = arith.constant 0 : i32
        %parallel_loop3A_47 = arith.cmpi sgt, %parallel_loop3A_37, %parallel_loop3A_46 : i32
        %parallel_loop3A_48 = arith.extui %parallel_loop3A_47 : i1 to i32
        %parallel_loop3A_49 = arith.constant 0 : i32
        %parallel_loop3A_50 = arith.cmpi slt, %parallel_loop3A_37, %parallel_loop3A_49 : i32
        %parallel_loop3A_51 = arith.extui %parallel_loop3A_50 : i1 to i32
        %parallel_loop3A_52 = arith.subi %parallel_loop3A_48, %parallel_loop3A_51 : i32
        %parallel_loop3A_53 = arith.cmpi ne, %parallel_loop3A_45, %parallel_loop3A_52 : i32
        %parallel_loop3A_54 = arith.remsi %parallel_loop3A_36, %parallel_loop3A_37 : i32
        %parallel_loop3A_55 = arith.constant 0 : i32
        %parallel_loop3A_56 = arith.cmpi ne, %parallel_loop3A_54, %parallel_loop3A_55 : i32
        %parallel_loop3A_57 = arith.andi %parallel_loop3A_53, %parallel_loop3A_56 : i1
        %parallel_loop3A_58 = arith.constant 1 : i32
        %parallel_loop3A_59 = arith.subi %parallel_loop3A_38, %parallel_loop3A_58 : i32
        %parallel_loop3A_60 = arith.select %parallel_loop3A_57, %parallel_loop3A_59, %parallel_loop3A_38 : i32
        %parallel_loop3A_61 = arith.constant 2 : i32
        %parallel_loop3A_62 = arith.constant 0 : i32
        %parallel_loop3A_63 = arith.cmpi eq, %parallel_loop3A_61, %parallel_loop3A_62 : i32
        %parallel_loop3A_64 = arith.constant 1 : i32
        %parallel_loop3A_65 = arith.select %parallel_loop3A_63, %parallel_loop3A_64, %parallel_loop3A_61 : i32
        %parallel_loop3A_66 = arith.remsi %parallel_loop3A_36, %parallel_loop3A_65 : i32
        %parallel_loop3A_67 = arith.constant 0 : i32
        %parallel_loop3A_68 = arith.cmpi ne, %parallel_loop3A_66, %parallel_loop3A_67 : i32
        %parallel_loop3A_69 = arith.constant 0 : i32
        %parallel_loop3A_70 = arith.cmpi slt, %parallel_loop3A_66, %parallel_loop3A_69 : i32
        %parallel_loop3A_71 = arith.constant 0 : i32
        %parallel_loop3A_72 = arith.cmpi slt, %parallel_loop3A_65, %parallel_loop3A_71 : i32
        %parallel_loop3A_73 = arith.xori %parallel_loop3A_70, %parallel_loop3A_72 : i1
        %parallel_loop3A_74 = arith.andi %parallel_loop3A_73, %parallel_loop3A_68 : i1
        %parallel_loop3A_75 = arith.addi %parallel_loop3A_66, %parallel_loop3A_65 : i32
        %parallel_loop3A_76 = arith.select %parallel_loop3A_74, %parallel_loop3A_75, %parallel_loop3A_66 : i32
        %parallel_loop3A_77 = arith.constant 16 : i32
        %parallel_loop3A_78 = arith.muli %parallel_loop3A_76, %parallel_loop3A_77 : i32
        %parallel_loop3A_79 = arith.index_cast %parallel_loop3A_60 : i32 to index
        %parallel_loop3A_80 = arith.index_cast %parallel_loop3A_78 : i32 to index
        %parallel_loop3A_81 = tpu.vector_load %arg13[%parallel_loop3A_79, %parallel_loop3A_80] {strides = array<i32>} : memref<128x32xf32, #tpu.memory_space<vmem>>, vector<16xf32>,
        %parallel_loop3A_82 = arith.maximumf %parallel_loop3A_81, %broadcast_in_dim3A_16 : vector<16xf32>
        %parallel_loop3A_83 = arith.index_cast %parallel_loop3A_60 : i32 to index
        %parallel_loop3A_84 = arith.index_cast %parallel_loop3A_78 : i32 to index
        %parallel_loop3A_85 = tpu.vector_load %arg13[%parallel_loop3A_83, %parallel_loop3A_84] {strides = array<i32>} : memref<128x32xf32, #tpu.memory_space<vmem>>, vector<16xf32>,
        tpu.vector_store %arg13[%parallel_loop3A_83, %parallel_loop3A_84], %parallel_loop3A_82 {strides = array<i32>} : memref<128x32xf32, #tpu.memory_space<vmem>>, vector<16xf32>,
      } {sc.loop_unroll_factor = 4 : i64, sc.parallel_access}
      "tpu.region"() ({
        %run_scoped3A = tpu.sem_alloc : memref<!tpu.dma_semaphore, #tpu.memory_space<semaphore_mem>>
        %dma_start3A = arith.constant 0 : i32
        %dma_start3A_36 = arith.constant 0 : i32
        %dma_start3A_37 = tpu.memref_slice %arg6[%arg0, %dma_start3A, %dma_start3A_36] : memref<2x50000x32xf32, #tpu.memory_space<hbm>> -> memref<1x50000x32xf32, #tpu.memory_space<hbm>>
        %dma_start3A_38 = tpu.memref_squeeze %dma_start3A_37 : memref<1x50000x32xf32, #tpu.memory_space<hbm>> -> memref<50000x32xf32, #tpu.memory_space<hbm>>
        %dma_start3A_39 = arith.constant 0 : i32
        %dma_start3A_40 = tpu.memref_slice %dma_start3A_38[%min3A_32, %dma_start3A_39] : memref<50000x32xf32, #tpu.memory_space<hbm>> -> memref<128x32xf32, #tpu.memory_space<hbm>>
        %dma_start3A_41 = arith.constant 0 : i32
        %dma_start3A_42 = arith.constant 0 : i32
        %dma_start3A_43 = tpu.memref_slice %arg6[%arg0, %dma_start3A_41, %dma_start3A_42] : memref<2x50000x32xf32, #tpu.memory_space<hbm>> -> memref<1x50000x32xf32, #tpu.memory_space<hbm>>
        %dma_start3A_44 = tpu.memref_squeeze %dma_start3A_43 : memref<1x50000x32xf32, #tpu.memory_space<hbm>> -> memref<50000x32xf32, #tpu.memory_space<hbm>>
        %dma_start3A_45 = arith.constant 0 : i32
        %dma_start3A_46 = tpu.memref_slice %dma_start3A_44[%min3A_32, %dma_start3A_45] : memref<50000x32xf32, #tpu.memory_space<hbm>> -> memref<128x32xf32, #tpu.memory_space<hbm>>
        tpu.enqueue_dma source(%arg13 : memref<128x32xf32, #tpu.memory_space<vmem>>) target(%dma_start3A_46 : memref<128x32xf32, #tpu.memory_space<hbm>>) target_semaphore(%run_scoped3A : memref<!tpu.dma_semaphore, #tpu.memory_space<semaphore_mem>>)
        %dma_wait3A = arith.constant 0 : i32
        %dma_wait3A_47 = arith.constant 0 : i32
        %dma_wait3A_48 = tpu.memref_slice %arg6[%arg0, %dma_wait3A, %dma_wait3A_47] : memref<2x50000x32xf32, #tpu.memory_space<hbm>> -> memref<1x50000x32xf32, #tpu.memory_space<hbm>>
        %dma_wait3A_49 = tpu.memref_squeeze %dma_wait3A_48 : memref<1x50000x32xf32, #tpu.memory_space<hbm>> -> memref<50000x32xf32, #tpu.memory_space<hbm>>
        %dma_wait3A_50 = arith.constant 0 : i32
        %dma_wait3A_51 = tpu.memref_slice %dma_wait3A_49[%min3A_32, %dma_wait3A_50] : memref<50000x32xf32, #tpu.memory_space<hbm>> -> memref<128x32xf32, #tpu.memory_space<hbm>>
        %dma_wait3A_52 = arith.constant 0 : i32
        %dma_wait3A_53 = arith.constant 0 : i32
        %dma_wait3A_54 = tpu.memref_slice %arg6[%arg0, %dma_wait3A_52, %dma_wait3A_53] : memref<2x50000x32xf32, #tpu.memory_space<hbm>> -> memref<1x50000x32xf32, #tpu.memory_space<hbm>>
        %dma_wait3A_55 = tpu.memref_squeeze %dma_wait3A_54 : memref<1x50000x32xf32, #tpu.memory_space<hbm>> -> memref<50000x32xf32, #tpu.memory_space<hbm>>
        %dma_wait3A_56 = arith.constant 0 : i32
        %dma_wait3A_57 = tpu.memref_slice %dma_wait3A_55[%min3A_32, %dma_wait3A_56] : memref<50000x32xf32, #tpu.memory_space<hbm>> -> memref<128x32xf32, #tpu.memory_space<hbm>>
        tpu.wait_dma2 semaphore(%run_scoped3A : memref<!tpu.dma_semaphore, #tpu.memory_space<semaphore_mem>>) src(%arg13 : memref<128x32xf32, #tpu.memory_space<vmem>>) dst(%dma_wait3A_57 : memref<128x32xf32, #tpu.memory_space<hbm>>)
        tpu.yield
      }) : () -> ()
    }
    %while3A_27 = arith.constant 1 : i32
    scf.for %while3A_28 = %while3A_25 to %while3A_21 step %while3A_27  : i32 {
      %mul3A = arith.constant 16 : i32
      %mul3A_29 = arith.muli %while3A_28, %mul3A : i32
      %add3A = arith.addi %arg1, %mul3A_29 : i32
      %mul3A_30 = arith.constant 128 : i32
      %mul3A_31 = arith.muli %add3A, %mul3A_30 : i32
      %min3A = arith.constant 49872 : i32
      %min3A_32 = arith.minsi %mul3A_31, %min3A : i32
      "tpu.region"() ({
        %run_scoped3A = tpu.sem_alloc : memref<!tpu.dma_semaphore, #tpu.memory_space<semaphore_mem>>
        %dma_start3A = arith.constant 0 : i32
        %dma_start3A_36 = tpu.memref_slice %arg7[%min3A_32, %dma_start3A] : memref<50000x32xf32, #tpu.memory_space<vmem_shared>> -> memref<128x32xf32, #tpu.memory_space<vmem_shared>>
        %dma_start3A_37 = arith.constant 0 : i32
        %dma_start3A_38 = tpu.memref_slice %arg7[%min3A_32, %dma_start3A_37] : memref<50000x32xf32, #tpu.memory_space<vmem_shared>> -> memref<128x32xf32, #tpu.memory_space<vmem_shared>>
        tpu.enqueue_dma source(%dma_start3A_38 : memref<128x32xf32, #tpu.memory_space<vmem_shared>>) target(%arg13 : memref<128x32xf32, #tpu.memory_space<vmem>>) target_semaphore(%run_scoped3A : memref<!tpu.dma_semaphore, #tpu.memory_space<semaphore_mem>>)
        %dma_wait3A = arith.constant 0 : i32
        %dma_wait3A_39 = tpu.memref_slice %arg7[%min3A_32, %dma_wait3A] : memref<50000x32xf32, #tpu.memory_space<vmem_shared>> -> memref<128x32xf32, #tpu.memory_space<vmem_shared>>
        %dma_wait3A_40 = arith.constant 0 : i32
        %dma_wait3A_41 = tpu.memref_slice %arg7[%min3A_32, %dma_wait3A_40] : memref<50000x32xf32, #tpu.memory_space<vmem_shared>> -> memref<128x32xf32, #tpu.memory_space<vmem_shared>>
        tpu.wait_dma2 semaphore(%run_scoped3A : memref<!tpu.dma_semaphore, #tpu.memory_space<semaphore_mem>>) src(%dma_wait3A_41 : memref<128x32xf32, #tpu.memory_space<vmem_shared>>) dst(%arg13 : memref<128x32xf32, #tpu.memory_space<vmem>>)
        tpu.yield
      }) : () -> ()
      %parallel_loop3A_33 = arith.constant 0 : i32
      %parallel_loop3A_34 = arith.constant 256 : i32
      %parallel_loop3A_35 = arith.constant 1 : i32
      scf.for %parallel_loop3A_36 = %parallel_loop3A_33 to %parallel_loop3A_34 step %parallel_loop3A_35  : i32 {
        %parallel_loop3A_37 = arith.constant 2 : i32
        %parallel_loop3A_38 = arith.divsi %parallel_loop3A_36, %parallel_loop3A_37 : i32
        %parallel_loop3A_39 = arith.constant 0 : i32
        %parallel_loop3A_40 = arith.cmpi sgt, %parallel_loop3A_36, %parallel_loop3A_39 : i32
        %parallel_loop3A_41 = arith.extui %parallel_loop3A_40 : i1 to i32
        %parallel_loop3A_42 = arith.constant 0 : i32
        %parallel_loop3A_43 = arith.cmpi slt, %parallel_loop3A_36, %parallel_loop3A_42 : i32
        %parallel_loop3A_44 = arith.extui %parallel_loop3A_43 : i1 to i32
        %parallel_loop3A_45 = arith.subi %parallel_loop3A_41, %parallel_loop3A_44 : i32
        %parallel_loop3A_46 = arith.constant 0 : i32
        %parallel_loop3A_47 = arith.cmpi sgt, %parallel_loop3A_37, %parallel_loop3A_46 : i32
        %parallel_loop3A_48 = arith.extui %parallel_loop3A_47 : i1 to i32
        %parallel_loop3A_49 = arith.constant 0 : i32
        %parallel_loop3A_50 = arith.cmpi slt, %parallel_loop3A_37, %parallel_loop3A_49 : i32
        %parallel_loop3A_51 = arith.extui %parallel_loop3A_50 : i1 to i32
        %parallel_loop3A_52 = arith.subi %parallel_loop3A_48, %parallel_loop3A_51 : i32
        %parallel_loop3A_53 = arith.cmpi ne, %parallel_loop3A_45, %parallel_loop3A_52 : i32
        %parallel_loop3A_54 = arith.remsi %parallel_loop3A_36, %parallel_loop3A_37 : i32
        %parallel_loop3A_55 = arith.constant 0 : i32
        %parallel_loop3A_56 = arith.cmpi ne, %parallel_loop3A_54, %parallel_loop3A_55 : i32
        %parallel_loop3A_57 = arith.andi %parallel_loop3A_53, %parallel_loop3A_56 : i1
        %parallel_loop3A_58 = arith.constant 1 : i32
        %parallel_loop3A_59 = arith.subi %parallel_loop3A_38, %parallel_loop3A_58 : i32
        %parallel_loop3A_60 = arith.select %parallel_loop3A_57, %parallel_loop3A_59, %parallel_loop3A_38 : i32
        %parallel_loop3A_61 = arith.constant 2 : i32
        %parallel_loop3A_62 = arith.constant 0 : i32
        %parallel_loop3A_63 = arith.cmpi eq, %parallel_loop3A_61, %parallel_loop3A_62 : i32
        %parallel_loop3A_64 = arith.constant 1 : i32
        %parallel_loop3A_65 = arith.select %parallel_loop3A_63, %parallel_loop3A_64, %parallel_loop3A_61 : i32
        %parallel_loop3A_66 = arith.remsi %parallel_loop3A_36, %parallel_loop3A_65 : i32
        %parallel_loop3A_67 = arith.constant 0 : i32
        %parallel_loop3A_68 = arith.cmpi ne, %parallel_loop3A_66, %parallel_loop3A_67 : i32
        %parallel_loop3A_69 = arith.constant 0 : i32
        %parallel_loop3A_70 = arith.cmpi slt, %parallel_loop3A_66, %parallel_loop3A_69 : i32
        %parallel_loop3A_71 = arith.constant 0 : i32
        %parallel_loop3A_72 = arith.cmpi slt, %parallel_loop3A_65, %parallel_loop3A_71 : i32
        %parallel_loop3A_73 = arith.xori %parallel_loop3A_70, %parallel_loop3A_72 : i1
        %parallel_loop3A_74 = arith.andi %parallel_loop3A_73, %parallel_loop3A_68 : i1
        %parallel_loop3A_75 = arith.addi %parallel_loop3A_66, %parallel_loop3A_65 : i32
        %parallel_loop3A_76 = arith.select %parallel_loop3A_74, %parallel_loop3A_75, %parallel_loop3A_66 : i32
        %parallel_loop3A_77 = arith.constant 16 : i32
        %parallel_loop3A_78 = arith.muli %parallel_loop3A_76, %parallel_loop3A_77 : i32
        %parallel_loop3A_79 = arith.index_cast %parallel_loop3A_60 : i32 to index
        %parallel_loop3A_80 = arith.index_cast %parallel_loop3A_78 : i32 to index
        %parallel_loop3A_81 = tpu.vector_load %arg13[%parallel_loop3A_79, %parallel_loop3A_80] {strides = array<i32>} : memref<128x32xf32, #tpu.memory_space<vmem>>, vector<16xf32>,
        %parallel_loop3A_82 = arith.maximumf %parallel_loop3A_81, %broadcast_in_dim3A_16 : vector<16xf32>
        %parallel_loop3A_83 = arith.index_cast %parallel_loop3A_60 : i32 to index
        %parallel_loop3A_84 = arith.index_cast %parallel_loop3A_78 : i32 to index
        %parallel_loop3A_85 = tpu.vector_load %arg13[%parallel_loop3A_83, %parallel_loop3A_84] {strides = array<i32>} : memref<128x32xf32, #tpu.memory_space<vmem>>, vector<16xf32>,
        tpu.vector_store %arg13[%parallel_loop3A_83, %parallel_loop3A_84], %parallel_loop3A_82 {strides = array<i32>} : memref<128x32xf32, #tpu.memory_space<vmem>>, vector<16xf32>,
      } {sc.loop_unroll_factor = 4 : i64, sc.parallel_access}
      "tpu.region"() ({
        %run_scoped3A = tpu.sem_alloc : memref<!tpu.dma_semaphore, #tpu.memory_space<semaphore_mem>>
        %dma_start3A = arith.constant 0 : i32
        %dma_start3A_36 = arith.constant 0 : i32
        %dma_start3A_37 = tpu.memref_slice %arg6[%arg0, %dma_start3A, %dma_start3A_36] : memref<2x50000x32xf32, #tpu.memory_space<hbm>> -> memref<1x50000x32xf32, #tpu.memory_space<hbm>>
        %dma_start3A_38 = tpu.memref_squeeze %dma_start3A_37 : memref<1x50000x32xf32, #tpu.memory_space<hbm>> -> memref<50000x32xf32, #tpu.memory_space<hbm>>
        %dma_start3A_39 = arith.constant 0 : i32
        %dma_start3A_40 = tpu.memref_slice %dma_start3A_38[%min3A_32, %dma_start3A_39] : memref<50000x32xf32, #tpu.memory_space<hbm>> -> memref<128x32xf32, #tpu.memory_space<hbm>>
        %dma_start3A_41 = arith.constant 0 : i32
        %dma_start3A_42 = arith.constant 0 : i32
        %dma_start3A_43 = tpu.memref_slice %arg6[%arg0, %dma_start3A_41, %dma_start3A_42] : memref<2x50000x32xf32, #tpu.memory_space<hbm>> -> memref<1x50000x32xf32, #tpu.memory_space<hbm>>
        %dma_start3A_44 = tpu.memref_squeeze %dma_start3A_43 : memref<1x50000x32xf32, #tpu.memory_space<hbm>> -> memref<50000x32xf32, #tpu.memory_space<hbm>>
        %dma_start3A_45 = arith.constant 0 : i32
        %dma_start3A_46 = tpu.memref_slice %dma_start3A_44[%min3A_32, %dma_start3A_45] : memref<50000x32xf32, #tpu.memory_space<hbm>> -> memref<128x32xf32, #tpu.memory_space<hbm>>
        tpu.enqueue_dma source(%arg13 : memref<128x32xf32, #tpu.memory_space<vmem>>) target(%dma_start3A_46 : memref<128x32xf32, #tpu.memory_space<hbm>>) target_semaphore(%run_scoped3A : memref<!tpu.dma_semaphore, #tpu.memory_space<semaphore_mem>>)
        %dma_wait3A = arith.constant 0 : i32
        %dma_wait3A_47 = arith.constant 0 : i32
        %dma_wait3A_48 = tpu.memref_slice %arg6[%arg0, %dma_wait3A, %dma_wait3A_47] : memref<2x50000x32xf32, #tpu.memory_space<hbm>> -> memref<1x50000x32xf32, #tpu.memory_space<hbm>>
        %dma_wait3A_49 = tpu.memref_squeeze %dma_wait3A_48 : memref<1x50000x32xf32, #tpu.memory_space<hbm>> -> memref<50000x32xf32, #tpu.memory_space<hbm>>
        %dma_wait3A_50 = arith.constant 0 : i32
        %dma_wait3A_51 = tpu.memref_slice %dma_wait3A_49[%min3A_32, %dma_wait3A_50] : memref<50000x32xf32, #tpu.memory_space<hbm>> -> memref<128x32xf32, #tpu.memory_space<hbm>>
        %dma_wait3A_52 = arith.constant 0 : i32
        %dma_wait3A_53 = arith.constant 0 : i32
        %dma_wait3A_54 = tpu.memref_slice %arg6[%arg0, %dma_wait3A_52, %dma_wait3A_53] : memref<2x50000x32xf32, #tpu.memory_space<hbm>> -> memref<1x50000x32xf32, #tpu.memory_space<hbm>>
        %dma_wait3A_55 = tpu.memref_squeeze %dma_wait3A_54 : memref<1x50000x32xf32, #tpu.memory_space<hbm>> -> memref<50000x32xf32, #tpu.memory_space<hbm>>
        %dma_wait3A_56 = arith.constant 0 : i32
        %dma_wait3A_57 = tpu.memref_slice %dma_wait3A_55[%min3A_32, %dma_wait3A_56] : memref<50000x32xf32, #tpu.memory_space<hbm>> -> memref<128x32xf32, #tpu.memory_space<hbm>>
        tpu.wait_dma2 semaphore(%run_scoped3A : memref<!tpu.dma_semaphore, #tpu.memory_space<semaphore_mem>>) src(%arg13 : memref<128x32xf32, #tpu.memory_space<vmem>>) dst(%dma_wait3A_57 : memref<128x32xf32, #tpu.memory_space<hbm>>)
        tpu.yield
      }) : () -> ()
    }
    return
  }
}

</mosaic_0001>

<sc_bundles>
// kernel: kernel.3.cloned.1.call-start
scs
__scs_entry_jumppad:
0x0: {  	(pc) =	sbr.rel $0x88, $3  }
0x1: {  	(tag) =	ssettag $0x0;
	lr =	simm.s32 $0x1  }
0x2: {  	[smem:$0x3F9C] =	sst lr;
	_ =	strace $0xD0000000  }
0x3: {  	_ = 	snop  }
0x4: {  	_ = 	snop  }
0x5: {  	_ = 	snop  }
0x6: {  	_ = 	snop  }
0x7: {  	_ = 	snop  }
__scs_overlays_trampoline_lowered:
0x8: {  	[smem:$0x3FAB] =	sst s0  }
0x9: {  	[smem:$0x3FAC] =	sst s1  }
0xa: {  	[smem:$0x3FAD] =	sst s2  }
0xb: {  	[smem:$0x3FAE] =	sst s3  }
0xc: {  	[smem:$0x3FAF] =	sst s4  }
0xd: {  	[smem:$0x3FB0] =	sst s5  }
0xe: {  	[smem:$0x3FB1] =	sst s6  }
0xf: {  	[smem:$0x3FB2] =	sst s7  }
0x10: {  	[smem:$0x3FB3] =	sst s8  }
0x11: {  	[smem:$0x3FB4] =	sst s9;
	s0 =	simm.s32 @!p0 $0x0  }
0x12: {  	s1 =	sld [smem:$0x3F9A];
	s0 =	simm.s32 @p0 $0x1  }
0x13: {  	[smem:$0x3FB5] =	sst s0;
	s0 =	simm.s32 @!p1 $0x0  }
0x14: {  	s2 =	sld [smem:$0x3F99];
	s0 =	simm.s32 @p1 $0x1  }
0x15: {  	[smem:$0x3FB6] =	sst s0;
	s0 =	simm.s32 @!p2 $0x0  }
0x16: {  	s3 =	sld [smem:$0x3FDB];
	s0 =	simm.s32 @p2 $0x1  }
0x17: {  	s4 =	simm.s32 $0x1BF5;
	[smem:$0x3FB8] =	sst s0  }
0x18: {  	s0 =	sld [smem:$0x3F9B];
	_ =	swait.ge [sflag:s4], $0x0  }
0x19: {  	s7 =	sld [smem:$0x3F9C]  }
0x1a: {  	s8 =	sadd.s32 $0xFFFFE003, lr  }
0x1b: {  	s9 =	sadd.s32 $0xFFFFFEF7, lr;
	s5 =	simm.s32 $0xFFFFFFFF;
	p2 =	slt.u32 s8, $0xFFFFF086  }
0x1c: {  	p1 =	slt.u32 s9, $0xF7A;
	s5 =	simm.s32 @!p2 $0x0  }
0x1d: {  	s5 =	simm.s32 @p1 $0x1;
	p0 =	seq.s32 s7, s2  }
0x1e: {  	s7 =	smul.u32 @!p0 $0xF7A, s2;
	p2 =	seq.s32 @!p0 s5, $0x0  }
0x1f: {  	s9 =	smul.u32 $0xF7A, s1;
	s8 =	simm.s32 @!p0 $0x1BF5;
	p2 =	por !p2, p0  }
0x20: {  	[sflag:s8] =	ssyncset.s32 @!p0 $0xFFFFF086;
	s6 =	sadd.s32 @!p0 s3, s7;
	s7 =	simm.s32 @!p0 $0x108  }
0x21: {  	s3 =	sadd.s32 s3, s9;
	s6 =	sadd.s32 @!p0 $0x88, s6;
	s7 =	simm.s32 @p2 $0x1082  }
0x22: {  	[simem:s7], [sflag:s8] =	dma.local @!p0 [hbm:s6], $0xF7A  }
0x23: {  	s9 =	sor.u32 $0xD0000000, s2;
	s6 =	simm.s32 $0x108;
	_ =	swait.ge @!p0 [sflag:s8], $0x0  }
0x24: {  	s3 =	sadd.s32 $0x88, s3;
	s6 =	simm.s32 @!p1 $0x1082;
	[sflag:s4] =	ssyncset.s32 $0xFFFFF086  }
0x25: {  	[simem:s6], [sflag:s4] =	dma.local [hbm:s3], $0xF7A  }
0x26: {  	[smem:$0x3F9C] =	sst s1;
	(tag) =	ssettag s2;
	_ =	strace s9  }
0x27: {  	s1 =	sld [smem:$0x3FAC]  }
0x28: {  	s2 =	sld [smem:$0x3FAD]  }
0x29: {  	s4 =	sld [smem:$0x3FAF]  }
0x2a: {  	p0 =	seq.s32 s5, $0x0;
	s5 =	sld [smem:$0x3FB0]  }
0x2b: {  	s6 =	sld [smem:$0x3FB1]  }
0x2c: {  	s7 =	sld [smem:$0x3FB2]  }
0x2d: {  	s3 =	simm.s32 $0x108;
	s8 =	sld [smem:$0x3FB3]  }
0x2e: {  	s3 =	simm.s32 @!p0 $0x1082;
	s9 =	sld [smem:$0x3FB4]  }
0x2f: {  	lr =	sadd.s32 s0, s3;
	s0 =	sld [smem:$0x3FAB]  }
0x30: {  	s3 =	sld [smem:$0x3FAE]  }
0x31: {  	[smem:$0x3FB7] =	sst s10  }
0x32: {  	s10 =	sld [smem:$0x3FB5];
	_ =	sdelay $0x3  }
0x33: {  	p0 =	seq.s32 s10, $0x1;
	s10 =	sld [smem:$0x3FB7];
	_ =	sdelay $0x3  }
0x34: {  	[smem:$0x3FB7] =	sst s10  }
0x35: {  	s10 =	sld [smem:$0x3FB6];
	_ =	sdelay $0x3  }
0x36: {  	p1 =	seq.s32 s10, $0x1;
	s10 =	sld [smem:$0x3FB7];
	_ =	sdelay $0x3  }
0x37: {  	[smem:$0x3FB7] =	sst s10  }
0x38: {  	s10 =	sld [smem:$0x3FB8]  }
0x39: {  	_ = 	snop;
	(pc) =	sbr.ind lr, $3  }
0x3a: {  	_ = 	snop  }
0x3b: {  	_ = 	snop  }
0x3c: {  	p2 =	seq.s32 s10, $0x1;
	s10 =	sld [smem:$0x3FB7]  }
0x3d: {  	_ =	shalt  }
0x3e: {  	_ =	shalt  }
0x3f: {  	_ =	shalt  }
0x40: {  	_ =	shalt  }
0x41: {  	_ =	shalt  }
0x42: {  	_ =	shalt  }
0x43: {  	_ =	shalt  }
0x44: {  	_ =	shalt  }
0x45: {  	_ =	shalt  }
0x46: {  	_ =	shalt  }
0x47: {  	_ =	shalt  }
0x48: {  	_ =	shalt  }
0x49: {  	_ =	shalt  }
0x4a: {  	_ =	shalt  }
0x4b: {  	_ =	shalt  }
0x4c: {  	_ =	shalt  }
0x4d: {  	_ =	shalt  }
0x4e: {  	_ =	shalt  }
0x4f: {  	_ =	shalt  }
0x50: {  	_ =	shalt  }
0x51: {  	_ =	shalt  }
0x52: {  	_ =	shalt  }
0x53: {  	_ =	shalt  }
0x54: {  	_ =	shalt  }
0x55: {  	_ =	shalt  }
0x56: {  	_ =	shalt  }
0x57: {  	_ =	shalt  }
0x58: {  	_ =	shalt  }
0x59: {  	_ =	shalt  }
0x5a: {  	_ =	shalt  }
0x5b: {  	_ =	shalt  }
0x5c: {  	_ =	shalt  }
0x5d: {  	_ =	shalt  }
0x5e: {  	_ =	shalt  }
0x5f: {  	_ =	shalt  }
0x60: {  	_ =	shalt  }
0x61: {  	_ =	shalt  }
0x62: {  	_ =	shalt  }
0x63: {  	_ =	shalt  }
0x64: {  	_ =	shalt  }
0x65: {  	_ =	shalt  }
0x66: {  	_ =	shalt  }
0x67: {  	_ =	shalt  }
0x68: {  	_ =	shalt  }
0x69: {  	_ =	shalt  }
0x6a: {  	_ =	shalt  }
0x6b: {  	_ =	shalt  }
0x6c: {  	_ =	shalt  }
0x6d: {  	_ =	shalt  }
0x6e: {  	_ =	shalt  }
0x6f: {  	_ =	shalt  }
0x70: {  	_ =	shalt  }
0x71: {  	_ =	shalt  }
0x72: {  	_ =	shalt  }
0x73: {  	_ =	shalt  }
0x74: {  	_ =	shalt  }
0x75: {  	_ =	shalt  }
0x76: {  	_ =	shalt  }
0x77: {  	_ =	shalt  }
0x78: {  	_ =	shalt  }
0x79: {  	_ =	shalt  }
0x7a: {  	_ =	shalt  }
0x7b: {  	_ =	shalt  }
0x7c: {  	_ =	shalt  }
0x7d: {  	_ =	shalt  }
0x7e: {  	_ =	shalt  }
0x7f: {  	_ =	shalt  }
0x80: {  	_ =	shalt  }
0x81: {  	_ =	shalt  }
0x82: {  	_ =	shalt  }
0x83: {  	_ =	shalt  }
0x84: {  	_ =	shalt  }
0x85: {  	_ =	shalt  }
0x86: {  	_ =	shalt  }
0x87: {  	_ =	shalt  }
.Lfunc_end0:
.L_simem_size_0:
called_computation_lowered:
.L_overlay_start_0:
0x88: {  	s2 =	sld [smem:$0x3FD9]  }
0x89: {  	s3 =	sld [smem:$0x3FFE];
	_ =	sdelay $0x1  }
0x8a: {  	s1 =	srdreg.scid  }
0x8b: {  	s0 =	sand.u32 $0x1, s1  }
0x8c: {  	s17 =	sshll.u32 s0, $0xA;
	s2 =	sadd.s32 s3, s2  }
0x8d: {  	s2 =	sadd.s32 s2, s17  }
0x8e: {  	[smem:$0x3FC3] =	sst s2  }
0x8f: {  	_ = 	snop  }
0x90: {  	s2 =	sld [smem:$0x3FD0];
	(tm) =	ssettm $0x1  }
0x91: {  	s18 =	sld [smem:$0x3FFB];
	_ =	sdelay $0x3  }
0x92: {  	_ =	strace s18  }
0x93: {  	s3 =	sld [smem:$0x3FFC];
	_ =	sdelay $0x3  }
0x94: {  	_ =	strace s3  }
0x95: {  	s3 =	sld [smem:$0x3FFD];
	_ =	sdelay $0x3  }
0x96: {  	_ =	strace s3  }
0x97: {  	_ =	strace $0x8FFFFFFF  }
0x98: {  	s19 =	sld [smem:$0x3FDB];
	_ =	sdelay $0x1  }
0x99: {  	s4 =	simm.s32 $_scs_section_size  }
0x9a: {  	s5 =	simm.s32 $_size__tile_overlayer_lowered;
	s6 =	simm.s32 $_tile_overlayer_lowered  }
0x9b: {  	s22 =	simm.s32 $0x1BFF;
	s21 =	sshll.u32 s6, $0x1;
	s3 =	sadd.s32 s4, s19  }
0x9c: {  	s7 =	simm.s32 $0x0;
	s20 =	sshll.u32 s5, $0x1;
	s5 =	sadd.s32 s21, s3  }
0x9d: {  	[timem:s7], [sflag:s22] =	dma.local [hbm:s5], s20  }
0x9e: {  	_ =	swait.ge [sflag:s22], s20  }
0x9f: {  	s4 =	ssub.s32 $0x0, s20;
	[sflag:s22] =	ssyncset.done $0x0  }
0xa0: {  	[sflag:s22] =	ssyncadd.s32 s4;
	_ =	sdelay $0x1  }
0xa1: {  	s23 =	simm.s32 $0x1B8B  }
0xa2: {  	_ =	swait.ge [sflag:s23], $0x1  }
0xa3: {  	[sflag:s23] =	ssyncset.done $0x0  }
0xa4: {  	s25 =	simm.s32 $0x1B8E;
	s24 =	sld [smem:$0x3FFE];
	[sflag:s23] =	ssyncadd.s32 $0xFFFFFFFF  }
0xa5: {  	s26 =	simm.s32 $execute0_lowered;
	[smem:$0x3FD2] =	sst s25  }
0xa6: {  	s5 =	sshll.u32 s26, $0x1;
	_ =	strace $0x80000046;
	[dreg:$0x1] =	wrdreg $0xFFFFFFFF  }
0xa7: {  	s28 =	simm.s32 $_size_execute0_lowered;
	s3 =	sadd.s32 s3, s5;
	[dreg:$0x0] =	wrdreg $0x0  }
0xa8: {  	s5 =	sshll.u32 s28, $0x1;
	[dreg:$0x2] =	wrdreg s3  }
0xa9: {  	[dreg:$0x3] =	wrdreg s5  }
0xaa: {  	[dreg:$0x4] =	wrdreg $0xC0  }
0xab: {  	_ =	task [dreg:s7], $0x5FFFF  }
0xac: {  	[dreg:$0x1] =	wrdreg $0xFFFFFFFF  }
0xad: {  	[dreg:$0x0] =	wrdreg $0x60  }
0xae: {  	[dreg:$0x2] =	wrdreg s24  }
0xaf: {  	[dreg:$0x3] =	wrdreg s2  }
0xb0: {  	[dreg:$0x4] =	wrdreg $0x0  }
0xb1: {  	[dreg:$0x5] =	wrdreg $0x9  }
0xb2: {  	_ =	task.clear_ibuf [dreg:s7], $0x6FFFF;
	_ =	strace $0x90000046  }
0xb3: {  	s29 =	simm.s32 $0x9;
	_ =	strace $0x80000048  }
0xb4: {  	_ =	swait.ge [sflag:s29], $0x1  }
0xb5: {  	[sflag:s29] =	ssyncadd.s32 $0xFFFFFFFF  }
0xb6: {  	_ =	strace $0x90000048  }
0xb7: {  	_ =	sfence  }
0xb8: {  	s30 =	sld [smem:$0x0];
	_ =	sdelay $0x2  }
0xb9: {  	s31 =	sshll.u32 s1, $0xD;
	s1 =	sshrl.u32 s1, $0x2  }
0xba: {  	s3 =	sand.u32 $0x4000, s31;
	s1 =	sadd.s32 s1, s30  }
0xbb: {  	s0 =	sor.u32 s3, s0;
	s1 =	sshll.u32 s1, $0x11  }
0xbc: {  	s0 =	sor.u32 s1, s0  }
0xbd: {  	s0 =	sadd.s32 $0x8F2B, s0  }
0xbe: {  	[sflag:s0] =	ssyncadd.remote.s32 $0x1  }
0xbf: {  	_ =	sfence.sel $0xFFFF  }
0xc0: {  	[dreg:$0x0] =	wrdreg $0xFFFFFFFF;
	(pc) =	sbr.abs _section_cstart, $3  }
0xc1: {  	[dreg:$0x1] =	wrdreg $0xFFFFFFFF  }
0xc2: {  	_ =	task.clear_ibuf [dreg:s7], $0x2FFFF;
	_ =	strace $0x9FFFFFFF  }
0xc3: {  	(tm) =	ssettm $0x7FFFFFFF  }
tec
execute0_lowered:
.L_overlay_start_1:
0x0: {  	(tag) =	ssettag $0x1  }
0x1: {  	s9 =	rddreg [dreg:$0x0]  }
0x2: {  	s0 =	rddreg [dreg:$0x1]  }
0x3: {  	s2 =	rddreg [dreg:$0x2];
	s1 =	simm.s32 $0x0  }
0x4: {  	s30 =	srdreg.scid;
	s11 =	stileid.u32;
	s14 =	simm.s32 $0x1BEA0  }
0x5: {  	s15 =	simm.s32 $0x5;
	s16 =	simm.s32 $0x186A0;
	s17 =	simm.s32 $0x18EA0  }
0x6: {  	s18 =	simm.s32 $0x196A0;
	s19 =	simm.s32 $0x80;
	s20 =	simm.s32 $0x19EA0  }
0x7: {  	s22 =	simm.s32 $0x1AEA0;
	s23 =	simm.s32 $0x1;
	s24 =	simm.s32 $0x3  }
0x8: {  	s26 =	simm.s32 $0x2;
	s29 =	simm.s32 $0x4;
	s13 =	simm.s32 $0x19620  }
0x9: {  	[smem:$0x7FF] =	sst s1;
	s1 =	sand.u32 $0x1, s30;
	s7 =	smul.u32 $0xC40, s11  }
0xa: {  	s5 =	sadd.s32 $0x32000, s9;
	s6 =	sadd.s32 $0x19000, s9;
	s3 =	smul.u32 $0x61A80, s1  }
0xb: {  	p0 =	slt.u32 s11, $0x7;
	_ =	strace $0x80000047;
	s4 =	ssub.s32 $0x2, s1  }
0xc: {  	s1 =	smul.u32 $0x30D40, s1;
	s8 =	sshrl.u32 s4, $0x1;
	s3 =	sadd.s32 s3, s9  }
0xd: {  	s4 =	ssub.s32 s4, s8;
	s8 =	smul.u32 $0x19, s11;
	s9 =	simm.s32 $0x19  }
0xe: {  	s11 =	sshll.u32 s11, $0x7;
	s12 =	sadd.s32 s0, s1;
	s1 =	simm.s32 $0x18E20  }
0xf: {  	s10 =	sadd.s32 $0x30D400, s3;
	s9 =	simm.s32 @!p0 $0x18;
	s31 =	smax.u32 s4, $0x1  }
0x10: {  	v0 =	vimm.f32 $0.0e+00;
	s3 =	simm.s32 $0x18DA0;
	s4 =	simm.s32 $0x0;
	[dreg:$0x4] =	wrdreg s31  }
.LBB2_1:
0x11: {  	s21 =	simm.s32 $0x1BEC0  }
0x12: {  	[tilespmem:s21+$0xFFFFFFE0] =	vst v0  }
0x13: {  	[tilespmem:s21+$0x10] =	vst v0  }
0x14: {  	s0 =	simm.s32 $0x0;
	[tilespmem:s21+$0x0] =	vst v0  }
.LBB2_2:
0x15: {  	s0 =	sadd.s32 $0x4, s0  }
0x16: {  	[tilespmem:s21+$0xFFFFFFF0] =	vst v0;
	s21 =	sadd.s32 $0x40, s21;
	p0 =	slt.u32 s0, $0xFC  }
.Ltmp0:
0x17: {  	[tilespmem:s21+$0xFFFFFFE0] =	vst v0;
	(pc) =	sbr.rel @p0 .LBB2_2-.Ltmp0, $3  }
0x18: {  	_ =	sdelay $0x1  }
0x19: {  	[tilespmem:s21+$0x10] =	vst v0  }
0x1a: {  	[tilespmem:s21+$0x0] =	vst v0  }
0x1b: {  	s0 =	sadd.s32 $0x0, s7  }
0x1c: {  	s0 =	smin.u32 s0, $0xC2D0  }
0x1d: {  	s0 =	sshll.u32 s0, $0x5  }
0x1e: {  	[tilespmem:s21+$0xFFFFFFF0] =	vst v0;
	s0 =	sadd.s32 s0, s2  }
0x1f: {  	[spmem:s0] =	stream.linear.scatter [tilespmem:s14], [sflag:$0x5], $0x1000, $0x38;
	[tilespmem:$0x1CEA0] =	vst v63  }
0x20: {  	s0 =	simm.s32 $0x80  }
.LBB2_4:
0x21: {  	s21 =	sadd.s32 s0, s7;
	p0 =	sne.s32 s0, $0xC00  }
.Ltmp1:
0x22: {  	s21 =	smin.u32 s21, $0xC2D0;
	(pc) =	sbr.rel @p0 .LBB2_4-.Ltmp1, $4  }
0x23: {  	s21 =	sshll.u32 s21, $0x5;
	_ =	swait.ge [sflag:s15], $0x1000  }
0x24: {  	s21 =	sadd.s32 s21, s2;
	[sflag:s15] =	ssyncset.done $0x0  }
0x25: {  	s0 =	sadd.s32 $0x80, s0;
	[sflag:s15] =	ssyncadd.s32 $0xFFFFF000  }
0x26: {  	[spmem:s21] =	stream.linear.scatter [tilespmem:s14], [sflag:$0x5], $0x1000, $0x38;
	[tilespmem:$0x1CEA0] =	vst v63  }
0x27: {  	[dreg:$0x5] =	wrdreg s4  }
0x28: {  	_ =	swait.ge [sflag:s15], $0x1000  }
0x29: {  	[sflag:s15] =	ssyncset.done $0x0  }
0x2a: {  	[sflag:s15] =	ssyncadd.s32 $0xFFFFF000  }
0x2b: {  	s21 =	simm.s32 $0x0;
	s25 =	simm.s32 $0x0;
	[bflag:$0x0] =	sbarrier.arrive $0xFFFF  }
.LBB2_6:
0x2c: {  	s0 =	sadd.s32 s8, s25  }
0x2d: {  	s0 =	sshll.u32 s0, $0x8  }
0x2e: {  	s28 =	sadd.s32 s5, s0  }
0x2f: {  	[tilespmem:s16], [sflag:$0x5] =	stream.linear.gather [hbm4b:s28+s21], $0x800, $0x38;
	[tilespmem:$0x1CEA0] =	vst v63  }
0x30: {  	_ =	swait.ge [sflag:s15], $0x800  }
0x31: {  	[sflag:s15] =	ssyncset.done $0x0  }
0x32: {  	s28 =	sadd.s32 s6, s0;
	[sflag:s15] =	ssyncadd.s32 $0xFFFFF800  }
0x33: {  	[tilespmem:s17], [sflag:$0x5] =	stream.linear.gather [hbm4b:s28+s21], $0x800, $0x38;
	[tilespmem:$0x1CEA0] =	vst v63  }
0x34: {  	_ =	swait.ge [sflag:s15], $0x800  }
0x35: {  	[sflag:s15] =	ssyncset.done $0x0  }
0x36: {  	[sflag:s15] =	ssyncadd.s32 $0xFFFFF800  }
0x37: {  	s4 =	rddreg [dreg:$0x0]  }
0x38: {  	s0 =	sadd.s32 s4, s0  }
0x39: {  	[tilespmem:s18], [sflag:$0x5] =	stream.linear.gather [hbm4b:s0+s21], $0x800, $0x38;
	[tilespmem:$0x1CEA0] =	vst v63  }
0x3a: {  	_ =	swait.ge [sflag:s15], $0x800  }
0x3b: {  	v1 =	vmov s21;
	s4 =	simm.s32 $0x1;
	[sflag:s15] =	ssyncset.done $0x0  }
0x3c: {  	v1 =	vand.u32 $0xFFFFFFFC, v1;
	s28 =	simm.s32 $0x3;
	v2 =	vmov s4;
	s4 =	simm.s32 $0x2;
	[sflag:s15] =	ssyncadd.s32 $0xFFFFF800  }
0x3d: {  	v1 =	vbroadcast v1, $0x0;
	[tilespmem:s20], [sflag:$0x1] =	stream.indirect.gather [hbm4b:s10+s19], $0x20, s17, s19, $0xb8;
	[tilespmem:$0x1CEA0] =	vst v63  }
0x3e: {  	v3 =	vmov s28;
	v2 =	vand.u32 $0xFFFFFFFD, v2;
	v4 =	vmov s4;
	s4 =	simm.s32 $0x18F20  }
0x3f: {  	v2 =	vbroadcast v2, $0x0;
	v4 =	vand.u32 $0xFFFFFFFE, v4;
	[tilespmem:s22], [sflag:$0x2] =	stream.indirect.gather [hbm4b:s10+s19], $0x20, s4, s19, $0xb8;
	[tilespmem:$0x1CEA0] =	vst v63  }
0x40: {  	v5 =	vbroadcast v4, $0x0;
	_ =	swait.ge [sflag:s23], $0x1000  }
0x41: {  	[sflag:s23] =	ssyncset.done $0x0  }
0x42: {  	[sflag:s23] =	ssyncadd.s32 $0xFFFFF000  }
0x43: {  	v3 =	vld.idx.msk [tilespmem:v3+s18+$0x0], $0xffff  }
0x44: {  	v4 =	vld.idx.msk [tilespmem:v1+s18+$0x0], $0xffff  }
0x45: {  	v2 =	vld.idx.msk [tilespmem:v2+s18+$0x0], $0xffff  }
0x46: {  	s28 =	simm.s32 $0x19EE0;
	v1 =	vld.idx.msk [tilespmem:v5+s18+$0x0], $0xffff  }
0x47: {  	s4 =	simm.s32 $0x4;
	v5 =	vld [tilespmem:s28+$0x10]  }
0x48: {  	s30 =	simm.s32 $0x7;
	v7 =	vmov s4;
	s4 =	simm.s32 $0x5;
	v6 =	vld [tilespmem:s28+$0xFFFFFFC0]  }
0x49: {  	s31 =	simm.s32 $0x8;
	s0 =	simm.s32 $0x6;
	v9 =	vand.u32 $0xFFFFFFFC, v7;
	v10 =	vmov s4;
	v7 =	vmov s30;
	s30 =	simm.s32 $0x19EE0;
	v8 =	vld [tilespmem:s28+$0xFFFFFFD0]  }
.LBB2_7:
0x4a: {  	p0 =	slt.u32 s31, $0x7C;
	v9 =	vbroadcast v9, $0x0;
	v10 =	vand.u32 $0xFFFFFFFD, v10;
	v11 =	vmov s0;
	v12 =	vld [tilespmem:s28+$0xFFFFFFE0]  }
0x4b: {  	v10 =	vbroadcast v10, $0x0;
	v11 =	vand.u32 $0xFFFFFFFE, v11;
	v13 =	vld [tilespmem:s28+$0xFFFFFFF0]  }
0x4c: {  	v11 =	vbroadcast v11, $0x0;
	v14 =	vld [tilespmem:s28+$0x0];
	v5 =	vmul.f32 v5, v1  }
0x4d: {  	v6 =	vmul.f32 v6, v4;
	v15 =	vld [tilespmem:s28+$0x20]  }
0x4e: {  	v8 =	vmul.f32 v8, v4;
	[tilespmem:s28+$0x10] =	vst v5;
	v16 =	vld [tilespmem:s28+$0x30]  }
0x4f: {  	v17 =	vld.idx.msk [tilespmem:v7+s18+$0x0], $0xffff;
	[tilespmem:s28+$0xFFFFFFC0] =	vst v6;
	v5 =	vmul.f32 v12, v2  }
0x50: {  	v4 =	vld.idx.msk [tilespmem:v9+s18+$0x0], $0xffff;
	[tilespmem:s28+$0xFFFFFFD0] =	vst v8;
	v6 =	vmul.f32 v13, v2  }
.Ltmp2:
0x51: {  	v2 =	vld.idx.msk [tilespmem:v10+s18+$0x0], $0xffff;
	[tilespmem:s28+$0xFFFFFFE0] =	vst v5;
	v7 =	vmul.f32 v14, v1;
	(pc) =	sbr.rel @p0 .LBB2_7-.Ltmp2, $4  }
0x52: {  	s28 =	sadd.s32 $0x80, s28;
	v1 =	vld.idx.msk [tilespmem:v11+s18+$0x0], $0xffff;
	[tilespmem:s30+$0xFFFFFFF0] =	vst v6;
	v8 =	vmul.f32 v15, v3  }
0x53: {  	v5 =	vld [tilespmem:s28+$0x10];
	[tilespmem:s30+$0x0] =	vst v7;
	v11 =	vmul.f32 v16, v3  }
0x54: {  	s0 =	sadd.s32 $0x1, s31;
	s4 =	sadd.s32 $0x3, s31;
	v7 =	vmov s31;
	v6 =	vld [tilespmem:s28+$0xFFFFFFC0];
	[tilespmem:s30+$0x20] =	vst v8  }
0x55: {  	v10 =	vmov s0;
	s0 =	sadd.s32 $0x2, s31;
	s31 =	sadd.s32 $0x4, s31;
	v9 =	vand.u32 $0xFFFFFFFC, v7;
	v7 =	vmov s4;
	v3 =	vmovc v17;
	v8 =	vld [tilespmem:s28+$0xFFFFFFD0];
	[tilespmem:s30+$0x30] =	vst v11;
	s30 =	smov.u32 s28  }
0x56: {  	v12 =	vld [tilespmem:s28+$0xFFFFFFE0]  }
0x57: {  	v9 =	vbroadcast v9, $0x0;
	v11 =	vmov s0;
	v13 =	vld [tilespmem:s28+$0xFFFFFFF0]  }
0x58: {  	v14 =	vld [tilespmem:s28+$0x0];
	v11 =	vand.u32 $0xFFFFFFFE, v11  }
0x59: {  	v10 =	vand.u32 $0xFFFFFFFD, v10;
	v15 =	vld [tilespmem:s28+$0x20];
	v11 =	vbroadcast v11, $0x0  }
0x5a: {  	v16 =	vld [tilespmem:s28+$0x30];
	v10 =	vbroadcast v10, $0x0  }
0x5b: {  	v7 =	vld.idx.msk [tilespmem:v7+s18+$0x0], $0xffff;
	s0 =	sadd.s32 $0x80, s28;
	v5 =	vmul.f32 v5, v1  }
0x5c: {  	v6 =	vmul.f32 v6, v4;
	v4 =	vmul.f32 v8, v4;
	v8 =	vld [tilespmem:s0+$0x10]  }
0x5d: {  	[tilespmem:s28+$0x10] =	vst v5;
	v9 =	vld.idx.msk [tilespmem:v9+s18+$0x0], $0xffff  }
0x5e: {  	[tilespmem:s28+$0xFFFFFFD0] =	vst v4;
	v4 =	vld [tilespmem:s0+$0xFFFFFFC0]  }
0x5f: {  	[tilespmem:s28+$0xFFFFFFC0] =	vst v6;
	v6 =	vmul.f32 v12, v2;
	v5 =	vld.idx.msk [tilespmem:v11+s18+$0x0], $0xffff  }
0x60: {  	v2 =	vmul.f32 v13, v2;
	v10 =	vld.idx.msk [tilespmem:v10+s18+$0x0], $0xffff  }
0x61: {  	v1 =	vmul.f32 v14, v1;
	[tilespmem:s28+$0xFFFFFFE0] =	vst v6;
	v6 =	vld [tilespmem:s0+$0xFFFFFFD0]  }
0x62: {  	[tilespmem:s30+$0xFFFFFFF0] =	vst v2;
	v2 =	vmul.f32 v15, v3;
	v11 =	vld [tilespmem:s0+$0xFFFFFFE0]  }
0x63: {  	[tilespmem:s30+$0x0] =	vst v1;
	v1 =	vmul.f32 v16, v3;
	v3 =	vld [tilespmem:s0+$0xFFFFFFF0]  }
0x64: {  	[tilespmem:s30+$0x20] =	vst v2;
	v2 =	vld [tilespmem:s0+$0x0];
	v8 =	vmul.f32 v8, v5  }
0x65: {  	[tilespmem:s30+$0x30] =	vst v1;
	v1 =	vmul.f32 v4, v9;
	v4 =	vld [tilespmem:s0+$0x20]  }
0x66: {  	v6 =	vmul.f32 v6, v9;
	[tilespmem:s0+$0x10] =	vst v8;
	v8 =	vld [tilespmem:s0+$0x30]  }
0x67: {  	[tilespmem:s0+$0xFFFFFFC0] =	vst v1;
	v1 =	vmul.f32 v11, v10  }
0x68: {  	v3 =	vmul.f32 v3, v10;
	[tilespmem:s0+$0xFFFFFFD0] =	vst v6  }
0x69: {  	[tilespmem:s0+$0xFFFFFFE0] =	vst v1;
	v1 =	vmul.f32 v2, v5  }
0x6a: {  	[tilespmem:s0+$0xFFFFFFF0] =	vst v3;
	v2 =	vmul.f32 v4, v7  }
0x6b: {  	[tilespmem:s0+$0x0] =	vst v1;
	v1 =	vmul.f32 v8, v7  }
0x6c: {  	s4 =	simm.s32 $0x0;
	[tilespmem:s0+$0x20] =	vst v2  }
0x6d: {  	[tilespmem:s0+$0x30] =	vst v1;
	v1 =	vmov s4  }
0x6e: {  	[spmem:s2] =	stream.indirect.scatter.add.f32 [tilespmem:s20], [sflag:$0x3], $0x20, s16, s19, $0xb8;
	v1 =	vand.u32 $0x7C, v1;
	[tilespmem:$0x1CEA0] =	vst v63  }
0x6f: {  	s4 =	simm.s32 $0x2;
	_ =	swait.ge [sflag:s24], $0x1000;
	v1 =	vor.u32 $0x80, v1  }
0x70: {  	s0 =	simm.s32 $0x1;
	v3 =	vmov s4;
	s4 =	simm.s32 $0x3;
	[sflag:s24] =	ssyncset.done $0x0;
	v1 =	vbroadcast v1, $0x0  }
0x71: {  	v2 =	vmov s0;
	v4 =	vmov s4;
	s4 =	simm.s32 $0x18FA0;
	[sflag:s24] =	ssyncadd.s32 $0xFFFFF000  }
0x72: {  	v2 =	vand.u32 $0x7D, v2;
	[tilespmem:s20], [sflag:$0x1] =	stream.indirect.gather [hbm4b:s10+s19], $0x20, s4, s19, $0xb8;
	[tilespmem:$0x1CEA0] =	vst v63  }
0x73: {  	v2 =	vor.u32 $0x80, v2;
	v4 =	vand.u32 $0x7F, v4;
	_ =	swait.ge [sflag:s26], $0x1000  }
0x74: {  	v2 =	vbroadcast v2, $0x0;
	v4 =	vor.u32 $0x80, v4;
	[sflag:s26] =	ssyncset.done $0x0  }
0x75: {  	v3 =	vand.u32 $0x7E, v3;
	v4 =	vbroadcast v4, $0x0;
	[sflag:s26] =	ssyncadd.s32 $0xFFFFF000  }
0x76: {  	s28 =	simm.s32 $0x1AEE0;
	v3 =	vor.u32 $0x80, v3;
	v1 =	vld.idx.msk [tilespmem:v1+s18+$0x0], $0xffff  }
0x77: {  	v3 =	vbroadcast v3, $0x0;
	v9 =	vld [tilespmem:s28+$0xFFFFFFC0]  }
0x78: {  	v10 =	vld [tilespmem:s28+$0xFFFFFFD0]  }
0x79: {  	s4 =	simm.s32 $0x4;
	v58 =	vld [tilespmem:s28+$0xFFFFFFE0]  }
0x7a: {  	s0 =	simm.s32 $0x5;
	v5 =	vld.idx.msk [tilespmem:v2+s18+$0x0], $0xffff;
	v2 =	vmov s4  }
0x7b: {  	s4 =	simm.s32 $0x6;
	v7 =	vld.idx.msk [tilespmem:v4+s18+$0x0], $0xffff;
	v2 =	vand.u32 $0x7C, v2;
	v4 =	vmov s0  }
0x7c: {  	v59 =	vld [tilespmem:s28+$0xFFFFFFF0];
	v8 =	vmov s4;
	s4 =	simm.s32 $0x7;
	v2 =	vor.u32 $0x80, v2;
	v4 =	vand.u32 $0x7D, v4  }
0x7d: {  	v6 =	vld.idx.msk [tilespmem:v3+s18+$0x0], $0xffff;
	v8 =	vand.u32 $0x7E, v8;
	v11 =	vmov s4;
	v4 =	vor.u32 $0x80, v4  }
0x7e: {  	v3 =	vld [tilespmem:s28+$0x30];
	v8 =	vor.u32 $0x80, v8;
	v11 =	vand.u32 $0x7F, v11;
	v4 =	vbroadcast v4, $0x0  }
0x7f: {  	v8 =	vbroadcast v8, $0x0;
	v11 =	vor.u32 $0x80, v11;
	v9 =	vmul.f32 v9, v1  }
0x80: {  	v60 =	vld [tilespmem:s28+$0x0];
	v2 =	vbroadcast v2, $0x0;
	v11 =	vbroadcast v11, $0x0  }
0x81: {  	v61 =	vld [tilespmem:s28+$0x10];
	[tilespmem:s28+$0xFFFFFFC0] =	vst v9;
	v9 =	vmul.f32 v58, v5;
	v5 =	vmul.f32 v59, v5  }
0x82: {  	s30 =	simm.s32 $0x1AF60;
	v62 =	vld [tilespmem:s28+$0x20];
	v10 =	vmul.f32 v10, v1  }
0x83: {  	v3 =	vmul.f32 v3, v7;
	[tilespmem:s28+$0xFFFFFFF0] =	vst v5;
	v5 =	vld [tilespmem:s30+$0x30]  }
0x84: {  	s4 =	simm.s32 $0x8;
	[tilespmem:s28+$0xFFFFFFD0] =	vst v10;
	v1 =	vld.idx.msk [tilespmem:v4+s18+$0x0], $0xffff  }
0x85: {  	[tilespmem:s28+$0x30] =	vst v3;
	v4 =	vmov s4;
	v3 =	vld.idx.msk [tilespmem:v8+s18+$0x0], $0xffff;
	v8 =	vmul.f32 v60, v6  }
0x86: {  	s0 =	simm.s32 $0x9;
	[tilespmem:s28+$0xFFFFFFE0] =	vst v9;
	s4 =	simm.s32 $0xA;
	v9 =	vand.u32 $0x7C, v4;
	v4 =	vld.idx.msk [tilespmem:v11+s18+$0x0], $0xffff;
	v11 =	vmul.f32 v61, v6  }
0x87: {  	s31 =	simm.s32 $0xC;
	v7 =	vmul.f32 v62, v7;
	v2 =	vld.idx.msk [tilespmem:v2+s18+$0x0], $0xffff;
	v6 =	vmov s0;
	v63 =	vmov s4;
	[tilespmem:s28+$0x0] =	vst v8  }
0x88: {  	s0 =	simm.s32 $0xB;
	v9 =	vor.u32 $0x80, v9;
	v10 =	vand.u32 $0x7D, v6;
	v8 =	vand.u32 $0x7E, v63;
	v6 =	vld [tilespmem:s30+$0xFFFFFFC0];
	[tilespmem:s28+$0x10] =	vst v11  }
.LBB2_9:
0x89: {  	p0 =	slt.u32 s31, $0x7C;
	v9 =	vbroadcast v9, $0x0;
	v10 =	vor.u32 $0x80, v10;
	v11 =	vmov s0;
	v12 =	vld [tilespmem:s30+$0xFFFFFFD0];
	[tilespmem:s28+$0x20] =	vst v7;
	s28 =	smov.u32 s30  }
0x8a: {  	v8 =	vor.u32 $0x80, v8;
	v7 =	vbroadcast v10, $0x0;
	v10 =	vand.u32 $0x7F, v11;
	v11 =	vld [tilespmem:s30+$0xFFFFFFE0]  }
0x8b: {  	v8 =	vbroadcast v8, $0x0;
	v14 =	vmov v3;
	v10 =	vor.u32 $0x80, v10;
	v13 =	vld [tilespmem:s30+$0xFFFFFFF0]  }
0x8c: {  	v16 =	vmov v4;
	v10 =	vbroadcast v10, $0x0;
	v15 =	vld [tilespmem:s30+$0x0];
	v3 =	vmul.f32 v5, v4  }
0x8d: {  	v4 =	vmul.f32 v6, v2;
	v5 =	vld [tilespmem:s30+$0x10]  }
0x8e: {  	v6 =	vmul.f32 v12, v2;
	v12 =	vld [tilespmem:s30+$0x20];
	[tilespmem:s30+$0x30] =	vst v3  }
0x8f: {  	v2 =	vld.idx.msk [tilespmem:v9+s18+$0x0], $0xffff;
	[tilespmem:s30+$0xFFFFFFC0] =	vst v4;
	v4 =	vmul.f32 v11, v1  }
.Ltmp3:
0x90: {  	[tilespmem:s30+$0xFFFFFFD0] =	vst v6;
	v6 =	vmul.f32 v13, v1;
	v1 =	vld.idx.msk [tilespmem:v7+s18+$0x0], $0xffff;
	(pc) =	sbr.rel @p0 .LBB2_9-.Ltmp3, $4  }
0x91: {  	v7 =	vmov s31;
	v3 =	vld.idx.msk [tilespmem:v8+s18+$0x0], $0xffff;
	[tilespmem:s30+$0xFFFFFFE0] =	vst v4;
	v8 =	vmul.f32 v15, v14  }
0x92: {  	s0 =	sadd.s32 $0x1, s31;
	s4 =	sadd.s32 $0x2, s31;
	v9 =	vand.u32 $0x7C, v7;
	s30 =	sadd.s32 $0x80, s30;
	v4 =	vld.idx.msk [tilespmem:v10+s18+$0x0], $0xffff;
	[tilespmem:s28+$0xFFFFFFF0] =	vst v6;
	v11 =	vmul.f32 v5, v14  }
0x93: {  	v13 =	vmov s4;
	v6 =	vmov s0;
	v5 =	vld [tilespmem:s30+$0x30];
	[tilespmem:s28+$0x0] =	vst v8;
	v7 =	vmul.f32 v12, v16  }
0x94: {  	v9 =	vor.u32 $0x80, v9;
	s0 =	sadd.s32 $0x3, s31;
	s31 =	sadd.s32 $0x4, s31;
	v10 =	vand.u32 $0x7D, v6;
	v8 =	vand.u32 $0x7E, v13;
	v6 =	vld [tilespmem:s30+$0xFFFFFFC0];
	[tilespmem:s28+$0x10] =	vst v11  }
0x95: {  	v9 =	vbroadcast v9, $0x0;
	v10 =	vor.u32 $0x80, v10;
	v12 =	vld [tilespmem:s30+$0xFFFFFFD0]  }
0x96: {  	v8 =	vor.u32 $0x80, v8;
	v13 =	vld [tilespmem:s30+$0xFFFFFFE0];
	v10 =	vbroadcast v10, $0x0  }
0x97: {  	v11 =	vmov s0;
	v14 =	vld [tilespmem:s30+$0xFFFFFFF0];
	v8 =	vbroadcast v8, $0x0  }
0x98: {  	v15 =	vld [tilespmem:s30+$0x0];
	v11 =	vand.u32 $0x7F, v11  }
0x99: {  	v16 =	vld [tilespmem:s30+$0x10];
	v11 =	vor.u32 $0x80, v11  }
0x9a: {  	v17 =	vld [tilespmem:s30+$0x20];
	v11 =	vbroadcast v11, $0x0  }
0x9b: {  	v9 =	vld.idx.msk [tilespmem:v9+s18+$0x0], $0xffff  }
0x9c: {  	v6 =	vmul.f32 v6, v2;
	v10 =	vld.idx.msk [tilespmem:v10+s18+$0x0], $0xffff  }
0x9d: {  	[tilespmem:s28+$0x20] =	vst v7;
	s0 =	sadd.s32 $0x80, s30;
	v2 =	vmul.f32 v12, v2;
	v7 =	vld.idx.msk [tilespmem:v8+s18+$0x0], $0xffff  }
0x9e: {  	v5 =	vmul.f32 v5, v4;
	[tilespmem:s30+$0xFFFFFFC0] =	vst v6;
	v8 =	vld [tilespmem:s0+$0x30]  }
0x9f: {  	v6 =	vmul.f32 v13, v1;
	[tilespmem:s30+$0xFFFFFFD0] =	vst v2;
	v2 =	vld [tilespmem:s0+$0xFFFFFFC0]  }
0xa0: {  	[tilespmem:s30+$0x30] =	vst v5;
	v1 =	vmul.f32 v14, v1;
	v5 =	vld.idx.msk [tilespmem:v11+s18+$0x0], $0xffff  }
0xa1: {  	[tilespmem:s30+$0xFFFFFFE0] =	vst v6;
	v6 =	vmul.f32 v15, v3;
	v11 =	vld [tilespmem:s0+$0xFFFFFFD0]  }
0xa2: {  	[tilespmem:s30+$0xFFFFFFF0] =	vst v1;
	v1 =	vmul.f32 v16, v3;
	v3 =	vld [tilespmem:s0+$0xFFFFFFE0]  }
0xa3: {  	v4 =	vmul.f32 v17, v4;
	[tilespmem:s30+$0x0] =	vst v6;
	v6 =	vld [tilespmem:s0+$0xFFFFFFF0]  }
0xa4: {  	[tilespmem:s30+$0x10] =	vst v1;
	v1 =	vld [tilespmem:s0+$0x0];
	v2 =	vmul.f32 v2, v9  }
0xa5: {  	[tilespmem:s30+$0x20] =	vst v4;
	v4 =	vld [tilespmem:s0+$0x10];
	v8 =	vmul.f32 v8, v5  }
0xa6: {  	v9 =	vmul.f32 v11, v9;
	v11 =	vld [tilespmem:s0+$0x20];
	[tilespmem:s0+$0xFFFFFFC0] =	vst v2  }
0xa7: {  	v2 =	vmul.f32 v3, v10;
	[tilespmem:s0+$0x30] =	vst v8  }
0xa8: {  	v3 =	vmul.f32 v6, v10;
	[tilespmem:s0+$0xFFFFFFD0] =	vst v9  }
0xa9: {  	v1 =	vmul.f32 v1, v7;
	[tilespmem:s0+$0xFFFFFFE0] =	vst v2  }
0xaa: {  	v2 =	vmul.f32 v4, v7;
	[tilespmem:s0+$0xFFFFFFF0] =	vst v3  }
0xab: {  	[tilespmem:s0+$0x0] =	vst v1;
	v1 =	vmul.f32 v11, v5  }
0xac: {  	s4 =	simm.s32 $0x0;
	[tilespmem:s0+$0x10] =	vst v2  }
0xad: {  	s28 =	simm.s32 $0x18720;
	[tilespmem:s0+$0x20] =	vst v1;
	v1 =	vmov s4  }
0xae: {  	[spmem:s2] =	stream.indirect.scatter.add.f32 [tilespmem:s22], [sflag:$0x4], $0x20, s28, s19, $0xb8;
	v1 =	vand.u32 $0x7C, v1;
	[tilespmem:$0x1CEA0] =	vst v63  }
0xaf: {  	s4 =	simm.s32 $0x2;
	_ =	swait.ge [sflag:s29], $0x1000;
	v1 =	vor.u32 $0x100, v1  }
0xb0: {  	s0 =	simm.s32 $0x1;
	v3 =	vmov s4;
	s4 =	simm.s32 $0x3;
	[sflag:s29] =	ssyncset.done $0x0;
	v1 =	vbroadcast v1, $0x0  }
0xb1: {  	v2 =	vmov s0;
	v4 =	vmov s4;
	s4 =	simm.s32 $0x19020;
	[sflag:s29] =	ssyncadd.s32 $0xFFFFF000  }
0xb2: {  	v2 =	vand.u32 $0x7D, v2;
	[tilespmem:s22], [sflag:$0x2] =	stream.indirect.gather [hbm4b:s10+s19], $0x20, s4, s19, $0xb8;
	[tilespmem:$0x1CEA0] =	vst v63  }
0xb3: {  	v2 =	vor.u32 $0x100, v2;
	v4 =	vand.u32 $0x7F, v4;
	_ =	swait.ge [sflag:s23], $0x1000  }
0xb4: {  	v2 =	vbroadcast v2, $0x0;
	v4 =	vor.u32 $0x100, v4;
	[sflag:s23] =	ssyncset.done $0x0  }
0xb5: {  	v3 =	vand.u32 $0x7E, v3;
	v4 =	vbroadcast v4, $0x0;
	[sflag:s23] =	ssyncadd.s32 $0xFFFFF000  }
0xb6: {  	s28 =	simm.s32 $0x19EE0;
	v3 =	vor.u32 $0x100, v3;
	v1 =	vld.idx.msk [tilespmem:v1+s18+$0x0], $0xffff  }
0xb7: {  	v3 =	vbroadcast v3, $0x0;
	v9 =	vld [tilespmem:s28+$0xFFFFFFC0]  }
0xb8: {  	v10 =	vld [tilespmem:s28+$0xFFFFFFD0]  }
0xb9: {  	s4 =	simm.s32 $0x4;
	v58 =	vld [tilespmem:s28+$0xFFFFFFE0]  }
0xba: {  	s0 =	simm.s32 $0x5;
	v5 =	vld.idx.msk [tilespmem:v2+s18+$0x0], $0xffff;
	v2 =	vmov s4  }
0xbb: {  	s4 =	simm.s32 $0x6;
	v7 =	vld.idx.msk [tilespmem:v4+s18+$0x0], $0xffff;
	v2 =	vand.u32 $0x7C, v2;
	v4 =	vmov s0  }
0xbc: {  	v59 =	vld [tilespmem:s28+$0xFFFFFFF0];
	v8 =	vmov s4;
	s4 =	simm.s32 $0x7;
	v2 =	vor.u32 $0x100, v2;
	v4 =	vand.u32 $0x7D, v4  }
0xbd: {  	v6 =	vld.idx.msk [tilespmem:v3+s18+$0x0], $0xffff;
	v8 =	vand.u32 $0x7E, v8;
	v11 =	vmov s4;
	v4 =	vor.u32 $0x100, v4  }
0xbe: {  	v3 =	vld [tilespmem:s28+$0x30];
	v8 =	vor.u32 $0x100, v8;
	v11 =	vand.u32 $0x7F, v11;
	v4 =	vbroadcast v4, $0x0  }
0xbf: {  	v8 =	vbroadcast v8, $0x0;
	v11 =	vor.u32 $0x100, v11;
	v9 =	vmul.f32 v9, v1  }
0xc0: {  	v60 =	vld [tilespmem:s28+$0x0];
	v2 =	vbroadcast v2, $0x0;
	v11 =	vbroadcast v11, $0x0  }
0xc1: {  	v61 =	vld [tilespmem:s28+$0x10];
	[tilespmem:s28+$0xFFFFFFC0] =	vst v9;
	v9 =	vmul.f32 v58, v5;
	v5 =	vmul.f32 v59, v5  }
0xc2: {  	s30 =	simm.s32 $0x19F60;
	v62 =	vld [tilespmem:s28+$0x20];
	v10 =	vmul.f32 v10, v1  }
0xc3: {  	v3 =	vmul.f32 v3, v7;
	[tilespmem:s28+$0xFFFFFFF0] =	vst v5;
	v5 =	vld [tilespmem:s30+$0x30]  }
0xc4: {  	s4 =	simm.s32 $0x8;
	[tilespmem:s28+$0xFFFFFFD0] =	vst v10;
	v1 =	vld.idx.msk [tilespmem:v4+s18+$0x0], $0xffff  }
0xc5: {  	[tilespmem:s28+$0x30] =	vst v3;
	v4 =	vmov s4;
	v3 =	vld.idx.msk [tilespmem:v8+s18+$0x0], $0xffff;
	v8 =	vmul.f32 v60, v6  }
0xc6: {  	s0 =	simm.s32 $0x9;
	[tilespmem:s28+$0xFFFFFFE0] =	vst v9;
	s4 =	simm.s32 $0xA;
	v9 =	vand.u32 $0x7C, v4;
	v4 =	vld.idx.msk [tilespmem:v11+s18+$0x0], $0xffff;
	v11 =	vmul.f32 v61, v6  }
0xc7: {  	s31 =	simm.s32 $0xC;
	v7 =	vmul.f32 v62, v7;
	v2 =	vld.idx.msk [tilespmem:v2+s18+$0x0], $0xffff;
	v6 =	vmov s0;
	v63 =	vmov s4;
	[tilespmem:s28+$0x0] =	vst v8  }
0xc8: {  	s0 =	simm.s32 $0xB;
	v9 =	vor.u32 $0x100, v9;
	v10 =	vand.u32 $0x7D, v6;
	v8 =	vand.u32 $0x7E, v63;
	v6 =	vld [tilespmem:s30+$0xFFFFFFC0];
	[tilespmem:s28+$0x10] =	vst v11  }
.LBB2_11:
0xc9: {  	p0 =	slt.u32 s31, $0x7C;
	v9 =	vbroadcast v9, $0x0;
	v10 =	vor.u32 $0x100, v10;
	v11 =	vmov s0;
	v12 =	vld [tilespmem:s30+$0xFFFFFFD0];
	[tilespmem:s28+$0x20] =	vst v7;
	s28 =	smov.u32 s30  }
0xca: {  	v8 =	vor.u32 $0x100, v8;
	v7 =	vbroadcast v10, $0x0;
	v10 =	vand.u32 $0x7F, v11;
	v11 =	vld [tilespmem:s30+$0xFFFFFFE0]  }
0xcb: {  	v8 =	vbroadcast v8, $0x0;
	v14 =	vmov v3;
	v10 =	vor.u32 $0x100, v10;
	v13 =	vld [tilespmem:s30+$0xFFFFFFF0]  }
0xcc: {  	v16 =	vmov v4;
	v10 =	vbroadcast v10, $0x0;
	v15 =	vld [tilespmem:s30+$0x0];
	v3 =	vmul.f32 v5, v4  }
0xcd: {  	v4 =	vmul.f32 v6, v2;
	v5 =	vld [tilespmem:s30+$0x10]  }
0xce: {  	v6 =	vmul.f32 v12, v2;
	v12 =	vld [tilespmem:s30+$0x20];
	[tilespmem:s30+$0x30] =	vst v3  }
0xcf: {  	v2 =	vld.idx.msk [tilespmem:v9+s18+$0x0], $0xffff;
	[tilespmem:s30+$0xFFFFFFC0] =	vst v4;
	v4 =	vmul.f32 v11, v1  }
.Ltmp4:
0xd0: {  	[tilespmem:s30+$0xFFFFFFD0] =	vst v6;
	v6 =	vmul.f32 v13, v1;
	v1 =	vld.idx.msk [tilespmem:v7+s18+$0x0], $0xffff;
	(pc) =	sbr.rel @p0 .LBB2_11-.Ltmp4, $4  }
0xd1: {  	v7 =	vmov s31;
	v3 =	vld.idx.msk [tilespmem:v8+s18+$0x0], $0xffff;
	[tilespmem:s30+$0xFFFFFFE0] =	vst v4;
	v8 =	vmul.f32 v15, v14  }
0xd2: {  	s0 =	sadd.s32 $0x1, s31;
	s4 =	sadd.s32 $0x2, s31;
	v9 =	vand.u32 $0x7C, v7;
	s30 =	sadd.s32 $0x80, s30;
	v4 =	vld.idx.msk [tilespmem:v10+s18+$0x0], $0xffff;
	[tilespmem:s28+$0xFFFFFFF0] =	vst v6;
	v11 =	vmul.f32 v5, v14  }
0xd3: {  	v13 =	vmov s4;
	v6 =	vmov s0;
	v5 =	vld [tilespmem:s30+$0x30];
	[tilespmem:s28+$0x0] =	vst v8;
	v7 =	vmul.f32 v12, v16  }
0xd4: {  	v9 =	vor.u32 $0x100, v9;
	s0 =	sadd.s32 $0x3, s31;
	s31 =	sadd.s32 $0x4, s31;
	v10 =	vand.u32 $0x7D, v6;
	v8 =	vand.u32 $0x7E, v13;
	v6 =	vld [tilespmem:s30+$0xFFFFFFC0];
	[tilespmem:s28+$0x10] =	vst v11  }
0xd5: {  	v9 =	vbroadcast v9, $0x0;
	v10 =	vor.u32 $0x100, v10;
	v12 =	vld [tilespmem:s30+$0xFFFFFFD0]  }
0xd6: {  	v8 =	vor.u32 $0x100, v8;
	v13 =	vld [tilespmem:s30+$0xFFFFFFE0];
	v10 =	vbroadcast v10, $0x0  }
0xd7: {  	v11 =	vmov s0;
	v14 =	vld [tilespmem:s30+$0xFFFFFFF0];
	v8 =	vbroadcast v8, $0x0  }
0xd8: {  	v15 =	vld [tilespmem:s30+$0x0];
	v11 =	vand.u32 $0x7F, v11  }
0xd9: {  	v16 =	vld [tilespmem:s30+$0x10];
	v11 =	vor.u32 $0x100, v11  }
0xda: {  	v17 =	vld [tilespmem:s30+$0x20];
	v11 =	vbroadcast v11, $0x0  }
0xdb: {  	v9 =	vld.idx.msk [tilespmem:v9+s18+$0x0], $0xffff  }
0xdc: {  	v6 =	vmul.f32 v6, v2;
	v10 =	vld.idx.msk [tilespmem:v10+s18+$0x0], $0xffff  }
0xdd: {  	[tilespmem:s28+$0x20] =	vst v7;
	s0 =	sadd.s32 $0x80, s30;
	v2 =	vmul.f32 v12, v2;
	v7 =	vld.idx.msk [tilespmem:v8+s18+$0x0], $0xffff  }
0xde: {  	v5 =	vmul.f32 v5, v4;
	[tilespmem:s30+$0xFFFFFFC0] =	vst v6;
	v8 =	vld [tilespmem:s0+$0x30]  }
0xdf: {  	v6 =	vmul.f32 v13, v1;
	[tilespmem:s30+$0xFFFFFFD0] =	vst v2;
	v2 =	vld [tilespmem:s0+$0xFFFFFFC0]  }
0xe0: {  	[tilespmem:s30+$0x30] =	vst v5;
	v1 =	vmul.f32 v14, v1;
	v5 =	vld.idx.msk [tilespmem:v11+s18+$0x0], $0xffff  }
0xe1: {  	[tilespmem:s30+$0xFFFFFFE0] =	vst v6;
	v6 =	vmul.f32 v15, v3;
	v11 =	vld [tilespmem:s0+$0xFFFFFFD0]  }
0xe2: {  	[tilespmem:s30+$0xFFFFFFF0] =	vst v1;
	v1 =	vmul.f32 v16, v3;
	v3 =	vld [tilespmem:s0+$0xFFFFFFE0]  }
0xe3: {  	v4 =	vmul.f32 v17, v4;
	[tilespmem:s30+$0x0] =	vst v6;
	v6 =	vld [tilespmem:s0+$0xFFFFFFF0]  }
0xe4: {  	[tilespmem:s30+$0x10] =	vst v1;
	v1 =	vld [tilespmem:s0+$0x0];
	v2 =	vmul.f32 v2, v9  }
0xe5: {  	[tilespmem:s30+$0x20] =	vst v4;
	v4 =	vld [tilespmem:s0+$0x10];
	v8 =	vmul.f32 v8, v5  }
0xe6: {  	v9 =	vmul.f32 v11, v9;
	v11 =	vld [tilespmem:s0+$0x20];
	[tilespmem:s0+$0xFFFFFFC0] =	vst v2  }
0xe7: {  	v2 =	vmul.f32 v3, v10;
	[tilespmem:s0+$0x30] =	vst v8  }
0xe8: {  	v3 =	vmul.f32 v6, v10;
	[tilespmem:s0+$0xFFFFFFD0] =	vst v9  }
0xe9: {  	v1 =	vmul.f32 v1, v7;
	[tilespmem:s0+$0xFFFFFFE0] =	vst v2  }
0xea: {  	v2 =	vmul.f32 v4, v7;
	[tilespmem:s0+$0xFFFFFFF0] =	vst v3  }
0xeb: {  	[tilespmem:s0+$0x0] =	vst v1;
	v1 =	vmul.f32 v11, v5  }
0xec: {  	s4 =	simm.s32 $0x0;
	[tilespmem:s0+$0x10] =	vst v2  }
0xed: {  	s28 =	simm.s32 $0x187A0;
	[tilespmem:s0+$0x20] =	vst v1;
	v1 =	vmov s4  }
0xee: {  	[spmem:s2] =	stream.indirect.scatter.add.f32 [tilespmem:s20], [sflag:$0x3], $0x20, s28, s19, $0xb8;
	v1 =	vand.u32 $0x7C, v1;
	[tilespmem:$0x1CEA0] =	vst v63  }
0xef: {  	s4 =	simm.s32 $0x2;
	_ =	swait.ge [sflag:s24], $0x1000;
	v1 =	vor.u32 $0x180, v1  }
0xf0: {  	s0 =	simm.s32 $0x1;
	v3 =	vmov s4;
	s4 =	simm.s32 $0x3;
	[sflag:s24] =	ssyncset.done $0x0;
	v1 =	vbroadcast v1, $0x0  }
0xf1: {  	v2 =	vmov s0;
	v4 =	vmov s4;
	s4 =	simm.s32 $0x190A0;
	[sflag:s24] =	ssyncadd.s32 $0xFFFFF000  }
0xf2: {  	v2 =	vand.u32 $0x7D, v2;
	[tilespmem:s20], [sflag:$0x1] =	stream.indirect.gather [hbm4b:s10+s19], $0x20, s4, s19, $0xb8;
	[tilespmem:$0x1CEA0] =	vst v63  }
0xf3: {  	v2 =	vor.u32 $0x180, v2;
	v4 =	vand.u32 $0x7F, v4;
	_ =	swait.ge [sflag:s26], $0x1000  }
0xf4: {  	v2 =	vbroadcast v2, $0x0;
	v4 =	vor.u32 $0x180, v4;
	[sflag:s26] =	ssyncset.done $0x0  }
0xf5: {  	v3 =	vand.u32 $0x7E, v3;
	v4 =	vbroadcast v4, $0x0;
	[sflag:s26] =	ssyncadd.s32 $0xFFFFF000  }
0xf6: {  	s28 =	simm.s32 $0x1AEE0;
	v3 =	vor.u32 $0x180, v3;
	v1 =	vld.idx.msk [tilespmem:v1+s18+$0x0], $0xffff  }
0xf7: {  	v3 =	vbroadcast v3, $0x0;
	v9 =	vld [tilespmem:s28+$0xFFFFFFC0]  }
0xf8: {  	v10 =	vld [tilespmem:s28+$0xFFFFFFD0]  }
0xf9: {  	s4 =	simm.s32 $0x4;
	v58 =	vld [tilespmem:s28+$0xFFFFFFE0]  }
0xfa: {  	s0 =	simm.s32 $0x5;
	v5 =	vld.idx.msk [tilespmem:v2+s18+$0x0], $0xffff;
	v2 =	vmov s4  }
0xfb: {  	s4 =	simm.s32 $0x6;
	v7 =	vld.idx.msk [tilespmem:v4+s18+$0x0], $0xffff;
	v2 =	vand.u32 $0x7C, v2;
	v4 =	vmov s0  }
0xfc: {  	v59 =	vld [tilespmem:s28+$0xFFFFFFF0];
	v8 =	vmov s4;
	s4 =	simm.s32 $0x7;
	v2 =	vor.u32 $0x180, v2;
	v4 =	vand.u32 $0x7D, v4  }
0xfd: {  	v6 =	vld.idx.msk [tilespmem:v3+s18+$0x0], $0xffff;
	v8 =	vand.u32 $0x7E, v8;
	v11 =	vmov s4;
	v4 =	vor.u32 $0x180, v4  }
0xfe: {  	v3 =	vld [tilespmem:s28+$0x30];
	v8 =	vor.u32 $0x180, v8;
	v11 =	vand.u32 $0x7F, v11;
	v4 =	vbroadcast v4, $0x0  }
0xff: {  	v8 =	vbroadcast v8, $0x0;
	v11 =	vor.u32 $0x180, v11;
	v9 =	vmul.f32 v9, v1  }
0x100: {  	v60 =	vld [tilespmem:s28+$0x0];
	v2 =	vbroadcast v2, $0x0;
	v11 =	vbroadcast v11, $0x0  }
0x101: {  	v61 =	vld [tilespmem:s28+$0x10];
	[tilespmem:s28+$0xFFFFFFC0] =	vst v9;
	v9 =	vmul.f32 v58, v5;
	v5 =	vmul.f32 v59, v5  }
0x102: {  	s30 =	simm.s32 $0x1AF60;
	v62 =	vld [tilespmem:s28+$0x20];
	v10 =	vmul.f32 v10, v1  }
0x103: {  	v3 =	vmul.f32 v3, v7;
	[tilespmem:s28+$0xFFFFFFF0] =	vst v5;
	v5 =	vld [tilespmem:s30+$0x30]  }
0x104: {  	s4 =	simm.s32 $0x8;
	[tilespmem:s28+$0xFFFFFFD0] =	vst v10;
	v1 =	vld.idx.msk [tilespmem:v4+s18+$0x0], $0xffff  }
0x105: {  	[tilespmem:s28+$0x30] =	vst v3;
	v4 =	vmov s4;
	v3 =	vld.idx.msk [tilespmem:v8+s18+$0x0], $0xffff;
	v8 =	vmul.f32 v60, v6  }
0x106: {  	s0 =	simm.s32 $0x9;
	[tilespmem:s28+$0xFFFFFFE0] =	vst v9;
	s4 =	simm.s32 $0xA;
	v9 =	vand.u32 $0x7C, v4;
	v4 =	vld.idx.msk [tilespmem:v11+s18+$0x0], $0xffff;
	v11 =	vmul.f32 v61, v6  }
0x107: {  	s31 =	simm.s32 $0xC;
	v7 =	vmul.f32 v62, v7;
	v2 =	vld.idx.msk [tilespmem:v2+s18+$0x0], $0xffff;
	v6 =	vmov s0;
	v63 =	vmov s4;
	[tilespmem:s28+$0x0] =	vst v8  }
0x108: {  	s0 =	simm.s32 $0xB;
	v9 =	vor.u32 $0x180, v9;
	v10 =	vand.u32 $0x7D, v6;
	v8 =	vand.u32 $0x7E, v63;
	v6 =	vld [tilespmem:s30+$0xFFFFFFC0];
	[tilespmem:s28+$0x10] =	vst v11  }
.LBB2_13:
0x109: {  	p0 =	slt.u32 s31, $0x7C;
	v9 =	vbroadcast v9, $0x0;
	v10 =	vor.u32 $0x180, v10;
	v11 =	vmov s0;
	v12 =	vld [tilespmem:s30+$0xFFFFFFD0];
	[tilespmem:s28+$0x20] =	vst v7;
	s28 =	smov.u32 s30  }
0x10a: {  	v8 =	vor.u32 $0x180, v8;
	v7 =	vbroadcast v10, $0x0;
	v10 =	vand.u32 $0x7F, v11;
	v11 =	vld [tilespmem:s30+$0xFFFFFFE0]  }
0x10b: {  	v8 =	vbroadcast v8, $0x0;
	v14 =	vmov v3;
	v10 =	vor.u32 $0x180, v10;
	v13 =	vld [tilespmem:s30+$0xFFFFFFF0]  }
0x10c: {  	v16 =	vmov v4;
	v10 =	vbroadcast v10, $0x0;
	v15 =	vld [tilespmem:s30+$0x0];
	v3 =	vmul.f32 v5, v4  }
0x10d: {  	v4 =	vmul.f32 v6, v2;
	v5 =	vld [tilespmem:s30+$0x10]  }
0x10e: {  	v6 =	vmul.f32 v12, v2;
	v12 =	vld [tilespmem:s30+$0x20];
	[tilespmem:s30+$0x30] =	vst v3  }
0x10f: {  	v2 =	vld.idx.msk [tilespmem:v9+s18+$0x0], $0xffff;
	[tilespmem:s30+$0xFFFFFFC0] =	vst v4;
	v4 =	vmul.f32 v11, v1  }
.Ltmp5:
0x110: {  	[tilespmem:s30+$0xFFFFFFD0] =	vst v6;
	v6 =	vmul.f32 v13, v1;
	v1 =	vld.idx.msk [tilespmem:v7+s18+$0x0], $0xffff;
	(pc) =	sbr.rel @p0 .LBB2_13-.Ltmp5, $4  }
0x111: {  	v7 =	vmov s31;
	v3 =	vld.idx.msk [tilespmem:v8+s18+$0x0], $0xffff;
	[tilespmem:s30+$0xFFFFFFE0] =	vst v4;
	v8 =	vmul.f32 v15, v14  }
0x112: {  	s0 =	sadd.s32 $0x1, s31;
	s4 =	sadd.s32 $0x2, s31;
	v9 =	vand.u32 $0x7C, v7;
	s30 =	sadd.s32 $0x80, s30;
	v4 =	vld.idx.msk [tilespmem:v10+s18+$0x0], $0xffff;
	[tilespmem:s28+$0xFFFFFFF0] =	vst v6;
	v11 =	vmul.f32 v5, v14  }
0x113: {  	v13 =	vmov s4;
	v6 =	vmov s0;
	v5 =	vld [tilespmem:s30+$0x30];
	[tilespmem:s28+$0x0] =	vst v8;
	v7 =	vmul.f32 v12, v16  }
0x114: {  	v9 =	vor.u32 $0x180, v9;
	s0 =	sadd.s32 $0x3, s31;
	s31 =	sadd.s32 $0x4, s31;
	v10 =	vand.u32 $0x7D, v6;
	v8 =	vand.u32 $0x7E, v13;
	v6 =	vld [tilespmem:s30+$0xFFFFFFC0];
	[tilespmem:s28+$0x10] =	vst v11  }
0x115: {  	v9 =	vbroadcast v9, $0x0;
	v10 =	vor.u32 $0x180, v10;
	v12 =	vld [tilespmem:s30+$0xFFFFFFD0]  }
0x116: {  	v8 =	vor.u32 $0x180, v8;
	v13 =	vld [tilespmem:s30+$0xFFFFFFE0];
	v10 =	vbroadcast v10, $0x0  }
0x117: {  	v11 =	vmov s0;
	v14 =	vld [tilespmem:s30+$0xFFFFFFF0];
	v8 =	vbroadcast v8, $0x0  }
0x118: {  	v15 =	vld [tilespmem:s30+$0x0];
	v11 =	vand.u32 $0x7F, v11  }
0x119: {  	v16 =	vld [tilespmem:s30+$0x10];
	v11 =	vor.u32 $0x180, v11  }
0x11a: {  	v17 =	vld [tilespmem:s30+$0x20];
	v11 =	vbroadcast v11, $0x0  }
0x11b: {  	v9 =	vld.idx.msk [tilespmem:v9+s18+$0x0], $0xffff  }
0x11c: {  	v6 =	vmul.f32 v6, v2;
	v10 =	vld.idx.msk [tilespmem:v10+s18+$0x0], $0xffff  }
0x11d: {  	[tilespmem:s28+$0x20] =	vst v7;
	s0 =	sadd.s32 $0x80, s30;
	v2 =	vmul.f32 v12, v2;
	v7 =	vld.idx.msk [tilespmem:v8+s18+$0x0], $0xffff  }
0x11e: {  	v5 =	vmul.f32 v5, v4;
	[tilespmem:s30+$0xFFFFFFC0] =	vst v6;
	v8 =	vld [tilespmem:s0+$0x30]  }
0x11f: {  	v6 =	vmul.f32 v13, v1;
	[tilespmem:s30+$0xFFFFFFD0] =	vst v2;
	v2 =	vld [tilespmem:s0+$0xFFFFFFC0]  }
0x120: {  	[tilespmem:s30+$0x30] =	vst v5;
	v1 =	vmul.f32 v14, v1;
	v5 =	vld.idx.msk [tilespmem:v11+s18+$0x0], $0xffff  }
0x121: {  	[tilespmem:s30+$0xFFFFFFE0] =	vst v6;
	v6 =	vmul.f32 v15, v3;
	v11 =	vld [tilespmem:s0+$0xFFFFFFD0]  }
0x122: {  	[tilespmem:s30+$0xFFFFFFF0] =	vst v1;
	v1 =	vmul.f32 v16, v3;
	v3 =	vld [tilespmem:s0+$0xFFFFFFE0]  }
0x123: {  	v4 =	vmul.f32 v17, v4;
	[tilespmem:s30+$0x0] =	vst v6;
	v6 =	vld [tilespmem:s0+$0xFFFFFFF0]  }
0x124: {  	[tilespmem:s30+$0x10] =	vst v1;
	v1 =	vld [tilespmem:s0+$0x0];
	v2 =	vmul.f32 v2, v9  }
0x125: {  	[tilespmem:s30+$0x20] =	vst v4;
	v4 =	vld [tilespmem:s0+$0x10];
	v8 =	vmul.f32 v8, v5  }
0x126: {  	v9 =	vmul.f32 v11, v9;
	v11 =	vld [tilespmem:s0+$0x20];
	[tilespmem:s0+$0xFFFFFFC0] =	vst v2  }
0x127: {  	v2 =	vmul.f32 v3, v10;
	[tilespmem:s0+$0x30] =	vst v8  }
0x128: {  	v3 =	vmul.f32 v6, v10;
	[tilespmem:s0+$0xFFFFFFD0] =	vst v9  }
0x129: {  	v1 =	vmul.f32 v1, v7;
	[tilespmem:s0+$0xFFFFFFE0] =	vst v2  }
0x12a: {  	v2 =	vmul.f32 v4, v7;
	[tilespmem:s0+$0xFFFFFFF0] =	vst v3  }
0x12b: {  	[tilespmem:s0+$0x0] =	vst v1;
	v1 =	vmul.f32 v11, v5  }
0x12c: {  	s4 =	simm.s32 $0x0;
	[tilespmem:s0+$0x10] =	vst v2  }
0x12d: {  	s28 =	simm.s32 $0x18820;
	[tilespmem:s0+$0x20] =	vst v1;
	v1 =	vmov s4  }
0x12e: {  	[spmem:s2] =	stream.indirect.scatter.add.f32 [tilespmem:s22], [sflag:$0x4], $0x20, s28, s19, $0xb8;
	v1 =	vand.u32 $0x7C, v1;
	[tilespmem:$0x1CEA0] =	vst v63  }
0x12f: {  	s4 =	simm.s32 $0x2;
	_ =	swait.ge [sflag:s29], $0x1000;
	v1 =	vor.u32 $0x200, v1  }
0x130: {  	s0 =	simm.s32 $0x1;
	v3 =	vmov s4;
	s4 =	simm.s32 $0x3;
	[sflag:s29] =	ssyncset.done $0x0;
	v1 =	vbroadcast v1, $0x0  }
0x131: {  	v2 =	vmov s0;
	v4 =	vmov s4;
	s4 =	simm.s32 $0x19120;
	[sflag:s29] =	ssyncadd.s32 $0xFFFFF000  }
0x132: {  	v2 =	vand.u32 $0x7D, v2;
	[tilespmem:s22], [sflag:$0x2] =	stream.indirect.gather [hbm4b:s10+s19], $0x20, s4, s19, $0xb8;
	[tilespmem:$0x1CEA0] =	vst v63  }
0x133: {  	v2 =	vor.u32 $0x200, v2;
	v4 =	vand.u32 $0x7F, v4;
	_ =	swait.ge [sflag:s23], $0x1000  }
0x134: {  	v2 =	vbroadcast v2, $0x0;
	v4 =	vor.u32 $0x200, v4;
	[sflag:s23] =	ssyncset.done $0x0  }
0x135: {  	v3 =	vand.u32 $0x7E, v3;
	v4 =	vbroadcast v4, $0x0;
	[sflag:s23] =	ssyncadd.s32 $0xFFFFF000  }
0x136: {  	s28 =	simm.s32 $0x19EE0;
	v3 =	vor.u32 $0x200, v3;
	v1 =	vld.idx.msk [tilespmem:v1+s18+$0x0], $0xffff  }
0x137: {  	v3 =	vbroadcast v3, $0x0;
	v9 =	vld [tilespmem:s28+$0xFFFFFFC0]  }
0x138: {  	v10 =	vld [tilespmem:s28+$0xFFFFFFD0]  }
0x139: {  	s4 =	simm.s32 $0x4;
	v58 =	vld [tilespmem:s28+$0xFFFFFFE0]  }
0x13a: {  	s0 =	simm.s32 $0x5;
	v5 =	vld.idx.msk [tilespmem:v2+s18+$0x0], $0xffff;
	v2 =	vmov s4  }
0x13b: {  	s4 =	simm.s32 $0x6;
	v7 =	vld.idx.msk [tilespmem:v4+s18+$0x0], $0xffff;
	v2 =	vand.u32 $0x7C, v2;
	v4 =	vmov s0  }
0x13c: {  	v59 =	vld [tilespmem:s28+$0xFFFFFFF0];
	v8 =	vmov s4;
	s4 =	simm.s32 $0x7;
	v2 =	vor.u32 $0x200, v2;
	v4 =	vand.u32 $0x7D, v4  }
0x13d: {  	v6 =	vld.idx.msk [tilespmem:v3+s18+$0x0], $0xffff;
	v8 =	vand.u32 $0x7E, v8;
	v11 =	vmov s4;
	v4 =	vor.u32 $0x200, v4  }
0x13e: {  	v3 =	vld [tilespmem:s28+$0x30];
	v8 =	vor.u32 $0x200, v8;
	v11 =	vand.u32 $0x7F, v11;
	v4 =	vbroadcast v4, $0x0  }
0x13f: {  	v8 =	vbroadcast v8, $0x0;
	v11 =	vor.u32 $0x200, v11;
	v9 =	vmul.f32 v9, v1  }
0x140: {  	v60 =	vld [tilespmem:s28+$0x0];
	v2 =	vbroadcast v2, $0x0;
	v11 =	vbroadcast v11, $0x0  }
0x141: {  	v61 =	vld [tilespmem:s28+$0x10];
	[tilespmem:s28+$0xFFFFFFC0] =	vst v9;
	v9 =	vmul.f32 v58, v5;
	v5 =	vmul.f32 v59, v5  }
0x142: {  	s30 =	simm.s32 $0x19F60;
	v62 =	vld [tilespmem:s28+$0x20];
	v10 =	vmul.f32 v10, v1  }
0x143: {  	v3 =	vmul.f32 v3, v7;
	[tilespmem:s28+$0xFFFFFFF0] =	vst v5;
	v5 =	vld [tilespmem:s30+$0x30]  }
0x144: {  	s4 =	simm.s32 $0x8;
	[tilespmem:s28+$0xFFFFFFD0] =	vst v10;
	v1 =	vld.idx.msk [tilespmem:v4+s18+$0x0], $0xffff  }
0x145: {  	[tilespmem:s28+$0x30] =	vst v3;
	v4 =	vmov s4;
	v3 =	vld.idx.msk [tilespmem:v8+s18+$0x0], $0xffff;
	v8 =	vmul.f32 v60, v6  }
0x146: {  	s0 =	simm.s32 $0x9;
	[tilespmem:s28+$0xFFFFFFE0] =	vst v9;
	s4 =	simm.s32 $0xA;
	v9 =	vand.u32 $0x7C, v4;
	v4 =	vld.idx.msk [tilespmem:v11+s18+$0x0], $0xffff;
	v11 =	vmul.f32 v61, v6  }
0x147: {  	s31 =	simm.s32 $0xC;
	v7 =	vmul.f32 v62, v7;
	v2 =	vld.idx.msk [tilespmem:v2+s18+$0x0], $0xffff;
	v6 =	vmov s0;
	v63 =	vmov s4;
	[tilespmem:s28+$0x0] =	vst v8  }
0x148: {  	s0 =	simm.s32 $0xB;
	v9 =	vor.u32 $0x200, v9;
	v10 =	vand.u32 $0x7D, v6;
	v8 =	vand.u32 $0x7E, v63;
	v6 =	vld [tilespmem:s30+$0xFFFFFFC0];
	[tilespmem:s28+$0x10] =	vst v11  }
.LBB2_15:
0x149: {  	p0 =	slt.u32 s31, $0x7C;
	v9 =	vbroadcast v9, $0x0;
	v10 =	vor.u32 $0x200, v10;
	v11 =	vmov s0;
	v12 =	vld [tilespmem:s30+$0xFFFFFFD0];
	[tilespmem:s28+$0x20] =	vst v7;
	s28 =	smov.u32 s30  }
0x14a: {  	v8 =	vor.u32 $0x200, v8;
	v7 =	vbroadcast v10, $0x0;
	v10 =	vand.u32 $0x7F, v11;
	v11 =	vld [tilespmem:s30+$0xFFFFFFE0]  }
0x14b: {  	v8 =	vbroadcast v8, $0x0;
	v14 =	vmov v3;
	v10 =	vor.u32 $0x200, v10;
	v13 =	vld [tilespmem:s30+$0xFFFFFFF0]  }
0x14c: {  	v16 =	vmov v4;
	v10 =	vbroadcast v10, $0x0;
	v15 =	vld [tilespmem:s30+$0x0];
	v3 =	vmul.f32 v5, v4  }
0x14d: {  	v4 =	vmul.f32 v6, v2;
	v5 =	vld [tilespmem:s30+$0x10]  }
0x14e: {  	v6 =	vmul.f32 v12, v2;
	v12 =	vld [tilespmem:s30+$0x20];
	[tilespmem:s30+$0x30] =	vst v3  }
0x14f: {  	v2 =	vld.idx.msk [tilespmem:v9+s18+$0x0], $0xffff;
	[tilespmem:s30+$0xFFFFFFC0] =	vst v4;
	v4 =	vmul.f32 v11, v1  }
.Ltmp6:
0x150: {  	[tilespmem:s30+$0xFFFFFFD0] =	vst v6;
	v6 =	vmul.f32 v13, v1;
	v1 =	vld.idx.msk [tilespmem:v7+s18+$0x0], $0xffff;
	(pc) =	sbr.rel @p0 .LBB2_15-.Ltmp6, $4  }
0x151: {  	v7 =	vmov s31;
	v3 =	vld.idx.msk [tilespmem:v8+s18+$0x0], $0xffff;
	[tilespmem:s30+$0xFFFFFFE0] =	vst v4;
	v8 =	vmul.f32 v15, v14  }
0x152: {  	s0 =	sadd.s32 $0x1, s31;
	s4 =	sadd.s32 $0x2, s31;
	v9 =	vand.u32 $0x7C, v7;
	s30 =	sadd.s32 $0x80, s30;
	v4 =	vld.idx.msk [tilespmem:v10+s18+$0x0], $0xffff;
	[tilespmem:s28+$0xFFFFFFF0] =	vst v6;
	v11 =	vmul.f32 v5, v14  }
0x153: {  	v13 =	vmov s4;
	v6 =	vmov s0;
	v5 =	vld [tilespmem:s30+$0x30];
	[tilespmem:s28+$0x0] =	vst v8;
	v7 =	vmul.f32 v12, v16  }
0x154: {  	v9 =	vor.u32 $0x200, v9;
	s0 =	sadd.s32 $0x3, s31;
	s31 =	sadd.s32 $0x4, s31;
	v10 =	vand.u32 $0x7D, v6;
	v8 =	vand.u32 $0x7E, v13;
	v6 =	vld [tilespmem:s30+$0xFFFFFFC0];
	[tilespmem:s28+$0x10] =	vst v11  }
0x155: {  	v9 =	vbroadcast v9, $0x0;
	v10 =	vor.u32 $0x200, v10;
	v12 =	vld [tilespmem:s30+$0xFFFFFFD0]  }
0x156: {  	v8 =	vor.u32 $0x200, v8;
	v13 =	vld [tilespmem:s30+$0xFFFFFFE0];
	v10 =	vbroadcast v10, $0x0  }
0x157: {  	v11 =	vmov s0;
	v14 =	vld [tilespmem:s30+$0xFFFFFFF0];
	v8 =	vbroadcast v8, $0x0  }
0x158: {  	v15 =	vld [tilespmem:s30+$0x0];
	v11 =	vand.u32 $0x7F, v11  }
0x159: {  	v16 =	vld [tilespmem:s30+$0x10];
	v11 =	vor.u32 $0x200, v11  }
0x15a: {  	v17 =	vld [tilespmem:s30+$0x20];
	v11 =	vbroadcast v11, $0x0  }
0x15b: {  	v9 =	vld.idx.msk [tilespmem:v9+s18+$0x0], $0xffff  }
0x15c: {  	v6 =	vmul.f32 v6, v2;
	v10 =	vld.idx.msk [tilespmem:v10+s18+$0x0], $0xffff  }
0x15d: {  	[tilespmem:s28+$0x20] =	vst v7;
	s0 =	sadd.s32 $0x80, s30;
	v2 =	vmul.f32 v12, v2;
	v7 =	vld.idx.msk [tilespmem:v8+s18+$0x0], $0xffff  }
0x15e: {  	v5 =	vmul.f32 v5, v4;
	[tilespmem:s30+$0xFFFFFFC0] =	vst v6;
	v8 =	vld [tilespmem:s0+$0x30]  }
0x15f: {  	v6 =	vmul.f32 v13, v1;
	[tilespmem:s30+$0xFFFFFFD0] =	vst v2;
	v2 =	vld [tilespmem:s0+$0xFFFFFFC0]  }
0x160: {  	[tilespmem:s30+$0x30] =	vst v5;
	v1 =	vmul.f32 v14, v1;
	v5 =	vld.idx.msk [tilespmem:v11+s18+$0x0], $0xffff  }
0x161: {  	[tilespmem:s30+$0xFFFFFFE0] =	vst v6;
	v6 =	vmul.f32 v15, v3;
	v11 =	vld [tilespmem:s0+$0xFFFFFFD0]  }
0x162: {  	[tilespmem:s30+$0xFFFFFFF0] =	vst v1;
	v1 =	vmul.f32 v16, v3;
	v3 =	vld [tilespmem:s0+$0xFFFFFFE0]  }
0x163: {  	v4 =	vmul.f32 v17, v4;
	[tilespmem:s30+$0x0] =	vst v6;
	v6 =	vld [tilespmem:s0+$0xFFFFFFF0]  }
0x164: {  	[tilespmem:s30+$0x10] =	vst v1;
	v1 =	vld [tilespmem:s0+$0x0];
	v2 =	vmul.f32 v2, v9  }
0x165: {  	[tilespmem:s30+$0x20] =	vst v4;
	v4 =	vld [tilespmem:s0+$0x10];
	v8 =	vmul.f32 v8, v5  }
0x166: {  	v9 =	vmul.f32 v11, v9;
	v11 =	vld [tilespmem:s0+$0x20];
	[tilespmem:s0+$0xFFFFFFC0] =	vst v2  }
0x167: {  	v2 =	vmul.f32 v3, v10;
	[tilespmem:s0+$0x30] =	vst v8  }
0x168: {  	v3 =	vmul.f32 v6, v10;
	[tilespmem:s0+$0xFFFFFFD0] =	vst v9  }
0x169: {  	v1 =	vmul.f32 v1, v7;
	[tilespmem:s0+$0xFFFFFFE0] =	vst v2  }
0x16a: {  	v2 =	vmul.f32 v4, v7;
	[tilespmem:s0+$0xFFFFFFF0] =	vst v3  }
0x16b: {  	[tilespmem:s0+$0x0] =	vst v1;
	v1 =	vmul.f32 v11, v5  }
0x16c: {  	s4 =	simm.s32 $0x0;
	[tilespmem:s0+$0x10] =	vst v2  }
0x16d: {  	s28 =	simm.s32 $0x188A0;
	[tilespmem:s0+$0x20] =	vst v1;
	v1 =	vmov s4  }
0x16e: {  	[spmem:s2] =	stream.indirect.scatter.add.f32 [tilespmem:s20], [sflag:$0x3], $0x20, s28, s19, $0xb8;
	v1 =	vand.u32 $0x7C, v1;
	[tilespmem:$0x1CEA0] =	vst v63  }
0x16f: {  	s4 =	simm.s32 $0x2;
	_ =	swait.ge [sflag:s24], $0x1000;
	v1 =	vor.u32 $0x280, v1  }
0x170: {  	s0 =	simm.s32 $0x1;
	v3 =	vmov s4;
	s4 =	simm.s32 $0x3;
	[sflag:s24] =	ssyncset.done $0x0;
	v1 =	vbroadcast v1, $0x0  }
0x171: {  	v2 =	vmov s0;
	v4 =	vmov s4;
	s4 =	simm.s32 $0x191A0;
	[sflag:s24] =	ssyncadd.s32 $0xFFFFF000  }
0x172: {  	v2 =	vand.u32 $0x7D, v2;
	[tilespmem:s20], [sflag:$0x1] =	stream.indirect.gather [hbm4b:s10+s19], $0x20, s4, s19, $0xb8;
	[tilespmem:$0x1CEA0] =	vst v63  }
0x173: {  	v2 =	vor.u32 $0x280, v2;
	v4 =	vand.u32 $0x7F, v4;
	_ =	swait.ge [sflag:s26], $0x1000  }
0x174: {  	v2 =	vbroadcast v2, $0x0;
	v4 =	vor.u32 $0x280, v4;
	[sflag:s26] =	ssyncset.done $0x0  }
0x175: {  	v3 =	vand.u32 $0x7E, v3;
	v4 =	vbroadcast v4, $0x0;
	[sflag:s26] =	ssyncadd.s32 $0xFFFFF000  }
0x176: {  	s28 =	simm.s32 $0x1AEE0;
	v3 =	vor.u32 $0x280, v3;
	v1 =	vld.idx.msk [tilespmem:v1+s18+$0x0], $0xffff  }
0x177: {  	v3 =	vbroadcast v3, $0x0;
	v9 =	vld [tilespmem:s28+$0xFFFFFFC0]  }
0x178: {  	v10 =	vld [tilespmem:s28+$0xFFFFFFD0]  }
0x179: {  	s4 =	simm.s32 $0x4;
	v58 =	vld [tilespmem:s28+$0xFFFFFFE0]  }
0x17a: {  	s0 =	simm.s32 $0x5;
	v5 =	vld.idx.msk [tilespmem:v2+s18+$0x0], $0xffff;
	v2 =	vmov s4  }
0x17b: {  	s4 =	simm.s32 $0x6;
	v7 =	vld.idx.msk [tilespmem:v4+s18+$0x0], $0xffff;
	v2 =	vand.u32 $0x7C, v2;
	v4 =	vmov s0  }
0x17c: {  	v59 =	vld [tilespmem:s28+$0xFFFFFFF0];
	v8 =	vmov s4;
	s4 =	simm.s32 $0x7;
	v2 =	vor.u32 $0x280, v2;
	v4 =	vand.u32 $0x7D, v4  }
0x17d: {  	v6 =	vld.idx.msk [tilespmem:v3+s18+$0x0], $0xffff;
	v8 =	vand.u32 $0x7E, v8;
	v11 =	vmov s4;
	v4 =	vor.u32 $0x280, v4  }
0x17e: {  	v3 =	vld [tilespmem:s28+$0x30];
	v8 =	vor.u32 $0x280, v8;
	v11 =	vand.u32 $0x7F, v11;
	v4 =	vbroadcast v4, $0x0  }
0x17f: {  	v8 =	vbroadcast v8, $0x0;
	v11 =	vor.u32 $0x280, v11;
	v9 =	vmul.f32 v9, v1  }
0x180: {  	v60 =	vld [tilespmem:s28+$0x0];
	v2 =	vbroadcast v2, $0x0;
	v11 =	vbroadcast v11, $0x0  }
0x181: {  	v61 =	vld [tilespmem:s28+$0x10];
	[tilespmem:s28+$0xFFFFFFC0] =	vst v9;
	v9 =	vmul.f32 v58, v5;
	v5 =	vmul.f32 v59, v5  }
0x182: {  	s30 =	simm.s32 $0x1AF60;
	v62 =	vld [tilespmem:s28+$0x20];
	v10 =	vmul.f32 v10, v1  }
0x183: {  	v3 =	vmul.f32 v3, v7;
	[tilespmem:s28+$0xFFFFFFF0] =	vst v5;
	v5 =	vld [tilespmem:s30+$0x30]  }
0x184: {  	s4 =	simm.s32 $0x8;
	[tilespmem:s28+$0xFFFFFFD0] =	vst v10;
	v1 =	vld.idx.msk [tilespmem:v4+s18+$0x0], $0xffff  }
0x185: {  	[tilespmem:s28+$0x30] =	vst v3;
	v4 =	vmov s4;
	v3 =	vld.idx.msk [tilespmem:v8+s18+$0x0], $0xffff;
	v8 =	vmul.f32 v60, v6  }
0x186: {  	s0 =	simm.s32 $0x9;
	[tilespmem:s28+$0xFFFFFFE0] =	vst v9;
	s4 =	simm.s32 $0xA;
	v9 =	vand.u32 $0x7C, v4;
	v4 =	vld.idx.msk [tilespmem:v11+s18+$0x0], $0xffff;
	v11 =	vmul.f32 v61, v6  }
0x187: {  	s31 =	simm.s32 $0xC;
	v7 =	vmul.f32 v62, v7;
	v2 =	vld.idx.msk [tilespmem:v2+s18+$0x0], $0xffff;
	v6 =	vmov s0;
	v63 =	vmov s4;
	[tilespmem:s28+$0x0] =	vst v8  }
0x188: {  	s0 =	simm.s32 $0xB;
	v9 =	vor.u32 $0x280, v9;
	v10 =	vand.u32 $0x7D, v6;
	v8 =	vand.u32 $0x7E, v63;
	v6 =	vld [tilespmem:s30+$0xFFFFFFC0];
	[tilespmem:s28+$0x10] =	vst v11  }
.LBB2_17:
0x189: {  	p0 =	slt.u32 s31, $0x7C;
	v9 =	vbroadcast v9, $0x0;
	v10 =	vor.u32 $0x280, v10;
	v11 =	vmov s0;
	v12 =	vld [tilespmem:s30+$0xFFFFFFD0];
	[tilespmem:s28+$0x20] =	vst v7;
	s28 =	smov.u32 s30  }
0x18a: {  	v8 =	vor.u32 $0x280, v8;
	v7 =	vbroadcast v10, $0x0;
	v10 =	vand.u32 $0x7F, v11;
	v11 =	vld [tilespmem:s30+$0xFFFFFFE0]  }
0x18b: {  	v8 =	vbroadcast v8, $0x0;
	v14 =	vmov v3;
	v10 =	vor.u32 $0x280, v10;
	v13 =	vld [tilespmem:s30+$0xFFFFFFF0]  }
0x18c: {  	v16 =	vmov v4;
	v10 =	vbroadcast v10, $0x0;
	v15 =	vld [tilespmem:s30+$0x0];
	v3 =	vmul.f32 v5, v4  }
0x18d: {  	v4 =	vmul.f32 v6, v2;
	v5 =	vld [tilespmem:s30+$0x10]  }
0x18e: {  	v6 =	vmul.f32 v12, v2;
	v12 =	vld [tilespmem:s30+$0x20];
	[tilespmem:s30+$0x30] =	vst v3  }
0x18f: {  	v2 =	vld.idx.msk [tilespmem:v9+s18+$0x0], $0xffff;
	[tilespmem:s30+$0xFFFFFFC0] =	vst v4;
	v4 =	vmul.f32 v11, v1  }
.Ltmp7:
0x190: {  	[tilespmem:s30+$0xFFFFFFD0] =	vst v6;
	v6 =	vmul.f32 v13, v1;
	v1 =	vld.idx.msk [tilespmem:v7+s18+$0x0], $0xffff;
	(pc) =	sbr.rel @p0 .LBB2_17-.Ltmp7, $4  }
0x191: {  	v7 =	vmov s31;
	v3 =	vld.idx.msk [tilespmem:v8+s18+$0x0], $0xffff;
	[tilespmem:s30+$0xFFFFFFE0] =	vst v4;
	v8 =	vmul.f32 v15, v14  }
0x192: {  	s0 =	sadd.s32 $0x1, s31;
	s4 =	sadd.s32 $0x2, s31;
	v9 =	vand.u32 $0x7C, v7;
	s30 =	sadd.s32 $0x80, s30;
	v4 =	vld.idx.msk [tilespmem:v10+s18+$0x0], $0xffff;
	[tilespmem:s28+$0xFFFFFFF0] =	vst v6;
	v11 =	vmul.f32 v5, v14  }
0x193: {  	v13 =	vmov s4;
	v6 =	vmov s0;
	v5 =	vld [tilespmem:s30+$0x30];
	[tilespmem:s28+$0x0] =	vst v8;
	v7 =	vmul.f32 v12, v16  }
0x194: {  	v9 =	vor.u32 $0x280, v9;
	s0 =	sadd.s32 $0x3, s31;
	s31 =	sadd.s32 $0x4, s31;
	v10 =	vand.u32 $0x7D, v6;
	v8 =	vand.u32 $0x7E, v13;
	v6 =	vld [tilespmem:s30+$0xFFFFFFC0];
	[tilespmem:s28+$0x10] =	vst v11  }
0x195: {  	v9 =	vbroadcast v9, $0x0;
	v10 =	vor.u32 $0x280, v10;
	v12 =	vld [tilespmem:s30+$0xFFFFFFD0]  }
0x196: {  	v8 =	vor.u32 $0x280, v8;
	v13 =	vld [tilespmem:s30+$0xFFFFFFE0];
	v10 =	vbroadcast v10, $0x0  }
0x197: {  	v11 =	vmov s0;
	v14 =	vld [tilespmem:s30+$0xFFFFFFF0];
	v8 =	vbroadcast v8, $0x0  }
0x198: {  	v15 =	vld [tilespmem:s30+$0x0];
	v11 =	vand.u32 $0x7F, v11  }
0x199: {  	v16 =	vld [tilespmem:s30+$0x10];
	v11 =	vor.u32 $0x280, v11  }
0x19a: {  	v17 =	vld [tilespmem:s30+$0x20];
	v11 =	vbroadcast v11, $0x0  }
0x19b: {  	v9 =	vld.idx.msk [tilespmem:v9+s18+$0x0], $0xffff  }
0x19c: {  	v6 =	vmul.f32 v6, v2;
	v10 =	vld.idx.msk [tilespmem:v10+s18+$0x0], $0xffff  }
0x19d: {  	[tilespmem:s28+$0x20] =	vst v7;
	s0 =	sadd.s32 $0x80, s30;
	v2 =	vmul.f32 v12, v2;
	v7 =	vld.idx.msk [tilespmem:v8+s18+$0x0], $0xffff  }
0x19e: {  	v5 =	vmul.f32 v5, v4;
	[tilespmem:s30+$0xFFFFFFC0] =	vst v6;
	v8 =	vld [tilespmem:s0+$0x30]  }
0x19f: {  	v6 =	vmul.f32 v13, v1;
	[tilespmem:s30+$0xFFFFFFD0] =	vst v2;
	v2 =	vld [tilespmem:s0+$0xFFFFFFC0]  }
0x1a0: {  	[tilespmem:s30+$0x30] =	vst v5;
	v1 =	vmul.f32 v14, v1;
	v5 =	vld.idx.msk [tilespmem:v11+s18+$0x0], $0xffff  }
0x1a1: {  	[tilespmem:s30+$0xFFFFFFE0] =	vst v6;
	v6 =	vmul.f32 v15, v3;
	v11 =	vld [tilespmem:s0+$0xFFFFFFD0]  }
0x1a2: {  	[tilespmem:s30+$0xFFFFFFF0] =	vst v1;
	v1 =	vmul.f32 v16, v3;
	v3 =	vld [tilespmem:s0+$0xFFFFFFE0]  }
0x1a3: {  	v4 =	vmul.f32 v17, v4;
	[tilespmem:s30+$0x0] =	vst v6;
	v6 =	vld [tilespmem:s0+$0xFFFFFFF0]  }
0x1a4: {  	[tilespmem:s30+$0x10] =	vst v1;
	v1 =	vld [tilespmem:s0+$0x0];
	v2 =	vmul.f32 v2, v9  }
0x1a5: {  	[tilespmem:s30+$0x20] =	vst v4;
	v4 =	vld [tilespmem:s0+$0x10];
	v8 =	vmul.f32 v8, v5  }
0x1a6: {  	v9 =	vmul.f32 v11, v9;
	v11 =	vld [tilespmem:s0+$0x20];
	[tilespmem:s0+$0xFFFFFFC0] =	vst v2  }
0x1a7: {  	v2 =	vmul.f32 v3, v10;
	[tilespmem:s0+$0x30] =	vst v8  }
0x1a8: {  	v3 =	vmul.f32 v6, v10;
	[tilespmem:s0+$0xFFFFFFD0] =	vst v9  }
0x1a9: {  	v1 =	vmul.f32 v1, v7;
	[tilespmem:s0+$0xFFFFFFE0] =	vst v2  }
0x1aa: {  	v2 =	vmul.f32 v4, v7;
	[tilespmem:s0+$0xFFFFFFF0] =	vst v3  }
0x1ab: {  	[tilespmem:s0+$0x0] =	vst v1;
	v1 =	vmul.f32 v11, v5  }
0x1ac: {  	s4 =	simm.s32 $0x0;
	[tilespmem:s0+$0x10] =	vst v2  }
0x1ad: {  	s28 =	simm.s32 $0x18920;
	[tilespmem:s0+$0x20] =	vst v1;
	v1 =	vmov s4  }
0x1ae: {  	[spmem:s2] =	stream.indirect.scatter.add.f32 [tilespmem:s22], [sflag:$0x4], $0x20, s28, s19, $0xb8;
	v1 =	vand.u32 $0x7C, v1;
	[tilespmem:$0x1CEA0] =	vst v63  }
0x1af: {  	s4 =	simm.s32 $0x2;
	_ =	swait.ge [sflag:s29], $0x1000;
	v1 =	vor.u32 $0x300, v1  }
0x1b0: {  	s0 =	simm.s32 $0x1;
	v3 =	vmov s4;
	s4 =	simm.s32 $0x3;
	[sflag:s29] =	ssyncset.done $0x0;
	v1 =	vbroadcast v1, $0x0  }
0x1b1: {  	v2 =	vmov s0;
	v4 =	vmov s4;
	s4 =	simm.s32 $0x19220;
	[sflag:s29] =	ssyncadd.s32 $0xFFFFF000  }
0x1b2: {  	v2 =	vand.u32 $0x7D, v2;
	[tilespmem:s22], [sflag:$0x2] =	stream.indirect.gather [hbm4b:s10+s19], $0x20, s4, s19, $0xb8;
	[tilespmem:$0x1CEA0] =	vst v63  }
0x1b3: {  	v2 =	vor.u32 $0x300, v2;
	v4 =	vand.u32 $0x7F, v4;
	_ =	swait.ge [sflag:s23], $0x1000  }
0x1b4: {  	v2 =	vbroadcast v2, $0x0;
	v4 =	vor.u32 $0x300, v4;
	[sflag:s23] =	ssyncset.done $0x0  }
0x1b5: {  	v3 =	vand.u32 $0x7E, v3;
	v4 =	vbroadcast v4, $0x0;
	[sflag:s23] =	ssyncadd.s32 $0xFFFFF000  }
0x1b6: {  	s28 =	simm.s32 $0x19EE0;
	v3 =	vor.u32 $0x300, v3;
	v1 =	vld.idx.msk [tilespmem:v1+s18+$0x0], $0xffff  }
0x1b7: {  	v3 =	vbroadcast v3, $0x0;
	v9 =	vld [tilespmem:s28+$0xFFFFFFC0]  }
0x1b8: {  	v10 =	vld [tilespmem:s28+$0xFFFFFFD0]  }
0x1b9: {  	s4 =	simm.s32 $0x4;
	v58 =	vld [tilespmem:s28+$0xFFFFFFE0]  }
0x1ba: {  	s0 =	simm.s32 $0x5;
	v5 =	vld.idx.msk [tilespmem:v2+s18+$0x0], $0xffff;
	v2 =	vmov s4  }
0x1bb: {  	s4 =	simm.s32 $0x6;
	v7 =	vld.idx.msk [tilespmem:v4+s18+$0x0], $0xffff;
	v2 =	vand.u32 $0x7C, v2;
	v4 =	vmov s0  }
0x1bc: {  	v59 =	vld [tilespmem:s28+$0xFFFFFFF0];
	v8 =	vmov s4;
	s4 =	simm.s32 $0x7;
	v2 =	vor.u32 $0x300, v2;
	v4 =	vand.u32 $0x7D, v4  }
0x1bd: {  	v6 =	vld.idx.msk [tilespmem:v3+s18+$0x0], $0xffff;
	v8 =	vand.u32 $0x7E, v8;
	v11 =	vmov s4;
	v4 =	vor.u32 $0x300, v4  }
0x1be: {  	v3 =	vld [tilespmem:s28+$0x30];
	v8 =	vor.u32 $0x300, v8;
	v11 =	vand.u32 $0x7F, v11;
	v4 =	vbroadcast v4, $0x0  }
0x1bf: {  	v8 =	vbroadcast v8, $0x0;
	v11 =	vor.u32 $0x300, v11;
	v9 =	vmul.f32 v9, v1  }
0x1c0: {  	v60 =	vld [tilespmem:s28+$0x0];
	v2 =	vbroadcast v2, $0x0;
	v11 =	vbroadcast v11, $0x0  }
0x1c1: {  	v61 =	vld [tilespmem:s28+$0x10];
	[tilespmem:s28+$0xFFFFFFC0] =	vst v9;
	v9 =	vmul.f32 v58, v5;
	v5 =	vmul.f32 v59, v5  }
0x1c2: {  	s30 =	simm.s32 $0x19F60;
	v62 =	vld [tilespmem:s28+$0x20];
	v10 =	vmul.f32 v10, v1  }
0x1c3: {  	v3 =	vmul.f32 v3, v7;
	[tilespmem:s28+$0xFFFFFFF0] =	vst v5;
	v5 =	vld [tilespmem:s30+$0x30]  }
0x1c4: {  	s4 =	simm.s32 $0x8;
	[tilespmem:s28+$0xFFFFFFD0] =	vst v10;
	v1 =	vld.idx.msk [tilespmem:v4+s18+$0x0], $0xffff  }
0x1c5: {  	[tilespmem:s28+$0x30] =	vst v3;
	v4 =	vmov s4;
	v3 =	vld.idx.msk [tilespmem:v8+s18+$0x0], $0xffff;
	v8 =	vmul.f32 v60, v6  }
0x1c6: {  	s0 =	simm.s32 $0x9;
	[tilespmem:s28+$0xFFFFFFE0] =	vst v9;
	s4 =	simm.s32 $0xA;
	v9 =	vand.u32 $0x7C, v4;
	v4 =	vld.idx.msk [tilespmem:v11+s18+$0x0], $0xffff;
	v11 =	vmul.f32 v61, v6  }
0x1c7: {  	s31 =	simm.s32 $0xC;
	v7 =	vmul.f32 v62, v7;
	v2 =	vld.idx.msk [tilespmem:v2+s18+$0x0], $0xffff;
	v6 =	vmov s0;
	v63 =	vmov s4;
	[tilespmem:s28+$0x0] =	vst v8  }
0x1c8: {  	s0 =	simm.s32 $0xB;
	v9 =	vor.u32 $0x300, v9;
	v10 =	vand.u32 $0x7D, v6;
	v8 =	vand.u32 $0x7E, v63;
	v6 =	vld [tilespmem:s30+$0xFFFFFFC0];
	[tilespmem:s28+$0x10] =	vst v11  }
.LBB2_19:
0x1c9: {  	p0 =	slt.u32 s31, $0x7C;
	v9 =	vbroadcast v9, $0x0;
	v10 =	vor.u32 $0x300, v10;
	v11 =	vmov s0;
	v12 =	vld [tilespmem:s30+$0xFFFFFFD0];
	[tilespmem:s28+$0x20] =	vst v7;
	s28 =	smov.u32 s30  }
0x1ca: {  	v8 =	vor.u32 $0x300, v8;
	v7 =	vbroadcast v10, $0x0;
	v10 =	vand.u32 $0x7F, v11;
	v11 =	vld [tilespmem:s30+$0xFFFFFFE0]  }
0x1cb: {  	v8 =	vbroadcast v8, $0x0;
	v14 =	vmov v3;
	v10 =	vor.u32 $0x300, v10;
	v13 =	vld [tilespmem:s30+$0xFFFFFFF0]  }
0x1cc: {  	v16 =	vmov v4;
	v10 =	vbroadcast v10, $0x0;
	v15 =	vld [tilespmem:s30+$0x0];
	v3 =	vmul.f32 v5, v4  }
0x1cd: {  	v4 =	vmul.f32 v6, v2;
	v5 =	vld [tilespmem:s30+$0x10]  }
0x1ce: {  	v6 =	vmul.f32 v12, v2;
	v12 =	vld [tilespmem:s30+$0x20];
	[tilespmem:s30+$0x30] =	vst v3  }
0x1cf: {  	v2 =	vld.idx.msk [tilespmem:v9+s18+$0x0], $0xffff;
	[tilespmem:s30+$0xFFFFFFC0] =	vst v4;
	v4 =	vmul.f32 v11, v1  }
.Ltmp8:
0x1d0: {  	[tilespmem:s30+$0xFFFFFFD0] =	vst v6;
	v6 =	vmul.f32 v13, v1;
	v1 =	vld.idx.msk [tilespmem:v7+s18+$0x0], $0xffff;
	(pc) =	sbr.rel @p0 .LBB2_19-.Ltmp8, $4  }
0x1d1: {  	v7 =	vmov s31;
	v3 =	vld.idx.msk [tilespmem:v8+s18+$0x0], $0xffff;
	[tilespmem:s30+$0xFFFFFFE0] =	vst v4;
	v8 =	vmul.f32 v15, v14  }
0x1d2: {  	s0 =	sadd.s32 $0x1, s31;
	s4 =	sadd.s32 $0x2, s31;
	v9 =	vand.u32 $0x7C, v7;
	s30 =	sadd.s32 $0x80, s30;
	v4 =	vld.idx.msk [tilespmem:v10+s18+$0x0], $0xffff;
	[tilespmem:s28+$0xFFFFFFF0] =	vst v6;
	v11 =	vmul.f32 v5, v14  }
0x1d3: {  	v13 =	vmov s4;
	v6 =	vmov s0;
	v5 =	vld [tilespmem:s30+$0x30];
	[tilespmem:s28+$0x0] =	vst v8;
	v7 =	vmul.f32 v12, v16  }
0x1d4: {  	v9 =	vor.u32 $0x300, v9;
	s0 =	sadd.s32 $0x3, s31;
	s31 =	sadd.s32 $0x4, s31;
	v10 =	vand.u32 $0x7D, v6;
	v8 =	vand.u32 $0x7E, v13;
	v6 =	vld [tilespmem:s30+$0xFFFFFFC0];
	[tilespmem:s28+$0x10] =	vst v11  }
0x1d5: {  	v9 =	vbroadcast v9, $0x0;
	v10 =	vor.u32 $0x300, v10;
	v12 =	vld [tilespmem:s30+$0xFFFFFFD0]  }
0x1d6: {  	v8 =	vor.u32 $0x300, v8;
	v13 =	vld [tilespmem:s30+$0xFFFFFFE0];
	v10 =	vbroadcast v10, $0x0  }
0x1d7: {  	v11 =	vmov s0;
	v14 =	vld [tilespmem:s30+$0xFFFFFFF0];
	v8 =	vbroadcast v8, $0x0  }
0x1d8: {  	v15 =	vld [tilespmem:s30+$0x0];
	v11 =	vand.u32 $0x7F, v11  }
0x1d9: {  	v16 =	vld [tilespmem:s30+$0x10];
	v11 =	vor.u32 $0x300, v11  }
0x1da: {  	v17 =	vld [tilespmem:s30+$0x20];
	v11 =	vbroadcast v11, $0x0  }
0x1db: {  	v9 =	vld.idx.msk [tilespmem:v9+s18+$0x0], $0xffff  }
0x1dc: {  	v6 =	vmul.f32 v6, v2;
	v10 =	vld.idx.msk [tilespmem:v10+s18+$0x0], $0xffff  }
0x1dd: {  	[tilespmem:s28+$0x20] =	vst v7;
	s0 =	sadd.s32 $0x80, s30;
	v2 =	vmul.f32 v12, v2;
	v7 =	vld.idx.msk [tilespmem:v8+s18+$0x0], $0xffff  }
0x1de: {  	v5 =	vmul.f32 v5, v4;
	[tilespmem:s30+$0xFFFFFFC0] =	vst v6;
	v8 =	vld [tilespmem:s0+$0x30]  }
0x1df: {  	v6 =	vmul.f32 v13, v1;
	[tilespmem:s30+$0xFFFFFFD0] =	vst v2;
	v2 =	vld [tilespmem:s0+$0xFFFFFFC0]  }
0x1e0: {  	[tilespmem:s30+$0x30] =	vst v5;
	v1 =	vmul.f32 v14, v1;
	v5 =	vld.idx.msk [tilespmem:v11+s18+$0x0], $0xffff  }
0x1e1: {  	[tilespmem:s30+$0xFFFFFFE0] =	vst v6;
	v6 =	vmul.f32 v15, v3;
	v11 =	vld [tilespmem:s0+$0xFFFFFFD0]  }
0x1e2: {  	[tilespmem:s30+$0xFFFFFFF0] =	vst v1;
	v1 =	vmul.f32 v16, v3;
	v3 =	vld [tilespmem:s0+$0xFFFFFFE0]  }
0x1e3: {  	v4 =	vmul.f32 v17, v4;
	[tilespmem:s30+$0x0] =	vst v6;
	v6 =	vld [tilespmem:s0+$0xFFFFFFF0]  }
0x1e4: {  	[tilespmem:s30+$0x10] =	vst v1;
	v1 =	vld [tilespmem:s0+$0x0];
	v2 =	vmul.f32 v2, v9  }
0x1e5: {  	[tilespmem:s30+$0x20] =	vst v4;
	v4 =	vld [tilespmem:s0+$0x10];
	v8 =	vmul.f32 v8, v5  }
0x1e6: {  	v9 =	vmul.f32 v11, v9;
	v11 =	vld [tilespmem:s0+$0x20];
	[tilespmem:s0+$0xFFFFFFC0] =	vst v2  }
0x1e7: {  	v2 =	vmul.f32 v3, v10;
	[tilespmem:s0+$0x30] =	vst v8  }
0x1e8: {  	v3 =	vmul.f32 v6, v10;
	[tilespmem:s0+$0xFFFFFFD0] =	vst v9  }
0x1e9: {  	v1 =	vmul.f32 v1, v7;
	[tilespmem:s0+$0xFFFFFFE0] =	vst v2  }
0x1ea: {  	v2 =	vmul.f32 v4, v7;
	[tilespmem:s0+$0xFFFFFFF0] =	vst v3  }
0x1eb: {  	[tilespmem:s0+$0x0] =	vst v1;
	v1 =	vmul.f32 v11, v5  }
0x1ec: {  	s4 =	simm.s32 $0x0;
	[tilespmem:s0+$0x10] =	vst v2  }
0x1ed: {  	s28 =	simm.s32 $0x189A0;
	[tilespmem:s0+$0x20] =	vst v1;
	v1 =	vmov s4  }
0x1ee: {  	[spmem:s2] =	stream.indirect.scatter.add.f32 [tilespmem:s20], [sflag:$0x3], $0x20, s28, s19, $0xb8;
	v1 =	vand.u32 $0x7C, v1;
	[tilespmem:$0x1CEA0] =	vst v63  }
0x1ef: {  	s4 =	simm.s32 $0x2;
	_ =	swait.ge [sflag:s24], $0x1000;
	v1 =	vor.u32 $0x380, v1  }
0x1f0: {  	s0 =	simm.s32 $0x1;
	v3 =	vmov s4;
	s4 =	simm.s32 $0x3;
	[sflag:s24] =	ssyncset.done $0x0;
	v1 =	vbroadcast v1, $0x0  }
0x1f1: {  	v2 =	vmov s0;
	v4 =	vmov s4;
	s4 =	simm.s32 $0x192A0;
	[sflag:s24] =	ssyncadd.s32 $0xFFFFF000  }
0x1f2: {  	v2 =	vand.u32 $0x7D, v2;
	[tilespmem:s20], [sflag:$0x1] =	stream.indirect.gather [hbm4b:s10+s19], $0x20, s4, s19, $0xb8;
	[tilespmem:$0x1CEA0] =	vst v63  }
0x1f3: {  	v2 =	vor.u32 $0x380, v2;
	v4 =	vand.u32 $0x7F, v4;
	_ =	swait.ge [sflag:s26], $0x1000  }
0x1f4: {  	v2 =	vbroadcast v2, $0x0;
	v4 =	vor.u32 $0x380, v4;
	[sflag:s26] =	ssyncset.done $0x0  }
0x1f5: {  	v3 =	vand.u32 $0x7E, v3;
	v4 =	vbroadcast v4, $0x0;
	[sflag:s26] =	ssyncadd.s32 $0xFFFFF000  }
0x1f6: {  	s28 =	simm.s32 $0x1AEE0;
	v3 =	vor.u32 $0x380, v3;
	v1 =	vld.idx.msk [tilespmem:v1+s18+$0x0], $0xffff  }
0x1f7: {  	v3 =	vbroadcast v3, $0x0;
	v9 =	vld [tilespmem:s28+$0xFFFFFFC0]  }
0x1f8: {  	v10 =	vld [tilespmem:s28+$0xFFFFFFD0]  }
0x1f9: {  	s4 =	simm.s32 $0x4;
	v58 =	vld [tilespmem:s28+$0xFFFFFFE0]  }
0x1fa: {  	s0 =	simm.s32 $0x5;
	v5 =	vld.idx.msk [tilespmem:v2+s18+$0x0], $0xffff;
	v2 =	vmov s4  }
0x1fb: {  	s4 =	simm.s32 $0x6;
	v7 =	vld.idx.msk [tilespmem:v4+s18+$0x0], $0xffff;
	v2 =	vand.u32 $0x7C, v2;
	v4 =	vmov s0  }
0x1fc: {  	v59 =	vld [tilespmem:s28+$0xFFFFFFF0];
	v8 =	vmov s4;
	s4 =	simm.s32 $0x7;
	v2 =	vor.u32 $0x380, v2;
	v4 =	vand.u32 $0x7D, v4  }
0x1fd: {  	v6 =	vld.idx.msk [tilespmem:v3+s18+$0x0], $0xffff;
	v8 =	vand.u32 $0x7E, v8;
	v11 =	vmov s4;
	v4 =	vor.u32 $0x380, v4  }
0x1fe: {  	v3 =	vld [tilespmem:s28+$0x30];
	v8 =	vor.u32 $0x380, v8;
	v11 =	vand.u32 $0x7F, v11;
	v4 =	vbroadcast v4, $0x0  }
0x1ff: {  	v8 =	vbroadcast v8, $0x0;
	v11 =	vor.u32 $0x380, v11;
	v9 =	vmul.f32 v9, v1  }
0x200: {  	v60 =	vld [tilespmem:s28+$0x0];
	v2 =	vbroadcast v2, $0x0;
	v11 =	vbroadcast v11, $0x0  }
0x201: {  	v61 =	vld [tilespmem:s28+$0x10];
	[tilespmem:s28+$0xFFFFFFC0] =	vst v9;
	v9 =	vmul.f32 v58, v5;
	v5 =	vmul.f32 v59, v5  }
0x202: {  	s30 =	simm.s32 $0x1AF60;
	v62 =	vld [tilespmem:s28+$0x20];
	v10 =	vmul.f32 v10, v1  }
0x203: {  	v3 =	vmul.f32 v3, v7;
	[tilespmem:s28+$0xFFFFFFF0] =	vst v5;
	v5 =	vld [tilespmem:s30+$0x30]  }
0x204: {  	s4 =	simm.s32 $0x8;
	[tilespmem:s28+$0xFFFFFFD0] =	vst v10;
	v1 =	vld.idx.msk [tilespmem:v4+s18+$0x0], $0xffff  }
0x205: {  	[tilespmem:s28+$0x30] =	vst v3;
	v4 =	vmov s4;
	v3 =	vld.idx.msk [tilespmem:v8+s18+$0x0], $0xffff;
	v8 =	vmul.f32 v60, v6  }
0x206: {  	s0 =	simm.s32 $0x9;
	[tilespmem:s28+$0xFFFFFFE0] =	vst v9;
	s4 =	simm.s32 $0xA;
	v9 =	vand.u32 $0x7C, v4;
	v4 =	vld.idx.msk [tilespmem:v11+s18+$0x0], $0xffff;
	v11 =	vmul.f32 v61, v6  }
0x207: {  	s31 =	simm.s32 $0xC;
	v7 =	vmul.f32 v62, v7;
	v2 =	vld.idx.msk [tilespmem:v2+s18+$0x0], $0xffff;
	v6 =	vmov s0;
	v63 =	vmov s4;
	[tilespmem:s28+$0x0] =	vst v8  }
0x208: {  	s0 =	simm.s32 $0xB;
	v9 =	vor.u32 $0x380, v9;
	v10 =	vand.u32 $0x7D, v6;
	v8 =	vand.u32 $0x7E, v63;
	v6 =	vld [tilespmem:s30+$0xFFFFFFC0];
	[tilespmem:s28+$0x10] =	vst v11  }
.LBB2_21:
0x209: {  	p0 =	slt.u32 s31, $0x7C;
	v9 =	vbroadcast v9, $0x0;
	v10 =	vor.u32 $0x380, v10;
	v11 =	vmov s0;
	v12 =	vld [tilespmem:s30+$0xFFFFFFD0];
	[tilespmem:s28+$0x20] =	vst v7;
	s28 =	smov.u32 s30  }
0x20a: {  	v8 =	vor.u32 $0x380, v8;
	v7 =	vbroadcast v10, $0x0;
	v10 =	vand.u32 $0x7F, v11;
	v11 =	vld [tilespmem:s30+$0xFFFFFFE0]  }
0x20b: {  	v8 =	vbroadcast v8, $0x0;
	v14 =	vmov v3;
	v10 =	vor.u32 $0x380, v10;
	v13 =	vld [tilespmem:s30+$0xFFFFFFF0]  }
0x20c: {  	v16 =	vmov v4;
	v10 =	vbroadcast v10, $0x0;
	v15 =	vld [tilespmem:s30+$0x0];
	v3 =	vmul.f32 v5, v4  }
0x20d: {  	v4 =	vmul.f32 v6, v2;
	v5 =	vld [tilespmem:s30+$0x10]  }
0x20e: {  	v6 =	vmul.f32 v12, v2;
	v12 =	vld [tilespmem:s30+$0x20];
	[tilespmem:s30+$0x30] =	vst v3  }
0x20f: {  	v2 =	vld.idx.msk [tilespmem:v9+s18+$0x0], $0xffff;
	[tilespmem:s30+$0xFFFFFFC0] =	vst v4;
	v4 =	vmul.f32 v11, v1  }
.Ltmp9:
0x210: {  	[tilespmem:s30+$0xFFFFFFD0] =	vst v6;
	v6 =	vmul.f32 v13, v1;
	v1 =	vld.idx.msk [tilespmem:v7+s18+$0x0], $0xffff;
	(pc) =	sbr.rel @p0 .LBB2_21-.Ltmp9, $4  }
0x211: {  	v7 =	vmov s31;
	v3 =	vld.idx.msk [tilespmem:v8+s18+$0x0], $0xffff;
	[tilespmem:s30+$0xFFFFFFE0] =	vst v4;
	v8 =	vmul.f32 v15, v14  }
0x212: {  	s0 =	sadd.s32 $0x1, s31;
	s4 =	sadd.s32 $0x2, s31;
	v9 =	vand.u32 $0x7C, v7;
	s30 =	sadd.s32 $0x80, s30;
	v4 =	vld.idx.msk [tilespmem:v10+s18+$0x0], $0xffff;
	[tilespmem:s28+$0xFFFFFFF0] =	vst v6;
	v11 =	vmul.f32 v5, v14  }
0x213: {  	v13 =	vmov s4;
	v6 =	vmov s0;
	v5 =	vld [tilespmem:s30+$0x30];
	[tilespmem:s28+$0x0] =	vst v8;
	v7 =	vmul.f32 v12, v16  }
0x214: {  	v9 =	vor.u32 $0x380, v9;
	s0 =	sadd.s32 $0x3, s31;
	s31 =	sadd.s32 $0x4, s31;
	v10 =	vand.u32 $0x7D, v6;
	v8 =	vand.u32 $0x7E, v13;
	v6 =	vld [tilespmem:s30+$0xFFFFFFC0];
	[tilespmem:s28+$0x10] =	vst v11  }
0x215: {  	v9 =	vbroadcast v9, $0x0;
	v10 =	vor.u32 $0x380, v10;
	v12 =	vld [tilespmem:s30+$0xFFFFFFD0]  }
0x216: {  	v8 =	vor.u32 $0x380, v8;
	v13 =	vld [tilespmem:s30+$0xFFFFFFE0];
	v10 =	vbroadcast v10, $0x0  }
0x217: {  	v11 =	vmov s0;
	v14 =	vld [tilespmem:s30+$0xFFFFFFF0];
	v8 =	vbroadcast v8, $0x0  }
0x218: {  	v15 =	vld [tilespmem:s30+$0x0];
	v11 =	vand.u32 $0x7F, v11  }
0x219: {  	v16 =	vld [tilespmem:s30+$0x10];
	v11 =	vor.u32 $0x380, v11  }
0x21a: {  	v17 =	vld [tilespmem:s30+$0x20];
	v11 =	vbroadcast v11, $0x0  }
0x21b: {  	v9 =	vld.idx.msk [tilespmem:v9+s18+$0x0], $0xffff  }
0x21c: {  	v6 =	vmul.f32 v6, v2;
	v10 =	vld.idx.msk [tilespmem:v10+s18+$0x0], $0xffff  }
0x21d: {  	[tilespmem:s28+$0x20] =	vst v7;
	s0 =	sadd.s32 $0x80, s30;
	v2 =	vmul.f32 v12, v2;
	v7 =	vld.idx.msk [tilespmem:v8+s18+$0x0], $0xffff  }
0x21e: {  	v5 =	vmul.f32 v5, v4;
	[tilespmem:s30+$0xFFFFFFC0] =	vst v6;
	v8 =	vld [tilespmem:s0+$0x30]  }
0x21f: {  	v6 =	vmul.f32 v13, v1;
	[tilespmem:s30+$0xFFFFFFD0] =	vst v2;
	v2 =	vld [tilespmem:s0+$0xFFFFFFC0]  }
0x220: {  	[tilespmem:s30+$0x30] =	vst v5;
	v1 =	vmul.f32 v14, v1;
	v5 =	vld.idx.msk [tilespmem:v11+s18+$0x0], $0xffff  }
0x221: {  	[tilespmem:s30+$0xFFFFFFE0] =	vst v6;
	v6 =	vmul.f32 v15, v3;
	v11 =	vld [tilespmem:s0+$0xFFFFFFD0]  }
0x222: {  	[tilespmem:s30+$0xFFFFFFF0] =	vst v1;
	v1 =	vmul.f32 v16, v3;
	v3 =	vld [tilespmem:s0+$0xFFFFFFE0]  }
0x223: {  	v4 =	vmul.f32 v17, v4;
	[tilespmem:s30+$0x0] =	vst v6;
	v6 =	vld [tilespmem:s0+$0xFFFFFFF0]  }
0x224: {  	[tilespmem:s30+$0x10] =	vst v1;
	v1 =	vld [tilespmem:s0+$0x0];
	v2 =	vmul.f32 v2, v9  }
0x225: {  	[tilespmem:s30+$0x20] =	vst v4;
	v4 =	vld [tilespmem:s0+$0x10];
	v8 =	vmul.f32 v8, v5  }
0x226: {  	v9 =	vmul.f32 v11, v9;
	v11 =	vld [tilespmem:s0+$0x20];
	[tilespmem:s0+$0xFFFFFFC0] =	vst v2  }
0x227: {  	v2 =	vmul.f32 v3, v10;
	[tilespmem:s0+$0x30] =	vst v8  }
0x228: {  	v3 =	vmul.f32 v6, v10;
	[tilespmem:s0+$0xFFFFFFD0] =	vst v9  }
0x229: {  	v1 =	vmul.f32 v1, v7;
	[tilespmem:s0+$0xFFFFFFE0] =	vst v2  }
0x22a: {  	v2 =	vmul.f32 v4, v7;
	[tilespmem:s0+$0xFFFFFFF0] =	vst v3  }
0x22b: {  	[tilespmem:s0+$0x0] =	vst v1;
	v1 =	vmul.f32 v11, v5  }
0x22c: {  	s4 =	simm.s32 $0x0;
	[tilespmem:s0+$0x10] =	vst v2  }
0x22d: {  	s28 =	simm.s32 $0x18A20;
	[tilespmem:s0+$0x20] =	vst v1;
	v1 =	vmov s4  }
0x22e: {  	[spmem:s2] =	stream.indirect.scatter.add.f32 [tilespmem:s22], [sflag:$0x4], $0x20, s28, s19, $0xb8;
	v1 =	vand.u32 $0x7C, v1;
	[tilespmem:$0x1CEA0] =	vst v63  }
0x22f: {  	s4 =	simm.s32 $0x2;
	_ =	swait.ge [sflag:s29], $0x1000;
	v1 =	vor.u32 $0x400, v1  }
0x230: {  	s0 =	simm.s32 $0x1;
	v3 =	vmov s4;
	s4 =	simm.s32 $0x3;
	[sflag:s29] =	ssyncset.done $0x0;
	v1 =	vbroadcast v1, $0x0  }
0x231: {  	v2 =	vmov s0;
	v4 =	vmov s4;
	s4 =	simm.s32 $0x19320;
	[sflag:s29] =	ssyncadd.s32 $0xFFFFF000  }
0x232: {  	v2 =	vand.u32 $0x7D, v2;
	[tilespmem:s22], [sflag:$0x2] =	stream.indirect.gather [hbm4b:s10+s19], $0x20, s4, s19, $0xb8;
	[tilespmem:$0x1CEA0] =	vst v63  }
0x233: {  	v2 =	vor.u32 $0x400, v2;
	v4 =	vand.u32 $0x7F, v4;
	_ =	swait.ge [sflag:s23], $0x1000  }
0x234: {  	v2 =	vbroadcast v2, $0x0;
	v4 =	vor.u32 $0x400, v4;
	[sflag:s23] =	ssyncset.done $0x0  }
0x235: {  	v3 =	vand.u32 $0x7E, v3;
	v4 =	vbroadcast v4, $0x0;
	[sflag:s23] =	ssyncadd.s32 $0xFFFFF000  }
0x236: {  	s28 =	simm.s32 $0x19EE0;
	v3 =	vor.u32 $0x400, v3;
	v1 =	vld.idx.msk [tilespmem:v1+s18+$0x0], $0xffff  }
0x237: {  	v3 =	vbroadcast v3, $0x0;
	v9 =	vld [tilespmem:s28+$0xFFFFFFC0]  }
0x238: {  	v10 =	vld [tilespmem:s28+$0xFFFFFFD0]  }
0x239: {  	s4 =	simm.s32 $0x4;
	v58 =	vld [tilespmem:s28+$0xFFFFFFE0]  }
0x23a: {  	s0 =	simm.s32 $0x5;
	v5 =	vld.idx.msk [tilespmem:v2+s18+$0x0], $0xffff;
	v2 =	vmov s4  }
0x23b: {  	s4 =	simm.s32 $0x6;
	v7 =	vld.idx.msk [tilespmem:v4+s18+$0x0], $0xffff;
	v2 =	vand.u32 $0x7C, v2;
	v4 =	vmov s0  }
0x23c: {  	v59 =	vld [tilespmem:s28+$0xFFFFFFF0];
	v8 =	vmov s4;
	s4 =	simm.s32 $0x7;
	v2 =	vor.u32 $0x400, v2;
	v4 =	vand.u32 $0x7D, v4  }
0x23d: {  	v6 =	vld.idx.msk [tilespmem:v3+s18+$0x0], $0xffff;
	v8 =	vand.u32 $0x7E, v8;
	v11 =	vmov s4;
	v4 =	vor.u32 $0x400, v4  }
0x23e: {  	v3 =	vld [tilespmem:s28+$0x30];
	v8 =	vor.u32 $0x400, v8;
	v11 =	vand.u32 $0x7F, v11;
	v4 =	vbroadcast v4, $0x0  }
0x23f: {  	v8 =	vbroadcast v8, $0x0;
	v11 =	vor.u32 $0x400, v11;
	v9 =	vmul.f32 v9, v1  }
0x240: {  	v60 =	vld [tilespmem:s28+$0x0];
	v2 =	vbroadcast v2, $0x0;
	v11 =	vbroadcast v11, $0x0  }
0x241: {  	v61 =	vld [tilespmem:s28+$0x10];
	[tilespmem:s28+$0xFFFFFFC0] =	vst v9;
	v9 =	vmul.f32 v58, v5;
	v5 =	vmul.f32 v59, v5  }
0x242: {  	s30 =	simm.s32 $0x19F60;
	v62 =	vld [tilespmem:s28+$0x20];
	v10 =	vmul.f32 v10, v1  }
0x243: {  	v3 =	vmul.f32 v3, v7;
	[tilespmem:s28+$0xFFFFFFF0] =	vst v5;
	v5 =	vld [tilespmem:s30+$0x30]  }
0x244: {  	s4 =	simm.s32 $0x8;
	[tilespmem:s28+$0xFFFFFFD0] =	vst v10;
	v1 =	vld.idx.msk [tilespmem:v4+s18+$0x0], $0xffff  }
0x245: {  	[tilespmem:s28+$0x30] =	vst v3;
	v4 =	vmov s4;
	v3 =	vld.idx.msk [tilespmem:v8+s18+$0x0], $0xffff;
	v8 =	vmul.f32 v60, v6  }
0x246: {  	s0 =	simm.s32 $0x9;
	[tilespmem:s28+$0xFFFFFFE0] =	vst v9;
	s4 =	simm.s32 $0xA;
	v9 =	vand.u32 $0x7C, v4;
	v4 =	vld.idx.msk [tilespmem:v11+s18+$0x0], $0xffff;
	v11 =	vmul.f32 v61, v6  }
0x247: {  	s31 =	simm.s32 $0xC;
	v7 =	vmul.f32 v62, v7;
	v2 =	vld.idx.msk [tilespmem:v2+s18+$0x0], $0xffff;
	v6 =	vmov s0;
	v63 =	vmov s4;
	[tilespmem:s28+$0x0] =	vst v8  }
0x248: {  	s0 =	simm.s32 $0xB;
	v9 =	vor.u32 $0x400, v9;
	v10 =	vand.u32 $0x7D, v6;
	v8 =	vand.u32 $0x7E, v63;
	v6 =	vld [tilespmem:s30+$0xFFFFFFC0];
	[tilespmem:s28+$0x10] =	vst v11  }
.LBB2_23:
0x249: {  	p0 =	slt.u32 s31, $0x7C;
	v9 =	vbroadcast v9, $0x0;
	v10 =	vor.u32 $0x400, v10;
	v11 =	vmov s0;
	v12 =	vld [tilespmem:s30+$0xFFFFFFD0];
	[tilespmem:s28+$0x20] =	vst v7;
	s28 =	smov.u32 s30  }
0x24a: {  	v8 =	vor.u32 $0x400, v8;
	v7 =	vbroadcast v10, $0x0;
	v10 =	vand.u32 $0x7F, v11;
	v11 =	vld [tilespmem:s30+$0xFFFFFFE0]  }
0x24b: {  	v8 =	vbroadcast v8, $0x0;
	v14 =	vmov v3;
	v10 =	vor.u32 $0x400, v10;
	v13 =	vld [tilespmem:s30+$0xFFFFFFF0]  }
0x24c: {  	v16 =	vmov v4;
	v10 =	vbroadcast v10, $0x0;
	v15 =	vld [tilespmem:s30+$0x0];
	v3 =	vmul.f32 v5, v4  }
0x24d: {  	v4 =	vmul.f32 v6, v2;
	v5 =	vld [tilespmem:s30+$0x10]  }
0x24e: {  	v6 =	vmul.f32 v12, v2;
	v12 =	vld [tilespmem:s30+$0x20];
	[tilespmem:s30+$0x30] =	vst v3  }
0x24f: {  	v2 =	vld.idx.msk [tilespmem:v9+s18+$0x0], $0xffff;
	[tilespmem:s30+$0xFFFFFFC0] =	vst v4;
	v4 =	vmul.f32 v11, v1  }
.Ltmp10:
0x250: {  	[tilespmem:s30+$0xFFFFFFD0] =	vst v6;
	v6 =	vmul.f32 v13, v1;
	v1 =	vld.idx.msk [tilespmem:v7+s18+$0x0], $0xffff;
	(pc) =	sbr.rel @p0 .LBB2_23-.Ltmp10, $4  }
0x251: {  	v7 =	vmov s31;
	v3 =	vld.idx.msk [tilespmem:v8+s18+$0x0], $0xffff;
	[tilespmem:s30+$0xFFFFFFE0] =	vst v4;
	v8 =	vmul.f32 v15, v14  }
0x252: {  	s0 =	sadd.s32 $0x1, s31;
	s4 =	sadd.s32 $0x2, s31;
	v9 =	vand.u32 $0x7C, v7;
	s30 =	sadd.s32 $0x80, s30;
	v4 =	vld.idx.msk [tilespmem:v10+s18+$0x0], $0xffff;
	[tilespmem:s28+$0xFFFFFFF0] =	vst v6;
	v11 =	vmul.f32 v5, v14  }
0x253: {  	v13 =	vmov s4;
	v6 =	vmov s0;
	v5 =	vld [tilespmem:s30+$0x30];
	[tilespmem:s28+$0x0] =	vst v8;
	v7 =	vmul.f32 v12, v16  }
0x254: {  	v9 =	vor.u32 $0x400, v9;
	s0 =	sadd.s32 $0x3, s31;
	s31 =	sadd.s32 $0x4, s31;
	v10 =	vand.u32 $0x7D, v6;
	v8 =	vand.u32 $0x7E, v13;
	v6 =	vld [tilespmem:s30+$0xFFFFFFC0];
	[tilespmem:s28+$0x10] =	vst v11  }
0x255: {  	v9 =	vbroadcast v9, $0x0;
	v10 =	vor.u32 $0x400, v10;
	v12 =	vld [tilespmem:s30+$0xFFFFFFD0]  }
0x256: {  	v8 =	vor.u32 $0x400, v8;
	v13 =	vld [tilespmem:s30+$0xFFFFFFE0];
	v10 =	vbroadcast v10, $0x0  }
0x257: {  	v11 =	vmov s0;
	v14 =	vld [tilespmem:s30+$0xFFFFFFF0];
	v8 =	vbroadcast v8, $0x0  }
0x258: {  	v15 =	vld [tilespmem:s30+$0x0];
	v11 =	vand.u32 $0x7F, v11  }
0x259: {  	v16 =	vld [tilespmem:s30+$0x10];
	v11 =	vor.u32 $0x400, v11  }
0x25a: {  	v17 =	vld [tilespmem:s30+$0x20];
	v11 =	vbroadcast v11, $0x0  }
0x25b: {  	v9 =	vld.idx.msk [tilespmem:v9+s18+$0x0], $0xffff  }
0x25c: {  	v6 =	vmul.f32 v6, v2;
	v10 =	vld.idx.msk [tilespmem:v10+s18+$0x0], $0xffff  }
0x25d: {  	[tilespmem:s28+$0x20] =	vst v7;
	s0 =	sadd.s32 $0x80, s30;
	v2 =	vmul.f32 v12, v2;
	v7 =	vld.idx.msk [tilespmem:v8+s18+$0x0], $0xffff  }
0x25e: {  	v5 =	vmul.f32 v5, v4;
	[tilespmem:s30+$0xFFFFFFC0] =	vst v6;
	v8 =	vld [tilespmem:s0+$0x30]  }
0x25f: {  	v6 =	vmul.f32 v13, v1;
	[tilespmem:s30+$0xFFFFFFD0] =	vst v2;
	v2 =	vld [tilespmem:s0+$0xFFFFFFC0]  }
0x260: {  	[tilespmem:s30+$0x30] =	vst v5;
	v1 =	vmul.f32 v14, v1;
	v5 =	vld.idx.msk [tilespmem:v11+s18+$0x0], $0xffff  }
0x261: {  	[tilespmem:s30+$0xFFFFFFE0] =	vst v6;
	v6 =	vmul.f32 v15, v3;
	v11 =	vld [tilespmem:s0+$0xFFFFFFD0]  }
0x262: {  	[tilespmem:s30+$0xFFFFFFF0] =	vst v1;
	v1 =	vmul.f32 v16, v3;
	v3 =	vld [tilespmem:s0+$0xFFFFFFE0]  }
0x263: {  	v4 =	vmul.f32 v17, v4;
	[tilespmem:s30+$0x0] =	vst v6;
	v6 =	vld [tilespmem:s0+$0xFFFFFFF0]  }
0x264: {  	[tilespmem:s30+$0x10] =	vst v1;
	v1 =	vld [tilespmem:s0+$0x0];
	v2 =	vmul.f32 v2, v9  }
0x265: {  	[tilespmem:s30+$0x20] =	vst v4;
	v4 =	vld [tilespmem:s0+$0x10];
	v8 =	vmul.f32 v8, v5  }
0x266: {  	v9 =	vmul.f32 v11, v9;
	v11 =	vld [tilespmem:s0+$0x20];
	[tilespmem:s0+$0xFFFFFFC0] =	vst v2  }
0x267: {  	v2 =	vmul.f32 v3, v10;
	[tilespmem:s0+$0x30] =	vst v8  }
0x268: {  	v3 =	vmul.f32 v6, v10;
	[tilespmem:s0+$0xFFFFFFD0] =	vst v9  }
0x269: {  	v1 =	vmul.f32 v1, v7;
	[tilespmem:s0+$0xFFFFFFE0] =	vst v2  }
0x26a: {  	v2 =	vmul.f32 v4, v7;
	[tilespmem:s0+$0xFFFFFFF0] =	vst v3  }
0x26b: {  	[tilespmem:s0+$0x0] =	vst v1;
	v1 =	vmul.f32 v11, v5  }
0x26c: {  	s4 =	simm.s32 $0x0;
	[tilespmem:s0+$0x10] =	vst v2  }
0x26d: {  	s28 =	simm.s32 $0x18AA0;
	[tilespmem:s0+$0x20] =	vst v1;
	v1 =	vmov s4  }
0x26e: {  	[spmem:s2] =	stream.indirect.scatter.add.f32 [tilespmem:s20], [sflag:$0x3], $0x20, s28, s19, $0xb8;
	v1 =	vand.u32 $0x7C, v1;
	[tilespmem:$0x1CEA0] =	vst v63  }
0x26f: {  	s4 =	simm.s32 $0x2;
	_ =	swait.ge [sflag:s24], $0x1000;
	v1 =	vor.u32 $0x480, v1  }
0x270: {  	s0 =	simm.s32 $0x1;
	v3 =	vmov s4;
	s4 =	simm.s32 $0x3;
	[sflag:s24] =	ssyncset.done $0x0;
	v1 =	vbroadcast v1, $0x0  }
0x271: {  	v2 =	vmov s0;
	v4 =	vmov s4;
	s4 =	simm.s32 $0x193A0;
	[sflag:s24] =	ssyncadd.s32 $0xFFFFF000  }
0x272: {  	v2 =	vand.u32 $0x7D, v2;
	[tilespmem:s20], [sflag:$0x1] =	stream.indirect.gather [hbm4b:s10+s19], $0x20, s4, s19, $0xb8;
	[tilespmem:$0x1CEA0] =	vst v63  }
0x273: {  	v2 =	vor.u32 $0x480, v2;
	v4 =	vand.u32 $0x7F, v4;
	_ =	swait.ge [sflag:s26], $0x1000  }
0x274: {  	v2 =	vbroadcast v2, $0x0;
	v4 =	vor.u32 $0x480, v4;
	[sflag:s26] =	ssyncset.done $0x0  }
0x275: {  	v3 =	vand.u32 $0x7E, v3;
	v4 =	vbroadcast v4, $0x0;
	[sflag:s26] =	ssyncadd.s32 $0xFFFFF000  }
0x276: {  	s28 =	simm.s32 $0x1AEE0;
	v3 =	vor.u32 $0x480, v3;
	v1 =	vld.idx.msk [tilespmem:v1+s18+$0x0], $0xffff  }
0x277: {  	v3 =	vbroadcast v3, $0x0;
	v9 =	vld [tilespmem:s28+$0xFFFFFFC0]  }
0x278: {  	v10 =	vld [tilespmem:s28+$0xFFFFFFD0]  }
0x279: {  	s4 =	simm.s32 $0x4;
	v58 =	vld [tilespmem:s28+$0xFFFFFFE0]  }
0x27a: {  	s0 =	simm.s32 $0x5;
	v5 =	vld.idx.msk [tilespmem:v2+s18+$0x0], $0xffff;
	v2 =	vmov s4  }
0x27b: {  	s4 =	simm.s32 $0x6;
	v7 =	vld.idx.msk [tilespmem:v4+s18+$0x0], $0xffff;
	v2 =	vand.u32 $0x7C, v2;
	v4 =	vmov s0  }
0x27c: {  	v59 =	vld [tilespmem:s28+$0xFFFFFFF0];
	v8 =	vmov s4;
	s4 =	simm.s32 $0x7;
	v2 =	vor.u32 $0x480, v2;
	v4 =	vand.u32 $0x7D, v4  }
0x27d: {  	v6 =	vld.idx.msk [tilespmem:v3+s18+$0x0], $0xffff;
	v8 =	vand.u32 $0x7E, v8;
	v11 =	vmov s4;
	v4 =	vor.u32 $0x480, v4  }
0x27e: {  	v3 =	vld [tilespmem:s28+$0x30];
	v8 =	vor.u32 $0x480, v8;
	v11 =	vand.u32 $0x7F, v11;
	v4 =	vbroadcast v4, $0x0  }
0x27f: {  	v8 =	vbroadcast v8, $0x0;
	v11 =	vor.u32 $0x480, v11;
	v9 =	vmul.f32 v9, v1  }
0x280: {  	v60 =	vld [tilespmem:s28+$0x0];
	v2 =	vbroadcast v2, $0x0;
	v11 =	vbroadcast v11, $0x0  }
0x281: {  	v61 =	vld [tilespmem:s28+$0x10];
	[tilespmem:s28+$0xFFFFFFC0] =	vst v9;
	v9 =	vmul.f32 v58, v5;
	v5 =	vmul.f32 v59, v5  }
0x282: {  	s30 =	simm.s32 $0x1AF60;
	v62 =	vld [tilespmem:s28+$0x20];
	v10 =	vmul.f32 v10, v1  }
0x283: {  	v3 =	vmul.f32 v3, v7;
	[tilespmem:s28+$0xFFFFFFF0] =	vst v5;
	v5 =	vld [tilespmem:s30+$0x30]  }
0x284: {  	s4 =	simm.s32 $0x8;
	[tilespmem:s28+$0xFFFFFFD0] =	vst v10;
	v1 =	vld.idx.msk [tilespmem:v4+s18+$0x0], $0xffff  }
0x285: {  	[tilespmem:s28+$0x30] =	vst v3;
	v4 =	vmov s4;
	v3 =	vld.idx.msk [tilespmem:v8+s18+$0x0], $0xffff;
	v8 =	vmul.f32 v60, v6  }
0x286: {  	s0 =	simm.s32 $0x9;
	[tilespmem:s28+$0xFFFFFFE0] =	vst v9;
	s4 =	simm.s32 $0xA;
	v9 =	vand.u32 $0x7C, v4;
	v4 =	vld.idx.msk [tilespmem:v11+s18+$0x0], $0xffff;
	v11 =	vmul.f32 v61, v6  }
0x287: {  	s31 =	simm.s32 $0xC;
	v7 =	vmul.f32 v62, v7;
	v2 =	vld.idx.msk [tilespmem:v2+s18+$0x0], $0xffff;
	v6 =	vmov s0;
	v63 =	vmov s4;
	[tilespmem:s28+$0x0] =	vst v8  }
0x288: {  	s0 =	simm.s32 $0xB;
	v9 =	vor.u32 $0x480, v9;
	v10 =	vand.u32 $0x7D, v6;
	v8 =	vand.u32 $0x7E, v63;
	v6 =	vld [tilespmem:s30+$0xFFFFFFC0];
	[tilespmem:s28+$0x10] =	vst v11  }
.LBB2_25:
0x289: {  	p0 =	slt.u32 s31, $0x7C;
	v9 =	vbroadcast v9, $0x0;
	v10 =	vor.u32 $0x480, v10;
	v11 =	vmov s0;
	v12 =	vld [tilespmem:s30+$0xFFFFFFD0];
	[tilespmem:s28+$0x20] =	vst v7;
	s28 =	smov.u32 s30  }
0x28a: {  	v8 =	vor.u32 $0x480, v8;
	v7 =	vbroadcast v10, $0x0;
	v10 =	vand.u32 $0x7F, v11;
	v11 =	vld [tilespmem:s30+$0xFFFFFFE0]  }
0x28b: {  	v8 =	vbroadcast v8, $0x0;
	v14 =	vmov v3;
	v10 =	vor.u32 $0x480, v10;
	v13 =	vld [tilespmem:s30+$0xFFFFFFF0]  }
0x28c: {  	v16 =	vmov v4;
	v10 =	vbroadcast v10, $0x0;
	v15 =	vld [tilespmem:s30+$0x0];
	v3 =	vmul.f32 v5, v4  }
0x28d: {  	v4 =	vmul.f32 v6, v2;
	v5 =	vld [tilespmem:s30+$0x10]  }
0x28e: {  	v6 =	vmul.f32 v12, v2;
	v12 =	vld [tilespmem:s30+$0x20];
	[tilespmem:s30+$0x30] =	vst v3  }
0x28f: {  	v2 =	vld.idx.msk [tilespmem:v9+s18+$0x0], $0xffff;
	[tilespmem:s30+$0xFFFFFFC0] =	vst v4;
	v4 =	vmul.f32 v11, v1  }
.Ltmp11:
0x290: {  	[tilespmem:s30+$0xFFFFFFD0] =	vst v6;
	v6 =	vmul.f32 v13, v1;
	v1 =	vld.idx.msk [tilespmem:v7+s18+$0x0], $0xffff;
	(pc) =	sbr.rel @p0 .LBB2_25-.Ltmp11, $4  }
0x291: {  	v7 =	vmov s31;
	v3 =	vld.idx.msk [tilespmem:v8+s18+$0x0], $0xffff;
	[tilespmem:s30+$0xFFFFFFE0] =	vst v4;
	v8 =	vmul.f32 v15, v14  }
0x292: {  	s0 =	sadd.s32 $0x1, s31;
	s4 =	sadd.s32 $0x2, s31;
	v9 =	vand.u32 $0x7C, v7;
	s30 =	sadd.s32 $0x80, s30;
	v4 =	vld.idx.msk [tilespmem:v10+s18+$0x0], $0xffff;
	[tilespmem:s28+$0xFFFFFFF0] =	vst v6;
	v11 =	vmul.f32 v5, v14  }
0x293: {  	v13 =	vmov s4;
	v6 =	vmov s0;
	v5 =	vld [tilespmem:s30+$0x30];
	[tilespmem:s28+$0x0] =	vst v8;
	v7 =	vmul.f32 v12, v16  }
0x294: {  	v9 =	vor.u32 $0x480, v9;
	s0 =	sadd.s32 $0x3, s31;
	s31 =	sadd.s32 $0x4, s31;
	v10 =	vand.u32 $0x7D, v6;
	v8 =	vand.u32 $0x7E, v13;
	v6 =	vld [tilespmem:s30+$0xFFFFFFC0];
	[tilespmem:s28+$0x10] =	vst v11  }
0x295: {  	v9 =	vbroadcast v9, $0x0;
	v10 =	vor.u32 $0x480, v10;
	v12 =	vld [tilespmem:s30+$0xFFFFFFD0]  }
0x296: {  	v8 =	vor.u32 $0x480, v8;
	v13 =	vld [tilespmem:s30+$0xFFFFFFE0];
	v10 =	vbroadcast v10, $0x0  }
0x297: {  	v11 =	vmov s0;
	v14 =	vld [tilespmem:s30+$0xFFFFFFF0];
	v8 =	vbroadcast v8, $0x0  }
0x298: {  	v15 =	vld [tilespmem:s30+$0x0];
	v11 =	vand.u32 $0x7F, v11  }
0x299: {  	v16 =	vld [tilespmem:s30+$0x10];
	v11 =	vor.u32 $0x480, v11  }
0x29a: {  	v17 =	vld [tilespmem:s30+$0x20];
	v11 =	vbroadcast v11, $0x0  }
0x29b: {  	v9 =	vld.idx.msk [tilespmem:v9+s18+$0x0], $0xffff  }
0x29c: {  	v6 =	vmul.f32 v6, v2;
	v10 =	vld.idx.msk [tilespmem:v10+s18+$0x0], $0xffff  }
0x29d: {  	[tilespmem:s28+$0x20] =	vst v7;
	s0 =	sadd.s32 $0x80, s30;
	v2 =	vmul.f32 v12, v2;
	v7 =	vld.idx.msk [tilespmem:v8+s18+$0x0], $0xffff  }
0x29e: {  	v5 =	vmul.f32 v5, v4;
	[tilespmem:s30+$0xFFFFFFC0] =	vst v6;
	v8 =	vld [tilespmem:s0+$0x30]  }
0x29f: {  	v6 =	vmul.f32 v13, v1;
	[tilespmem:s30+$0xFFFFFFD0] =	vst v2;
	v2 =	vld [tilespmem:s0+$0xFFFFFFC0]  }
0x2a0: {  	[tilespmem:s30+$0x30] =	vst v5;
	v1 =	vmul.f32 v14, v1;
	v5 =	vld.idx.msk [tilespmem:v11+s18+$0x0], $0xffff  }
0x2a1: {  	[tilespmem:s30+$0xFFFFFFE0] =	vst v6;
	v6 =	vmul.f32 v15, v3;
	v11 =	vld [tilespmem:s0+$0xFFFFFFD0]  }
0x2a2: {  	[tilespmem:s30+$0xFFFFFFF0] =	vst v1;
	v1 =	vmul.f32 v16, v3;
	v3 =	vld [tilespmem:s0+$0xFFFFFFE0]  }
0x2a3: {  	v4 =	vmul.f32 v17, v4;
	[tilespmem:s30+$0x0] =	vst v6;
	v6 =	vld [tilespmem:s0+$0xFFFFFFF0]  }
0x2a4: {  	[tilespmem:s30+$0x10] =	vst v1;
	v1 =	vld [tilespmem:s0+$0x0];
	v2 =	vmul.f32 v2, v9  }
0x2a5: {  	[tilespmem:s30+$0x20] =	vst v4;
	v4 =	vld [tilespmem:s0+$0x10];
	v8 =	vmul.f32 v8, v5  }
0x2a6: {  	v9 =	vmul.f32 v11, v9;
	v11 =	vld [tilespmem:s0+$0x20];
	[tilespmem:s0+$0xFFFFFFC0] =	vst v2  }
0x2a7: {  	v2 =	vmul.f32 v3, v10;
	[tilespmem:s0+$0x30] =	vst v8  }
0x2a8: {  	v3 =	vmul.f32 v6, v10;
	[tilespmem:s0+$0xFFFFFFD0] =	vst v9  }
0x2a9: {  	v1 =	vmul.f32 v1, v7;
	[tilespmem:s0+$0xFFFFFFE0] =	vst v2  }
0x2aa: {  	v2 =	vmul.f32 v4, v7;
	[tilespmem:s0+$0xFFFFFFF0] =	vst v3  }
0x2ab: {  	[tilespmem:s0+$0x0] =	vst v1;
	v1 =	vmul.f32 v11, v5  }
0x2ac: {  	s4 =	simm.s32 $0x0;
	[tilespmem:s0+$0x10] =	vst v2  }
0x2ad: {  	s28 =	simm.s32 $0x18B20;
	[tilespmem:s0+$0x20] =	vst v1;
	v1 =	vmov s4  }
0x2ae: {  	[spmem:s2] =	stream.indirect.scatter.add.f32 [tilespmem:s22], [sflag:$0x4], $0x20, s28, s19, $0xb8;
	v1 =	vand.u32 $0x7C, v1;
	[tilespmem:$0x1CEA0] =	vst v63  }
0x2af: {  	s4 =	simm.s32 $0x2;
	_ =	swait.ge [sflag:s29], $0x1000;
	v1 =	vor.u32 $0x500, v1  }
0x2b0: {  	s0 =	simm.s32 $0x1;
	v3 =	vmov s4;
	s4 =	simm.s32 $0x3;
	[sflag:s29] =	ssyncset.done $0x0;
	v1 =	vbroadcast v1, $0x0  }
0x2b1: {  	v2 =	vmov s0;
	v4 =	vmov s4;
	s4 =	simm.s32 $0x19420;
	[sflag:s29] =	ssyncadd.s32 $0xFFFFF000  }
0x2b2: {  	v2 =	vand.u32 $0x7D, v2;
	[tilespmem:s22], [sflag:$0x2] =	stream.indirect.gather [hbm4b:s10+s19], $0x20, s4, s19, $0xb8;
	[tilespmem:$0x1CEA0] =	vst v63  }
0x2b3: {  	v2 =	vor.u32 $0x500, v2;
	v4 =	vand.u32 $0x7F, v4;
	_ =	swait.ge [sflag:s23], $0x1000  }
0x2b4: {  	v2 =	vbroadcast v2, $0x0;
	v4 =	vor.u32 $0x500, v4;
	[sflag:s23] =	ssyncset.done $0x0  }
0x2b5: {  	v3 =	vand.u32 $0x7E, v3;
	v4 =	vbroadcast v4, $0x0;
	[sflag:s23] =	ssyncadd.s32 $0xFFFFF000  }
0x2b6: {  	s28 =	simm.s32 $0x19EE0;
	v3 =	vor.u32 $0x500, v3;
	v1 =	vld.idx.msk [tilespmem:v1+s18+$0x0], $0xffff  }
0x2b7: {  	v3 =	vbroadcast v3, $0x0;
	v9 =	vld [tilespmem:s28+$0xFFFFFFC0]  }
0x2b8: {  	v10 =	vld [tilespmem:s28+$0xFFFFFFD0]  }
0x2b9: {  	s4 =	simm.s32 $0x4;
	v58 =	vld [tilespmem:s28+$0xFFFFFFE0]  }
0x2ba: {  	s0 =	simm.s32 $0x5;
	v5 =	vld.idx.msk [tilespmem:v2+s18+$0x0], $0xffff;
	v2 =	vmov s4  }
0x2bb: {  	s4 =	simm.s32 $0x6;
	v7 =	vld.idx.msk [tilespmem:v4+s18+$0x0], $0xffff;
	v2 =	vand.u32 $0x7C, v2;
	v4 =	vmov s0  }
0x2bc: {  	v59 =	vld [tilespmem:s28+$0xFFFFFFF0];
	v8 =	vmov s4;
	s4 =	simm.s32 $0x7;
	v2 =	vor.u32 $0x500, v2;
	v4 =	vand.u32 $0x7D, v4  }
0x2bd: {  	v6 =	vld.idx.msk [tilespmem:v3+s18+$0x0], $0xffff;
	v8 =	vand.u32 $0x7E, v8;
	v11 =	vmov s4;
	v4 =	vor.u32 $0x500, v4  }
0x2be: {  	v3 =	vld [tilespmem:s28+$0x30];
	v8 =	vor.u32 $0x500, v8;
	v11 =	vand.u32 $0x7F, v11;
	v4 =	vbroadcast v4, $0x0  }
0x2bf: {  	v8 =	vbroadcast v8, $0x0;
	v11 =	vor.u32 $0x500, v11;
	v9 =	vmul.f32 v9, v1  }
0x2c0: {  	v60 =	vld [tilespmem:s28+$0x0];
	v2 =	vbroadcast v2, $0x0;
	v11 =	vbroadcast v11, $0x0  }
0x2c1: {  	v61 =	vld [tilespmem:s28+$0x10];
	[tilespmem:s28+$0xFFFFFFC0] =	vst v9;
	v9 =	vmul.f32 v58, v5;
	v5 =	vmul.f32 v59, v5  }
0x2c2: {  	s30 =	simm.s32 $0x19F60;
	v62 =	vld [tilespmem:s28+$0x20];
	v10 =	vmul.f32 v10, v1  }
0x2c3: {  	v3 =	vmul.f32 v3, v7;
	[tilespmem:s28+$0xFFFFFFF0] =	vst v5;
	v5 =	vld [tilespmem:s30+$0x30]  }
0x2c4: {  	s4 =	simm.s32 $0x8;
	[tilespmem:s28+$0xFFFFFFD0] =	vst v10;
	v1 =	vld.idx.msk [tilespmem:v4+s18+$0x0], $0xffff  }
0x2c5: {  	[tilespmem:s28+$0x30] =	vst v3;
	v4 =	vmov s4;
	v3 =	vld.idx.msk [tilespmem:v8+s18+$0x0], $0xffff;
	v8 =	vmul.f32 v60, v6  }
0x2c6: {  	s0 =	simm.s32 $0x9;
	[tilespmem:s28+$0xFFFFFFE0] =	vst v9;
	s4 =	simm.s32 $0xA;
	v9 =	vand.u32 $0x7C, v4;
	v4 =	vld.idx.msk [tilespmem:v11+s18+$0x0], $0xffff;
	v11 =	vmul.f32 v61, v6  }
0x2c7: {  	s31 =	simm.s32 $0xC;
	v7 =	vmul.f32 v62, v7;
	v2 =	vld.idx.msk [tilespmem:v2+s18+$0x0], $0xffff;
	v6 =	vmov s0;
	v63 =	vmov s4;
	[tilespmem:s28+$0x0] =	vst v8  }
0x2c8: {  	s0 =	simm.s32 $0xB;
	v9 =	vor.u32 $0x500, v9;
	v10 =	vand.u32 $0x7D, v6;
	v8 =	vand.u32 $0x7E, v63;
	v6 =	vld [tilespmem:s30+$0xFFFFFFC0];
	[tilespmem:s28+$0x10] =	vst v11  }
.LBB2_27:
0x2c9: {  	p0 =	slt.u32 s31, $0x7C;
	v9 =	vbroadcast v9, $0x0;
	v10 =	vor.u32 $0x500, v10;
	v11 =	vmov s0;
	v12 =	vld [tilespmem:s30+$0xFFFFFFD0];
	[tilespmem:s28+$0x20] =	vst v7;
	s28 =	smov.u32 s30  }
0x2ca: {  	v8 =	vor.u32 $0x500, v8;
	v7 =	vbroadcast v10, $0x0;
	v10 =	vand.u32 $0x7F, v11;
	v11 =	vld [tilespmem:s30+$0xFFFFFFE0]  }
0x2cb: {  	v8 =	vbroadcast v8, $0x0;
	v14 =	vmov v3;
	v10 =	vor.u32 $0x500, v10;
	v13 =	vld [tilespmem:s30+$0xFFFFFFF0]  }
0x2cc: {  	v16 =	vmov v4;
	v10 =	vbroadcast v10, $0x0;
	v15 =	vld [tilespmem:s30+$0x0];
	v3 =	vmul.f32 v5, v4  }
0x2cd: {  	v4 =	vmul.f32 v6, v2;
	v5 =	vld [tilespmem:s30+$0x10]  }
0x2ce: {  	v6 =	vmul.f32 v12, v2;
	v12 =	vld [tilespmem:s30+$0x20];
	[tilespmem:s30+$0x30] =	vst v3  }
0x2cf: {  	v2 =	vld.idx.msk [tilespmem:v9+s18+$0x0], $0xffff;
	[tilespmem:s30+$0xFFFFFFC0] =	vst v4;
	v4 =	vmul.f32 v11, v1  }
.Ltmp12:
0x2d0: {  	[tilespmem:s30+$0xFFFFFFD0] =	vst v6;
	v6 =	vmul.f32 v13, v1;
	v1 =	vld.idx.msk [tilespmem:v7+s18+$0x0], $0xffff;
	(pc) =	sbr.rel @p0 .LBB2_27-.Ltmp12, $4  }
0x2d1: {  	v7 =	vmov s31;
	v3 =	vld.idx.msk [tilespmem:v8+s18+$0x0], $0xffff;
	[tilespmem:s30+$0xFFFFFFE0] =	vst v4;
	v8 =	vmul.f32 v15, v14  }
0x2d2: {  	s0 =	sadd.s32 $0x1, s31;
	s4 =	sadd.s32 $0x2, s31;
	v9 =	vand.u32 $0x7C, v7;
	s30 =	sadd.s32 $0x80, s30;
	v4 =	vld.idx.msk [tilespmem:v10+s18+$0x0], $0xffff;
	[tilespmem:s28+$0xFFFFFFF0] =	vst v6;
	v11 =	vmul.f32 v5, v14  }
0x2d3: {  	v13 =	vmov s4;
	v6 =	vmov s0;
	v5 =	vld [tilespmem:s30+$0x30];
	[tilespmem:s28+$0x0] =	vst v8;
	v7 =	vmul.f32 v12, v16  }
0x2d4: {  	v9 =	vor.u32 $0x500, v9;
	s0 =	sadd.s32 $0x3, s31;
	s31 =	sadd.s32 $0x4, s31;
	v10 =	vand.u32 $0x7D, v6;
	v8 =	vand.u32 $0x7E, v13;
	v6 =	vld [tilespmem:s30+$0xFFFFFFC0];
	[tilespmem:s28+$0x10] =	vst v11  }
0x2d5: {  	v9 =	vbroadcast v9, $0x0;
	v10 =	vor.u32 $0x500, v10;
	v12 =	vld [tilespmem:s30+$0xFFFFFFD0]  }
0x2d6: {  	v8 =	vor.u32 $0x500, v8;
	v13 =	vld [tilespmem:s30+$0xFFFFFFE0];
	v10 =	vbroadcast v10, $0x0  }
0x2d7: {  	v11 =	vmov s0;
	v14 =	vld [tilespmem:s30+$0xFFFFFFF0];
	v8 =	vbroadcast v8, $0x0  }
0x2d8: {  	v15 =	vld [tilespmem:s30+$0x0];
	v11 =	vand.u32 $0x7F, v11  }
0x2d9: {  	v16 =	vld [tilespmem:s30+$0x10];
	v11 =	vor.u32 $0x500, v11  }
0x2da: {  	v17 =	vld [tilespmem:s30+$0x20];
	v11 =	vbroadcast v11, $0x0  }
0x2db: {  	v9 =	vld.idx.msk [tilespmem:v9+s18+$0x0], $0xffff  }
0x2dc: {  	v6 =	vmul.f32 v6, v2;
	v10 =	vld.idx.msk [tilespmem:v10+s18+$0x0], $0xffff  }
0x2dd: {  	[tilespmem:s28+$0x20] =	vst v7;
	s0 =	sadd.s32 $0x80, s30;
	v2 =	vmul.f32 v12, v2;
	v7 =	vld.idx.msk [tilespmem:v8+s18+$0x0], $0xffff  }
0x2de: {  	v5 =	vmul.f32 v5, v4;
	[tilespmem:s30+$0xFFFFFFC0] =	vst v6;
	v8 =	vld [tilespmem:s0+$0x30]  }
0x2df: {  	v6 =	vmul.f32 v13, v1;
	[tilespmem:s30+$0xFFFFFFD0] =	vst v2;
	v2 =	vld [tilespmem:s0+$0xFFFFFFC0]  }
0x2e0: {  	[tilespmem:s30+$0x30] =	vst v5;
	v1 =	vmul.f32 v14, v1;
	v5 =	vld.idx.msk [tilespmem:v11+s18+$0x0], $0xffff  }
0x2e1: {  	[tilespmem:s30+$0xFFFFFFE0] =	vst v6;
	v6 =	vmul.f32 v15, v3;
	v11 =	vld [tilespmem:s0+$0xFFFFFFD0]  }
0x2e2: {  	[tilespmem:s30+$0xFFFFFFF0] =	vst v1;
	v1 =	vmul.f32 v16, v3;
	v3 =	vld [tilespmem:s0+$0xFFFFFFE0]  }
0x2e3: {  	v4 =	vmul.f32 v17, v4;
	[tilespmem:s30+$0x0] =	vst v6;
	v6 =	vld [tilespmem:s0+$0xFFFFFFF0]  }
0x2e4: {  	[tilespmem:s30+$0x10] =	vst v1;
	v1 =	vld [tilespmem:s0+$0x0];
	v2 =	vmul.f32 v2, v9  }
0x2e5: {  	[tilespmem:s30+$0x20] =	vst v4;
	v4 =	vld [tilespmem:s0+$0x10];
	v8 =	vmul.f32 v8, v5  }
0x2e6: {  	v9 =	vmul.f32 v11, v9;
	v11 =	vld [tilespmem:s0+$0x20];
	[tilespmem:s0+$0xFFFFFFC0] =	vst v2  }
0x2e7: {  	v2 =	vmul.f32 v3, v10;
	[tilespmem:s0+$0x30] =	vst v8  }
0x2e8: {  	v3 =	vmul.f32 v6, v10;
	[tilespmem:s0+$0xFFFFFFD0] =	vst v9  }
0x2e9: {  	v1 =	vmul.f32 v1, v7;
	[tilespmem:s0+$0xFFFFFFE0] =	vst v2  }
0x2ea: {  	v2 =	vmul.f32 v4, v7;
	[tilespmem:s0+$0xFFFFFFF0] =	vst v3  }
0x2eb: {  	[tilespmem:s0+$0x0] =	vst v1;
	v1 =	vmul.f32 v11, v5  }
0x2ec: {  	s4 =	simm.s32 $0x0;
	[tilespmem:s0+$0x10] =	vst v2  }
0x2ed: {  	s28 =	simm.s32 $0x18BA0;
	[tilespmem:s0+$0x20] =	vst v1;
	v1 =	vmov s4  }
0x2ee: {  	[spmem:s2] =	stream.indirect.scatter.add.f32 [tilespmem:s20], [sflag:$0x3], $0x20, s28, s19, $0xb8;
	v1 =	vand.u32 $0x7C, v1;
	[tilespmem:$0x1CEA0] =	vst v63  }
0x2ef: {  	s4 =	simm.s32 $0x2;
	_ =	swait.ge [sflag:s24], $0x1000;
	v1 =	vor.u32 $0x580, v1  }
0x2f0: {  	s0 =	simm.s32 $0x1;
	v3 =	vmov s4;
	s4 =	simm.s32 $0x3;
	[sflag:s24] =	ssyncset.done $0x0;
	v1 =	vbroadcast v1, $0x0  }
0x2f1: {  	v2 =	vmov s0;
	v4 =	vmov s4;
	s4 =	simm.s32 $0x194A0;
	[sflag:s24] =	ssyncadd.s32 $0xFFFFF000  }
0x2f2: {  	v2 =	vand.u32 $0x7D, v2;
	[tilespmem:s20], [sflag:$0x1] =	stream.indirect.gather [hbm4b:s10+s19], $0x20, s4, s19, $0xb8;
	[tilespmem:$0x1CEA0] =	vst v63  }
0x2f3: {  	v2 =	vor.u32 $0x580, v2;
	v4 =	vand.u32 $0x7F, v4;
	_ =	swait.ge [sflag:s26], $0x1000  }
0x2f4: {  	v2 =	vbroadcast v2, $0x0;
	v4 =	vor.u32 $0x580, v4;
	[sflag:s26] =	ssyncset.done $0x0  }
0x2f5: {  	v3 =	vand.u32 $0x7E, v3;
	v4 =	vbroadcast v4, $0x0;
	[sflag:s26] =	ssyncadd.s32 $0xFFFFF000  }
0x2f6: {  	s28 =	simm.s32 $0x1AEE0;
	v3 =	vor.u32 $0x580, v3;
	v1 =	vld.idx.msk [tilespmem:v1+s18+$0x0], $0xffff  }
0x2f7: {  	v3 =	vbroadcast v3, $0x0;
	v9 =	vld [tilespmem:s28+$0xFFFFFFC0]  }
0x2f8: {  	v10 =	vld [tilespmem:s28+$0xFFFFFFD0]  }
0x2f9: {  	s4 =	simm.s32 $0x4;
	v58 =	vld [tilespmem:s28+$0xFFFFFFE0]  }
0x2fa: {  	s0 =	simm.s32 $0x5;
	v5 =	vld.idx.msk [tilespmem:v2+s18+$0x0], $0xffff;
	v2 =	vmov s4  }
0x2fb: {  	s4 =	simm.s32 $0x6;
	v7 =	vld.idx.msk [tilespmem:v4+s18+$0x0], $0xffff;
	v2 =	vand.u32 $0x7C, v2;
	v4 =	vmov s0  }
0x2fc: {  	v59 =	vld [tilespmem:s28+$0xFFFFFFF0];
	v8 =	vmov s4;
	s4 =	simm.s32 $0x7;
	v2 =	vor.u32 $0x580, v2;
	v4 =	vand.u32 $0x7D, v4  }
0x2fd: {  	v6 =	vld.idx.msk [tilespmem:v3+s18+$0x0], $0xffff;
	v8 =	vand.u32 $0x7E, v8;
	v11 =	vmov s4;
	v4 =	vor.u32 $0x580, v4  }
0x2fe: {  	v3 =	vld [tilespmem:s28+$0x30];
	v8 =	vor.u32 $0x580, v8;
	v11 =	vand.u32 $0x7F, v11;
	v4 =	vbroadcast v4, $0x0  }
0x2ff: {  	v8 =	vbroadcast v8, $0x0;
	v11 =	vor.u32 $0x580, v11;
	v9 =	vmul.f32 v9, v1  }
0x300: {  	v60 =	vld [tilespmem:s28+$0x0];
	v2 =	vbroadcast v2, $0x0;
	v11 =	vbroadcast v11, $0x0  }
0x301: {  	v61 =	vld [tilespmem:s28+$0x10];
	[tilespmem:s28+$0xFFFFFFC0] =	vst v9;
	v9 =	vmul.f32 v58, v5;
	v5 =	vmul.f32 v59, v5  }
0x302: {  	s30 =	simm.s32 $0x1AF60;
	v62 =	vld [tilespmem:s28+$0x20];
	v10 =	vmul.f32 v10, v1  }
0x303: {  	v3 =	vmul.f32 v3, v7;
	[tilespmem:s28+$0xFFFFFFF0] =	vst v5;
	v5 =	vld [tilespmem:s30+$0x30]  }
0x304: {  	s4 =	simm.s32 $0x8;
	[tilespmem:s28+$0xFFFFFFD0] =	vst v10;
	v1 =	vld.idx.msk [tilespmem:v4+s18+$0x0], $0xffff  }
0x305: {  	[tilespmem:s28+$0x30] =	vst v3;
	v4 =	vmov s4;
	v3 =	vld.idx.msk [tilespmem:v8+s18+$0x0], $0xffff;
	v8 =	vmul.f32 v60, v6  }
0x306: {  	s0 =	simm.s32 $0x9;
	[tilespmem:s28+$0xFFFFFFE0] =	vst v9;
	s4 =	simm.s32 $0xA;
	v9 =	vand.u32 $0x7C, v4;
	v4 =	vld.idx.msk [tilespmem:v11+s18+$0x0], $0xffff;
	v11 =	vmul.f32 v61, v6  }
0x307: {  	s31 =	simm.s32 $0xC;
	v7 =	vmul.f32 v62, v7;
	v2 =	vld.idx.msk [tilespmem:v2+s18+$0x0], $0xffff;
	v6 =	vmov s0;
	v63 =	vmov s4;
	[tilespmem:s28+$0x0] =	vst v8  }
0x308: {  	s0 =	simm.s32 $0xB;
	v9 =	vor.u32 $0x580, v9;
	v10 =	vand.u32 $0x7D, v6;
	v8 =	vand.u32 $0x7E, v63;
	v6 =	vld [tilespmem:s30+$0xFFFFFFC0];
	[tilespmem:s28+$0x10] =	vst v11  }
.LBB2_29:
0x309: {  	p0 =	slt.u32 s31, $0x7C;
	v9 =	vbroadcast v9, $0x0;
	v10 =	vor.u32 $0x580, v10;
	v11 =	vmov s0;
	v12 =	vld [tilespmem:s30+$0xFFFFFFD0];
	[tilespmem:s28+$0x20] =	vst v7;
	s28 =	smov.u32 s30  }
0x30a: {  	v8 =	vor.u32 $0x580, v8;
	v7 =	vbroadcast v10, $0x0;
	v10 =	vand.u32 $0x7F, v11;
	v11 =	vld [tilespmem:s30+$0xFFFFFFE0]  }
0x30b: {  	v8 =	vbroadcast v8, $0x0;
	v14 =	vmov v3;
	v10 =	vor.u32 $0x580, v10;
	v13 =	vld [tilespmem:s30+$0xFFFFFFF0]  }
0x30c: {  	v16 =	vmov v4;
	v10 =	vbroadcast v10, $0x0;
	v15 =	vld [tilespmem:s30+$0x0];
	v3 =	vmul.f32 v5, v4  }
0x30d: {  	v4 =	vmul.f32 v6, v2;
	v5 =	vld [tilespmem:s30+$0x10]  }
0x30e: {  	v6 =	vmul.f32 v12, v2;
	v12 =	vld [tilespmem:s30+$0x20];
	[tilespmem:s30+$0x30] =	vst v3  }
0x30f: {  	v2 =	vld.idx.msk [tilespmem:v9+s18+$0x0], $0xffff;
	[tilespmem:s30+$0xFFFFFFC0] =	vst v4;
	v4 =	vmul.f32 v11, v1  }
.Ltmp13:
0x310: {  	[tilespmem:s30+$0xFFFFFFD0] =	vst v6;
	v6 =	vmul.f32 v13, v1;
	v1 =	vld.idx.msk [tilespmem:v7+s18+$0x0], $0xffff;
	(pc) =	sbr.rel @p0 .LBB2_29-.Ltmp13, $4  }
0x311: {  	v7 =	vmov s31;
	v3 =	vld.idx.msk [tilespmem:v8+s18+$0x0], $0xffff;
	[tilespmem:s30+$0xFFFFFFE0] =	vst v4;
	v8 =	vmul.f32 v15, v14  }
0x312: {  	s0 =	sadd.s32 $0x1, s31;
	s4 =	sadd.s32 $0x2, s31;
	v9 =	vand.u32 $0x7C, v7;
	s30 =	sadd.s32 $0x80, s30;
	v4 =	vld.idx.msk [tilespmem:v10+s18+$0x0], $0xffff;
	[tilespmem:s28+$0xFFFFFFF0] =	vst v6;
	v11 =	vmul.f32 v5, v14  }
0x313: {  	v13 =	vmov s4;
	v6 =	vmov s0;
	v5 =	vld [tilespmem:s30+$0x30];
	[tilespmem:s28+$0x0] =	vst v8;
	v7 =	vmul.f32 v12, v16  }
0x314: {  	v9 =	vor.u32 $0x580, v9;
	s0 =	sadd.s32 $0x3, s31;
	s31 =	sadd.s32 $0x4, s31;
	v10 =	vand.u32 $0x7D, v6;
	v8 =	vand.u32 $0x7E, v13;
	v6 =	vld [tilespmem:s30+$0xFFFFFFC0];
	[tilespmem:s28+$0x10] =	vst v11  }
0x315: {  	v9 =	vbroadcast v9, $0x0;
	v10 =	vor.u32 $0x580, v10;
	v12 =	vld [tilespmem:s30+$0xFFFFFFD0]  }
0x316: {  	v8 =	vor.u32 $0x580, v8;
	v13 =	vld [tilespmem:s30+$0xFFFFFFE0];
	v10 =	vbroadcast v10, $0x0  }
0x317: {  	v11 =	vmov s0;
	v14 =	vld [tilespmem:s30+$0xFFFFFFF0];
	v8 =	vbroadcast v8, $0x0  }
0x318: {  	v15 =	vld [tilespmem:s30+$0x0];
	v11 =	vand.u32 $0x7F, v11  }
0x319: {  	v16 =	vld [tilespmem:s30+$0x10];
	v11 =	vor.u32 $0x580, v11  }
0x31a: {  	v17 =	vld [tilespmem:s30+$0x20];
	v11 =	vbroadcast v11, $0x0  }
0x31b: {  	v9 =	vld.idx.msk [tilespmem:v9+s18+$0x0], $0xffff  }
0x31c: {  	v6 =	vmul.f32 v6, v2;
	v10 =	vld.idx.msk [tilespmem:v10+s18+$0x0], $0xffff  }
0x31d: {  	[tilespmem:s28+$0x20] =	vst v7;
	s0 =	sadd.s32 $0x80, s30;
	v2 =	vmul.f32 v12, v2;
	v7 =	vld.idx.msk [tilespmem:v8+s18+$0x0], $0xffff  }
0x31e: {  	v5 =	vmul.f32 v5, v4;
	[tilespmem:s30+$0xFFFFFFC0] =	vst v6;
	v8 =	vld [tilespmem:s0+$0x30]  }
0x31f: {  	v6 =	vmul.f32 v13, v1;
	[tilespmem:s30+$0xFFFFFFD0] =	vst v2;
	v2 =	vld [tilespmem:s0+$0xFFFFFFC0]  }
0x320: {  	[tilespmem:s30+$0x30] =	vst v5;
	v1 =	vmul.f32 v14, v1;
	v5 =	vld.idx.msk [tilespmem:v11+s18+$0x0], $0xffff  }
0x321: {  	[tilespmem:s30+$0xFFFFFFE0] =	vst v6;
	v6 =	vmul.f32 v15, v3;
	v11 =	vld [tilespmem:s0+$0xFFFFFFD0]  }
0x322: {  	[tilespmem:s30+$0xFFFFFFF0] =	vst v1;
	v1 =	vmul.f32 v16, v3;
	v3 =	vld [tilespmem:s0+$0xFFFFFFE0]  }
0x323: {  	v4 =	vmul.f32 v17, v4;
	[tilespmem:s30+$0x0] =	vst v6;
	v6 =	vld [tilespmem:s0+$0xFFFFFFF0]  }
0x324: {  	[tilespmem:s30+$0x10] =	vst v1;
	v1 =	vld [tilespmem:s0+$0x0];
	v2 =	vmul.f32 v2, v9  }
0x325: {  	[tilespmem:s30+$0x20] =	vst v4;
	v4 =	vld [tilespmem:s0+$0x10];
	v8 =	vmul.f32 v8, v5  }
0x326: {  	v9 =	vmul.f32 v11, v9;
	v11 =	vld [tilespmem:s0+$0x20];
	[tilespmem:s0+$0xFFFFFFC0] =	vst v2  }
0x327: {  	v2 =	vmul.f32 v3, v10;
	[tilespmem:s0+$0x30] =	vst v8  }
0x328: {  	v3 =	vmul.f32 v6, v10;
	[tilespmem:s0+$0xFFFFFFD0] =	vst v9  }
0x329: {  	v1 =	vmul.f32 v1, v7;
	[tilespmem:s0+$0xFFFFFFE0] =	vst v2  }
0x32a: {  	v2 =	vmul.f32 v4, v7;
	[tilespmem:s0+$0xFFFFFFF0] =	vst v3  }
0x32b: {  	[tilespmem:s0+$0x0] =	vst v1;
	v1 =	vmul.f32 v11, v5  }
0x32c: {  	s4 =	simm.s32 $0x0;
	[tilespmem:s0+$0x10] =	vst v2  }
0x32d: {  	s28 =	simm.s32 $0x18C20;
	[tilespmem:s0+$0x20] =	vst v1;
	v1 =	vmov s4  }
0x32e: {  	[spmem:s2] =	stream.indirect.scatter.add.f32 [tilespmem:s22], [sflag:$0x4], $0x20, s28, s19, $0xb8;
	v1 =	vand.u32 $0x7C, v1;
	[tilespmem:$0x1CEA0] =	vst v63  }
0x32f: {  	s4 =	simm.s32 $0x2;
	_ =	swait.ge [sflag:s29], $0x1000;
	v1 =	vor.u32 $0x600, v1  }
0x330: {  	s0 =	simm.s32 $0x1;
	v3 =	vmov s4;
	s4 =	simm.s32 $0x3;
	[sflag:s29] =	ssyncset.done $0x0;
	v1 =	vbroadcast v1, $0x0  }
0x331: {  	v2 =	vmov s0;
	v4 =	vmov s4;
	s4 =	simm.s32 $0x19520;
	[sflag:s29] =	ssyncadd.s32 $0xFFFFF000  }
0x332: {  	v2 =	vand.u32 $0x7D, v2;
	[tilespmem:s22], [sflag:$0x2] =	stream.indirect.gather [hbm4b:s10+s19], $0x20, s4, s19, $0xb8;
	[tilespmem:$0x1CEA0] =	vst v63  }
0x333: {  	v2 =	vor.u32 $0x600, v2;
	v4 =	vand.u32 $0x7F, v4;
	_ =	swait.ge [sflag:s23], $0x1000  }
0x334: {  	v2 =	vbroadcast v2, $0x0;
	v4 =	vor.u32 $0x600, v4;
	[sflag:s23] =	ssyncset.done $0x0  }
0x335: {  	v3 =	vand.u32 $0x7E, v3;
	v4 =	vbroadcast v4, $0x0;
	[sflag:s23] =	ssyncadd.s32 $0xFFFFF000  }
0x336: {  	s28 =	simm.s32 $0x19EE0;
	v3 =	vor.u32 $0x600, v3;
	v1 =	vld.idx.msk [tilespmem:v1+s18+$0x0], $0xffff  }
0x337: {  	v3 =	vbroadcast v3, $0x0;
	v9 =	vld [tilespmem:s28+$0xFFFFFFC0]  }
0x338: {  	v10 =	vld [tilespmem:s28+$0xFFFFFFD0]  }
0x339: {  	s4 =	simm.s32 $0x4;
	v58 =	vld [tilespmem:s28+$0xFFFFFFE0]  }
0x33a: {  	s0 =	simm.s32 $0x5;
	v5 =	vld.idx.msk [tilespmem:v2+s18+$0x0], $0xffff;
	v2 =	vmov s4  }
0x33b: {  	s4 =	simm.s32 $0x6;
	v7 =	vld.idx.msk [tilespmem:v4+s18+$0x0], $0xffff;
	v2 =	vand.u32 $0x7C, v2;
	v4 =	vmov s0  }
0x33c: {  	v59 =	vld [tilespmem:s28+$0xFFFFFFF0];
	v8 =	vmov s4;
	s4 =	simm.s32 $0x7;
	v2 =	vor.u32 $0x600, v2;
	v4 =	vand.u32 $0x7D, v4  }
0x33d: {  	v6 =	vld.idx.msk [tilespmem:v3+s18+$0x0], $0xffff;
	v8 =	vand.u32 $0x7E, v8;
	v11 =	vmov s4;
	v4 =	vor.u32 $0x600, v4  }
0x33e: {  	v3 =	vld [tilespmem:s28+$0x30];
	v8 =	vor.u32 $0x600, v8;
	v11 =	vand.u32 $0x7F, v11;
	v4 =	vbroadcast v4, $0x0  }
0x33f: {  	v8 =	vbroadcast v8, $0x0;
	v11 =	vor.u32 $0x600, v11;
	v9 =	vmul.f32 v9, v1  }
0x340: {  	v60 =	vld [tilespmem:s28+$0x0];
	v2 =	vbroadcast v2, $0x0;
	v11 =	vbroadcast v11, $0x0  }
0x341: {  	v61 =	vld [tilespmem:s28+$0x10];
	[tilespmem:s28+$0xFFFFFFC0] =	vst v9;
	v9 =	vmul.f32 v58, v5;
	v5 =	vmul.f32 v59, v5  }
0x342: {  	s30 =	simm.s32 $0x19F60;
	v62 =	vld [tilespmem:s28+$0x20];
	v10 =	vmul.f32 v10, v1  }
0x343: {  	v3 =	vmul.f32 v3, v7;
	[tilespmem:s28+$0xFFFFFFF0] =	vst v5;
	v5 =	vld [tilespmem:s30+$0x30]  }
0x344: {  	s4 =	simm.s32 $0x8;
	[tilespmem:s28+$0xFFFFFFD0] =	vst v10;
	v1 =	vld.idx.msk [tilespmem:v4+s18+$0x0], $0xffff  }
0x345: {  	[tilespmem:s28+$0x30] =	vst v3;
	v4 =	vmov s4;
	v3 =	vld.idx.msk [tilespmem:v8+s18+$0x0], $0xffff;
	v8 =	vmul.f32 v60, v6  }
0x346: {  	s0 =	simm.s32 $0x9;
	[tilespmem:s28+$0xFFFFFFE0] =	vst v9;
	s4 =	simm.s32 $0xA;
	v9 =	vand.u32 $0x7C, v4;
	v4 =	vld.idx.msk [tilespmem:v11+s18+$0x0], $0xffff;
	v11 =	vmul.f32 v61, v6  }
0x347: {  	s31 =	simm.s32 $0xC;
	v7 =	vmul.f32 v62, v7;
	v2 =	vld.idx.msk [tilespmem:v2+s18+$0x0], $0xffff;
	v6 =	vmov s0;
	v63 =	vmov s4;
	[tilespmem:s28+$0x0] =	vst v8  }
0x348: {  	s0 =	simm.s32 $0xB;
	v9 =	vor.u32 $0x600, v9;
	v10 =	vand.u32 $0x7D, v6;
	v8 =	vand.u32 $0x7E, v63;
	v6 =	vld [tilespmem:s30+$0xFFFFFFC0];
	[tilespmem:s28+$0x10] =	vst v11  }
.LBB2_31:
0x349: {  	p0 =	slt.u32 s31, $0x7C;
	v9 =	vbroadcast v9, $0x0;
	v10 =	vor.u32 $0x600, v10;
	v11 =	vmov s0;
	v12 =	vld [tilespmem:s30+$0xFFFFFFD0];
	[tilespmem:s28+$0x20] =	vst v7;
	s28 =	smov.u32 s30  }
0x34a: {  	v8 =	vor.u32 $0x600, v8;
	v7 =	vbroadcast v10, $0x0;
	v10 =	vand.u32 $0x7F, v11;
	v11 =	vld [tilespmem:s30+$0xFFFFFFE0]  }
0x34b: {  	v8 =	vbroadcast v8, $0x0;
	v14 =	vmov v3;
	v10 =	vor.u32 $0x600, v10;
	v13 =	vld [tilespmem:s30+$0xFFFFFFF0]  }
0x34c: {  	v16 =	vmov v4;
	v10 =	vbroadcast v10, $0x0;
	v15 =	vld [tilespmem:s30+$0x0];
	v3 =	vmul.f32 v5, v4  }
0x34d: {  	v4 =	vmul.f32 v6, v2;
	v5 =	vld [tilespmem:s30+$0x10]  }
0x34e: {  	v6 =	vmul.f32 v12, v2;
	v12 =	vld [tilespmem:s30+$0x20];
	[tilespmem:s30+$0x30] =	vst v3  }
0x34f: {  	v2 =	vld.idx.msk [tilespmem:v9+s18+$0x0], $0xffff;
	[tilespmem:s30+$0xFFFFFFC0] =	vst v4;
	v4 =	vmul.f32 v11, v1  }
.Ltmp14:
0x350: {  	[tilespmem:s30+$0xFFFFFFD0] =	vst v6;
	v6 =	vmul.f32 v13, v1;
	v1 =	vld.idx.msk [tilespmem:v7+s18+$0x0], $0xffff;
	(pc) =	sbr.rel @p0 .LBB2_31-.Ltmp14, $4  }
0x351: {  	v7 =	vmov s31;
	v3 =	vld.idx.msk [tilespmem:v8+s18+$0x0], $0xffff;
	[tilespmem:s30+$0xFFFFFFE0] =	vst v4;
	v8 =	vmul.f32 v15, v14  }
0x352: {  	s0 =	sadd.s32 $0x1, s31;
	s4 =	sadd.s32 $0x2, s31;
	v9 =	vand.u32 $0x7C, v7;
	s30 =	sadd.s32 $0x80, s30;
	v4 =	vld.idx.msk [tilespmem:v10+s18+$0x0], $0xffff;
	[tilespmem:s28+$0xFFFFFFF0] =	vst v6;
	v11 =	vmul.f32 v5, v14  }
0x353: {  	v13 =	vmov s4;
	v6 =	vmov s0;
	v5 =	vld [tilespmem:s30+$0x30];
	[tilespmem:s28+$0x0] =	vst v8;
	v7 =	vmul.f32 v12, v16  }
0x354: {  	v9 =	vor.u32 $0x600, v9;
	s0 =	sadd.s32 $0x3, s31;
	s31 =	sadd.s32 $0x4, s31;
	v10 =	vand.u32 $0x7D, v6;
	v8 =	vand.u32 $0x7E, v13;
	v6 =	vld [tilespmem:s30+$0xFFFFFFC0];
	[tilespmem:s28+$0x10] =	vst v11  }
0x355: {  	v9 =	vbroadcast v9, $0x0;
	v10 =	vor.u32 $0x600, v10;
	v12 =	vld [tilespmem:s30+$0xFFFFFFD0]  }
0x356: {  	v8 =	vor.u32 $0x600, v8;
	v13 =	vld [tilespmem:s30+$0xFFFFFFE0];
	v10 =	vbroadcast v10, $0x0  }
0x357: {  	v11 =	vmov s0;
	v14 =	vld [tilespmem:s30+$0xFFFFFFF0];
	v8 =	vbroadcast v8, $0x0  }
0x358: {  	v15 =	vld [tilespmem:s30+$0x0];
	v11 =	vand.u32 $0x7F, v11  }
0x359: {  	v16 =	vld [tilespmem:s30+$0x10];
	v11 =	vor.u32 $0x600, v11  }
0x35a: {  	v17 =	vld [tilespmem:s30+$0x20];
	v11 =	vbroadcast v11, $0x0  }
0x35b: {  	v9 =	vld.idx.msk [tilespmem:v9+s18+$0x0], $0xffff  }
0x35c: {  	v6 =	vmul.f32 v6, v2;
	v10 =	vld.idx.msk [tilespmem:v10+s18+$0x0], $0xffff  }
0x35d: {  	[tilespmem:s28+$0x20] =	vst v7;
	s0 =	sadd.s32 $0x80, s30;
	v2 =	vmul.f32 v12, v2;
	v7 =	vld.idx.msk [tilespmem:v8+s18+$0x0], $0xffff  }
0x35e: {  	v5 =	vmul.f32 v5, v4;
	[tilespmem:s30+$0xFFFFFFC0] =	vst v6;
	v8 =	vld [tilespmem:s0+$0x30]  }
0x35f: {  	v6 =	vmul.f32 v13, v1;
	[tilespmem:s30+$0xFFFFFFD0] =	vst v2;
	v2 =	vld [tilespmem:s0+$0xFFFFFFC0]  }
0x360: {  	[tilespmem:s30+$0x30] =	vst v5;
	v1 =	vmul.f32 v14, v1;
	v5 =	vld.idx.msk [tilespmem:v11+s18+$0x0], $0xffff  }
0x361: {  	[tilespmem:s30+$0xFFFFFFE0] =	vst v6;
	v6 =	vmul.f32 v15, v3;
	v11 =	vld [tilespmem:s0+$0xFFFFFFD0]  }
0x362: {  	[tilespmem:s30+$0xFFFFFFF0] =	vst v1;
	v1 =	vmul.f32 v16, v3;
	v3 =	vld [tilespmem:s0+$0xFFFFFFE0]  }
0x363: {  	v4 =	vmul.f32 v17, v4;
	[tilespmem:s30+$0x0] =	vst v6;
	v6 =	vld [tilespmem:s0+$0xFFFFFFF0]  }
0x364: {  	[tilespmem:s30+$0x10] =	vst v1;
	v1 =	vld [tilespmem:s0+$0x0];
	v2 =	vmul.f32 v2, v9  }
0x365: {  	[tilespmem:s30+$0x20] =	vst v4;
	v4 =	vld [tilespmem:s0+$0x10];
	v8 =	vmul.f32 v8, v5  }
0x366: {  	v9 =	vmul.f32 v11, v9;
	v11 =	vld [tilespmem:s0+$0x20];
	[tilespmem:s0+$0xFFFFFFC0] =	vst v2  }
0x367: {  	v2 =	vmul.f32 v3, v10;
	[tilespmem:s0+$0x30] =	vst v8  }
0x368: {  	v3 =	vmul.f32 v6, v10;
	[tilespmem:s0+$0xFFFFFFD0] =	vst v9  }
0x369: {  	v1 =	vmul.f32 v1, v7;
	[tilespmem:s0+$0xFFFFFFE0] =	vst v2  }
0x36a: {  	v2 =	vmul.f32 v4, v7;
	[tilespmem:s0+$0xFFFFFFF0] =	vst v3  }
0x36b: {  	[tilespmem:s0+$0x0] =	vst v1;
	v1 =	vmul.f32 v11, v5  }
0x36c: {  	s4 =	simm.s32 $0x0;
	[tilespmem:s0+$0x10] =	vst v2  }
0x36d: {  	s28 =	simm.s32 $0x18CA0;
	[tilespmem:s0+$0x20] =	vst v1;
	v1 =	vmov s4  }
0x36e: {  	[spmem:s2] =	stream.indirect.scatter.add.f32 [tilespmem:s20], [sflag:$0x3], $0x20, s28, s19, $0xb8;
	v1 =	vand.u32 $0x7C, v1;
	[tilespmem:$0x1CEA0] =	vst v63  }
0x36f: {  	s4 =	simm.s32 $0x2;
	_ =	swait.ge [sflag:s24], $0x1000;
	v1 =	vor.u32 $0x680, v1  }
0x370: {  	s0 =	simm.s32 $0x1;
	v3 =	vmov s4;
	s4 =	simm.s32 $0x3;
	[sflag:s24] =	ssyncset.done $0x0;
	v1 =	vbroadcast v1, $0x0  }
0x371: {  	v2 =	vmov s0;
	v4 =	vmov s4;
	s4 =	simm.s32 $0x195A0;
	[sflag:s24] =	ssyncadd.s32 $0xFFFFF000  }
0x372: {  	v2 =	vand.u32 $0x7D, v2;
	[tilespmem:s20], [sflag:$0x1] =	stream.indirect.gather [hbm4b:s10+s19], $0x20, s4, s19, $0xb8;
	[tilespmem:$0x1CEA0] =	vst v63  }
0x373: {  	v2 =	vor.u32 $0x680, v2;
	v4 =	vand.u32 $0x7F, v4;
	_ =	swait.ge [sflag:s26], $0x1000  }
0x374: {  	v2 =	vbroadcast v2, $0x0;
	v4 =	vor.u32 $0x680, v4;
	[sflag:s26] =	ssyncset.done $0x0  }
0x375: {  	v3 =	vand.u32 $0x7E, v3;
	v4 =	vbroadcast v4, $0x0;
	[sflag:s26] =	ssyncadd.s32 $0xFFFFF000  }
0x376: {  	s28 =	simm.s32 $0x1AEE0;
	v3 =	vor.u32 $0x680, v3;
	v1 =	vld.idx.msk [tilespmem:v1+s18+$0x0], $0xffff  }
0x377: {  	v3 =	vbroadcast v3, $0x0;
	v9 =	vld [tilespmem:s28+$0xFFFFFFC0]  }
0x378: {  	v10 =	vld [tilespmem:s28+$0xFFFFFFD0]  }
0x379: {  	s4 =	simm.s32 $0x4;
	v58 =	vld [tilespmem:s28+$0xFFFFFFE0]  }
0x37a: {  	s0 =	simm.s32 $0x5;
	v5 =	vld.idx.msk [tilespmem:v2+s18+$0x0], $0xffff;
	v2 =	vmov s4  }
0x37b: {  	s4 =	simm.s32 $0x6;
	v7 =	vld.idx.msk [tilespmem:v4+s18+$0x0], $0xffff;
	v2 =	vand.u32 $0x7C, v2;
	v4 =	vmov s0  }
0x37c: {  	v59 =	vld [tilespmem:s28+$0xFFFFFFF0];
	v8 =	vmov s4;
	s4 =	simm.s32 $0x7;
	v2 =	vor.u32 $0x680, v2;
	v4 =	vand.u32 $0x7D, v4  }
0x37d: {  	v6 =	vld.idx.msk [tilespmem:v3+s18+$0x0], $0xffff;
	v8 =	vand.u32 $0x7E, v8;
	v11 =	vmov s4;
	v4 =	vor.u32 $0x680, v4  }
0x37e: {  	v3 =	vld [tilespmem:s28+$0x30];
	v8 =	vor.u32 $0x680, v8;
	v11 =	vand.u32 $0x7F, v11;
	v4 =	vbroadcast v4, $0x0  }
0x37f: {  	v8 =	vbroadcast v8, $0x0;
	v11 =	vor.u32 $0x680, v11;
	v9 =	vmul.f32 v9, v1  }
0x380: {  	v60 =	vld [tilespmem:s28+$0x0];
	v2 =	vbroadcast v2, $0x0;
	v11 =	vbroadcast v11, $0x0  }
0x381: {  	v61 =	vld [tilespmem:s28+$0x10];
	[tilespmem:s28+$0xFFFFFFC0] =	vst v9;
	v9 =	vmul.f32 v58, v5;
	v5 =	vmul.f32 v59, v5  }
0x382: {  	s30 =	simm.s32 $0x1AF60;
	v62 =	vld [tilespmem:s28+$0x20];
	v10 =	vmul.f32 v10, v1  }
0x383: {  	v3 =	vmul.f32 v3, v7;
	[tilespmem:s28+$0xFFFFFFF0] =	vst v5;
	v5 =	vld [tilespmem:s30+$0x30]  }
0x384: {  	s4 =	simm.s32 $0x8;
	[tilespmem:s28+$0xFFFFFFD0] =	vst v10;
	v1 =	vld.idx.msk [tilespmem:v4+s18+$0x0], $0xffff  }
0x385: {  	[tilespmem:s28+$0x30] =	vst v3;
	v4 =	vmov s4;
	v3 =	vld.idx.msk [tilespmem:v8+s18+$0x0], $0xffff;
	v8 =	vmul.f32 v60, v6  }
0x386: {  	s0 =	simm.s32 $0x9;
	[tilespmem:s28+$0xFFFFFFE0] =	vst v9;
	s4 =	simm.s32 $0xA;
	v9 =	vand.u32 $0x7C, v4;
	v4 =	vld.idx.msk [tilespmem:v11+s18+$0x0], $0xffff;
	v11 =	vmul.f32 v61, v6  }
0x387: {  	s31 =	simm.s32 $0xC;
	v7 =	vmul.f32 v62, v7;
	v2 =	vld.idx.msk [tilespmem:v2+s18+$0x0], $0xffff;
	v6 =	vmov s0;
	v63 =	vmov s4;
	[tilespmem:s28+$0x0] =	vst v8  }
0x388: {  	s0 =	simm.s32 $0xB;
	v9 =	vor.u32 $0x680, v9;
	v10 =	vand.u32 $0x7D, v6;
	v8 =	vand.u32 $0x7E, v63;
	v6 =	vld [tilespmem:s30+$0xFFFFFFC0];
	[tilespmem:s28+$0x10] =	vst v11  }
.LBB2_33:
0x389: {  	p0 =	slt.u32 s31, $0x7C;
	v9 =	vbroadcast v9, $0x0;
	v10 =	vor.u32 $0x680, v10;
	v11 =	vmov s0;
	v12 =	vld [tilespmem:s30+$0xFFFFFFD0];
	[tilespmem:s28+$0x20] =	vst v7;
	s28 =	smov.u32 s30  }
0x38a: {  	v8 =	vor.u32 $0x680, v8;
	v7 =	vbroadcast v10, $0x0;
	v10 =	vand.u32 $0x7F, v11;
	v11 =	vld [tilespmem:s30+$0xFFFFFFE0]  }
0x38b: {  	v8 =	vbroadcast v8, $0x0;
	v14 =	vmov v3;
	v10 =	vor.u32 $0x680, v10;
	v13 =	vld [tilespmem:s30+$0xFFFFFFF0]  }
0x38c: {  	v16 =	vmov v4;
	v10 =	vbroadcast v10, $0x0;
	v15 =	vld [tilespmem:s30+$0x0];
	v3 =	vmul.f32 v5, v4  }
0x38d: {  	v4 =	vmul.f32 v6, v2;
	v5 =	vld [tilespmem:s30+$0x10]  }
0x38e: {  	v6 =	vmul.f32 v12, v2;
	v12 =	vld [tilespmem:s30+$0x20];
	[tilespmem:s30+$0x30] =	vst v3  }
0x38f: {  	v2 =	vld.idx.msk [tilespmem:v9+s18+$0x0], $0xffff;
	[tilespmem:s30+$0xFFFFFFC0] =	vst v4;
	v4 =	vmul.f32 v11, v1  }
.Ltmp15:
0x390: {  	[tilespmem:s30+$0xFFFFFFD0] =	vst v6;
	v6 =	vmul.f32 v13, v1;
	v1 =	vld.idx.msk [tilespmem:v7+s18+$0x0], $0xffff;
	(pc) =	sbr.rel @p0 .LBB2_33-.Ltmp15, $4  }
0x391: {  	v7 =	vmov s31;
	v3 =	vld.idx.msk [tilespmem:v8+s18+$0x0], $0xffff;
	[tilespmem:s30+$0xFFFFFFE0] =	vst v4;
	v8 =	vmul.f32 v15, v14  }
0x392: {  	s0 =	sadd.s32 $0x1, s31;
	s4 =	sadd.s32 $0x2, s31;
	v9 =	vand.u32 $0x7C, v7;
	s30 =	sadd.s32 $0x80, s30;
	v4 =	vld.idx.msk [tilespmem:v10+s18+$0x0], $0xffff;
	[tilespmem:s28+$0xFFFFFFF0] =	vst v6;
	v11 =	vmul.f32 v5, v14  }
0x393: {  	v13 =	vmov s4;
	v6 =	vmov s0;
	v5 =	vld [tilespmem:s30+$0x30];
	[tilespmem:s28+$0x0] =	vst v8;
	v7 =	vmul.f32 v12, v16  }
0x394: {  	v9 =	vor.u32 $0x680, v9;
	s0 =	sadd.s32 $0x3, s31;
	s31 =	sadd.s32 $0x4, s31;
	v10 =	vand.u32 $0x7D, v6;
	v8 =	vand.u32 $0x7E, v13;
	v6 =	vld [tilespmem:s30+$0xFFFFFFC0];
	[tilespmem:s28+$0x10] =	vst v11  }
0x395: {  	v9 =	vbroadcast v9, $0x0;
	v10 =	vor.u32 $0x680, v10;
	v12 =	vld [tilespmem:s30+$0xFFFFFFD0]  }
0x396: {  	v8 =	vor.u32 $0x680, v8;
	v13 =	vld [tilespmem:s30+$0xFFFFFFE0];
	v10 =	vbroadcast v10, $0x0  }
0x397: {  	v11 =	vmov s0;
	v14 =	vld [tilespmem:s30+$0xFFFFFFF0];
	v8 =	vbroadcast v8, $0x0  }
0x398: {  	v15 =	vld [tilespmem:s30+$0x0];
	v11 =	vand.u32 $0x7F, v11  }
0x399: {  	v16 =	vld [tilespmem:s30+$0x10];
	v11 =	vor.u32 $0x680, v11  }
0x39a: {  	v17 =	vld [tilespmem:s30+$0x20];
	v11 =	vbroadcast v11, $0x0  }
0x39b: {  	v9 =	vld.idx.msk [tilespmem:v9+s18+$0x0], $0xffff  }
0x39c: {  	v6 =	vmul.f32 v6, v2;
	v10 =	vld.idx.msk [tilespmem:v10+s18+$0x0], $0xffff  }
0x39d: {  	[tilespmem:s28+$0x20] =	vst v7;
	s0 =	sadd.s32 $0x80, s30;
	v2 =	vmul.f32 v12, v2;
	v7 =	vld.idx.msk [tilespmem:v8+s18+$0x0], $0xffff  }
0x39e: {  	v5 =	vmul.f32 v5, v4;
	[tilespmem:s30+$0xFFFFFFC0] =	vst v6;
	v8 =	vld [tilespmem:s0+$0x30]  }
0x39f: {  	v6 =	vmul.f32 v13, v1;
	[tilespmem:s30+$0xFFFFFFD0] =	vst v2;
	v2 =	vld [tilespmem:s0+$0xFFFFFFC0]  }
0x3a0: {  	[tilespmem:s30+$0x30] =	vst v5;
	v1 =	vmul.f32 v14, v1;
	v5 =	vld.idx.msk [tilespmem:v11+s18+$0x0], $0xffff  }
0x3a1: {  	[tilespmem:s30+$0xFFFFFFE0] =	vst v6;
	v6 =	vmul.f32 v15, v3;
	v11 =	vld [tilespmem:s0+$0xFFFFFFD0]  }
0x3a2: {  	[tilespmem:s30+$0xFFFFFFF0] =	vst v1;
	v1 =	vmul.f32 v16, v3;
	v3 =	vld [tilespmem:s0+$0xFFFFFFE0]  }
0x3a3: {  	v4 =	vmul.f32 v17, v4;
	[tilespmem:s30+$0x0] =	vst v6;
	v6 =	vld [tilespmem:s0+$0xFFFFFFF0]  }
0x3a4: {  	[tilespmem:s30+$0x10] =	vst v1;
	v1 =	vld [tilespmem:s0+$0x0];
	v2 =	vmul.f32 v2, v9  }
0x3a5: {  	[tilespmem:s30+$0x20] =	vst v4;
	v4 =	vld [tilespmem:s0+$0x10];
	v8 =	vmul.f32 v8, v5  }
0x3a6: {  	v9 =	vmul.f32 v11, v9;
	v11 =	vld [tilespmem:s0+$0x20];
	[tilespmem:s0+$0xFFFFFFC0] =	vst v2  }
0x3a7: {  	v2 =	vmul.f32 v3, v10;
	[tilespmem:s0+$0x30] =	vst v8  }
0x3a8: {  	v3 =	vmul.f32 v6, v10;
	[tilespmem:s0+$0xFFFFFFD0] =	vst v9  }
0x3a9: {  	v1 =	vmul.f32 v1, v7;
	[tilespmem:s0+$0xFFFFFFE0] =	vst v2  }
0x3aa: {  	v2 =	vmul.f32 v4, v7;
	[tilespmem:s0+$0xFFFFFFF0] =	vst v3  }
0x3ab: {  	[tilespmem:s0+$0x0] =	vst v1;
	v1 =	vmul.f32 v11, v5  }
0x3ac: {  	s4 =	simm.s32 $0x0;
	[tilespmem:s0+$0x10] =	vst v2  }
0x3ad: {  	s28 =	simm.s32 $0x18D20;
	[tilespmem:s0+$0x20] =	vst v1;
	v1 =	vmov s4  }
0x3ae: {  	[spmem:s2] =	stream.indirect.scatter.add.f32 [tilespmem:s22], [sflag:$0x4], $0x20, s28, s19, $0xb8;
	v1 =	vand.u32 $0x7C, v1;
	[tilespmem:$0x1CEA0] =	vst v63  }
0x3af: {  	_ =	swait.ge [sflag:s29], $0x1000;
	v1 =	vor.u32 $0x700, v1  }
0x3b0: {  	s0 =	simm.s32 $0x1;
	s4 =	simm.s32 $0x2;
	[sflag:s29] =	ssyncset.done $0x0;
	v1 =	vbroadcast v1, $0x0  }
0x3b1: {  	v2 =	vmov s0;
	v3 =	vmov s4;
	s4 =	simm.s32 $0x3;
	[sflag:s29] =	ssyncadd.s32 $0xFFFFF000  }
0x3b2: {  	v2 =	vand.u32 $0x7D, v2;
	v4 =	vmov s4;
	[tilespmem:s22], [sflag:$0x2] =	stream.indirect.gather [hbm4b:s10+s19], $0x20, s13, s19, $0xb8;
	[tilespmem:$0x1CEA0] =	vst v63  }
0x3b3: {  	v2 =	vor.u32 $0x700, v2;
	v4 =	vand.u32 $0x7F, v4;
	_ =	swait.ge [sflag:s23], $0x1000  }
0x3b4: {  	v2 =	vbroadcast v2, $0x0;
	v4 =	vor.u32 $0x700, v4;
	[sflag:s23] =	ssyncset.done $0x0  }
0x3b5: {  	v3 =	vand.u32 $0x7E, v3;
	v4 =	vbroadcast v4, $0x0;
	[sflag:s23] =	ssyncadd.s32 $0xFFFFF000  }
0x3b6: {  	s28 =	simm.s32 $0x19EE0;
	v3 =	vor.u32 $0x700, v3;
	v1 =	vld.idx.msk [tilespmem:v1+s18+$0x0], $0xffff  }
0x3b7: {  	v3 =	vbroadcast v3, $0x0;
	v9 =	vld [tilespmem:s28+$0xFFFFFFC0]  }
0x3b8: {  	v10 =	vld [tilespmem:s28+$0xFFFFFFD0]  }
0x3b9: {  	s4 =	simm.s32 $0x4;
	v58 =	vld [tilespmem:s28+$0xFFFFFFE0]  }
0x3ba: {  	s0 =	simm.s32 $0x5;
	v5 =	vld.idx.msk [tilespmem:v2+s18+$0x0], $0xffff;
	v2 =	vmov s4  }
0x3bb: {  	s4 =	simm.s32 $0x6;
	v7 =	vld.idx.msk [tilespmem:v4+s18+$0x0], $0xffff;
	v2 =	vand.u32 $0x7C, v2;
	v4 =	vmov s0  }
0x3bc: {  	v59 =	vld [tilespmem:s28+$0xFFFFFFF0];
	v8 =	vmov s4;
	s4 =	simm.s32 $0x7;
	v2 =	vor.u32 $0x700, v2;
	v4 =	vand.u32 $0x7D, v4  }
0x3bd: {  	v6 =	vld.idx.msk [tilespmem:v3+s18+$0x0], $0xffff;
	v8 =	vand.u32 $0x7E, v8;
	v11 =	vmov s4;
	v4 =	vor.u32 $0x700, v4  }
0x3be: {  	v3 =	vld [tilespmem:s28+$0x30];
	v8 =	vor.u32 $0x700, v8;
	v11 =	vand.u32 $0x7F, v11;
	v4 =	vbroadcast v4, $0x0  }
0x3bf: {  	v8 =	vbroadcast v8, $0x0;
	v11 =	vor.u32 $0x700, v11;
	v9 =	vmul.f32 v9, v1  }
0x3c0: {  	v60 =	vld [tilespmem:s28+$0x0];
	v2 =	vbroadcast v2, $0x0;
	v11 =	vbroadcast v11, $0x0  }
0x3c1: {  	v61 =	vld [tilespmem:s28+$0x10];
	[tilespmem:s28+$0xFFFFFFC0] =	vst v9;
	v9 =	vmul.f32 v58, v5;
	v5 =	vmul.f32 v59, v5  }
0x3c2: {  	s30 =	simm.s32 $0x19F60;
	v62 =	vld [tilespmem:s28+$0x20];
	v10 =	vmul.f32 v10, v1  }
0x3c3: {  	v3 =	vmul.f32 v3, v7;
	[tilespmem:s28+$0xFFFFFFF0] =	vst v5;
	v5 =	vld [tilespmem:s30+$0x30]  }
0x3c4: {  	s4 =	simm.s32 $0x8;
	[tilespmem:s28+$0xFFFFFFD0] =	vst v10;
	v1 =	vld.idx.msk [tilespmem:v4+s18+$0x0], $0xffff  }
0x3c5: {  	[tilespmem:s28+$0x30] =	vst v3;
	v4 =	vmov s4;
	v3 =	vld.idx.msk [tilespmem:v8+s18+$0x0], $0xffff;
	v8 =	vmul.f32 v60, v6  }
0x3c6: {  	s0 =	simm.s32 $0x9;
	[tilespmem:s28+$0xFFFFFFE0] =	vst v9;
	s4 =	simm.s32 $0xA;
	v9 =	vand.u32 $0x7C, v4;
	v4 =	vld.idx.msk [tilespmem:v11+s18+$0x0], $0xffff;
	v11 =	vmul.f32 v61, v6  }
0x3c7: {  	s31 =	simm.s32 $0xC;
	v7 =	vmul.f32 v62, v7;
	v2 =	vld.idx.msk [tilespmem:v2+s18+$0x0], $0xffff;
	v6 =	vmov s0;
	v63 =	vmov s4;
	[tilespmem:s28+$0x0] =	vst v8  }
0x3c8: {  	s0 =	simm.s32 $0xB;
	v9 =	vor.u32 $0x700, v9;
	v10 =	vand.u32 $0x7D, v6;
	v8 =	vand.u32 $0x7E, v63;
	v6 =	vld [tilespmem:s30+$0xFFFFFFC0];
	[tilespmem:s28+$0x10] =	vst v11  }
.LBB2_35:
0x3c9: {  	p0 =	slt.u32 s31, $0x7C;
	v9 =	vbroadcast v9, $0x0;
	v10 =	vor.u32 $0x700, v10;
	v11 =	vmov s0;
	v12 =	vld [tilespmem:s30+$0xFFFFFFD0];
	[tilespmem:s28+$0x20] =	vst v7;
	s28 =	smov.u32 s30  }
0x3ca: {  	v8 =	vor.u32 $0x700, v8;
	v7 =	vbroadcast v10, $0x0;
	v10 =	vand.u32 $0x7F, v11;
	v11 =	vld [tilespmem:s30+$0xFFFFFFE0]  }
0x3cb: {  	v8 =	vbroadcast v8, $0x0;
	v14 =	vmov v3;
	v10 =	vor.u32 $0x700, v10;
	v13 =	vld [tilespmem:s30+$0xFFFFFFF0]  }
0x3cc: {  	v16 =	vmov v4;
	v10 =	vbroadcast v10, $0x0;
	v15 =	vld [tilespmem:s30+$0x0];
	v3 =	vmul.f32 v5, v4  }
0x3cd: {  	v4 =	vmul.f32 v6, v2;
	v5 =	vld [tilespmem:s30+$0x10]  }
0x3ce: {  	v6 =	vmul.f32 v12, v2;
	v12 =	vld [tilespmem:s30+$0x20];
	[tilespmem:s30+$0x30] =	vst v3  }
0x3cf: {  	v2 =	vld.idx.msk [tilespmem:v9+s18+$0x0], $0xffff;
	[tilespmem:s30+$0xFFFFFFC0] =	vst v4;
	v4 =	vmul.f32 v11, v1  }
.Ltmp16:
0x3d0: {  	[tilespmem:s30+$0xFFFFFFD0] =	vst v6;
	v6 =	vmul.f32 v13, v1;
	v1 =	vld.idx.msk [tilespmem:v7+s18+$0x0], $0xffff;
	(pc) =	sbr.rel @p0 .LBB2_35-.Ltmp16, $4  }
0x3d1: {  	v7 =	vmov s31;
	v3 =	vld.idx.msk [tilespmem:v8+s18+$0x0], $0xffff;
	[tilespmem:s30+$0xFFFFFFE0] =	vst v4;
	v8 =	vmul.f32 v15, v14  }
0x3d2: {  	s0 =	sadd.s32 $0x1, s31;
	s4 =	sadd.s32 $0x2, s31;
	v9 =	vand.u32 $0x7C, v7;
	s30 =	sadd.s32 $0x80, s30;
	v4 =	vld.idx.msk [tilespmem:v10+s18+$0x0], $0xffff;
	[tilespmem:s28+$0xFFFFFFF0] =	vst v6;
	v11 =	vmul.f32 v5, v14  }
0x3d3: {  	v13 =	vmov s4;
	v6 =	vmov s0;
	v5 =	vld [tilespmem:s30+$0x30];
	[tilespmem:s28+$0x0] =	vst v8;
	v7 =	vmul.f32 v12, v16  }
0x3d4: {  	v9 =	vor.u32 $0x700, v9;
	s0 =	sadd.s32 $0x3, s31;
	s31 =	sadd.s32 $0x4, s31;
	v10 =	vand.u32 $0x7D, v6;
	v8 =	vand.u32 $0x7E, v13;
	v6 =	vld [tilespmem:s30+$0xFFFFFFC0];
	[tilespmem:s28+$0x10] =	vst v11  }
0x3d5: {  	v12 =	vld [tilespmem:s30+$0xFFFFFFD0]  }
0x3d6: {  	v13 =	vld [tilespmem:s30+$0xFFFFFFE0]  }
0x3d7: {  	v11 =	vmov s0;
	v14 =	vld [tilespmem:s30+$0xFFFFFFF0]  }
0x3d8: {  	v15 =	vld [tilespmem:s30+$0x0];
	v11 =	vand.u32 $0x7F, v11  }
0x3d9: {  	v9 =	vbroadcast v9, $0x0;
	v16 =	vld [tilespmem:s30+$0x10];
	v11 =	vor.u32 $0x700, v11  }
0x3da: {  	v10 =	vor.u32 $0x700, v10;
	v17 =	vld [tilespmem:s30+$0x20];
	s0 =	sadd.s32 $0x80, s30;
	v11 =	vbroadcast v11, $0x0  }
0x3db: {  	[tilespmem:s28+$0x20] =	vst v7;
	v10 =	vbroadcast v10, $0x0;
	v7 =	vld [tilespmem:s0+$0x30]  }
0x3dc: {  	v8 =	vor.u32 $0x700, v8;
	v56 =	vld [tilespmem:s0+$0xFFFFFFD0];
	v5 =	vmul.f32 v5, v4  }
0x3dd: {  	v8 =	vbroadcast v8, $0x0;
	v57 =	vld [tilespmem:s0+$0xFFFFFFF0];
	v6 =	vmul.f32 v6, v2  }
0x3de: {  	v2 =	vmul.f32 v12, v2;
	[tilespmem:s30+$0x30] =	vst v5;
	v5 =	vld [tilespmem:s0+$0xFFFFFFC0]  }
0x3df: {  	v4 =	vmul.f32 v17, v4;
	v9 =	vld.idx.msk [tilespmem:v9+s18+$0x0], $0xffff;
	[tilespmem:s30+$0xFFFFFFC0] =	vst v6  }
0x3e0: {  	v6 =	vmul.f32 v13, v1;
	[tilespmem:s30+$0xFFFFFFD0] =	vst v2;
	v11 =	vld.idx.msk [tilespmem:v11+s18+$0x0], $0xffff  }
0x3e1: {  	v1 =	vmul.f32 v14, v1;
	v10 =	vld.idx.msk [tilespmem:v10+s18+$0x0], $0xffff;
	[tilespmem:s30+$0x20] =	vst v4  }
0x3e2: {  	v2 =	vld [tilespmem:s0+$0xFFFFFFE0];
	[tilespmem:s30+$0xFFFFFFE0] =	vst v6;
	v6 =	vmul.f32 v15, v3  }
0x3e3: {  	v8 =	vld.idx.msk [tilespmem:v8+s18+$0x0], $0xffff;
	[tilespmem:s30+$0xFFFFFFF0] =	vst v1;
	v1 =	vmul.f32 v16, v3  }
0x3e4: {  	v3 =	vld [tilespmem:s0+$0x0];
	[tilespmem:s30+$0x0] =	vst v6;
	v4 =	vmul.f32 v5, v9  }
0x3e5: {  	v6 =	vld [tilespmem:s0+$0x10];
	[tilespmem:s30+$0x10] =	vst v1;
	v1 =	vmul.f32 v7, v11  }
0x3e6: {  	v5 =	vmul.f32 v56, v9;
	[tilespmem:s0+$0xFFFFFFC0] =	vst v4;
	v7 =	vld [tilespmem:s0+$0x20]  }
0x3e7: {  	[tilespmem:s0+$0x30] =	vst v1;
	v1 =	vmul.f32 v2, v10  }
0x3e8: {  	s4 =	simm.s32 $0x0;
	[tilespmem:s0+$0xFFFFFFD0] =	vst v5;
	v2 =	vmul.f32 v57, v10  }
0x3e9: {  	v3 =	vmul.f32 v3, v8;
	v5 =	vmov s4;
	[tilespmem:s0+$0xFFFFFFE0] =	vst v1  }
0x3ea: {  	v1 =	vmul.f32 v6, v8;
	[tilespmem:s0+$0xFFFFFFF0] =	vst v2;
	v2 =	vand.u32 $0x7C, v5  }
0x3eb: {  	[tilespmem:s0+$0x0] =	vst v3;
	v4 =	vmul.f32 v7, v11;
	v2 =	vor.u32 $0x780, v2  }
0x3ec: {  	s4 =	simm.s32 $0x1;
	[tilespmem:s0+$0x10] =	vst v1;
	v1 =	vbroadcast v2, $0x0  }
0x3ed: {  	s28 =	simm.s32 $0x2;
	v5 =	vmov s4;
	[tilespmem:s0+$0x20] =	vst v4  }
0x3ee: {  	v6 =	vmov s28;
	v3 =	vand.u32 $0x7D, v5;
	[spmem:s2] =	stream.indirect.scatter.add.f32 [tilespmem:s20], [sflag:$0x3], $0x20, s3, s19, $0xb8;
	[tilespmem:$0x1CEA0] =	vst v63  }
0x3ef: {  	s4 =	simm.s32 $0x3;
	v5 =	vand.u32 $0x7E, v6;
	v2 =	vor.u32 $0x780, v3;
	_ =	swait.ge [sflag:s26], $0x1000  }
0x3f0: {  	v3 =	vmov s4;
	v2 =	vbroadcast v2, $0x0;
	v4 =	vor.u32 $0x780, v5;
	[sflag:s26] =	ssyncset.done $0x0  }
0x3f1: {  	v3 =	vand.u32 $0x7F, v3;
	v4 =	vbroadcast v4, $0x0;
	[sflag:s26] =	ssyncadd.s32 $0xFFFFF000  }
0x3f2: {  	s28 =	simm.s32 $0x1AEE0;
	v3 =	vor.u32 $0x780, v3;
	v1 =	vld.idx.msk [tilespmem:v1+s18+$0x0], $0xffff  }
0x3f3: {  	v3 =	vbroadcast v3, $0x0;
	v9 =	vld [tilespmem:s28+$0xFFFFFFC0]  }
0x3f4: {  	v10 =	vld [tilespmem:s28+$0xFFFFFFD0]  }
0x3f5: {  	s4 =	simm.s32 $0x4;
	v58 =	vld [tilespmem:s28+$0xFFFFFFE0]  }
0x3f6: {  	s0 =	simm.s32 $0x5;
	v5 =	vld.idx.msk [tilespmem:v2+s18+$0x0], $0xffff;
	v2 =	vmov s4  }
0x3f7: {  	s4 =	simm.s32 $0x6;
	v6 =	vld.idx.msk [tilespmem:v4+s18+$0x0], $0xffff;
	v2 =	vand.u32 $0x7C, v2;
	v4 =	vmov s0  }
0x3f8: {  	v59 =	vld [tilespmem:s28+$0xFFFFFFF0];
	v8 =	vmov s4;
	s4 =	simm.s32 $0x7;
	v2 =	vor.u32 $0x780, v2;
	v4 =	vand.u32 $0x7D, v4  }
0x3f9: {  	v7 =	vld.idx.msk [tilespmem:v3+s18+$0x0], $0xffff;
	v8 =	vand.u32 $0x7E, v8;
	v11 =	vmov s4;
	v4 =	vor.u32 $0x780, v4  }
0x3fa: {  	v3 =	vld [tilespmem:s28+$0x30];
	v8 =	vor.u32 $0x780, v8;
	v11 =	vand.u32 $0x7F, v11;
	v4 =	vbroadcast v4, $0x0  }
0x3fb: {  	v8 =	vbroadcast v8, $0x0;
	v11 =	vor.u32 $0x780, v11;
	v9 =	vmul.f32 v9, v1  }
0x3fc: {  	v60 =	vld [tilespmem:s28+$0x0];
	v2 =	vbroadcast v2, $0x0;
	v11 =	vbroadcast v11, $0x0  }
0x3fd: {  	v61 =	vld [tilespmem:s28+$0x10];
	[tilespmem:s28+$0xFFFFFFC0] =	vst v9;
	v9 =	vmul.f32 v58, v5;
	v5 =	vmul.f32 v59, v5  }
0x3fe: {  	s30 =	simm.s32 $0x1AF60;
	v62 =	vld [tilespmem:s28+$0x20];
	v10 =	vmul.f32 v10, v1  }
0x3ff: {  	v3 =	vmul.f32 v3, v7;
	[tilespmem:s28+$0xFFFFFFF0] =	vst v5;
	v5 =	vld [tilespmem:s30+$0x30]  }
0x400: {  	s4 =	simm.s32 $0x8;
	[tilespmem:s28+$0xFFFFFFD0] =	vst v10;
	v1 =	vld.idx.msk [tilespmem:v4+s18+$0x0], $0xffff  }
0x401: {  	[tilespmem:s28+$0x30] =	vst v3;
	v4 =	vmov s4;
	v3 =	vld.idx.msk [tilespmem:v8+s18+$0x0], $0xffff;
	v8 =	vmul.f32 v60, v6  }
0x402: {  	s0 =	simm.s32 $0x9;
	[tilespmem:s28+$0xFFFFFFE0] =	vst v9;
	s4 =	simm.s32 $0xA;
	v9 =	vand.u32 $0x7C, v4;
	v4 =	vld.idx.msk [tilespmem:v11+s18+$0x0], $0xffff;
	v11 =	vmul.f32 v61, v6  }
0x403: {  	s31 =	simm.s32 $0xC;
	v7 =	vmul.f32 v62, v7;
	v2 =	vld.idx.msk [tilespmem:v2+s18+$0x0], $0xffff;
	v6 =	vmov s0;
	v63 =	vmov s4;
	[tilespmem:s28+$0x0] =	vst v8  }
0x404: {  	s0 =	simm.s32 $0xB;
	v9 =	vor.u32 $0x780, v9;
	v10 =	vand.u32 $0x7D, v6;
	v8 =	vand.u32 $0x7E, v63;
	v6 =	vld [tilespmem:s30+$0xFFFFFFC0];
	[tilespmem:s28+$0x10] =	vst v11  }
.LBB2_37:
0x405: {  	p0 =	slt.u32 s31, $0x7C;
	v9 =	vbroadcast v9, $0x0;
	v10 =	vor.u32 $0x780, v10;
	v11 =	vmov s0;
	v12 =	vld [tilespmem:s30+$0xFFFFFFD0];
	[tilespmem:s28+$0x20] =	vst v7;
	s28 =	smov.u32 s30  }
0x406: {  	v8 =	vor.u32 $0x780, v8;
	v7 =	vbroadcast v10, $0x0;
	v10 =	vand.u32 $0x7F, v11;
	v11 =	vld [tilespmem:s30+$0xFFFFFFE0]  }
0x407: {  	v8 =	vbroadcast v8, $0x0;
	v14 =	vmov v3;
	v10 =	vor.u32 $0x780, v10;
	v13 =	vld [tilespmem:s30+$0xFFFFFFF0]  }
0x408: {  	v16 =	vmov v4;
	v10 =	vbroadcast v10, $0x0;
	v15 =	vld [tilespmem:s30+$0x0];
	v3 =	vmul.f32 v5, v4  }
0x409: {  	v4 =	vmul.f32 v6, v2;
	v5 =	vld [tilespmem:s30+$0x10]  }
0x40a: {  	v6 =	vmul.f32 v12, v2;
	v12 =	vld [tilespmem:s30+$0x20];
	[tilespmem:s30+$0x30] =	vst v3  }
0x40b: {  	v2 =	vld.idx.msk [tilespmem:v9+s18+$0x0], $0xffff;
	[tilespmem:s30+$0xFFFFFFC0] =	vst v4;
	v4 =	vmul.f32 v11, v1  }
.Ltmp17:
0x40c: {  	[tilespmem:s30+$0xFFFFFFD0] =	vst v6;
	v6 =	vmul.f32 v13, v1;
	v1 =	vld.idx.msk [tilespmem:v7+s18+$0x0], $0xffff;
	(pc) =	sbr.rel @p0 .LBB2_37-.Ltmp17, $4  }
0x40d: {  	v7 =	vmov s31;
	v3 =	vld.idx.msk [tilespmem:v8+s18+$0x0], $0xffff;
	[tilespmem:s30+$0xFFFFFFE0] =	vst v4;
	v8 =	vmul.f32 v15, v14  }
0x40e: {  	s0 =	sadd.s32 $0x1, s31;
	s4 =	sadd.s32 $0x2, s31;
	v9 =	vand.u32 $0x7C, v7;
	s30 =	sadd.s32 $0x80, s30;
	v4 =	vld.idx.msk [tilespmem:v10+s18+$0x0], $0xffff;
	[tilespmem:s28+$0xFFFFFFF0] =	vst v6;
	v11 =	vmul.f32 v5, v14  }
0x40f: {  	v13 =	vmov s4;
	v6 =	vmov s0;
	v5 =	vld [tilespmem:s30+$0x30];
	[tilespmem:s28+$0x0] =	vst v8;
	v7 =	vmul.f32 v12, v16  }
0x410: {  	v9 =	vor.u32 $0x780, v9;
	s0 =	sadd.s32 $0x3, s31;
	s31 =	sadd.s32 $0x4, s31;
	v10 =	vand.u32 $0x7D, v6;
	v8 =	vand.u32 $0x7E, v13;
	v6 =	vld [tilespmem:s30+$0xFFFFFFC0];
	[tilespmem:s28+$0x10] =	vst v11  }
0x411: {  	v12 =	vld [tilespmem:s30+$0xFFFFFFD0]  }
0x412: {  	v13 =	vld [tilespmem:s30+$0xFFFFFFE0]  }
0x413: {  	v14 =	vld [tilespmem:s30+$0xFFFFFFF0]  }
0x414: {  	v9 =	vbroadcast v9, $0x0;
	v11 =	vmov s0;
	v15 =	vld [tilespmem:s30+$0x0]  }
0x415: {  	v10 =	vor.u32 $0x780, v10;
	v16 =	vld [tilespmem:s30+$0x10];
	v11 =	vand.u32 $0x7F, v11  }
0x416: {  	v17 =	vld [tilespmem:s30+$0x20];
	s31 =	sadd.s32 $0x80, s30;
	v10 =	vbroadcast v10, $0x0;
	v11 =	vor.u32 $0x780, v11  }
0x417: {  	v8 =	vor.u32 $0x780, v8;
	v57 =	vld [tilespmem:s31+$0x30];
	v11 =	vbroadcast v11, $0x0  }
0x418: {  	v8 =	vbroadcast v8, $0x0;
	v59 =	vld [tilespmem:s31+$0xFFFFFFD0];
	v5 =	vmul.f32 v5, v4  }
0x419: {  	[tilespmem:s28+$0x20] =	vst v7;
	v61 =	vld [tilespmem:s31+$0xFFFFFFF0];
	v6 =	vmul.f32 v6, v2;
	v2 =	vmul.f32 v12, v2  }
0x41a: {  	[tilespmem:s30+$0x30] =	vst v5;
	v9 =	vld.idx.msk [tilespmem:v9+s18+$0x0], $0xffff  }
0x41b: {  	v56 =	vmul.f32 v13, v1;
	[tilespmem:s30+$0xFFFFFFD0] =	vst v2;
	v2 =	vld [tilespmem:s31+$0xFFFFFFC0]  }
0x41c: {  	v1 =	vmul.f32 v14, v1;
	[tilespmem:s30+$0xFFFFFFC0] =	vst v6;
	v10 =	vld.idx.msk [tilespmem:v10+s18+$0x0], $0xffff  }
0x41d: {  	v58 =	vmul.f32 v15, v3;
	[tilespmem:s30+$0xFFFFFFE0] =	vst v56;
	v55 =	vld.idx.msk [tilespmem:v11+s18+$0x0], $0xffff  }
0x41e: {  	[tilespmem:s30+$0xFFFFFFF0] =	vst v1;
	v1 =	vmul.f32 v16, v3;
	v3 =	vld [tilespmem:s31+$0xFFFFFFE0]  }
0x41f: {  	v60 =	vmul.f32 v17, v4;
	v54 =	vld.idx.msk [tilespmem:v8+s18+$0x0], $0xffff;
	[tilespmem:s30+$0x0] =	vst v58  }
0x420: {  	[tilespmem:s30+$0x10] =	vst v1;
	v1 =	vld [tilespmem:s31+$0x0];
	v2 =	vmul.f32 v2, v9  }
0x421: {  	v62 =	vld [tilespmem:s31+$0x10];
	[tilespmem:s30+$0x20] =	vst v60;
	v9 =	vmul.f32 v59, v9  }
0x422: {  	v63 =	vld [tilespmem:s31+$0x20];
	v8 =	vmul.f32 v57, v55;
	[tilespmem:s31+$0xFFFFFFC0] =	vst v2  }
0x423: {  	v2 =	vmul.f32 v3, v10;
	[tilespmem:s31+$0xFFFFFFD0] =	vst v9  }
0x424: {  	v3 =	vmul.f32 v61, v10;
	[tilespmem:s31+$0x30] =	vst v8  }
0x425: {  	v1 =	vmul.f32 v1, v54;
	[tilespmem:s31+$0xFFFFFFE0] =	vst v2  }
0x426: {  	[tilespmem:s31+$0xFFFFFFF0] =	vst v3;
	v2 =	vmul.f32 v62, v54  }
0x427: {  	[tilespmem:s31+$0x0] =	vst v1;
	v1 =	vmul.f32 v63, v55  }
0x428: {  	[tilespmem:s31+$0x10] =	vst v2  }
0x429: {  	s25 =	sadd.s32 $0x1, s25;
	[tilespmem:s31+$0x20] =	vst v1  }
0x42a: {  	[spmem:s2] =	stream.indirect.scatter.add.f32 [tilespmem:s22], [sflag:$0x4], $0x20, s1, s19, $0xb8;
	[tilespmem:$0x1CEA0] =	vst v63  }
0x42b: {  	p0 =	sne.s32 s25, $0x19;
	_ =	swait.ge [sflag:s24], $0x1000  }
.Ltmp18:
0x42c: {  	[sflag:s24] =	ssyncset.done $0x0;
	(pc) =	sbr.rel @p0 .LBB2_6-.Ltmp18, $4  }
0x42d: {  	[sflag:s24] =	ssyncadd.s32 $0xFFFFF000  }
0x42e: {  	_ =	swait.ge [sflag:s29], $0x1000  }
0x42f: {  	[sflag:s29] =	ssyncset.done $0x0  }
0x430: {  	[sflag:s29] =	ssyncadd.s32 $0xFFFFF000  }
0x431: {  	[bflag:$0x0] =	sbarrier.arrive $0xFFFF;
	s21 =	simm.s32 $0x0;
	s4 =	simm.s32 $0x0  }
.LBB2_40:
0x432: {  	s0 =	sshll.u32 s21, $0xB  }
0x433: {  	s0 =	sor.u32 s11, s0  }
0x434: {  	p0 =	slt.s32 s0, $0xC2D0  }
0x435: {  	s0 =	simm.s32 @!p0 $0xC2D0  }
0x436: {  	s25 =	sshll.u32 s0, $0x5  }
0x437: {  	s0 =	sadd.s32 s25, s2  }
0x438: {  	[tilespmem:s14], [sflag:$0x5] =	stream.linear.gather [spmem:s0], $0x1000, $0x38;
	[tilespmem:$0x1CEA0] =	vst v63  }
0x439: {  	_ =	swait.ge [sflag:s15], $0x1000  }
0x43a: {  	[sflag:s15] =	ssyncset.done $0x0  }
0x43b: {  	s30 =	simm.s32 $0x1BEC0;
	[sflag:s15] =	ssyncadd.s32 $0xFFFFF000  }
0x43c: {  	v1 =	vld [tilespmem:s30+$0xFFFFFFE0]  }
0x43d: {  	v3 =	vld [tilespmem:s30+$0x0]  }
0x43e: {  	v2 =	vld [tilespmem:s30+$0x10]  }
0x43f: {  	v4 =	vld [tilespmem:s30+$0xFFFFFFF0];
	_ =	sdelay $0x1  }
0x440: {  	s28 =	simm.s32 $0x1BF00;
	v5 =	vmax.f32 v1, $0.0e+00  }
0x441: {  	v1 =	vld [tilespmem:s28+$0xFFFFFFE0];
	v6 =	vmax.f32 v3, $0.0e+00;
	[tilespmem:s30+$0xFFFFFFE0] =	vst v5  }
0x442: {  	v3 =	vld [tilespmem:s28+$0x0];
	v5 =	vmax.f32 v2, $0.0e+00;
	[tilespmem:s30+$0x0] =	vst v6  }
0x443: {  	s31 =	simm.s32 $0x4;
	v4 =	vmax.f32 v4, $0.0e+00;
	v2 =	vld [tilespmem:s28+$0x10];
	[tilespmem:s30+$0x10] =	vst v5  }
.LBB2_41:
0x444: {  	s31 =	sadd.s32 $0x4, s31  }
0x445: {  	v5 =	vld [tilespmem:s28+$0xFFFFFFF0];
	[tilespmem:s30+$0xFFFFFFF0] =	vst v4;
	s30 =	smov.u32 s28;
	p0 =	slt.u32 s31, $0xFC  }
.Ltmp19:
0x446: {  	(pc) =	sbr.rel @p0 .LBB2_41-.Ltmp19, $4  }
0x447: {  	s28 =	sadd.s32 $0x40, s28;
	v4 =	vmax.f32 v1, $0.0e+00  }
0x448: {  	v1 =	vld [tilespmem:s28+$0xFFFFFFE0];
	[tilespmem:s30+$0xFFFFFFE0] =	vst v4;
	v4 =	vmax.f32 v2, $0.0e+00  }
0x449: {  	v2 =	vld [tilespmem:s28+$0x10];
	v6 =	vmax.f32 v3, $0.0e+00;
	[tilespmem:s30+$0x10] =	vst v4  }
0x44a: {  	v3 =	vld [tilespmem:s28+$0x0];
	v4 =	vmax.f32 v5, $0.0e+00;
	[tilespmem:s30+$0x0] =	vst v6  }
0x44b: {  	v5 =	vld [tilespmem:s28+$0xFFFFFFF0];
	_ =	sdelay $0x1  }
0x44c: {  	[tilespmem:s30+$0xFFFFFFF0] =	vst v4;
	v1 =	vmax.f32 v1, $0.0e+00  }
0x44d: {  	[tilespmem:s28+$0xFFFFFFE0] =	vst v1;
	v1 =	vmax.f32 v2, $0.0e+00  }
0x44e: {  	s21 =	sadd.s32 $0x1, s21;
	v2 =	vmax.f32 v3, $0.0e+00;
	[tilespmem:s28+$0x10] =	vst v1  }
0x44f: {  	s0 =	sshrl.u32 s25, $0x3;
	p0 =	sne.s32 s21, s9;
	v1 =	vmax.f32 v5, $0.0e+00;
	[tilespmem:s28+$0x0] =	vst v2  }
.Ltmp20:
0x450: {  	s0 =	sadd.s32 s0, s12;
	[tilespmem:s28+$0xFFFFFFF0] =	vst v1;
	(pc) =	sbr.rel @p0 .LBB2_40-.Ltmp20, $4  }
0x451: {  	[hbm4b:s0+s4] =	stream.linear.scatter [tilespmem:s14], [sflag:$0x5], $0x1000, $0x38;
	[tilespmem:$0x1CEA0] =	vst v63  }
0x452: {  	_ =	swait.ge [sflag:s15], $0x1000  }
0x453: {  	[sflag:s15] =	ssyncset.done $0x0  }
0x454: {  	[sflag:s15] =	ssyncadd.s32 $0xFFFFF000  }
0x455: {  	s4 =	rddreg [dreg:$0x5]  }
0x456: {  	s0 =	rddreg [dreg:$0x4];
	s4 =	sadd.s32 $0x1, s4  }
0x457: {  	p0 =	sne.s32 s4, s0  }
.Ltmp21:
0x458: {  	_ = 	snop;
	(pc) =	sbr.rel @p0 .LBB2_1-.Ltmp21, $1  }
0x459: {  	_ =	sdelay $0x3  }
0x45a: {  	_ =	sfence.sel $0x180000  }
0x45b: {  	[bflag:$0x0] =	sbarrier.arrive $0xFFFF  }
0x45c: {  	_ =	strace $0x90000047  }
0x45d: {  	s0 =	stileid.u32;
	[bflag:$0x2] =	sbarrier.arrive $0xFFFF  }
0x45e: {  	p0 =	sne.s32 s0, $0x0;
	s0 =	rddreg [dreg:$0x3]  }
0x45f: {  	s0 =	sadd.s32 @!p0 $0x100000, s0  }
0x460: {  	[sflag:s0] =	ssyncadd.tile.s32 @!p0 $0x1;
	_ =	shalt  }
.Lfunc_end2:
_tile_overlayer_lowered:
.L_overlay_start_2:
0x461: {  	(tag) =	ssettag $0x2  }
0x462: {  	s0 =	rddreg [dreg:$0x0];
	s2 =	stileid.u32  }
0x463: {  	s1 =	rddreg [dreg:$0x1];
	p0 =	sne.s32 s2, $0x0  }
0x464: {  	s3 =	rddreg [dreg:$0x2];
	[bflag:$0x3] =	sbarrier.arrive $0xFFFF;
	s2 =	simm.s32 @!p0 $0x1C05  }
0x465: {  	[timem:s3], [sflag:s2] =	dma.local @!p0 [hbm:s0], s1  }
0x466: {  	s0 =	simm.s32 @!p0 $0x5  }
0x467: {  	_ =	swait.ge @!p0 [sflag:s0], s1  }
0x468: {  	s1 =	ssub.s32 @!p0 $0x0, s1;
	[sflag:s0] =	ssyncset.done @!p0 $0x0  }
0x469: {  	[sflag:s0] =	ssyncadd.s32 @!p0 s1  }
0x46a: {  	[bflag:$0x3] =	sbarrier.arrive $0xFFFF  }
0x46b: {  	_ =	shalt  }

</sc_bundles>
